<compile_context>
chip_gen: v7x
topology: tpu7x:2x2x1
jax: 0.10.2.dev20260603
libtpu: 0.0.44.dev20260713+nightly
codegen_flags: <defaults>
</compile_context>

<pallas_src>
import functools

import jax
import jax.numpy as jnp
from jax import lax
from jax.experimental import pallas as pl
from jax.experimental.pallas import tpu as pltpu
from jax.experimental.pallas import tpu_sc as plsc

N = 10000
E = 320000
D = 128
NPAD = 10240
NTILES = 32
K = 80
NCHUNK = 128
EPT = NCHUNK * K
EPADDED = NTILES * EPT
NBODY = NCHUNK // 2
RPT = NPAD // 16
ZCOPIES = RPT // K



_MBLK = 400


def _wh_body(f_ref, wt_ref, a1_ref, a2_ref, wh_ref, s_ref, t_ref):
    wh = jnp.dot(f_ref[...], wt_ref[...], preferred_element_type=jnp.float32)
    wh_ref[...] = wh
    s_ref[...] = jnp.dot(wh, a1_ref[...].T, preferred_element_type=jnp.float32)
    t_ref[...] = jnp.dot(wh, a2_ref[...].T, preferred_element_type=jnp.float32)


def _wh_call(feature, wt, a1, a2):
    return pl.pallas_call(
        _wh_body,
        grid=(N // _MBLK,),
        in_specs=[
            pl.BlockSpec((_MBLK, D), lambda i: (i, 0)),
            pl.BlockSpec((D, D), lambda i: (0, 0)),
            pl.BlockSpec((1, D), lambda i: (0, 0)),
            pl.BlockSpec((1, D), lambda i: (0, 0)),
        ],
        out_specs=[
            pl.BlockSpec((_MBLK, D), lambda i: (i, 0)),
            pl.BlockSpec((_MBLK, 1), lambda i: (i, 0)),
            pl.BlockSpec((_MBLK, 1), lambda i: (i, 0)),
        ],
        out_shape=[
            jax.ShapeDtypeStruct((N, D), jnp.float32),
            jax.ShapeDtypeStruct((N, 1), jnp.float32),
            jax.ShapeDtypeStruct((N, 1), jnp.float32),
        ],
    )(feature, wt, a1, a2)



_sc_mesh = plsc.VectorSubcoreMesh(core_axis_name="c", subcore_axis_name="s")


@functools.partial(
    pl.kernel,
    out_type=[
        jax.ShapeDtypeStruct((2, NPAD, D), jnp.float32),
        jax.ShapeDtypeStruct((2, NPAD), jnp.float32),
    ],
    mesh=_sc_mesh,
    compiler_params=pltpu.CompilerParams(needs_layout_passes=False),
    scratch_types=[
        pltpu.VMEM_SHARED((NPAD, D), jnp.float32),
        pltpu.VMEM_SHARED((NPAD,), jnp.float32),
        pltpu.VMEM((N,), jnp.float32),
        pltpu.VMEM((NPAD,), jnp.float32),
        pltpu.VMEM((K,), jnp.int32),
        pltpu.VMEM((K,), jnp.int32),
        pltpu.VMEM((K,), jnp.int32),
        pltpu.VMEM((K,), jnp.int32),
        pltpu.VMEM((K,), jnp.float32),
        pltpu.VMEM((K,), jnp.float32),
        pltpu.VMEM((K, D), jnp.float32),
        pltpu.VMEM((K, D), jnp.float32),
        pltpu.VMEM((RPT,), jnp.float32),
        pltpu.SemaphoreType.DMA,
        pltpu.SemaphoreType.DMA,
        pltpu.SemaphoreType.DMA,
        pltpu.SemaphoreType.DMA,
        pltpu.SemaphoreType.DMA,
    ],
)
def _sc_edges(wh_hbm, s_hbm, t_hbm, src_hbm, dst_hbm,
              numer_out, denom_out,
              numer_sh, denom_sh, s_v, t_v,
              srcA, dstA, srcB, dstB, paA, paB, bufa, bufb, z1d,
              gsemA, gsemB, fsemA, isemA, isemB):
    cid = lax.axis_index("c")
    sid = lax.axis_index("s")
    wid = cid * 16 + sid
    row0 = sid * RPT
    zv = jnp.zeros((16,), jnp.float32)

    def fetch_idx(c, srcX, dstX, isem):
        pltpu.async_copy(src_hbm.at[wid, c], srcX, isem)
        pltpu.async_copy(dst_hbm.at[wid, c], dstX, isem)

    def wait_idx(c, srcX, dstX, isem):
        pltpu.make_async_copy(src_hbm.at[wid, c], srcX, isem).wait()
        pltpu.make_async_copy(dst_hbm.at[wid, c], dstX, isem).wait()

    def weights(srcX, dstX, paX):
        def _w(j, _):
            si = srcX[pl.ds(j * 16, 16)]
            di = dstX[pl.ds(j * 16, 16)]
            e = plsc.load_gather(s_v, [si]) + plsc.load_gather(t_v, [di])
            e = jnp.where(e >= 0.0, e, 0.2 * e)
            paX[pl.ds(j * 16, 16)] = jnp.exp(e)
            return _

        lax.fori_loop(0, K // 16, _w, None)

    def scale(buf, paX):
        def _body(i, _):
            pvec = paX[pl.ds(i * 16, 16)]
            for r in range(16):
                p = pvec[r]
                row = i * 16 + r
                for j in range(D // 16):
                    buf[row, pl.ds(j * 16, 16)] = (
                        buf[row, pl.ds(j * 16, 16)] * p)
            return _

        lax.fori_loop(0, K // 16, _body, None)

    def flush_sync(buf, dstX, paX):
        pltpu.sync_copy(buf, numer_sh.at[dstX], add=True)
        pltpu.sync_copy(paX, denom_sh.at[dstX], add=True)

    pltpu.sync_copy(s_hbm, s_v)
    pltpu.sync_copy(t_hbm, t_v)

    def _zero_rows(i, _):
        for j in range(D // 16):
            bufa[i, pl.ds(j * 16, 16)] = zv
        return _

    lax.fori_loop(0, K, _zero_rows, None)

    def _zero_z1(i, _):
        z1d[pl.ds(i * 16, 16)] = zv
        return _

    lax.fori_loop(0, RPT // 16, _zero_z1, None)

    def _fill_numer(c, _):
        pltpu.sync_copy(bufa, numer_sh.at[pl.ds(row0 + c * K, K)])
        return _

    lax.fori_loop(0, ZCOPIES, _fill_numer, None)
    pltpu.sync_copy(z1d, denom_sh.at[pl.ds(row0, RPT)])

    fetch_idx(jnp.int32(0), srcA, dstA, isemA)
    fetch_idx(jnp.int32(1), srcB, dstB, isemB)

    plsc.subcore_barrier()

    def _pipe(i, _):
        c0 = 2 * i
        c1 = c0 + 1
        wait_idx(c0, srcA, dstA, isemA)
        wait_idx(c1, srcB, dstB, isemB)
        dA = pltpu.async_copy(wh_hbm.at[srcA], bufa, gsemA)
        dB = pltpu.async_copy(wh_hbm.at[srcB], bufb, gsemB)
        weights(srcA, dstA, paA)
        weights(srcB, dstB, paB)
        dA.wait()
        scale(bufa, paA)
        fA1 = pltpu.async_copy(bufa, numer_sh.at[dstA], fsemA, add=True)
        fA2 = pltpu.async_copy(paA, denom_sh.at[dstA], fsemA, add=True)
        dB.wait()
        scale(bufb, paB)
        fA1.wait()
        fA2.wait()
        cn0 = jnp.minimum(c0 + 2, NCHUNK - 2)
        cn1 = jnp.minimum(c1 + 2, NCHUNK - 1)
        fetch_idx(cn0, srcA, dstA, isemA)
        flush_sync(bufb, dstB, paB)
        fetch_idx(cn1, srcB, dstB, isemB)
        return _

    lax.fori_loop(0, NBODY, _pipe, None)

    wait_idx(jnp.int32(NCHUNK - 2), srcA, dstA, isemA)
    wait_idx(jnp.int32(NCHUNK - 1), srcB, dstB, isemB)

    plsc.subcore_barrier()

    def _dump(c, _):
        r = row0 + c * K
        pltpu.sync_copy(numer_sh.at[pl.ds(r, K)], bufa)
        pltpu.sync_copy(bufa, numer_out.at[cid, pl.ds(r, K)])
        return _

    lax.fori_loop(0, ZCOPIES, _dump, None)
    pltpu.sync_copy(denom_sh.at[pl.ds(row0, RPT)], z1d)
    pltpu.sync_copy(z1d, denom_out.at[cid, pl.ds(row0, RPT)])



def _final_body(n_ref, d_ref, b_ref, o_ref):
    n = n_ref[...]
    d = d_ref[...]
    num = n[0] + n[1]
    den = d[0] + d[1]
    h = jnp.where(den > 0.0, num / jnp.where(den > 0.0, den, 1.0), 0.0)
    x = h + b_ref[...]
    o_ref[...] = jnp.where(x > 0.0, x, jnp.exp(jnp.minimum(x, 0.0)) - 1.0)


def _final_call(numer, denom3, bias):
    return pl.pallas_call(
        _final_body,
        grid=(N // _MBLK,),
        in_specs=[
            pl.BlockSpec((2, _MBLK, D), lambda i: (0, i, 0)),
            pl.BlockSpec((2, _MBLK, 1), lambda i: (0, i, 0)),
            pl.BlockSpec((1, D), lambda i: (0, 0)),
        ],
        out_specs=pl.BlockSpec((_MBLK, D), lambda i: (i, 0)),
        out_shape=jax.ShapeDtypeStruct((N, D), jnp.float32),
    )(numer, denom3, bias)


def kernel(feature, edge_index, W, a, bias):
    wt = W.T
    a1 = a[:, :D]
    a2 = a[:, D:]
    wh, s2, t2 = _wh_call(feature, wt, a1, a2)
    s = s2.reshape(N)
    t = jnp.concatenate([t2.reshape(N), jnp.zeros((NPAD - N,), jnp.float32)])

    ppt = EPT - E // NTILES
    pad_src = jnp.broadcast_to(jnp.arange(ppt, dtype=jnp.int32),
                               (NTILES, ppt))
    pad_dst = jnp.broadcast_to(N + jnp.arange(ppt, dtype=jnp.int32),
                               (NTILES, ppt))
    src3 = jnp.concatenate(
        [edge_index[0].reshape(NTILES, E // NTILES), pad_src],
        axis=1).reshape(NTILES, NCHUNK, K)
    dst3 = jnp.concatenate(
        [edge_index[1].reshape(NTILES, E // NTILES), pad_dst],
        axis=1).reshape(NTILES, NCHUNK, K)

    numer, denom = _sc_edges(wh, s, t, src3, dst3)
    return _final_call(numer, denom.reshape(2, NPAD, 1), bias)

# --- scband reference (transcript-rebuilt; emitter-appended) ---
"""Pipeline reference for scband-gatsingle-attention-head-7164005450397 (READ-ONLY COPY).

The authoritative reference and input builder live on the scoring server;
editing this copy changes nothing except your own understanding.
"""

import jax, jax.numpy as jnp
import numpy as np

N = 10000
E = 320000
D_IN = 128
D_OUT = 128


def _xavier_uniform(key, shape):
    fan_in, fan_out = shape[1], shape[0]
    s = np.sqrt(6.0 / (fan_in + fan_out))
    return jax.random.uniform(key, shape, dtype=jnp.float32, minval=-s, maxval=s)


def setup_inputs(seed: int = 0) -> dict:
    key = jax.random.key(seed)
    k1, k2, k3, k4, k5 = jax.random.split(key, 5)
    feature = jax.random.normal(k1, (N, D_IN), dtype=jnp.float32)
    edge_index = jax.random.randint(k2, (2, E), 0, N, dtype=jnp.int32)
    W = _xavier_uniform(k3, (D_OUT, D_IN))          # linear.weight [out, in]
    a = _xavier_uniform(k4, (1, 2 * D_OUT))          # attention_linear.weight [1, 2*out]
    bias = _xavier_uniform(k5, (1, D_OUT))           # bias parameter [1, out]
    return {"feature": feature, "edge_index": edge_index, "W": W, "a": a, "bias": bias}


def reference(feature, edge_index, W, a, bias):
    # dropout_prob = 0.0 -> all dropouts are identity (inference-faithful)
    Wh = feature @ W.T                               # [N, D_OUT]
    src = edge_index[0]
    dst = edge_index[1]
    # per-edge attention logits: attention_linear(cat(Wh_src, Wh_dst))
    h_concat = jnp.concatenate([Wh[src], Wh[dst]], axis=1)   # [E, 2*D_OUT]
    e = h_concat @ a.T                                       # [E, 1]
    e = jax.nn.leaky_relu(e, negative_slope=0.2)[:, 0]       # [E]
    # softmax over incoming edges per destination node (DGL reduce over mailbox)
    e_max = jax.ops.segment_max(e, dst, num_segments=N)      # [N]
    e_exp = jnp.exp(e - e_max[dst])                          # [E]
    denom = jax.ops.segment_sum(e_exp, dst, num_segments=N)  # [N]
    alpha = e_exp / denom[dst]                               # [E]
    # weighted sum of source features per destination node
    h_new = jax.ops.segment_sum(alpha[:, None] * Wh[src], dst, num_segments=N)  # [N, D_OUT]
    return jax.nn.elu(h_new + bias)

if __name__ == "__main__":
    import jax
    _d = setup_inputs()
    print(jax.jit(kernel)(*tuple(_d.values())))

</pallas_src>

<mosaic_0001>
#map = affine_map<(d0, d1) -> (0, 0)>
#map1 = affine_map<(d0, d1) -> (0)>
#map2 = affine_map<(d0, d1) -> (0, 0, 0)>
module attributes {stable_mosaic.version = 14 : i64} {
  func.func @_sc_edges(%arg0: i32, %arg1: i32, %arg2: memref<10000x128xf32, #tpu.memory_space<hbm>>, %arg3: memref<10000xf32, #tpu.memory_space<hbm>>, %arg4: memref<10240xf32, #tpu.memory_space<hbm>>, %arg5: memref<32x128x80xi32, #tpu.memory_space<hbm>>, %arg6: memref<32x128x80xi32, #tpu.memory_space<hbm>>, %arg7: memref<2x10240x128xf32, #tpu.memory_space<hbm>>, %arg8: memref<2x10240xf32, #tpu.memory_space<hbm>>, %arg9: memref<10240x128xf32, #tpu.memory_space<vmem_shared>>, %arg10: memref<10240xf32, #tpu.memory_space<vmem_shared>>, %arg11: memref<10000xf32, #tpu.memory_space<vmem>>, %arg12: memref<10240xf32, #tpu.memory_space<vmem>>, %arg13: memref<80xi32, #tpu.memory_space<vmem>>, %arg14: memref<80xi32, #tpu.memory_space<vmem>>, %arg15: memref<80xi32, #tpu.memory_space<vmem>>, %arg16: memref<80xi32, #tpu.memory_space<vmem>>, %arg17: memref<80xf32, #tpu.memory_space<vmem>>, %arg18: memref<80xf32, #tpu.memory_space<vmem>>, %arg19: memref<80x128xf32, #tpu.memory_space<vmem>>, %arg20: memref<80x128xf32, #tpu.memory_space<vmem>>, %arg21: memref<640xf32, #tpu.memory_space<vmem>>, %arg22: memref<!tpu.dma_semaphore, #tpu.memory_space<semaphore_mem>>, %arg23: memref<!tpu.dma_semaphore, #tpu.memory_space<semaphore_mem>>, %arg24: memref<!tpu.dma_semaphore, #tpu.memory_space<semaphore_mem>>, %arg25: memref<!tpu.dma_semaphore, #tpu.memory_space<semaphore_mem>>, %arg26: memref<!tpu.dma_semaphore, #tpu.memory_space<semaphore_mem>>) attributes {dimension_semantics = [#tpu.dimension_semantics<core_parallel>, #tpu.dimension_semantics<subcore_parallel>], iteration_bounds = array<i64: 2, 16>, scalar_prefetch = 0 : i64, scratch_operands = 18 : i64, tpu.core_type = #tpu.core_type<sc_vector_subcore>, window_params = [{transform_indices = #map}, {transform_indices = #map1}, {transform_indices = #map1}, {transform_indices = #map2}, {transform_indices = #map2}, {transform_indices = #map2}, {transform_indices = #map}]} {
    %mul3A = arith.constant 16 : i32
    %mul3A_0 = arith.muli %arg0, %mul3A : i32
    %add3A = arith.addi %mul3A_0, %arg1 : i32
    %mul3A_1 = arith.constant 640 : i32
    %mul3A_2 = arith.muli %arg1, %mul3A_1 : i32
    %broadcast_in_dim3A = arith.constant 0.000000e+00 : f32
    %broadcast_in_dim3A_3 = vector.broadcast %broadcast_in_dim3A : f32 to vector<16xf32>
    "tpu.region"() ({
      %run_scoped3A = tpu.sem_alloc : memref<!tpu.dma_semaphore, #tpu.memory_space<semaphore_mem>>
      tpu.enqueue_dma source(%arg3 : memref<10000xf32, #tpu.memory_space<hbm>>) target(%arg11 : memref<10000xf32, #tpu.memory_space<vmem>>) target_semaphore(%run_scoped3A : memref<!tpu.dma_semaphore, #tpu.memory_space<semaphore_mem>>)
      tpu.wait_dma2 semaphore(%run_scoped3A : memref<!tpu.dma_semaphore, #tpu.memory_space<semaphore_mem>>) src(%arg3 : memref<10000xf32, #tpu.memory_space<hbm>>) dst(%arg11 : memref<10000xf32, #tpu.memory_space<vmem>>)
      tpu.yield
    }) : () -> ()
    "tpu.region"() ({
      %run_scoped3A = tpu.sem_alloc : memref<!tpu.dma_semaphore, #tpu.memory_space<semaphore_mem>>
      tpu.enqueue_dma source(%arg4 : memref<10240xf32, #tpu.memory_space<hbm>>) target(%arg12 : memref<10240xf32, #tpu.memory_space<vmem>>) target_semaphore(%run_scoped3A : memref<!tpu.dma_semaphore, #tpu.memory_space<semaphore_mem>>)
      tpu.wait_dma2 semaphore(%run_scoped3A : memref<!tpu.dma_semaphore, #tpu.memory_space<semaphore_mem>>) src(%arg4 : memref<10240xf32, #tpu.memory_space<hbm>>) dst(%arg12 : memref<10240xf32, #tpu.memory_space<vmem>>)
      tpu.yield
    }) : () -> ()
    %scan3A = arith.constant 0 : i32
    %scan3A_4 = arith.constant 80 : i32
    %scan3A_5 = arith.addi %scan3A, %scan3A_4 : i32
    %scan3A_6 = arith.constant 1 : i32
    scf.for %scan3A_83 = %scan3A to %scan3A_5 step %scan3A_6  : i32 {
      %swap3A = arith.index_cast %scan3A_83 : i32 to index
      %swap3A_84 = arith.constant 0 : index
      %swap3A_85 = tpu.vector_load %arg19[%swap3A, %swap3A_84] {strides = array<i32>} : memref<80x128xf32, #tpu.memory_space<vmem>>, vector<16xf32>,
      tpu.vector_store %arg19[%swap3A, %swap3A_84], %broadcast_in_dim3A_3 {strides = array<i32>} : memref<80x128xf32, #tpu.memory_space<vmem>>, vector<16xf32>,
      %swap3A_86 = arith.index_cast %scan3A_83 : i32 to index
      %swap3A_87 = arith.constant 16 : index
      %swap3A_88 = tpu.vector_load %arg19[%swap3A_86, %swap3A_87] {strides = array<i32>} : memref<80x128xf32, #tpu.memory_space<vmem>>, vector<16xf32>,
      tpu.vector_store %arg19[%swap3A_86, %swap3A_87], %broadcast_in_dim3A_3 {strides = array<i32>} : memref<80x128xf32, #tpu.memory_space<vmem>>, vector<16xf32>,
      %swap3A_89 = arith.index_cast %scan3A_83 : i32 to index
      %swap3A_90 = arith.constant 32 : index
      %swap3A_91 = tpu.vector_load %arg19[%swap3A_89, %swap3A_90] {strides = array<i32>} : memref<80x128xf32, #tpu.memory_space<vmem>>, vector<16xf32>,
      tpu.vector_store %arg19[%swap3A_89, %swap3A_90], %broadcast_in_dim3A_3 {strides = array<i32>} : memref<80x128xf32, #tpu.memory_space<vmem>>, vector<16xf32>,
      %swap3A_92 = arith.index_cast %scan3A_83 : i32 to index
      %swap3A_93 = arith.constant 48 : index
      %swap3A_94 = tpu.vector_load %arg19[%swap3A_92, %swap3A_93] {strides = array<i32>} : memref<80x128xf32, #tpu.memory_space<vmem>>, vector<16xf32>,
      tpu.vector_store %arg19[%swap3A_92, %swap3A_93], %broadcast_in_dim3A_3 {strides = array<i32>} : memref<80x128xf32, #tpu.memory_space<vmem>>, vector<16xf32>,
      %swap3A_95 = arith.index_cast %scan3A_83 : i32 to index
      %swap3A_96 = arith.constant 64 : index
      %swap3A_97 = tpu.vector_load %arg19[%swap3A_95, %swap3A_96] {strides = array<i32>} : memref<80x128xf32, #tpu.memory_space<vmem>>, vector<16xf32>,
      tpu.vector_store %arg19[%swap3A_95, %swap3A_96], %broadcast_in_dim3A_3 {strides = array<i32>} : memref<80x128xf32, #tpu.memory_space<vmem>>, vector<16xf32>,
      %swap3A_98 = arith.index_cast %scan3A_83 : i32 to index
      %swap3A_99 = arith.constant 80 : index
      %swap3A_100 = tpu.vector_load %arg19[%swap3A_98, %swap3A_99] {strides = array<i32>} : memref<80x128xf32, #tpu.memory_space<vmem>>, vector<16xf32>,
      tpu.vector_store %arg19[%swap3A_98, %swap3A_99], %broadcast_in_dim3A_3 {strides = array<i32>} : memref<80x128xf32, #tpu.memory_space<vmem>>, vector<16xf32>,
      %swap3A_101 = arith.index_cast %scan3A_83 : i32 to index
      %swap3A_102 = arith.constant 96 : index
      %swap3A_103 = tpu.vector_load %arg19[%swap3A_101, %swap3A_102] {strides = array<i32>} : memref<80x128xf32, #tpu.memory_space<vmem>>, vector<16xf32>,
      tpu.vector_store %arg19[%swap3A_101, %swap3A_102], %broadcast_in_dim3A_3 {strides = array<i32>} : memref<80x128xf32, #tpu.memory_space<vmem>>, vector<16xf32>,
      %swap3A_104 = arith.index_cast %scan3A_83 : i32 to index
      %swap3A_105 = arith.constant 112 : index
      %swap3A_106 = tpu.vector_load %arg19[%swap3A_104, %swap3A_105] {strides = array<i32>} : memref<80x128xf32, #tpu.memory_space<vmem>>, vector<16xf32>,
      tpu.vector_store %arg19[%swap3A_104, %swap3A_105], %broadcast_in_dim3A_3 {strides = array<i32>} : memref<80x128xf32, #tpu.memory_space<vmem>>, vector<16xf32>,
    }
    %scan3A_7 = arith.constant 80 : i32
    %scan3A_8 = arith.constant 0 : i32
    %scan3A_9 = arith.constant 40 : i32
    %scan3A_10 = arith.addi %scan3A_8, %scan3A_9 : i32
    %scan3A_11 = arith.constant 1 : i32
    scf.for %scan3A_83 = %scan3A_8 to %scan3A_10 step %scan3A_11  : i32 {
      %mul3A_84 = arith.constant 16 : i32
      %mul3A_85 = arith.muli %scan3A_83, %mul3A_84 : i32
      %swap3A = arith.index_cast %mul3A_85 : i32 to index
      %swap3A_86 = tpu.vector_load %arg21[%swap3A] {strides = array<i32>} : memref<640xf32, #tpu.memory_space<vmem>>, vector<16xf32>,
      tpu.vector_store %arg21[%swap3A], %broadcast_in_dim3A_3 {strides = array<i32>} : memref<640xf32, #tpu.memory_space<vmem>>, vector<16xf32>,
    }
    %scan3A_12 = arith.constant 40 : i32
    %scan3A_13 = arith.constant 0 : i32
    %scan3A_14 = arith.constant 8 : i32
    %scan3A_15 = arith.addi %scan3A_13, %scan3A_14 : i32
    %scan3A_16 = arith.constant 1 : i32
    scf.for %scan3A_83 = %scan3A_13 to %scan3A_15 step %scan3A_16  : i32 {
      %mul3A_84 = arith.constant 80 : i32
      %mul3A_85 = arith.muli %scan3A_83, %mul3A_84 : i32
      %add3A_86 = arith.addi %mul3A_2, %mul3A_85 : i32
      "tpu.region"() ({
        %run_scoped3A = tpu.sem_alloc : memref<!tpu.dma_semaphore, #tpu.memory_space<semaphore_mem>>
        %dma_start3A_87 = arith.constant 0 : i32
        %dma_start3A_88 = tpu.memref_slice %arg9[%add3A_86, %dma_start3A_87] : memref<10240x128xf32, #tpu.memory_space<vmem_shared>> -> memref<80x128xf32, #tpu.memory_space<vmem_shared>>
        %dma_start3A_89 = arith.constant 0 : i32
        %dma_start3A_90 = tpu.memref_slice %arg9[%add3A_86, %dma_start3A_89] : memref<10240x128xf32, #tpu.memory_space<vmem_shared>> -> memref<80x128xf32, #tpu.memory_space<vmem_shared>>
        tpu.enqueue_dma source(%arg19 : memref<80x128xf32, #tpu.memory_space<vmem>>) target(%dma_start3A_90 : memref<80x128xf32, #tpu.memory_space<vmem_shared>>) target_semaphore(%run_scoped3A : memref<!tpu.dma_semaphore, #tpu.memory_space<semaphore_mem>>)
        %dma_wait3A_91 = arith.constant 0 : i32
        %dma_wait3A_92 = tpu.memref_slice %arg9[%add3A_86, %dma_wait3A_91] : memref<10240x128xf32, #tpu.memory_space<vmem_shared>> -> memref<80x128xf32, #tpu.memory_space<vmem_shared>>
        %dma_wait3A_93 = arith.constant 0 : i32
        %dma_wait3A_94 = tpu.memref_slice %arg9[%add3A_86, %dma_wait3A_93] : memref<10240x128xf32, #tpu.memory_space<vmem_shared>> -> memref<80x128xf32, #tpu.memory_space<vmem_shared>>
        tpu.wait_dma2 semaphore(%run_scoped3A : memref<!tpu.dma_semaphore, #tpu.memory_space<semaphore_mem>>) src(%arg19 : memref<80x128xf32, #tpu.memory_space<vmem>>) dst(%dma_wait3A_94 : memref<80x128xf32, #tpu.memory_space<vmem_shared>>)
        tpu.yield
      }) : () -> ()
    }
    %scan3A_17 = arith.constant 8 : i32
    "tpu.region"() ({
      %run_scoped3A = tpu.sem_alloc : memref<!tpu.dma_semaphore, #tpu.memory_space<semaphore_mem>>
      %dma_start3A_83 = tpu.memref_slice %arg10[%mul3A_2] : memref<10240xf32, #tpu.memory_space<vmem_shared>> -> memref<640xf32, #tpu.memory_space<vmem_shared>>
      %dma_start3A_84 = tpu.memref_slice %arg10[%mul3A_2] : memref<10240xf32, #tpu.memory_space<vmem_shared>> -> memref<640xf32, #tpu.memory_space<vmem_shared>>
      tpu.enqueue_dma source(%arg21 : memref<640xf32, #tpu.memory_space<vmem>>) target(%dma_start3A_84 : memref<640xf32, #tpu.memory_space<vmem_shared>>) target_semaphore(%run_scoped3A : memref<!tpu.dma_semaphore, #tpu.memory_space<semaphore_mem>>)
      %dma_wait3A_85 = tpu.memref_slice %arg10[%mul3A_2] : memref<10240xf32, #tpu.memory_space<vmem_shared>> -> memref<640xf32, #tpu.memory_space<vmem_shared>>
      %dma_wait3A_86 = tpu.memref_slice %arg10[%mul3A_2] : memref<10240xf32, #tpu.memory_space<vmem_shared>> -> memref<640xf32, #tpu.memory_space<vmem_shared>>
      tpu.wait_dma2 semaphore(%run_scoped3A : memref<!tpu.dma_semaphore, #tpu.memory_space<semaphore_mem>>) src(%arg21 : memref<640xf32, #tpu.memory_space<vmem>>) dst(%dma_wait3A_86 : memref<640xf32, #tpu.memory_space<vmem_shared>>)
      tpu.yield
    }) : () -> ()
    %dma_start3A = arith.constant 0 : i32
    %dma_start3A_18 = arith.constant 0 : i32
    %dma_start3A_19 = tpu.memref_slice %arg5[%add3A, %dma_start3A, %dma_start3A_18] : memref<32x128x80xi32, #tpu.memory_space<hbm>> -> memref<1x1x80xi32, #tpu.memory_space<hbm>>
    %dma_start3A_20 = tpu.memref_squeeze %dma_start3A_19 : memref<1x1x80xi32, #tpu.memory_space<hbm>> -> memref<80xi32, #tpu.memory_space<hbm>>
    %dma_start3A_21 = arith.constant 0 : i32
    %dma_start3A_22 = tpu.memref_slice %arg5[%add3A, %dma_start3A, %dma_start3A_21] : memref<32x128x80xi32, #tpu.memory_space<hbm>> -> memref<1x1x80xi32, #tpu.memory_space<hbm>>
    %dma_start3A_23 = tpu.memref_squeeze %dma_start3A_22 : memref<1x1x80xi32, #tpu.memory_space<hbm>> -> memref<80xi32, #tpu.memory_space<hbm>>
    tpu.enqueue_dma source(%dma_start3A_23 : memref<80xi32, #tpu.memory_space<hbm>>) target(%arg13 : memref<80xi32, #tpu.memory_space<vmem>>) target_semaphore(%arg25 : memref<!tpu.dma_semaphore, #tpu.memory_space<semaphore_mem>>)
    %dma_start3A_24 = arith.constant 0 : i32
    %dma_start3A_25 = arith.constant 0 : i32
    %dma_start3A_26 = tpu.memref_slice %arg6[%add3A, %dma_start3A_24, %dma_start3A_25] : memref<32x128x80xi32, #tpu.memory_space<hbm>> -> memref<1x1x80xi32, #tpu.memory_space<hbm>>
    %dma_start3A_27 = tpu.memref_squeeze %dma_start3A_26 : memref<1x1x80xi32, #tpu.memory_space<hbm>> -> memref<80xi32, #tpu.memory_space<hbm>>
    %dma_start3A_28 = arith.constant 0 : i32
    %dma_start3A_29 = tpu.memref_slice %arg6[%add3A, %dma_start3A_24, %dma_start3A_28] : memref<32x128x80xi32, #tpu.memory_space<hbm>> -> memref<1x1x80xi32, #tpu.memory_space<hbm>>
    %dma_start3A_30 = tpu.memref_squeeze %dma_start3A_29 : memref<1x1x80xi32, #tpu.memory_space<hbm>> -> memref<80xi32, #tpu.memory_space<hbm>>
    tpu.enqueue_dma source(%dma_start3A_30 : memref<80xi32, #tpu.memory_space<hbm>>) target(%arg14 : memref<80xi32, #tpu.memory_space<vmem>>) target_semaphore(%arg25 : memref<!tpu.dma_semaphore, #tpu.memory_space<semaphore_mem>>)
    %dma_start3A_31 = arith.constant 1 : i32
    %dma_start3A_32 = arith.constant 0 : i32
    %dma_start3A_33 = tpu.memref_slice %arg5[%add3A, %dma_start3A_31, %dma_start3A_32] : memref<32x128x80xi32, #tpu.memory_space<hbm>> -> memref<1x1x80xi32, #tpu.memory_space<hbm>>
    %dma_start3A_34 = tpu.memref_squeeze %dma_start3A_33 : memref<1x1x80xi32, #tpu.memory_space<hbm>> -> memref<80xi32, #tpu.memory_space<hbm>>
    %dma_start3A_35 = arith.constant 0 : i32
    %dma_start3A_36 = tpu.memref_slice %arg5[%add3A, %dma_start3A_31, %dma_start3A_35] : memref<32x128x80xi32, #tpu.memory_space<hbm>> -> memref<1x1x80xi32, #tpu.memory_space<hbm>>
    %dma_start3A_37 = tpu.memref_squeeze %dma_start3A_36 : memref<1x1x80xi32, #tpu.memory_space<hbm>> -> memref<80xi32, #tpu.memory_space<hbm>>
    tpu.enqueue_dma source(%dma_start3A_37 : memref<80xi32, #tpu.memory_space<hbm>>) target(%arg15 : memref<80xi32, #tpu.memory_space<vmem>>) target_semaphore(%arg26 : memref<!tpu.dma_semaphore, #tpu.memory_space<semaphore_mem>>)
    %dma_start3A_38 = arith.constant 1 : i32
    %dma_start3A_39 = arith.constant 0 : i32
    %dma_start3A_40 = tpu.memref_slice %arg6[%add3A, %dma_start3A_38, %dma_start3A_39] : memref<32x128x80xi32, #tpu.memory_space<hbm>> -> memref<1x1x80xi32, #tpu.memory_space<hbm>>
    %dma_start3A_41 = tpu.memref_squeeze %dma_start3A_40 : memref<1x1x80xi32, #tpu.memory_space<hbm>> -> memref<80xi32, #tpu.memory_space<hbm>>
    %dma_start3A_42 = arith.constant 0 : i32
    %dma_start3A_43 = tpu.memref_slice %arg6[%add3A, %dma_start3A_38, %dma_start3A_42] : memref<32x128x80xi32, #tpu.memory_space<hbm>> -> memref<1x1x80xi32, #tpu.memory_space<hbm>>
    %dma_start3A_44 = tpu.memref_squeeze %dma_start3A_43 : memref<1x1x80xi32, #tpu.memory_space<hbm>> -> memref<80xi32, #tpu.memory_space<hbm>>
    tpu.enqueue_dma source(%dma_start3A_44 : memref<80xi32, #tpu.memory_space<hbm>>) target(%arg16 : memref<80xi32, #tpu.memory_space<vmem>>) target_semaphore(%arg26 : memref<!tpu.dma_semaphore, #tpu.memory_space<semaphore_mem>>)
    %barrier3A = arith.constant 0 : index
    tpu.barrier barrier_id(%barrier3A)
    %scan3A_45 = arith.constant 0 : i32
    %scan3A_46 = arith.constant 64 : i32
    %scan3A_47 = arith.addi %scan3A_45, %scan3A_46 : i32
    %scan3A_48 = arith.constant 1 : i32
    scf.for %scan3A_83 = %scan3A_45 to %scan3A_47 step %scan3A_48  : i32 {
      %mul3A_84 = arith.constant 2 : i32
      %mul3A_85 = arith.muli %mul3A_84, %scan3A_83 : i32
      %add3A_86 = arith.constant 1 : i32
      %add3A_87 = arith.addi %mul3A_85, %add3A_86 : i32
      %dma_wait3A_88 = arith.constant 0 : i32
      %dma_wait3A_89 = tpu.memref_slice %arg5[%add3A, %mul3A_85, %dma_wait3A_88] : memref<32x128x80xi32, #tpu.memory_space<hbm>> -> memref<1x1x80xi32, #tpu.memory_space<hbm>>
      %dma_wait3A_90 = tpu.memref_squeeze %dma_wait3A_89 : memref<1x1x80xi32, #tpu.memory_space<hbm>> -> memref<80xi32, #tpu.memory_space<hbm>>
      %dma_wait3A_91 = arith.constant 0 : i32
      %dma_wait3A_92 = tpu.memref_slice %arg5[%add3A, %mul3A_85, %dma_wait3A_91] : memref<32x128x80xi32, #tpu.memory_space<hbm>> -> memref<1x1x80xi32, #tpu.memory_space<hbm>>
      %dma_wait3A_93 = tpu.memref_squeeze %dma_wait3A_92 : memref<1x1x80xi32, #tpu.memory_space<hbm>> -> memref<80xi32, #tpu.memory_space<hbm>>
      tpu.wait_dma2 semaphore(%arg25 : memref<!tpu.dma_semaphore, #tpu.memory_space<semaphore_mem>>) src(%dma_wait3A_93 : memref<80xi32, #tpu.memory_space<hbm>>) dst(%arg13 : memref<80xi32, #tpu.memory_space<vmem>>)
      %dma_wait3A_94 = arith.constant 0 : i32
      %dma_wait3A_95 = tpu.memref_slice %arg6[%add3A, %mul3A_85, %dma_wait3A_94] : memref<32x128x80xi32, #tpu.memory_space<hbm>> -> memref<1x1x80xi32, #tpu.memory_space<hbm>>
      %dma_wait3A_96 = tpu.memref_squeeze %dma_wait3A_95 : memref<1x1x80xi32, #tpu.memory_space<hbm>> -> memref<80xi32, #tpu.memory_space<hbm>>
      %dma_wait3A_97 = arith.constant 0 : i32
      %dma_wait3A_98 = tpu.memref_slice %arg6[%add3A, %mul3A_85, %dma_wait3A_97] : memref<32x128x80xi32, #tpu.memory_space<hbm>> -> memref<1x1x80xi32, #tpu.memory_space<hbm>>
      %dma_wait3A_99 = tpu.memref_squeeze %dma_wait3A_98 : memref<1x1x80xi32, #tpu.memory_space<hbm>> -> memref<80xi32, #tpu.memory_space<hbm>>
      tpu.wait_dma2 semaphore(%arg25 : memref<!tpu.dma_semaphore, #tpu.memory_space<semaphore_mem>>) src(%dma_wait3A_99 : memref<80xi32, #tpu.memory_space<hbm>>) dst(%arg14 : memref<80xi32, #tpu.memory_space<vmem>>)
      %dma_wait3A_100 = arith.constant 0 : i32
      %dma_wait3A_101 = tpu.memref_slice %arg5[%add3A, %add3A_87, %dma_wait3A_100] : memref<32x128x80xi32, #tpu.memory_space<hbm>> -> memref<1x1x80xi32, #tpu.memory_space<hbm>>
      %dma_wait3A_102 = tpu.memref_squeeze %dma_wait3A_101 : memref<1x1x80xi32, #tpu.memory_space<hbm>> -> memref<80xi32, #tpu.memory_space<hbm>>
      %dma_wait3A_103 = arith.constant 0 : i32
      %dma_wait3A_104 = tpu.memref_slice %arg5[%add3A, %add3A_87, %dma_wait3A_103] : memref<32x128x80xi32, #tpu.memory_space<hbm>> -> memref<1x1x80xi32, #tpu.memory_space<hbm>>
      %dma_wait3A_105 = tpu.memref_squeeze %dma_wait3A_104 : memref<1x1x80xi32, #tpu.memory_space<hbm>> -> memref<80xi32, #tpu.memory_space<hbm>>
      tpu.wait_dma2 semaphore(%arg26 : memref<!tpu.dma_semaphore, #tpu.memory_space<semaphore_mem>>) src(%dma_wait3A_105 : memref<80xi32, #tpu.memory_space<hbm>>) dst(%arg15 : memref<80xi32, #tpu.memory_space<vmem>>)
      %dma_wait3A_106 = arith.constant 0 : i32
      %dma_wait3A_107 = tpu.memref_slice %arg6[%add3A, %add3A_87, %dma_wait3A_106] : memref<32x128x80xi32, #tpu.memory_space<hbm>> -> memref<1x1x80xi32, #tpu.memory_space<hbm>>
      %dma_wait3A_108 = tpu.memref_squeeze %dma_wait3A_107 : memref<1x1x80xi32, #tpu.memory_space<hbm>> -> memref<80xi32, #tpu.memory_space<hbm>>
      %dma_wait3A_109 = arith.constant 0 : i32
      %dma_wait3A_110 = tpu.memref_slice %arg6[%add3A, %add3A_87, %dma_wait3A_109] : memref<32x128x80xi32, #tpu.memory_space<hbm>> -> memref<1x1x80xi32, #tpu.memory_space<hbm>>
      %dma_wait3A_111 = tpu.memref_squeeze %dma_wait3A_110 : memref<1x1x80xi32, #tpu.memory_space<hbm>> -> memref<80xi32, #tpu.memory_space<hbm>>
      tpu.wait_dma2 semaphore(%arg26 : memref<!tpu.dma_semaphore, #tpu.memory_space<semaphore_mem>>) src(%dma_wait3A_111 : memref<80xi32, #tpu.memory_space<hbm>>) dst(%arg16 : memref<80xi32, #tpu.memory_space<vmem>>)
      %dma_start3A_112 = arith.constant 0 : i32
      %dma_start3A_113 = arith.constant 0 : i32
      %dma_start3A_114 = tpu.memref_slice %arg2[%dma_start3A_112, %dma_start3A_113] : memref<10000x128xf32, #tpu.memory_space<hbm>> -> memref<10000x128xf32, #tpu.memory_space<hbm>>
      tpu.enqueue_indirect_dma source(%dma_start3A_114 : memref<10000x128xf32, #tpu.memory_space<hbm>>) target(%arg19 : memref<80x128xf32, #tpu.memory_space<vmem>>) offsets(%arg13 : memref<80xi32, #tpu.memory_space<vmem>>) semaphore(%arg22 : memref<!tpu.dma_semaphore, #tpu.memory_space<semaphore_mem>>)
      %dma_start3A_115 = arith.constant 0 : i32
      %dma_start3A_116 = arith.constant 0 : i32
      %dma_start3A_117 = tpu.memref_slice %arg2[%dma_start3A_115, %dma_start3A_116] : memref<10000x128xf32, #tpu.memory_space<hbm>> -> memref<10000x128xf32, #tpu.memory_space<hbm>>
      tpu.enqueue_indirect_dma source(%dma_start3A_117 : memref<10000x128xf32, #tpu.memory_space<hbm>>) target(%arg20 : memref<80x128xf32, #tpu.memory_space<vmem>>) offsets(%arg15 : memref<80xi32, #tpu.memory_space<vmem>>) semaphore(%arg23 : memref<!tpu.dma_semaphore, #tpu.memory_space<semaphore_mem>>)
      %scan3A_118 = arith.constant 0 : i32
      %scan3A_119 = arith.constant 5 : i32
      %scan3A_120 = arith.addi %scan3A_118, %scan3A_119 : i32
      %scan3A_121 = arith.constant 1 : i32
      scf.for %scan3A_185 = %scan3A_118 to %scan3A_120 step %scan3A_121  : i32 {
        %mul3A_186 = arith.constant 16 : i32
        %mul3A_187 = arith.muli %scan3A_185, %mul3A_186 : i32
        %get3A = arith.index_cast %mul3A_187 : i32 to index
        %get3A_188 = tpu.vector_load %arg13[%get3A] {strides = array<i32>} : memref<80xi32, #tpu.memory_space<vmem>>, vector<16xi32>,
        %mul3A_189 = arith.constant 16 : i32
        %mul3A_190 = arith.muli %scan3A_185, %mul3A_189 : i32
        %get3A_191 = arith.index_cast %mul3A_190 : i32 to index
        %get3A_192 = tpu.vector_load %arg14[%get3A_191] {strides = array<i32>} : memref<80xi32, #tpu.memory_space<vmem>>, vector<16xi32>,
        %gather3A = tpu.vector_load_idx %arg11[%get3A_188] : memref<10000xf32, #tpu.memory_space<vmem>>[vector<16xi32>], vector<16xf32>,
        %gather3A_193 = tpu.vector_load_idx %arg12[%get3A_192] : memref<10240xf32, #tpu.memory_space<vmem>>[vector<16xi32>], vector<16xf32>,
        %add3A_194 = arith.addf %gather3A, %gather3A_193 : vector<16xf32>
        %ge3A = arith.constant 0.000000e+00 : f32
        %ge3A_195 = vector.broadcast %ge3A : f32 to vector<16xf32>
        %ge3A_196 = arith.cmpf oge, %add3A_194, %ge3A_195 : vector<16xf32>
        %mul3A_197 = arith.constant 2.000000e-01 : f32
        %mul3A_198 = vector.broadcast %mul3A_197 : f32 to vector<16xf32>
        %mul3A_199 = arith.mulf %mul3A_198, %add3A_194 : vector<16xf32>
        %select_n3A = arith.select %ge3A_196, %add3A_194, %mul3A_199 : vector<16xi1>, vector<16xf32>
        %exp3A = math.exp %select_n3A : vector<16xf32>
        %mul3A_200 = arith.constant 16 : i32
        %mul3A_201 = arith.muli %scan3A_185, %mul3A_200 : i32
        %swap3A = arith.index_cast %mul3A_201 : i32 to index
        %swap3A_202 = tpu.vector_load %arg17[%swap3A] {strides = array<i32>} : memref<80xf32, #tpu.memory_space<vmem>>, vector<16xf32>,
        tpu.vector_store %arg17[%swap3A], %exp3A {strides = array<i32>} : memref<80xf32, #tpu.memory_space<vmem>>, vector<16xf32>,
      }
      %scan3A_122 = arith.constant 5 : i32
      %scan3A_123 = arith.constant 0 : i32
      %scan3A_124 = arith.constant 5 : i32
      %scan3A_125 = arith.addi %scan3A_123, %scan3A_124 : i32
      %scan3A_126 = arith.constant 1 : i32
      scf.for %scan3A_185 = %scan3A_123 to %scan3A_125 step %scan3A_126  : i32 {
        %mul3A_186 = arith.constant 16 : i32
        %mul3A_187 = arith.muli %scan3A_185, %mul3A_186 : i32
        %get3A = arith.index_cast %mul3A_187 : i32 to index
        %get3A_188 = tpu.vector_load %arg15[%get3A] {strides = array<i32>} : memref<80xi32, #tpu.memory_space<vmem>>, vector<16xi32>,
        %mul3A_189 = arith.constant 16 : i32
        %mul3A_190 = arith.muli %scan3A_185, %mul3A_189 : i32
        %get3A_191 = arith.index_cast %mul3A_190 : i32 to index
        %get3A_192 = tpu.vector_load %arg16[%get3A_191] {strides = array<i32>} : memref<80xi32, #tpu.memory_space<vmem>>, vector<16xi32>,
        %gather3A = tpu.vector_load_idx %arg11[%get3A_188] : memref<10000xf32, #tpu.memory_space<vmem>>[vector<16xi32>], vector<16xf32>,
        %gather3A_193 = tpu.vector_load_idx %arg12[%get3A_192] : memref<10240xf32, #tpu.memory_space<vmem>>[vector<16xi32>], vector<16xf32>,
        %add3A_194 = arith.addf %gather3A, %gather3A_193 : vector<16xf32>
        %ge3A = arith.constant 0.000000e+00 : f32
        %ge3A_195 = vector.broadcast %ge3A : f32 to vector<16xf32>
        %ge3A_196 = arith.cmpf oge, %add3A_194, %ge3A_195 : vector<16xf32>
        %mul3A_197 = arith.constant 2.000000e-01 : f32
        %mul3A_198 = vector.broadcast %mul3A_197 : f32 to vector<16xf32>
        %mul3A_199 = arith.mulf %mul3A_198, %add3A_194 : vector<16xf32>
        %select_n3A = arith.select %ge3A_196, %add3A_194, %mul3A_199 : vector<16xi1>, vector<16xf32>
        %exp3A = math.exp %select_n3A : vector<16xf32>
        %mul3A_200 = arith.constant 16 : i32
        %mul3A_201 = arith.muli %scan3A_185, %mul3A_200 : i32
        %swap3A = arith.index_cast %mul3A_201 : i32 to index
        %swap3A_202 = tpu.vector_load %arg18[%swap3A] {strides = array<i32>} : memref<80xf32, #tpu.memory_space<vmem>>, vector<16xf32>,
        tpu.vector_store %arg18[%swap3A], %exp3A {strides = array<i32>} : memref<80xf32, #tpu.memory_space<vmem>>, vector<16xf32>,
      }
      %scan3A_127 = arith.constant 5 : i32
      %dma_wait3A_128 = arith.constant 0 : i32
      %dma_wait3A_129 = arith.constant 0 : i32
      %dma_wait3A_130 = tpu.memref_slice %arg2[%dma_wait3A_128, %dma_wait3A_129] : memref<10000x128xf32, #tpu.memory_space<hbm>> -> memref<10000x128xf32, #tpu.memory_space<hbm>>
      tpu.wait_indirect_dma semaphore(%arg22 : memref<!tpu.dma_semaphore, #tpu.memory_space<semaphore_mem>>) src(%dma_wait3A_130 : memref<10000x128xf32, #tpu.memory_space<hbm>>) dst(%arg19 : memref<80x128xf32, #tpu.memory_space<vmem>>)
      %scan3A_131 = arith.constant 0 : i32
      %scan3A_132 = arith.constant 5 : i32
      %scan3A_133 = arith.addi %scan3A_131, %scan3A_132 : i32
      %scan3A_134 = arith.constant 1 : i32
      scf.for %scan3A_185 = %scan3A_131 to %scan3A_133 step %scan3A_134  : i32 {
        %mul3A_186 = arith.constant 16 : i32
        %mul3A_187 = arith.muli %scan3A_185, %mul3A_186 : i32
        %get3A = arith.index_cast %mul3A_187 : i32 to index
        %get3A_188 = tpu.vector_load %arg17[%get3A] {strides = array<i32>} : memref<80xf32, #tpu.memory_space<vmem>>, vector<16xf32>,
        %slice3A = vector.extract_strided_slice %get3A_188 {offsets = [0], sizes = [1], strides = [1]} : vector<16xf32> to vector<1xf32>
        %squeeze3A = vector.extract %slice3A[0] : f32 from vector<1xf32>
        %mul3A_189 = arith.constant 16 : i32
        %mul3A_190 = arith.muli %scan3A_185, %mul3A_189 : i32
        %add3A_191 = arith.constant 0 : i32
        %add3A_192 = arith.addi %mul3A_190, %add3A_191 : i32
        %get3A_193 = arith.index_cast %add3A_192 : i32 to index
        %get3A_194 = arith.constant 0 : index
        %get3A_195 = tpu.vector_load %arg19[%get3A_193, %get3A_194] {strides = array<i32>} : memref<80x128xf32, #tpu.memory_space<vmem>>, vector<16xf32>,
        %mul3A_196 = vector.broadcast %squeeze3A : f32 to vector<16xf32>
        %mul3A_197 = arith.mulf %get3A_195, %mul3A_196 : vector<16xf32>
        %swap3A = arith.index_cast %add3A_192 : i32 to index
        %swap3A_198 = arith.constant 0 : index
        %swap3A_199 = tpu.vector_load %arg19[%swap3A, %swap3A_198] {strides = array<i32>} : memref<80x128xf32, #tpu.memory_space<vmem>>, vector<16xf32>,
        tpu.vector_store %arg19[%swap3A, %swap3A_198], %mul3A_197 {strides = array<i32>} : memref<80x128xf32, #tpu.memory_space<vmem>>, vector<16xf32>,
        %get3A_200 = arith.index_cast %add3A_192 : i32 to index
        %get3A_201 = arith.constant 16 : index
        %get3A_202 = tpu.vector_load %arg19[%get3A_200, %get3A_201] {strides = array<i32>} : memref<80x128xf32, #tpu.memory_space<vmem>>, vector<16xf32>,
        %mul3A_203 = vector.broadcast %squeeze3A : f32 to vector<16xf32>
        %mul3A_204 = arith.mulf %get3A_202, %mul3A_203 : vector<16xf32>
        %swap3A_205 = arith.index_cast %add3A_192 : i32 to index
        %swap3A_206 = arith.constant 16 : index
        %swap3A_207 = tpu.vector_load %arg19[%swap3A_205, %swap3A_206] {strides = array<i32>} : memref<80x128xf32, #tpu.memory_space<vmem>>, vector<16xf32>,
        tpu.vector_store %arg19[%swap3A_205, %swap3A_206], %mul3A_204 {strides = array<i32>} : memref<80x128xf32, #tpu.memory_space<vmem>>, vector<16xf32>,
        %get3A_208 = arith.index_cast %add3A_192 : i32 to index
        %get3A_209 = arith.constant 32 : index
        %get3A_210 = tpu.vector_load %arg19[%get3A_208, %get3A_209] {strides = array<i32>} : memref<80x128xf32, #tpu.memory_space<vmem>>, vector<16xf32>,
        %mul3A_211 = vector.broadcast %squeeze3A : f32 to vector<16xf32>
        %mul3A_212 = arith.mulf %get3A_210, %mul3A_211 : vector<16xf32>
        %swap3A_213 = arith.index_cast %add3A_192 : i32 to index
        %swap3A_214 = arith.constant 32 : index
        %swap3A_215 = tpu.vector_load %arg19[%swap3A_213, %swap3A_214] {strides = array<i32>} : memref<80x128xf32, #tpu.memory_space<vmem>>, vector<16xf32>,
        tpu.vector_store %arg19[%swap3A_213, %swap3A_214], %mul3A_212 {strides = array<i32>} : memref<80x128xf32, #tpu.memory_space<vmem>>, vector<16xf32>,
        %get3A_216 = arith.index_cast %add3A_192 : i32 to index
        %get3A_217 = arith.constant 48 : index
        %get3A_218 = tpu.vector_load %arg19[%get3A_216, %get3A_217] {strides = array<i32>} : memref<80x128xf32, #tpu.memory_space<vmem>>, vector<16xf32>,
        %mul3A_219 = vector.broadcast %squeeze3A : f32 to vector<16xf32>
        %mul3A_220 = arith.mulf %get3A_218, %mul3A_219 : vector<16xf32>
        %swap3A_221 = arith.index_cast %add3A_192 : i32 to index
        %swap3A_222 = arith.constant 48 : index
        %swap3A_223 = tpu.vector_load %arg19[%swap3A_221, %swap3A_222] {strides = array<i32>} : memref<80x128xf32, #tpu.memory_space<vmem>>, vector<16xf32>,
        tpu.vector_store %arg19[%swap3A_221, %swap3A_222], %mul3A_220 {strides = array<i32>} : memref<80x128xf32, #tpu.memory_space<vmem>>, vector<16xf32>,
        %get3A_224 = arith.index_cast %add3A_192 : i32 to index
        %get3A_225 = arith.constant 64 : index
        %get3A_226 = tpu.vector_load %arg19[%get3A_224, %get3A_225] {strides = array<i32>} : memref<80x128xf32, #tpu.memory_space<vmem>>, vector<16xf32>,
        %mul3A_227 = vector.broadcast %squeeze3A : f32 to vector<16xf32>
        %mul3A_228 = arith.mulf %get3A_226, %mul3A_227 : vector<16xf32>
        %swap3A_229 = arith.index_cast %add3A_192 : i32 to index
        %swap3A_230 = arith.constant 64 : index
        %swap3A_231 = tpu.vector_load %arg19[%swap3A_229, %swap3A_230] {strides = array<i32>} : memref<80x128xf32, #tpu.memory_space<vmem>>, vector<16xf32>,
        tpu.vector_store %arg19[%swap3A_229, %swap3A_230], %mul3A_228 {strides = array<i32>} : memref<80x128xf32, #tpu.memory_space<vmem>>, vector<16xf32>,
        %get3A_232 = arith.index_cast %add3A_192 : i32 to index
        %get3A_233 = arith.constant 80 : index
        %get3A_234 = tpu.vector_load %arg19[%get3A_232, %get3A_233] {strides = array<i32>} : memref<80x128xf32, #tpu.memory_space<vmem>>, vector<16xf32>,
        %mul3A_235 = vector.broadcast %squeeze3A : f32 to vector<16xf32>
        %mul3A_236 = arith.mulf %get3A_234, %mul3A_235 : vector<16xf32>
        %swap3A_237 = arith.index_cast %add3A_192 : i32 to index
        %swap3A_238 = arith.constant 80 : index
        %swap3A_239 = tpu.vector_load %arg19[%swap3A_237, %swap3A_238] {strides = array<i32>} : memref<80x128xf32, #tpu.memory_space<vmem>>, vector<16xf32>,
        tpu.vector_store %arg19[%swap3A_237, %swap3A_238], %mul3A_236 {strides = array<i32>} : memref<80x128xf32, #tpu.memory_space<vmem>>, vector<16xf32>,
        %get3A_240 = arith.index_cast %add3A_192 : i32 to index
        %get3A_241 = arith.constant 96 : index
        %get3A_242 = tpu.vector_load %arg19[%get3A_240, %get3A_241] {strides = array<i32>} : memref<80x128xf32, #tpu.memory_space<vmem>>, vector<16xf32>,
        %mul3A_243 = vector.broadcast %squeeze3A : f32 to vector<16xf32>
        %mul3A_244 = arith.mulf %get3A_242, %mul3A_243 : vector<16xf32>
        %swap3A_245 = arith.index_cast %add3A_192 : i32 to index
        %swap3A_246 = arith.constant 96 : index
        %swap3A_247 = tpu.vector_load %arg19[%swap3A_245, %swap3A_246] {strides = array<i32>} : memref<80x128xf32, #tpu.memory_space<vmem>>, vector<16xf32>,
        tpu.vector_store %arg19[%swap3A_245, %swap3A_246], %mul3A_244 {strides = array<i32>} : memref<80x128xf32, #tpu.memory_space<vmem>>, vector<16xf32>,
        %get3A_248 = arith.index_cast %add3A_192 : i32 to index
        %get3A_249 = arith.constant 112 : index
        %get3A_250 = tpu.vector_load %arg19[%get3A_248, %get3A_249] {strides = array<i32>} : memref<80x128xf32, #tpu.memory_space<vmem>>, vector<16xf32>,
        %mul3A_251 = vector.broadcast %squeeze3A : f32 to vector<16xf32>
        %mul3A_252 = arith.mulf %get3A_250, %mul3A_251 : vector<16xf32>
        %swap3A_253 = arith.index_cast %add3A_192 : i32 to index
        %swap3A_254 = arith.constant 112 : index
        %swap3A_255 = tpu.vector_load %arg19[%swap3A_253, %swap3A_254] {strides = array<i32>} : memref<80x128xf32, #tpu.memory_space<vmem>>, vector<16xf32>,
        tpu.vector_store %arg19[%swap3A_253, %swap3A_254], %mul3A_252 {strides = array<i32>} : memref<80x128xf32, #tpu.memory_space<vmem>>, vector<16xf32>,
        %slice3A_256 = vector.extract_strided_slice %get3A_188 {offsets = [1], sizes = [1], strides = [1]} : vector<16xf32> to vector<1xf32>
        %squeeze3A_257 = vector.extract %slice3A_256[0] : f32 from vector<1xf32>
        %mul3A_258 = arith.constant 16 : i32
        %mul3A_259 = arith.muli %scan3A_185, %mul3A_258 : i32
        %add3A_260 = arith.constant 1 : i32
        %add3A_261 = arith.addi %mul3A_259, %add3A_260 : i32
        %get3A_262 = arith.index_cast %add3A_261 : i32 to index
        %get3A_263 = arith.constant 0 : index
        %get3A_264 = tpu.vector_load %arg19[%get3A_262, %get3A_263] {strides = array<i32>} : memref<80x128xf32, #tpu.memory_space<vmem>>, vector<16xf32>,
        %mul3A_265 = vector.broadcast %squeeze3A_257 : f32 to vector<16xf32>
        %mul3A_266 = arith.mulf %get3A_264, %mul3A_265 : vector<16xf32>
        %swap3A_267 = arith.index_cast %add3A_261 : i32 to index
        %swap3A_268 = arith.constant 0 : index
        %swap3A_269 = tpu.vector_load %arg19[%swap3A_267, %swap3A_268] {strides = array<i32>} : memref<80x128xf32, #tpu.memory_space<vmem>>, vector<16xf32>,
        tpu.vector_store %arg19[%swap3A_267, %swap3A_268], %mul3A_266 {strides = array<i32>} : memref<80x128xf32, #tpu.memory_space<vmem>>, vector<16xf32>,
        %get3A_270 = arith.index_cast %add3A_261 : i32 to index
        %get3A_271 = arith.constant 16 : index
        %get3A_272 = tpu.vector_load %arg19[%get3A_270, %get3A_271] {strides = array<i32>} : memref<80x128xf32, #tpu.memory_space<vmem>>, vector<16xf32>,
        %mul3A_273 = vector.broadcast %squeeze3A_257 : f32 to vector<16xf32>
        %mul3A_274 = arith.mulf %get3A_272, %mul3A_273 : vector<16xf32>
        %swap3A_275 = arith.index_cast %add3A_261 : i32 to index
        %swap3A_276 = arith.constant 16 : index
        %swap3A_277 = tpu.vector_load %arg19[%swap3A_275, %swap3A_276] {strides = array<i32>} : memref<80x128xf32, #tpu.memory_space<vmem>>, vector<16xf32>,
        tpu.vector_store %arg19[%swap3A_275, %swap3A_276], %mul3A_274 {strides = array<i32>} : memref<80x128xf32, #tpu.memory_space<vmem>>, vector<16xf32>,
        %get3A_278 = arith.index_cast %add3A_261 : i32 to index
        %get3A_279 = arith.constant 32 : index
        %get3A_280 = tpu.vector_load %arg19[%get3A_278, %get3A_279] {strides = array<i32>} : memref<80x128xf32, #tpu.memory_space<vmem>>, vector<16xf32>,
        %mul3A_281 = vector.broadcast %squeeze3A_257 : f32 to vector<16xf32>
        %mul3A_282 = arith.mulf %get3A_280, %mul3A_281 : vector<16xf32>
        %swap3A_283 = arith.index_cast %add3A_261 : i32 to index
        %swap3A_284 = arith.constant 32 : index
        %swap3A_285 = tpu.vector_load %arg19[%swap3A_283, %swap3A_284] {strides = array<i32>} : memref<80x128xf32, #tpu.memory_space<vmem>>, vector<16xf32>,
        tpu.vector_store %arg19[%swap3A_283, %swap3A_284], %mul3A_282 {strides = array<i32>} : memref<80x128xf32, #tpu.memory_space<vmem>>, vector<16xf32>,
        %get3A_286 = arith.index_cast %add3A_261 : i32 to index
        %get3A_287 = arith.constant 48 : index
        %get3A_288 = tpu.vector_load %arg19[%get3A_286, %get3A_287] {strides = array<i32>} : memref<80x128xf32, #tpu.memory_space<vmem>>, vector<16xf32>,
        %mul3A_289 = vector.broadcast %squeeze3A_257 : f32 to vector<16xf32>
        %mul3A_290 = arith.mulf %get3A_288, %mul3A_289 : vector<16xf32>
        %swap3A_291 = arith.index_cast %add3A_261 : i32 to index
        %swap3A_292 = arith.constant 48 : index
        %swap3A_293 = tpu.vector_load %arg19[%swap3A_291, %swap3A_292] {strides = array<i32>} : memref<80x128xf32, #tpu.memory_space<vmem>>, vector<16xf32>,
        tpu.vector_store %arg19[%swap3A_291, %swap3A_292], %mul3A_290 {strides = array<i32>} : memref<80x128xf32, #tpu.memory_space<vmem>>, vector<16xf32>,
        %get3A_294 = arith.index_cast %add3A_261 : i32 to index
        %get3A_295 = arith.constant 64 : index
        %get3A_296 = tpu.vector_load %arg19[%get3A_294, %get3A_295] {strides = array<i32>} : memref<80x128xf32, #tpu.memory_space<vmem>>, vector<16xf32>,
        %mul3A_297 = vector.broadcast %squeeze3A_257 : f32 to vector<16xf32>
        %mul3A_298 = arith.mulf %get3A_296, %mul3A_297 : vector<16xf32>
        %swap3A_299 = arith.index_cast %add3A_261 : i32 to index
        %swap3A_300 = arith.constant 64 : index
        %swap3A_301 = tpu.vector_load %arg19[%swap3A_299, %swap3A_300] {strides = array<i32>} : memref<80x128xf32, #tpu.memory_space<vmem>>, vector<16xf32>,
        tpu.vector_store %arg19[%swap3A_299, %swap3A_300], %mul3A_298 {strides = array<i32>} : memref<80x128xf32, #tpu.memory_space<vmem>>, vector<16xf32>,
        %get3A_302 = arith.index_cast %add3A_261 : i32 to index
        %get3A_303 = arith.constant 80 : index
        %get3A_304 = tpu.vector_load %arg19[%get3A_302, %get3A_303] {strides = array<i32>} : memref<80x128xf32, #tpu.memory_space<vmem>>, vector<16xf32>,
        %mul3A_305 = vector.broadcast %squeeze3A_257 : f32 to vector<16xf32>
        %mul3A_306 = arith.mulf %get3A_304, %mul3A_305 : vector<16xf32>
        %swap3A_307 = arith.index_cast %add3A_261 : i32 to index
        %swap3A_308 = arith.constant 80 : index
        %swap3A_309 = tpu.vector_load %arg19[%swap3A_307, %swap3A_308] {strides = array<i32>} : memref<80x128xf32, #tpu.memory_space<vmem>>, vector<16xf32>,
        tpu.vector_store %arg19[%swap3A_307, %swap3A_308], %mul3A_306 {strides = array<i32>} : memref<80x128xf32, #tpu.memory_space<vmem>>, vector<16xf32>,
        %get3A_310 = arith.index_cast %add3A_261 : i32 to index
        %get3A_311 = arith.constant 96 : index
        %get3A_312 = tpu.vector_load %arg19[%get3A_310, %get3A_311] {strides = array<i32>} : memref<80x128xf32, #tpu.memory_space<vmem>>, vector<16xf32>,
        %mul3A_313 = vector.broadcast %squeeze3A_257 : f32 to vector<16xf32>
        %mul3A_314 = arith.mulf %get3A_312, %mul3A_313 : vector<16xf32>
        %swap3A_315 = arith.index_cast %add3A_261 : i32 to index
        %swap3A_316 = arith.constant 96 : index
        %swap3A_317 = tpu.vector_load %arg19[%swap3A_315, %swap3A_316] {strides = array<i32>} : memref<80x128xf32, #tpu.memory_space<vmem>>, vector<16xf32>,
        tpu.vector_store %arg19[%swap3A_315, %swap3A_316], %mul3A_314 {strides = array<i32>} : memref<80x128xf32, #tpu.memory_space<vmem>>, vector<16xf32>,
        %get3A_318 = arith.index_cast %add3A_261 : i32 to index
        %get3A_319 = arith.constant 112 : index
        %get3A_320 = tpu.vector_load %arg19[%get3A_318, %get3A_319] {strides = array<i32>} : memref<80x128xf32, #tpu.memory_space<vmem>>, vector<16xf32>,
        %mul3A_321 = vector.broadcast %squeeze3A_257 : f32 to vector<16xf32>
        %mul3A_322 = arith.mulf %get3A_320, %mul3A_321 : vector<16xf32>
        %swap3A_323 = arith.index_cast %add3A_261 : i32 to index
        %swap3A_324 = arith.constant 112 : index
        %swap3A_325 = tpu.vector_load %arg19[%swap3A_323, %swap3A_324] {strides = array<i32>} : memref<80x128xf32, #tpu.memory_space<vmem>>, vector<16xf32>,
        tpu.vector_store %arg19[%swap3A_323, %swap3A_324], %mul3A_322 {strides = array<i32>} : memref<80x128xf32, #tpu.memory_space<vmem>>, vector<16xf32>,
        %slice3A_326 = vector.extract_strided_slice %get3A_188 {offsets = [2], sizes = [1], strides = [1]} : vector<16xf32> to vector<1xf32>
        %squeeze3A_327 = vector.extract %slice3A_326[0] : f32 from vector<1xf32>
        %mul3A_328 = arith.constant 16 : i32
        %mul3A_329 = arith.muli %scan3A_185, %mul3A_328 : i32
        %add3A_330 = arith.constant 2 : i32
        %add3A_331 = arith.addi %mul3A_329, %add3A_330 : i32
        %get3A_332 = arith.index_cast %add3A_331 : i32 to index
        %get3A_333 = arith.constant 0 : index
        %get3A_334 = tpu.vector_load %arg19[%get3A_332, %get3A_333] {strides = array<i32>} : memref<80x128xf32, #tpu.memory_space<vmem>>, vector<16xf32>,
        %mul3A_335 = vector.broadcast %squeeze3A_327 : f32 to vector<16xf32>
        %mul3A_336 = arith.mulf %get3A_334, %mul3A_335 : vector<16xf32>
        %swap3A_337 = arith.index_cast %add3A_331 : i32 to index
        %swap3A_338 = arith.constant 0 : index
        %swap3A_339 = tpu.vector_load %arg19[%swap3A_337, %swap3A_338] {strides = array<i32>} : memref<80x128xf32, #tpu.memory_space<vmem>>, vector<16xf32>,
        tpu.vector_store %arg19[%swap3A_337, %swap3A_338], %mul3A_336 {strides = array<i32>} : memref<80x128xf32, #tpu.memory_space<vmem>>, vector<16xf32>,
        %get3A_340 = arith.index_cast %add3A_331 : i32 to index
        %get3A_341 = arith.constant 16 : index
        %get3A_342 = tpu.vector_load %arg19[%get3A_340, %get3A_341] {strides = array<i32>} : memref<80x128xf32, #tpu.memory_space<vmem>>, vector<16xf32>,
        %mul3A_343 = vector.broadcast %squeeze3A_327 : f32 to vector<16xf32>
        %mul3A_344 = arith.mulf %get3A_342, %mul3A_343 : vector<16xf32>
        %swap3A_345 = arith.index_cast %add3A_331 : i32 to index
        %swap3A_346 = arith.constant 16 : index
        %swap3A_347 = tpu.vector_load %arg19[%swap3A_345, %swap3A_346] {strides = array<i32>} : memref<80x128xf32, #tpu.memory_space<vmem>>, vector<16xf32>,
        tpu.vector_store %arg19[%swap3A_345, %swap3A_346], %mul3A_344 {strides = array<i32>} : memref<80x128xf32, #tpu.memory_space<vmem>>, vector<16xf32>,
        %get3A_348 = arith.index_cast %add3A_331 : i32 to index
        %get3A_349 = arith.constant 32 : index
        %get3A_350 = tpu.vector_load %arg19[%get3A_348, %get3A_349] {strides = array<i32>} : memref<80x128xf32, #tpu.memory_space<vmem>>, vector<16xf32>,
        %mul3A_351 = vector.broadcast %squeeze3A_327 : f32 to vector<16xf32>
        %mul3A_352 = arith.mulf %get3A_350, %mul3A_351 : vector<16xf32>
        %swap3A_353 = arith.index_cast %add3A_331 : i32 to index
        %swap3A_354 = arith.constant 32 : index
        %swap3A_355 = tpu.vector_load %arg19[%swap3A_353, %swap3A_354] {strides = array<i32>} : memref<80x128xf32, #tpu.memory_space<vmem>>, vector<16xf32>,
        tpu.vector_store %arg19[%swap3A_353, %swap3A_354], %mul3A_352 {strides = array<i32>} : memref<80x128xf32, #tpu.memory_space<vmem>>, vector<16xf32>,
        %get3A_356 = arith.index_cast %add3A_331 : i32 to index
        %get3A_357 = arith.constant 48 : index
        %get3A_358 = tpu.vector_load %arg19[%get3A_356, %get3A_357] {strides = array<i32>} : memref<80x128xf32, #tpu.memory_space<vmem>>, vector<16xf32>,
        %mul3A_359 = vector.broadcast %squeeze3A_327 : f32 to vector<16xf32>
        %mul3A_360 = arith.mulf %get3A_358, %mul3A_359 : vector<16xf32>
        %swap3A_361 = arith.index_cast %add3A_331 : i32 to index
        %swap3A_362 = arith.constant 48 : index
        %swap3A_363 = tpu.vector_load %arg19[%swap3A_361, %swap3A_362] {strides = array<i32>} : memref<80x128xf32, #tpu.memory_space<vmem>>, vector<16xf32>,
        tpu.vector_store %arg19[%swap3A_361, %swap3A_362], %mul3A_360 {strides = array<i32>} : memref<80x128xf32, #tpu.memory_space<vmem>>, vector<16xf32>,
        %get3A_364 = arith.index_cast %add3A_331 : i32 to index
        %get3A_365 = arith.constant 64 : index
        %get3A_366 = tpu.vector_load %arg19[%get3A_364, %get3A_365] {strides = array<i32>} : memref<80x128xf32, #tpu.memory_space<vmem>>, vector<16xf32>,
        %mul3A_367 = vector.broadcast %squeeze3A_327 : f32 to vector<16xf32>
        %mul3A_368 = arith.mulf %get3A_366, %mul3A_367 : vector<16xf32>
        %swap3A_369 = arith.index_cast %add3A_331 : i32 to index
        %swap3A_370 = arith.constant 64 : index
        %swap3A_371 = tpu.vector_load %arg19[%swap3A_369, %swap3A_370] {strides = array<i32>} : memref<80x128xf32, #tpu.memory_space<vmem>>, vector<16xf32>,
        tpu.vector_store %arg19[%swap3A_369, %swap3A_370], %mul3A_368 {strides = array<i32>} : memref<80x128xf32, #tpu.memory_space<vmem>>, vector<16xf32>,
        %get3A_372 = arith.index_cast %add3A_331 : i32 to index
        %get3A_373 = arith.constant 80 : index
        %get3A_374 = tpu.vector_load %arg19[%get3A_372, %get3A_373] {strides = array<i32>} : memref<80x128xf32, #tpu.memory_space<vmem>>, vector<16xf32>,
        %mul3A_375 = vector.broadcast %squeeze3A_327 : f32 to vector<16xf32>
        %mul3A_376 = arith.mulf %get3A_374, %mul3A_375 : vector<16xf32>
        %swap3A_377 = arith.index_cast %add3A_331 : i32 to index
        %swap3A_378 = arith.constant 80 : index
        %swap3A_379 = tpu.vector_load %arg19[%swap3A_377, %swap3A_378] {strides = array<i32>} : memref<80x128xf32, #tpu.memory_space<vmem>>, vector<16xf32>,
        tpu.vector_store %arg19[%swap3A_377, %swap3A_378], %mul3A_376 {strides = array<i32>} : memref<80x128xf32, #tpu.memory_space<vmem>>, vector<16xf32>,
        %get3A_380 = arith.index_cast %add3A_331 : i32 to index
        %get3A_381 = arith.constant 96 : index
        %get3A_382 = tpu.vector_load %arg19[%get3A_380, %get3A_381] {strides = array<i32>} : memref<80x128xf32, #tpu.memory_space<vmem>>, vector<16xf32>,
        %mul3A_383 = vector.broadcast %squeeze3A_327 : f32 to vector<16xf32>
        %mul3A_384 = arith.mulf %get3A_382, %mul3A_383 : vector<16xf32>
        %swap3A_385 = arith.index_cast %add3A_331 : i32 to index
        %swap3A_386 = arith.constant 96 : index
        %swap3A_387 = tpu.vector_load %arg19[%swap3A_385, %swap3A_386] {strides = array<i32>} : memref<80x128xf32, #tpu.memory_space<vmem>>, vector<16xf32>,
        tpu.vector_store %arg19[%swap3A_385, %swap3A_386], %mul3A_384 {strides = array<i32>} : memref<80x128xf32, #tpu.memory_space<vmem>>, vector<16xf32>,
        %get3A_388 = arith.index_cast %add3A_331 : i32 to index
        %get3A_389 = arith.constant 112 : index
        %get3A_390 = tpu.vector_load %arg19[%get3A_388, %get3A_389] {strides = array<i32>} : memref<80x128xf32, #tpu.memory_space<vmem>>, vector<16xf32>,
        %mul3A_391 = vector.broadcast %squeeze3A_327 : f32 to vector<16xf32>
        %mul3A_392 = arith.mulf %get3A_390, %mul3A_391 : vector<16xf32>
        %swap3A_393 = arith.index_cast %add3A_331 : i32 to index
        %swap3A_394 = arith.constant 112 : index
        %swap3A_395 = tpu.vector_load %arg19[%swap3A_393, %swap3A_394] {strides = array<i32>} : memref<80x128xf32, #tpu.memory_space<vmem>>, vector<16xf32>,
        tpu.vector_store %arg19[%swap3A_393, %swap3A_394], %mul3A_392 {strides = array<i32>} : memref<80x128xf32, #tpu.memory_space<vmem>>, vector<16xf32>,
        %slice3A_396 = vector.extract_strided_slice %get3A_188 {offsets = [3], sizes = [1], strides = [1]} : vector<16xf32> to vector<1xf32>
        %squeeze3A_397 = vector.extract %slice3A_396[0] : f32 from vector<1xf32>
        %mul3A_398 = arith.constant 16 : i32
        %mul3A_399 = arith.muli %scan3A_185, %mul3A_398 : i32
        %add3A_400 = arith.constant 3 : i32
        %add3A_401 = arith.addi %mul3A_399, %add3A_400 : i32
        %get3A_402 = arith.index_cast %add3A_401 : i32 to index
        %get3A_403 = arith.constant 0 : index
        %get3A_404 = tpu.vector_load %arg19[%get3A_402, %get3A_403] {strides = array<i32>} : memref<80x128xf32, #tpu.memory_space<vmem>>, vector<16xf32>,
        %mul3A_405 = vector.broadcast %squeeze3A_397 : f32 to vector<16xf32>
        %mul3A_406 = arith.mulf %get3A_404, %mul3A_405 : vector<16xf32>
        %swap3A_407 = arith.index_cast %add3A_401 : i32 to index
        %swap3A_408 = arith.constant 0 : index
        %swap3A_409 = tpu.vector_load %arg19[%swap3A_407, %swap3A_408] {strides = array<i32>} : memref<80x128xf32, #tpu.memory_space<vmem>>, vector<16xf32>,
        tpu.vector_store %arg19[%swap3A_407, %swap3A_408], %mul3A_406 {strides = array<i32>} : memref<80x128xf32, #tpu.memory_space<vmem>>, vector<16xf32>,
        %get3A_410 = arith.index_cast %add3A_401 : i32 to index
        %get3A_411 = arith.constant 16 : index
        %get3A_412 = tpu.vector_load %arg19[%get3A_410, %get3A_411] {strides = array<i32>} : memref<80x128xf32, #tpu.memory_space<vmem>>, vector<16xf32>,
        %mul3A_413 = vector.broadcast %squeeze3A_397 : f32 to vector<16xf32>
        %mul3A_414 = arith.mulf %get3A_412, %mul3A_413 : vector<16xf32>
        %swap3A_415 = arith.index_cast %add3A_401 : i32 to index
        %swap3A_416 = arith.constant 16 : index
        %swap3A_417 = tpu.vector_load %arg19[%swap3A_415, %swap3A_416] {strides = array<i32>} : memref<80x128xf32, #tpu.memory_space<vmem>>, vector<16xf32>,
        tpu.vector_store %arg19[%swap3A_415, %swap3A_416], %mul3A_414 {strides = array<i32>} : memref<80x128xf32, #tpu.memory_space<vmem>>, vector<16xf32>,
        %get3A_418 = arith.index_cast %add3A_401 : i32 to index
        %get3A_419 = arith.constant 32 : index
        %get3A_420 = tpu.vector_load %arg19[%get3A_418, %get3A_419] {strides = array<i32>} : memref<80x128xf32, #tpu.memory_space<vmem>>, vector<16xf32>,
        %mul3A_421 = vector.broadcast %squeeze3A_397 : f32 to vector<16xf32>
        %mul3A_422 = arith.mulf %get3A_420, %mul3A_421 : vector<16xf32>
        %swap3A_423 = arith.index_cast %add3A_401 : i32 to index
        %swap3A_424 = arith.constant 32 : index
        %swap3A_425 = tpu.vector_load %arg19[%swap3A_423, %swap3A_424] {strides = array<i32>} : memref<80x128xf32, #tpu.memory_space<vmem>>, vector<16xf32>,
        tpu.vector_store %arg19[%swap3A_423, %swap3A_424], %mul3A_422 {strides = array<i32>} : memref<80x128xf32, #tpu.memory_space<vmem>>, vector<16xf32>,
        %get3A_426 = arith.index_cast %add3A_401 : i32 to index
        %get3A_427 = arith.constant 48 : index
        %get3A_428 = tpu.vector_load %arg19[%get3A_426, %get3A_427] {strides = array<i32>} : memref<80x128xf32, #tpu.memory_space<vmem>>, vector<16xf32>,
        %mul3A_429 = vector.broadcast %squeeze3A_397 : f32 to vector<16xf32>
        %mul3A_430 = arith.mulf %get3A_428, %mul3A_429 : vector<16xf32>
        %swap3A_431 = arith.index_cast %add3A_401 : i32 to index
        %swap3A_432 = arith.constant 48 : index
        %swap3A_433 = tpu.vector_load %arg19[%swap3A_431, %swap3A_432] {strides = array<i32>} : memref<80x128xf32, #tpu.memory_space<vmem>>, vector<16xf32>,
        tpu.vector_store %arg19[%swap3A_431, %swap3A_432], %mul3A_430 {strides = array<i32>} : memref<80x128xf32, #tpu.memory_space<vmem>>, vector<16xf32>,
        %get3A_434 = arith.index_cast %add3A_401 : i32 to index
        %get3A_435 = arith.constant 64 : index
        %get3A_436 = tpu.vector_load %arg19[%get3A_434, %get3A_435] {strides = array<i32>} : memref<80x128xf32, #tpu.memory_space<vmem>>, vector<16xf32>,
        %mul3A_437 = vector.broadcast %squeeze3A_397 : f32 to vector<16xf32>
        %mul3A_438 = arith.mulf %get3A_436, %mul3A_437 : vector<16xf32>
        %swap3A_439 = arith.index_cast %add3A_401 : i32 to index
        %swap3A_440 = arith.constant 64 : index
        %swap3A_441 = tpu.vector_load %arg19[%swap3A_439, %swap3A_440] {strides = array<i32>} : memref<80x128xf32, #tpu.memory_space<vmem>>, vector<16xf32>,
        tpu.vector_store %arg19[%swap3A_439, %swap3A_440], %mul3A_438 {strides = array<i32>} : memref<80x128xf32, #tpu.memory_space<vmem>>, vector<16xf32>,
        %get3A_442 = arith.index_cast %add3A_401 : i32 to index
        %get3A_443 = arith.constant 80 : index
        %get3A_444 = tpu.vector_load %arg19[%get3A_442, %get3A_443] {strides = array<i32>} : memref<80x128xf32, #tpu.memory_space<vmem>>, vector<16xf32>,
        %mul3A_445 = vector.broadcast %squeeze3A_397 : f32 to vector<16xf32>
        %mul3A_446 = arith.mulf %get3A_444, %mul3A_445 : vector<16xf32>
        %swap3A_447 = arith.index_cast %add3A_401 : i32 to index
        %swap3A_448 = arith.constant 80 : index
        %swap3A_449 = tpu.vector_load %arg19[%swap3A_447, %swap3A_448] {strides = array<i32>} : memref<80x128xf32, #tpu.memory_space<vmem>>, vector<16xf32>,
        tpu.vector_store %arg19[%swap3A_447, %swap3A_448], %mul3A_446 {strides = array<i32>} : memref<80x128xf32, #tpu.memory_space<vmem>>, vector<16xf32>,
        %get3A_450 = arith.index_cast %add3A_401 : i32 to index
        %get3A_451 = arith.constant 96 : index
        %get3A_452 = tpu.vector_load %arg19[%get3A_450, %get3A_451] {strides = array<i32>} : memref<80x128xf32, #tpu.memory_space<vmem>>, vector<16xf32>,
        %mul3A_453 = vector.broadcast %squeeze3A_397 : f32 to vector<16xf32>
        %mul3A_454 = arith.mulf %get3A_452, %mul3A_453 : vector<16xf32>
        %swap3A_455 = arith.index_cast %add3A_401 : i32 to index
        %swap3A_456 = arith.constant 96 : index
        %swap3A_457 = tpu.vector_load %arg19[%swap3A_455, %swap3A_456] {strides = array<i32>} : memref<80x128xf32, #tpu.memory_space<vmem>>, vector<16xf32>,
        tpu.vector_store %arg19[%swap3A_455, %swap3A_456], %mul3A_454 {strides = array<i32>} : memref<80x128xf32, #tpu.memory_space<vmem>>, vector<16xf32>,
        %get3A_458 = arith.index_cast %add3A_401 : i32 to index
        %get3A_459 = arith.constant 112 : index
        %get3A_460 = tpu.vector_load %arg19[%get3A_458, %get3A_459] {strides = array<i32>} : memref<80x128xf32, #tpu.memory_space<vmem>>, vector<16xf32>,
        %mul3A_461 = vector.broadcast %squeeze3A_397 : f32 to vector<16xf32>
        %mul3A_462 = arith.mulf %get3A_460, %mul3A_461 : vector<16xf32>
        %swap3A_463 = arith.index_cast %add3A_401 : i32 to index
        %swap3A_464 = arith.constant 112 : index
        %swap3A_465 = tpu.vector_load %arg19[%swap3A_463, %swap3A_464] {strides = array<i32>} : memref<80x128xf32, #tpu.memory_space<vmem>>, vector<16xf32>,
        tpu.vector_store %arg19[%swap3A_463, %swap3A_464], %mul3A_462 {strides = array<i32>} : memref<80x128xf32, #tpu.memory_space<vmem>>, vector<16xf32>,
        %slice3A_466 = vector.extract_strided_slice %get3A_188 {offsets = [4], sizes = [1], strides = [1]} : vector<16xf32> to vector<1xf32>
        %squeeze3A_467 = vector.extract %slice3A_466[0] : f32 from vector<1xf32>
        %mul3A_468 = arith.constant 16 : i32
        %mul3A_469 = arith.muli %scan3A_185, %mul3A_468 : i32
        %add3A_470 = arith.constant 4 : i32
        %add3A_471 = arith.addi %mul3A_469, %add3A_470 : i32
        %get3A_472 = arith.index_cast %add3A_471 : i32 to index
        %get3A_473 = arith.constant 0 : index
        %get3A_474 = tpu.vector_load %arg19[%get3A_472, %get3A_473] {strides = array<i32>} : memref<80x128xf32, #tpu.memory_space<vmem>>, vector<16xf32>,
        %mul3A_475 = vector.broadcast %squeeze3A_467 : f32 to vector<16xf32>
        %mul3A_476 = arith.mulf %get3A_474, %mul3A_475 : vector<16xf32>
        %swap3A_477 = arith.index_cast %add3A_471 : i32 to index
        %swap3A_478 = arith.constant 0 : index
        %swap3A_479 = tpu.vector_load %arg19[%swap3A_477, %swap3A_478] {strides = array<i32>} : memref<80x128xf32, #tpu.memory_space<vmem>>, vector<16xf32>,
        tpu.vector_store %arg19[%swap3A_477, %swap3A_478], %mul3A_476 {strides = array<i32>} : memref<80x128xf32, #tpu.memory_space<vmem>>, vector<16xf32>,
        %get3A_480 = arith.index_cast %add3A_471 : i32 to index
        %get3A_481 = arith.constant 16 : index
        %get3A_482 = tpu.vector_load %arg19[%get3A_480, %get3A_481] {strides = array<i32>} : memref<80x128xf32, #tpu.memory_space<vmem>>, vector<16xf32>,
        %mul3A_483 = vector.broadcast %squeeze3A_467 : f32 to vector<16xf32>
        %mul3A_484 = arith.mulf %get3A_482, %mul3A_483 : vector<16xf32>
        %swap3A_485 = arith.index_cast %add3A_471 : i32 to index
        %swap3A_486 = arith.constant 16 : index
        %swap3A_487 = tpu.vector_load %arg19[%swap3A_485, %swap3A_486] {strides = array<i32>} : memref<80x128xf32, #tpu.memory_space<vmem>>, vector<16xf32>,
        tpu.vector_store %arg19[%swap3A_485, %swap3A_486], %mul3A_484 {strides = array<i32>} : memref<80x128xf32, #tpu.memory_space<vmem>>, vector<16xf32>,
        %get3A_488 = arith.index_cast %add3A_471 : i32 to index
        %get3A_489 = arith.constant 32 : index
        %get3A_490 = tpu.vector_load %arg19[%get3A_488, %get3A_489] {strides = array<i32>} : memref<80x128xf32, #tpu.memory_space<vmem>>, vector<16xf32>,
        %mul3A_491 = vector.broadcast %squeeze3A_467 : f32 to vector<16xf32>
        %mul3A_492 = arith.mulf %get3A_490, %mul3A_491 : vector<16xf32>
        %swap3A_493 = arith.index_cast %add3A_471 : i32 to index
        %swap3A_494 = arith.constant 32 : index
        %swap3A_495 = tpu.vector_load %arg19[%swap3A_493, %swap3A_494] {strides = array<i32>} : memref<80x128xf32, #tpu.memory_space<vmem>>, vector<16xf32>,
        tpu.vector_store %arg19[%swap3A_493, %swap3A_494], %mul3A_492 {strides = array<i32>} : memref<80x128xf32, #tpu.memory_space<vmem>>, vector<16xf32>,
        %get3A_496 = arith.index_cast %add3A_471 : i32 to index
        %get3A_497 = arith.constant 48 : index
        %get3A_498 = tpu.vector_load %arg19[%get3A_496, %get3A_497] {strides = array<i32>} : memref<80x128xf32, #tpu.memory_space<vmem>>, vector<16xf32>,
        %mul3A_499 = vector.broadcast %squeeze3A_467 : f32 to vector<16xf32>
        %mul3A_500 = arith.mulf %get3A_498, %mul3A_499 : vector<16xf32>
        %swap3A_501 = arith.index_cast %add3A_471 : i32 to index
        %swap3A_502 = arith.constant 48 : index
        %swap3A_503 = tpu.vector_load %arg19[%swap3A_501, %swap3A_502] {strides = array<i32>} : memref<80x128xf32, #tpu.memory_space<vmem>>, vector<16xf32>,
        tpu.vector_store %arg19[%swap3A_501, %swap3A_502], %mul3A_500 {strides = array<i32>} : memref<80x128xf32, #tpu.memory_space<vmem>>, vector<16xf32>,
        %get3A_504 = arith.index_cast %add3A_471 : i32 to index
        %get3A_505 = arith.constant 64 : index
        %get3A_506 = tpu.vector_load %arg19[%get3A_504, %get3A_505] {strides = array<i32>} : memref<80x128xf32, #tpu.memory_space<vmem>>, vector<16xf32>,
        %mul3A_507 = vector.broadcast %squeeze3A_467 : f32 to vector<16xf32>
        %mul3A_508 = arith.mulf %get3A_506, %mul3A_507 : vector<16xf32>
        %swap3A_509 = arith.index_cast %add3A_471 : i32 to index
        %swap3A_510 = arith.constant 64 : index
        %swap3A_511 = tpu.vector_load %arg19[%swap3A_509, %swap3A_510] {strides = array<i32>} : memref<80x128xf32, #tpu.memory_space<vmem>>, vector<16xf32>,
        tpu.vector_store %arg19[%swap3A_509, %swap3A_510], %mul3A_508 {strides = array<i32>} : memref<80x128xf32, #tpu.memory_space<vmem>>, vector<16xf32>,
        %get3A_512 = arith.index_cast %add3A_471 : i32 to index
        %get3A_513 = arith.constant 80 : index
        %get3A_514 = tpu.vector_load %arg19[%get3A_512, %get3A_513] {strides = array<i32>} : memref<80x128xf32, #tpu.memory_space<vmem>>, vector<16xf32>,
        %mul3A_515 = vector.broadcast %squeeze3A_467 : f32 to vector<16xf32>
        %mul3A_516 = arith.mulf %get3A_514, %mul3A_515 : vector<16xf32>
        %swap3A_517 = arith.index_cast %add3A_471 : i32 to index
        %swap3A_518 = arith.constant 80 : index
        %swap3A_519 = tpu.vector_load %arg19[%swap3A_517, %swap3A_518] {strides = array<i32>} : memref<80x128xf32, #tpu.memory_space<vmem>>, vector<16xf32>,
        tpu.vector_store %arg19[%swap3A_517, %swap3A_518], %mul3A_516 {strides = array<i32>} : memref<80x128xf32, #tpu.memory_space<vmem>>, vector<16xf32>,
        %get3A_520 = arith.index_cast %add3A_471 : i32 to index
        %get3A_521 = arith.constant 96 : index
        %get3A_522 = tpu.vector_load %arg19[%get3A_520, %get3A_521] {strides = array<i32>} : memref<80x128xf32, #tpu.memory_space<vmem>>, vector<16xf32>,
        %mul3A_523 = vector.broadcast %squeeze3A_467 : f32 to vector<16xf32>
        %mul3A_524 = arith.mulf %get3A_522, %mul3A_523 : vector<16xf32>
        %swap3A_525 = arith.index_cast %add3A_471 : i32 to index
        %swap3A_526 = arith.constant 96 : index
        %swap3A_527 = tpu.vector_load %arg19[%swap3A_525, %swap3A_526] {strides = array<i32>} : memref<80x128xf32, #tpu.memory_space<vmem>>, vector<16xf32>,
        tpu.vector_store %arg19[%swap3A_525, %swap3A_526], %mul3A_524 {strides = array<i32>} : memref<80x128xf32, #tpu.memory_space<vmem>>, vector<16xf32>,
        %get3A_528 = arith.index_cast %add3A_471 : i32 to index
        %get3A_529 = arith.constant 112 : index
        %get3A_530 = tpu.vector_load %arg19[%get3A_528, %get3A_529] {strides = array<i32>} : memref<80x128xf32, #tpu.memory_space<vmem>>, vector<16xf32>,
        %mul3A_531 = vector.broadcast %squeeze3A_467 : f32 to vector<16xf32>
        %mul3A_532 = arith.mulf %get3A_530, %mul3A_531 : vector<16xf32>
        %swap3A_533 = arith.index_cast %add3A_471 : i32 to index
        %swap3A_534 = arith.constant 112 : index
        %swap3A_535 = tpu.vector_load %arg19[%swap3A_533, %swap3A_534] {strides = array<i32>} : memref<80x128xf32, #tpu.memory_space<vmem>>, vector<16xf32>,
        tpu.vector_store %arg19[%swap3A_533, %swap3A_534], %mul3A_532 {strides = array<i32>} : memref<80x128xf32, #tpu.memory_space<vmem>>, vector<16xf32>,
        %slice3A_536 = vector.extract_strided_slice %get3A_188 {offsets = [5], sizes = [1], strides = [1]} : vector<16xf32> to vector<1xf32>
        %squeeze3A_537 = vector.extract %slice3A_536[0] : f32 from vector<1xf32>
        %mul3A_538 = arith.constant 16 : i32
        %mul3A_539 = arith.muli %scan3A_185, %mul3A_538 : i32
        %add3A_540 = arith.constant 5 : i32
        %add3A_541 = arith.addi %mul3A_539, %add3A_540 : i32
        %get3A_542 = arith.index_cast %add3A_541 : i32 to index
        %get3A_543 = arith.constant 0 : index
        %get3A_544 = tpu.vector_load %arg19[%get3A_542, %get3A_543] {strides = array<i32>} : memref<80x128xf32, #tpu.memory_space<vmem>>, vector<16xf32>,
        %mul3A_545 = vector.broadcast %squeeze3A_537 : f32 to vector<16xf32>
        %mul3A_546 = arith.mulf %get3A_544, %mul3A_545 : vector<16xf32>
        %swap3A_547 = arith.index_cast %add3A_541 : i32 to index
        %swap3A_548 = arith.constant 0 : index
        %swap3A_549 = tpu.vector_load %arg19[%swap3A_547, %swap3A_548] {strides = array<i32>} : memref<80x128xf32, #tpu.memory_space<vmem>>, vector<16xf32>,
        tpu.vector_store %arg19[%swap3A_547, %swap3A_548], %mul3A_546 {strides = array<i32>} : memref<80x128xf32, #tpu.memory_space<vmem>>, vector<16xf32>,
        %get3A_550 = arith.index_cast %add3A_541 : i32 to index
        %get3A_551 = arith.constant 16 : index
        %get3A_552 = tpu.vector_load %arg19[%get3A_550, %get3A_551] {strides = array<i32>} : memref<80x128xf32, #tpu.memory_space<vmem>>, vector<16xf32>,
        %mul3A_553 = vector.broadcast %squeeze3A_537 : f32 to vector<16xf32>
        %mul3A_554 = arith.mulf %get3A_552, %mul3A_553 : vector<16xf32>
        %swap3A_555 = arith.index_cast %add3A_541 : i32 to index
        %swap3A_556 = arith.constant 16 : index
        %swap3A_557 = tpu.vector_load %arg19[%swap3A_555, %swap3A_556] {strides = array<i32>} : memref<80x128xf32, #tpu.memory_space<vmem>>, vector<16xf32>,
        tpu.vector_store %arg19[%swap3A_555, %swap3A_556], %mul3A_554 {strides = array<i32>} : memref<80x128xf32, #tpu.memory_space<vmem>>, vector<16xf32>,
        %get3A_558 = arith.index_cast %add3A_541 : i32 to index
        %get3A_559 = arith.constant 32 : index
        %get3A_560 = tpu.vector_load %arg19[%get3A_558, %get3A_559] {strides = array<i32>} : memref<80x128xf32, #tpu.memory_space<vmem>>, vector<16xf32>,
        %mul3A_561 = vector.broadcast %squeeze3A_537 : f32 to vector<16xf32>
        %mul3A_562 = arith.mulf %get3A_560, %mul3A_561 : vector<16xf32>
        %swap3A_563 = arith.index_cast %add3A_541 : i32 to index
        %swap3A_564 = arith.constant 32 : index
        %swap3A_565 = tpu.vector_load %arg19[%swap3A_563, %swap3A_564] {strides = array<i32>} : memref<80x128xf32, #tpu.memory_space<vmem>>, vector<16xf32>,
        tpu.vector_store %arg19[%swap3A_563, %swap3A_564], %mul3A_562 {strides = array<i32>} : memref<80x128xf32, #tpu.memory_space<vmem>>, vector<16xf32>,
        %get3A_566 = arith.index_cast %add3A_541 : i32 to index
        %get3A_567 = arith.constant 48 : index
        %get3A_568 = tpu.vector_load %arg19[%get3A_566, %get3A_567] {strides = array<i32>} : memref<80x128xf32, #tpu.memory_space<vmem>>, vector<16xf32>,
        %mul3A_569 = vector.broadcast %squeeze3A_537 : f32 to vector<16xf32>
        %mul3A_570 = arith.mulf %get3A_568, %mul3A_569 : vector<16xf32>
        %swap3A_571 = arith.index_cast %add3A_541 : i32 to index
        %swap3A_572 = arith.constant 48 : index
        %swap3A_573 = tpu.vector_load %arg19[%swap3A_571, %swap3A_572] {strides = array<i32>} : memref<80x128xf32, #tpu.memory_space<vmem>>, vector<16xf32>,
        tpu.vector_store %arg19[%swap3A_571, %swap3A_572], %mul3A_570 {strides = array<i32>} : memref<80x128xf32, #tpu.memory_space<vmem>>, vector<16xf32>,
        %get3A_574 = arith.index_cast %add3A_541 : i32 to index
        %get3A_575 = arith.constant 64 : index
        %get3A_576 = tpu.vector_load %arg19[%get3A_574, %get3A_575] {strides = array<i32>} : memref<80x128xf32, #tpu.memory_space<vmem>>, vector<16xf32>,
        %mul3A_577 = vector.broadcast %squeeze3A_537 : f32 to vector<16xf32>
        %mul3A_578 = arith.mulf %get3A_576, %mul3A_577 : vector<16xf32>
        %swap3A_579 = arith.index_cast %add3A_541 : i32 to index
        %swap3A_580 = arith.constant 64 : index
        %swap3A_581 = tpu.vector_load %arg19[%swap3A_579, %swap3A_580] {strides = array<i32>} : memref<80x128xf32, #tpu.memory_space<vmem>>, vector<16xf32>,
        tpu.vector_store %arg19[%swap3A_579, %swap3A_580], %mul3A_578 {strides = array<i32>} : memref<80x128xf32, #tpu.memory_space<vmem>>, vector<16xf32>,
        %get3A_582 = arith.index_cast %add3A_541 : i32 to index
        %get3A_583 = arith.constant 80 : index
        %get3A_584 = tpu.vector_load %arg19[%get3A_582, %get3A_583] {strides = array<i32>} : memref<80x128xf32, #tpu.memory_space<vmem>>, vector<16xf32>,
        %mul3A_585 = vector.broadcast %squeeze3A_537 : f32 to vector<16xf32>
        %mul3A_586 = arith.mulf %get3A_584, %mul3A_585 : vector<16xf32>
        %swap3A_587 = arith.index_cast %add3A_541 : i32 to index
        %swap3A_588 = arith.constant 80 : index
        %swap3A_589 = tpu.vector_load %arg19[%swap3A_587, %swap3A_588] {strides = array<i32>} : memref<80x128xf32, #tpu.memory_space<vmem>>, vector<16xf32>,
        tpu.vector_store %arg19[%swap3A_587, %swap3A_588], %mul3A_586 {strides = array<i32>} : memref<80x128xf32, #tpu.memory_space<vmem>>, vector<16xf32>,
        %get3A_590 = arith.index_cast %add3A_541 : i32 to index
        %get3A_591 = arith.constant 96 : index
        %get3A_592 = tpu.vector_load %arg19[%get3A_590, %get3A_591] {strides = array<i32>} : memref<80x128xf32, #tpu.memory_space<vmem>>, vector<16xf32>,
        %mul3A_593 = vector.broadcast %squeeze3A_537 : f32 to vector<16xf32>
        %mul3A_594 = arith.mulf %get3A_592, %mul3A_593 : vector<16xf32>
        %swap3A_595 = arith.index_cast %add3A_541 : i32 to index
        %swap3A_596 = arith.constant 96 : index
        %swap3A_597 = tpu.vector_load %arg19[%swap3A_595, %swap3A_596] {strides = array<i32>} : memref<80x128xf32, #tpu.memory_space<vmem>>, vector<16xf32>,
        tpu.vector_store %arg19[%swap3A_595, %swap3A_596], %mul3A_594 {strides = array<i32>} : memref<80x128xf32, #tpu.memory_space<vmem>>, vector<16xf32>,
        %get3A_598 = arith.index_cast %add3A_541 : i32 to index
        %get3A_599 = arith.constant 112 : index
        %get3A_600 = tpu.vector_load %arg19[%get3A_598, %get3A_599] {strides = array<i32>} : memref<80x128xf32, #tpu.memory_space<vmem>>, vector<16xf32>,
        %mul3A_601 = vector.broadcast %squeeze3A_537 : f32 to vector<16xf32>
        %mul3A_602 = arith.mulf %get3A_600, %mul3A_601 : vector<16xf32>
        %swap3A_603 = arith.index_cast %add3A_541 : i32 to index
        %swap3A_604 = arith.constant 112 : index
        %swap3A_605 = tpu.vector_load %arg19[%swap3A_603, %swap3A_604] {strides = array<i32>} : memref<80x128xf32, #tpu.memory_space<vmem>>, vector<16xf32>,
        tpu.vector_store %arg19[%swap3A_603, %swap3A_604], %mul3A_602 {strides = array<i32>} : memref<80x128xf32, #tpu.memory_space<vmem>>, vector<16xf32>,
        %slice3A_606 = vector.extract_strided_slice %get3A_188 {offsets = [6], sizes = [1], strides = [1]} : vector<16xf32> to vector<1xf32>
        %squeeze3A_607 = vector.extract %slice3A_606[0] : f32 from vector<1xf32>
        %mul3A_608 = arith.constant 16 : i32
        %mul3A_609 = arith.muli %scan3A_185, %mul3A_608 : i32
        %add3A_610 = arith.constant 6 : i32
        %add3A_611 = arith.addi %mul3A_609, %add3A_610 : i32
        %get3A_612 = arith.index_cast %add3A_611 : i32 to index
        %get3A_613 = arith.constant 0 : index
        %get3A_614 = tpu.vector_load %arg19[%get3A_612, %get3A_613] {strides = array<i32>} : memref<80x128xf32, #tpu.memory_space<vmem>>, vector<16xf32>,
        %mul3A_615 = vector.broadcast %squeeze3A_607 : f32 to vector<16xf32>
        %mul3A_616 = arith.mulf %get3A_614, %mul3A_615 : vector<16xf32>
        %swap3A_617 = arith.index_cast %add3A_611 : i32 to index
        %swap3A_618 = arith.constant 0 : index
        %swap3A_619 = tpu.vector_load %arg19[%swap3A_617, %swap3A_618] {strides = array<i32>} : memref<80x128xf32, #tpu.memory_space<vmem>>, vector<16xf32>,
        tpu.vector_store %arg19[%swap3A_617, %swap3A_618], %mul3A_616 {strides = array<i32>} : memref<80x128xf32, #tpu.memory_space<vmem>>, vector<16xf32>,
        %get3A_620 = arith.index_cast %add3A_611 : i32 to index
        %get3A_621 = arith.constant 16 : index
        %get3A_622 = tpu.vector_load %arg19[%get3A_620, %get3A_621] {strides = array<i32>} : memref<80x128xf32, #tpu.memory_space<vmem>>, vector<16xf32>,
        %mul3A_623 = vector.broadcast %squeeze3A_607 : f32 to vector<16xf32>
        %mul3A_624 = arith.mulf %get3A_622, %mul3A_623 : vector<16xf32>
        %swap3A_625 = arith.index_cast %add3A_611 : i32 to index
        %swap3A_626 = arith.constant 16 : index
        %swap3A_627 = tpu.vector_load %arg19[%swap3A_625, %swap3A_626] {strides = array<i32>} : memref<80x128xf32, #tpu.memory_space<vmem>>, vector<16xf32>,
        tpu.vector_store %arg19[%swap3A_625, %swap3A_626], %mul3A_624 {strides = array<i32>} : memref<80x128xf32, #tpu.memory_space<vmem>>, vector<16xf32>,
        %get3A_628 = arith.index_cast %add3A_611 : i32 to index
        %get3A_629 = arith.constant 32 : index
        %get3A_630 = tpu.vector_load %arg19[%get3A_628, %get3A_629] {strides = array<i32>} : memref<80x128xf32, #tpu.memory_space<vmem>>, vector<16xf32>,
        %mul3A_631 = vector.broadcast %squeeze3A_607 : f32 to vector<16xf32>
        %mul3A_632 = arith.mulf %get3A_630, %mul3A_631 : vector<16xf32>
        %swap3A_633 = arith.index_cast %add3A_611 : i32 to index
        %swap3A_634 = arith.constant 32 : index
        %swap3A_635 = tpu.vector_load %arg19[%swap3A_633, %swap3A_634] {strides = array<i32>} : memref<80x128xf32, #tpu.memory_space<vmem>>, vector<16xf32>,
        tpu.vector_store %arg19[%swap3A_633, %swap3A_634], %mul3A_632 {strides = array<i32>} : memref<80x128xf32, #tpu.memory_space<vmem>>, vector<16xf32>,
        %get3A_636 = arith.index_cast %add3A_611 : i32 to index
        %get3A_637 = arith.constant 48 : index
        %get3A_638 = tpu.vector_load %arg19[%get3A_636, %get3A_637] {strides = array<i32>} : memref<80x128xf32, #tpu.memory_space<vmem>>, vector<16xf32>,
        %mul3A_639 = vector.broadcast %squeeze3A_607 : f32 to vector<16xf32>
        %mul3A_640 = arith.mulf %get3A_638, %mul3A_639 : vector<16xf32>
        %swap3A_641 = arith.index_cast %add3A_611 : i32 to index
        %swap3A_642 = arith.constant 48 : index
        %swap3A_643 = tpu.vector_load %arg19[%swap3A_641, %swap3A_642] {strides = array<i32>} : memref<80x128xf32, #tpu.memory_space<vmem>>, vector<16xf32>,
        tpu.vector_store %arg19[%swap3A_641, %swap3A_642], %mul3A_640 {strides = array<i32>} : memref<80x128xf32, #tpu.memory_space<vmem>>, vector<16xf32>,
        %get3A_644 = arith.index_cast %add3A_611 : i32 to index
        %get3A_645 = arith.constant 64 : index
        %get3A_646 = tpu.vector_load %arg19[%get3A_644, %get3A_645] {strides = array<i32>} : memref<80x128xf32, #tpu.memory_space<vmem>>, vector<16xf32>,
        %mul3A_647 = vector.broadcast %squeeze3A_607 : f32 to vector<16xf32>
        %mul3A_648 = arith.mulf %get3A_646, %mul3A_647 : vector<16xf32>
        %swap3A_649 = arith.index_cast %add3A_611 : i32 to index
        %swap3A_650 = arith.constant 64 : index
        %swap3A_651 = tpu.vector_load %arg19[%swap3A_649, %swap3A_650] {strides = array<i32>} : memref<80x128xf32, #tpu.memory_space<vmem>>, vector<16xf32>,
        tpu.vector_store %arg19[%swap3A_649, %swap3A_650], %mul3A_648 {strides = array<i32>} : memref<80x128xf32, #tpu.memory_space<vmem>>, vector<16xf32>,
        %get3A_652 = arith.index_cast %add3A_611 : i32 to index
        %get3A_653 = arith.constant 80 : index
        %get3A_654 = tpu.vector_load %arg19[%get3A_652, %get3A_653] {strides = array<i32>} : memref<80x128xf32, #tpu.memory_space<vmem>>, vector<16xf32>,
        %mul3A_655 = vector.broadcast %squeeze3A_607 : f32 to vector<16xf32>
        %mul3A_656 = arith.mulf %get3A_654, %mul3A_655 : vector<16xf32>
        %swap3A_657 = arith.index_cast %add3A_611 : i32 to index
        %swap3A_658 = arith.constant 80 : index
        %swap3A_659 = tpu.vector_load %arg19[%swap3A_657, %swap3A_658] {strides = array<i32>} : memref<80x128xf32, #tpu.memory_space<vmem>>, vector<16xf32>,
        tpu.vector_store %arg19[%swap3A_657, %swap3A_658], %mul3A_656 {strides = array<i32>} : memref<80x128xf32, #tpu.memory_space<vmem>>, vector<16xf32>,
        %get3A_660 = arith.index_cast %add3A_611 : i32 to index
        %get3A_661 = arith.constant 96 : index
        %get3A_662 = tpu.vector_load %arg19[%get3A_660, %get3A_661] {strides = array<i32>} : memref<80x128xf32, #tpu.memory_space<vmem>>, vector<16xf32>,
        %mul3A_663 = vector.broadcast %squeeze3A_607 : f32 to vector<16xf32>
        %mul3A_664 = arith.mulf %get3A_662, %mul3A_663 : vector<16xf32>
        %swap3A_665 = arith.index_cast %add3A_611 : i32 to index
        %swap3A_666 = arith.constant 96 : index
        %swap3A_667 = tpu.vector_load %arg19[%swap3A_665, %swap3A_666] {strides = array<i32>} : memref<80x128xf32, #tpu.memory_space<vmem>>, vector<16xf32>,
        tpu.vector_store %arg19[%swap3A_665, %swap3A_666], %mul3A_664 {strides = array<i32>} : memref<80x128xf32, #tpu.memory_space<vmem>>, vector<16xf32>,
        %get3A_668 = arith.index_cast %add3A_611 : i32 to index
        %get3A_669 = arith.constant 112 : index
        %get3A_670 = tpu.vector_load %arg19[%get3A_668, %get3A_669] {strides = array<i32>} : memref<80x128xf32, #tpu.memory_space<vmem>>, vector<16xf32>,
        %mul3A_671 = vector.broadcast %squeeze3A_607 : f32 to vector<16xf32>
        %mul3A_672 = arith.mulf %get3A_670, %mul3A_671 : vector<16xf32>
        %swap3A_673 = arith.index_cast %add3A_611 : i32 to index
        %swap3A_674 = arith.constant 112 : index
        %swap3A_675 = tpu.vector_load %arg19[%swap3A_673, %swap3A_674] {strides = array<i32>} : memref<80x128xf32, #tpu.memory_space<vmem>>, vector<16xf32>,
        tpu.vector_store %arg19[%swap3A_673, %swap3A_674], %mul3A_672 {strides = array<i32>} : memref<80x128xf32, #tpu.memory_space<vmem>>, vector<16xf32>,
        %slice3A_676 = vector.extract_strided_slice %get3A_188 {offsets = [7], sizes = [1], strides = [1]} : vector<16xf32> to vector<1xf32>
        %squeeze3A_677 = vector.extract %slice3A_676[0] : f32 from vector<1xf32>
        %mul3A_678 = arith.constant 16 : i32
        %mul3A_679 = arith.muli %scan3A_185, %mul3A_678 : i32
        %add3A_680 = arith.constant 7 : i32
        %add3A_681 = arith.addi %mul3A_679, %add3A_680 : i32
        %get3A_682 = arith.index_cast %add3A_681 : i32 to index
        %get3A_683 = arith.constant 0 : index
        %get3A_684 = tpu.vector_load %arg19[%get3A_682, %get3A_683] {strides = array<i32>} : memref<80x128xf32, #tpu.memory_space<vmem>>, vector<16xf32>,
        %mul3A_685 = vector.broadcast %squeeze3A_677 : f32 to vector<16xf32>
        %mul3A_686 = arith.mulf %get3A_684, %mul3A_685 : vector<16xf32>
        %swap3A_687 = arith.index_cast %add3A_681 : i32 to index
        %swap3A_688 = arith.constant 0 : index
        %swap3A_689 = tpu.vector_load %arg19[%swap3A_687, %swap3A_688] {strides = array<i32>} : memref<80x128xf32, #tpu.memory_space<vmem>>, vector<16xf32>,
        tpu.vector_store %arg19[%swap3A_687, %swap3A_688], %mul3A_686 {strides = array<i32>} : memref<80x128xf32, #tpu.memory_space<vmem>>, vector<16xf32>,
        %get3A_690 = arith.index_cast %add3A_681 : i32 to index
        %get3A_691 = arith.constant 16 : index
        %get3A_692 = tpu.vector_load %arg19[%get3A_690, %get3A_691] {strides = array<i32>} : memref<80x128xf32, #tpu.memory_space<vmem>>, vector<16xf32>,
        %mul3A_693 = vector.broadcast %squeeze3A_677 : f32 to vector<16xf32>
        %mul3A_694 = arith.mulf %get3A_692, %mul3A_693 : vector<16xf32>
        %swap3A_695 = arith.index_cast %add3A_681 : i32 to index
        %swap3A_696 = arith.constant 16 : index
        %swap3A_697 = tpu.vector_load %arg19[%swap3A_695, %swap3A_696] {strides = array<i32>} : memref<80x128xf32, #tpu.memory_space<vmem>>, vector<16xf32>,
        tpu.vector_store %arg19[%swap3A_695, %swap3A_696], %mul3A_694 {strides = array<i32>} : memref<80x128xf32, #tpu.memory_space<vmem>>, vector<16xf32>,
        %get3A_698 = arith.index_cast %add3A_681 : i32 to index
        %get3A_699 = arith.constant 32 : index
        %get3A_700 = tpu.vector_load %arg19[%get3A_698, %get3A_699] {strides = array<i32>} : memref<80x128xf32, #tpu.memory_space<vmem>>, vector<16xf32>,
        %mul3A_701 = vector.broadcast %squeeze3A_677 : f32 to vector<16xf32>
        %mul3A_702 = arith.mulf %get3A_700, %mul3A_701 : vector<16xf32>
        %swap3A_703 = arith.index_cast %add3A_681 : i32 to index
        %swap3A_704 = arith.constant 32 : index
        %swap3A_705 = tpu.vector_load %arg19[%swap3A_703, %swap3A_704] {strides = array<i32>} : memref<80x128xf32, #tpu.memory_space<vmem>>, vector<16xf32>,
        tpu.vector_store %arg19[%swap3A_703, %swap3A_704], %mul3A_702 {strides = array<i32>} : memref<80x128xf32, #tpu.memory_space<vmem>>, vector<16xf32>,
        %get3A_706 = arith.index_cast %add3A_681 : i32 to index
        %get3A_707 = arith.constant 48 : index
        %get3A_708 = tpu.vector_load %arg19[%get3A_706, %get3A_707] {strides = array<i32>} : memref<80x128xf32, #tpu.memory_space<vmem>>, vector<16xf32>,
        %mul3A_709 = vector.broadcast %squeeze3A_677 : f32 to vector<16xf32>
        %mul3A_710 = arith.mulf %get3A_708, %mul3A_709 : vector<16xf32>
        %swap3A_711 = arith.index_cast %add3A_681 : i32 to index
        %swap3A_712 = arith.constant 48 : index
        %swap3A_713 = tpu.vector_load %arg19[%swap3A_711, %swap3A_712] {strides = array<i32>} : memref<80x128xf32, #tpu.memory_space<vmem>>, vector<16xf32>,
        tpu.vector_store %arg19[%swap3A_711, %swap3A_712], %mul3A_710 {strides = array<i32>} : memref<80x128xf32, #tpu.memory_space<vmem>>, vector<16xf32>,
        %get3A_714 = arith.index_cast %add3A_681 : i32 to index
        %get3A_715 = arith.constant 64 : index
        %get3A_716 = tpu.vector_load %arg19[%get3A_714, %get3A_715] {strides = array<i32>} : memref<80x128xf32, #tpu.memory_space<vmem>>, vector<16xf32>,
        %mul3A_717 = vector.broadcast %squeeze3A_677 : f32 to vector<16xf32>
        %mul3A_718 = arith.mulf %get3A_716, %mul3A_717 : vector<16xf32>
        %swap3A_719 = arith.index_cast %add3A_681 : i32 to index
        %swap3A_720 = arith.constant 64 : index
        %swap3A_721 = tpu.vector_load %arg19[%swap3A_719, %swap3A_720] {strides = array<i32>} : memref<80x128xf32, #tpu.memory_space<vmem>>, vector<16xf32>,
        tpu.vector_store %arg19[%swap3A_719, %swap3A_720], %mul3A_718 {strides = array<i32>} : memref<80x128xf32, #tpu.memory_space<vmem>>, vector<16xf32>,
        %get3A_722 = arith.index_cast %add3A_681 : i32 to index
        %get3A_723 = arith.constant 80 : index
        %get3A_724 = tpu.vector_load %arg19[%get3A_722, %get3A_723] {strides = array<i32>} : memref<80x128xf32, #tpu.memory_space<vmem>>, vector<16xf32>,
        %mul3A_725 = vector.broadcast %squeeze3A_677 : f32 to vector<16xf32>
        %mul3A_726 = arith.mulf %get3A_724, %mul3A_725 : vector<16xf32>
        %swap3A_727 = arith.index_cast %add3A_681 : i32 to index
        %swap3A_728 = arith.constant 80 : index
        %swap3A_729 = tpu.vector_load %arg19[%swap3A_727, %swap3A_728] {strides = array<i32>} : memref<80x128xf32, #tpu.memory_space<vmem>>, vector<16xf32>,
        tpu.vector_store %arg19[%swap3A_727, %swap3A_728], %mul3A_726 {strides = array<i32>} : memref<80x128xf32, #tpu.memory_space<vmem>>, vector<16xf32>,
        %get3A_730 = arith.index_cast %add3A_681 : i32 to index
        %get3A_731 = arith.constant 96 : index
        %get3A_732 = tpu.vector_load %arg19[%get3A_730, %get3A_731] {strides = array<i32>} : memref<80x128xf32, #tpu.memory_space<vmem>>, vector<16xf32>,
        %mul3A_733 = vector.broadcast %squeeze3A_677 : f32 to vector<16xf32>
        %mul3A_734 = arith.mulf %get3A_732, %mul3A_733 : vector<16xf32>
        %swap3A_735 = arith.index_cast %add3A_681 : i32 to index
        %swap3A_736 = arith.constant 96 : index
        %swap3A_737 = tpu.vector_load %arg19[%swap3A_735, %swap3A_736] {strides = array<i32>} : memref<80x128xf32, #tpu.memory_space<vmem>>, vector<16xf32>,
        tpu.vector_store %arg19[%swap3A_735, %swap3A_736], %mul3A_734 {strides = array<i32>} : memref<80x128xf32, #tpu.memory_space<vmem>>, vector<16xf32>,
        %get3A_738 = arith.index_cast %add3A_681 : i32 to index
        %get3A_739 = arith.constant 112 : index
        %get3A_740 = tpu.vector_load %arg19[%get3A_738, %get3A_739] {strides = array<i32>} : memref<80x128xf32, #tpu.memory_space<vmem>>, vector<16xf32>,
        %mul3A_741 = vector.broadcast %squeeze3A_677 : f32 to vector<16xf32>
        %mul3A_742 = arith.mulf %get3A_740, %mul3A_741 : vector<16xf32>
        %swap3A_743 = arith.index_cast %add3A_681 : i32 to index
        %swap3A_744 = arith.constant 112 : index
        %swap3A_745 = tpu.vector_load %arg19[%swap3A_743, %swap3A_744] {strides = array<i32>} : memref<80x128xf32, #tpu.memory_space<vmem>>, vector<16xf32>,
        tpu.vector_store %arg19[%swap3A_743, %swap3A_744], %mul3A_742 {strides = array<i32>} : memref<80x128xf32, #tpu.memory_space<vmem>>, vector<16xf32>,
        %slice3A_746 = vector.extract_strided_slice %get3A_188 {offsets = [8], sizes = [1], strides = [1]} : vector<16xf32> to vector<1xf32>
        %squeeze3A_747 = vector.extract %slice3A_746[0] : f32 from vector<1xf32>
        %mul3A_748 = arith.constant 16 : i32
        %mul3A_749 = arith.muli %scan3A_185, %mul3A_748 : i32
        %add3A_750 = arith.constant 8 : i32
        %add3A_751 = arith.addi %mul3A_749, %add3A_750 : i32
        %get3A_752 = arith.index_cast %add3A_751 : i32 to index
        %get3A_753 = arith.constant 0 : index
        %get3A_754 = tpu.vector_load %arg19[%get3A_752, %get3A_753] {strides = array<i32>} : memref<80x128xf32, #tpu.memory_space<vmem>>, vector<16xf32>,
        %mul3A_755 = vector.broadcast %squeeze3A_747 : f32 to vector<16xf32>
        %mul3A_756 = arith.mulf %get3A_754, %mul3A_755 : vector<16xf32>
        %swap3A_757 = arith.index_cast %add3A_751 : i32 to index
        %swap3A_758 = arith.constant 0 : index
        %swap3A_759 = tpu.vector_load %arg19[%swap3A_757, %swap3A_758] {strides = array<i32>} : memref<80x128xf32, #tpu.memory_space<vmem>>, vector<16xf32>,
        tpu.vector_store %arg19[%swap3A_757, %swap3A_758], %mul3A_756 {strides = array<i32>} : memref<80x128xf32, #tpu.memory_space<vmem>>, vector<16xf32>,
        %get3A_760 = arith.index_cast %add3A_751 : i32 to index
        %get3A_761 = arith.constant 16 : index
        %get3A_762 = tpu.vector_load %arg19[%get3A_760, %get3A_761] {strides = array<i32>} : memref<80x128xf32, #tpu.memory_space<vmem>>, vector<16xf32>,
        %mul3A_763 = vector.broadcast %squeeze3A_747 : f32 to vector<16xf32>
        %mul3A_764 = arith.mulf %get3A_762, %mul3A_763 : vector<16xf32>
        %swap3A_765 = arith.index_cast %add3A_751 : i32 to index
        %swap3A_766 = arith.constant 16 : index
        %swap3A_767 = tpu.vector_load %arg19[%swap3A_765, %swap3A_766] {strides = array<i32>} : memref<80x128xf32, #tpu.memory_space<vmem>>, vector<16xf32>,
        tpu.vector_store %arg19[%swap3A_765, %swap3A_766], %mul3A_764 {strides = array<i32>} : memref<80x128xf32, #tpu.memory_space<vmem>>, vector<16xf32>,
        %get3A_768 = arith.index_cast %add3A_751 : i32 to index
        %get3A_769 = arith.constant 32 : index
        %get3A_770 = tpu.vector_load %arg19[%get3A_768, %get3A_769] {strides = array<i32>} : memref<80x128xf32, #tpu.memory_space<vmem>>, vector<16xf32>,
        %mul3A_771 = vector.broadcast %squeeze3A_747 : f32 to vector<16xf32>
        %mul3A_772 = arith.mulf %get3A_770, %mul3A_771 : vector<16xf32>
        %swap3A_773 = arith.index_cast %add3A_751 : i32 to index
        %swap3A_774 = arith.constant 32 : index
        %swap3A_775 = tpu.vector_load %arg19[%swap3A_773, %swap3A_774] {strides = array<i32>} : memref<80x128xf32, #tpu.memory_space<vmem>>, vector<16xf32>,
        tpu.vector_store %arg19[%swap3A_773, %swap3A_774], %mul3A_772 {strides = array<i32>} : memref<80x128xf32, #tpu.memory_space<vmem>>, vector<16xf32>,
        %get3A_776 = arith.index_cast %add3A_751 : i32 to index
        %get3A_777 = arith.constant 48 : index
        %get3A_778 = tpu.vector_load %arg19[%get3A_776, %get3A_777] {strides = array<i32>} : memref<80x128xf32, #tpu.memory_space<vmem>>, vector<16xf32>,
        %mul3A_779 = vector.broadcast %squeeze3A_747 : f32 to vector<16xf32>
        %mul3A_780 = arith.mulf %get3A_778, %mul3A_779 : vector<16xf32>
        %swap3A_781 = arith.index_cast %add3A_751 : i32 to index
        %swap3A_782 = arith.constant 48 : index
        %swap3A_783 = tpu.vector_load %arg19[%swap3A_781, %swap3A_782] {strides = array<i32>} : memref<80x128xf32, #tpu.memory_space<vmem>>, vector<16xf32>,
        tpu.vector_store %arg19[%swap3A_781, %swap3A_782], %mul3A_780 {strides = array<i32>} : memref<80x128xf32, #tpu.memory_space<vmem>>, vector<16xf32>,
        %get3A_784 = arith.index_cast %add3A_751 : i32 to index
        %get3A_785 = arith.constant 64 : index
        %get3A_786 = tpu.vector_load %arg19[%get3A_784, %get3A_785] {strides = array<i32>} : memref<80x128xf32, #tpu.memory_space<vmem>>, vector<16xf32>,
        %mul3A_787 = vector.broadcast %squeeze3A_747 : f32 to vector<16xf32>
        %mul3A_788 = arith.mulf %get3A_786, %mul3A_787 : vector<16xf32>
        %swap3A_789 = arith.index_cast %add3A_751 : i32 to index
        %swap3A_790 = arith.constant 64 : index
        %swap3A_791 = tpu.vector_load %arg19[%swap3A_789, %swap3A_790] {strides = array<i32>} : memref<80x128xf32, #tpu.memory_space<vmem>>, vector<16xf32>,
        tpu.vector_store %arg19[%swap3A_789, %swap3A_790], %mul3A_788 {strides = array<i32>} : memref<80x128xf32, #tpu.memory_space<vmem>>, vector<16xf32>,
        %get3A_792 = arith.index_cast %add3A_751 : i32 to index
        %get3A_793 = arith.constant 80 : index
        %get3A_794 = tpu.vector_load %arg19[%get3A_792, %get3A_793] {strides = array<i32>} : memref<80x128xf32, #tpu.memory_space<vmem>>, vector<16xf32>,
        %mul3A_795 = vector.broadcast %squeeze3A_747 : f32 to vector<16xf32>
        %mul3A_796 = arith.mulf %get3A_794, %mul3A_795 : vector<16xf32>
        %swap3A_797 = arith.index_cast %add3A_751 : i32 to index
        %swap3A_798 = arith.constant 80 : index
        %swap3A_799 = tpu.vector_load %arg19[%swap3A_797, %swap3A_798] {strides = array<i32>} : memref<80x128xf32, #tpu.memory_space<vmem>>, vector<16xf32>,
        tpu.vector_store %arg19[%swap3A_797, %swap3A_798], %mul3A_796 {strides = array<i32>} : memref<80x128xf32, #tpu.memory_space<vmem>>, vector<16xf32>,
        %get3A_800 = arith.index_cast %add3A_751 : i32 to index
        %get3A_801 = arith.constant 96 : index
        %get3A_802 = tpu.vector_load %arg19[%get3A_800, %get3A_801] {strides = array<i32>} : memref<80x128xf32, #tpu.memory_space<vmem>>, vector<16xf32>,
        %mul3A_803 = vector.broadcast %squeeze3A_747 : f32 to vector<16xf32>
        %mul3A_804 = arith.mulf %get3A_802, %mul3A_803 : vector<16xf32>
        %swap3A_805 = arith.index_cast %add3A_751 : i32 to index
        %swap3A_806 = arith.constant 96 : index
        %swap3A_807 = tpu.vector_load %arg19[%swap3A_805, %swap3A_806] {strides = array<i32>} : memref<80x128xf32, #tpu.memory_space<vmem>>, vector<16xf32>,
        tpu.vector_store %arg19[%swap3A_805, %swap3A_806], %mul3A_804 {strides = array<i32>} : memref<80x128xf32, #tpu.memory_space<vmem>>, vector<16xf32>,
        %get3A_808 = arith.index_cast %add3A_751 : i32 to index
        %get3A_809 = arith.constant 112 : index
        %get3A_810 = tpu.vector_load %arg19[%get3A_808, %get3A_809] {strides = array<i32>} : memref<80x128xf32, #tpu.memory_space<vmem>>, vector<16xf32>,
        %mul3A_811 = vector.broadcast %squeeze3A_747 : f32 to vector<16xf32>
        %mul3A_812 = arith.mulf %get3A_810, %mul3A_811 : vector<16xf32>
        %swap3A_813 = arith.index_cast %add3A_751 : i32 to index
        %swap3A_814 = arith.constant 112 : index
        %swap3A_815 = tpu.vector_load %arg19[%swap3A_813, %swap3A_814] {strides = array<i32>} : memref<80x128xf32, #tpu.memory_space<vmem>>, vector<16xf32>,
        tpu.vector_store %arg19[%swap3A_813, %swap3A_814], %mul3A_812 {strides = array<i32>} : memref<80x128xf32, #tpu.memory_space<vmem>>, vector<16xf32>,
        %slice3A_816 = vector.extract_strided_slice %get3A_188 {offsets = [9], sizes = [1], strides = [1]} : vector<16xf32> to vector<1xf32>
        %squeeze3A_817 = vector.extract %slice3A_816[0] : f32 from vector<1xf32>
        %mul3A_818 = arith.constant 16 : i32
        %mul3A_819 = arith.muli %scan3A_185, %mul3A_818 : i32
        %add3A_820 = arith.constant 9 : i32
        %add3A_821 = arith.addi %mul3A_819, %add3A_820 : i32
        %get3A_822 = arith.index_cast %add3A_821 : i32 to index
        %get3A_823 = arith.constant 0 : index
        %get3A_824 = tpu.vector_load %arg19[%get3A_822, %get3A_823] {strides = array<i32>} : memref<80x128xf32, #tpu.memory_space<vmem>>, vector<16xf32>,
        %mul3A_825 = vector.broadcast %squeeze3A_817 : f32 to vector<16xf32>
        %mul3A_826 = arith.mulf %get3A_824, %mul3A_825 : vector<16xf32>
        %swap3A_827 = arith.index_cast %add3A_821 : i32 to index
        %swap3A_828 = arith.constant 0 : index
        %swap3A_829 = tpu.vector_load %arg19[%swap3A_827, %swap3A_828] {strides = array<i32>} : memref<80x128xf32, #tpu.memory_space<vmem>>, vector<16xf32>,
        tpu.vector_store %arg19[%swap3A_827, %swap3A_828], %mul3A_826 {strides = array<i32>} : memref<80x128xf32, #tpu.memory_space<vmem>>, vector<16xf32>,
        %get3A_830 = arith.index_cast %add3A_821 : i32 to index
        %get3A_831 = arith.constant 16 : index
        %get3A_832 = tpu.vector_load %arg19[%get3A_830, %get3A_831] {strides = array<i32>} : memref<80x128xf32, #tpu.memory_space<vmem>>, vector<16xf32>,
        %mul3A_833 = vector.broadcast %squeeze3A_817 : f32 to vector<16xf32>
        %mul3A_834 = arith.mulf %get3A_832, %mul3A_833 : vector<16xf32>
        %swap3A_835 = arith.index_cast %add3A_821 : i32 to index
        %swap3A_836 = arith.constant 16 : index
        %swap3A_837 = tpu.vector_load %arg19[%swap3A_835, %swap3A_836] {strides = array<i32>} : memref<80x128xf32, #tpu.memory_space<vmem>>, vector<16xf32>,
        tpu.vector_store %arg19[%swap3A_835, %swap3A_836], %mul3A_834 {strides = array<i32>} : memref<80x128xf32, #tpu.memory_space<vmem>>, vector<16xf32>,
        %get3A_838 = arith.index_cast %add3A_821 : i32 to index
        %get3A_839 = arith.constant 32 : index
        %get3A_840 = tpu.vector_load %arg19[%get3A_838, %get3A_839] {strides = array<i32>} : memref<80x128xf32, #tpu.memory_space<vmem>>, vector<16xf32>,
        %mul3A_841 = vector.broadcast %squeeze3A_817 : f32 to vector<16xf32>
        %mul3A_842 = arith.mulf %get3A_840, %mul3A_841 : vector<16xf32>
        %swap3A_843 = arith.index_cast %add3A_821 : i32 to index
        %swap3A_844 = arith.constant 32 : index
        %swap3A_845 = tpu.vector_load %arg19[%swap3A_843, %swap3A_844] {strides = array<i32>} : memref<80x128xf32, #tpu.memory_space<vmem>>, vector<16xf32>,
        tpu.vector_store %arg19[%swap3A_843, %swap3A_844], %mul3A_842 {strides = array<i32>} : memref<80x128xf32, #tpu.memory_space<vmem>>, vector<16xf32>,
        %get3A_846 = arith.index_cast %add3A_821 : i32 to index
        %get3A_847 = arith.constant 48 : index
        %get3A_848 = tpu.vector_load %arg19[%get3A_846, %get3A_847] {strides = array<i32>} : memref<80x128xf32, #tpu.memory_space<vmem>>, vector<16xf32>,
        %mul3A_849 = vector.broadcast %squeeze3A_817 : f32 to vector<16xf32>
        %mul3A_850 = arith.mulf %get3A_848, %mul3A_849 : vector<16xf32>
        %swap3A_851 = arith.index_cast %add3A_821 : i32 to index
        %swap3A_852 = arith.constant 48 : index
        %swap3A_853 = tpu.vector_load %arg19[%swap3A_851, %swap3A_852] {strides = array<i32>} : memref<80x128xf32, #tpu.memory_space<vmem>>, vector<16xf32>,
        tpu.vector_store %arg19[%swap3A_851, %swap3A_852], %mul3A_850 {strides = array<i32>} : memref<80x128xf32, #tpu.memory_space<vmem>>, vector<16xf32>,
        %get3A_854 = arith.index_cast %add3A_821 : i32 to index
        %get3A_855 = arith.constant 64 : index
        %get3A_856 = tpu.vector_load %arg19[%get3A_854, %get3A_855] {strides = array<i32>} : memref<80x128xf32, #tpu.memory_space<vmem>>, vector<16xf32>,
        %mul3A_857 = vector.broadcast %squeeze3A_817 : f32 to vector<16xf32>
        %mul3A_858 = arith.mulf %get3A_856, %mul3A_857 : vector<16xf32>
        %swap3A_859 = arith.index_cast %add3A_821 : i32 to index
        %swap3A_860 = arith.constant 64 : index
        %swap3A_861 = tpu.vector_load %arg19[%swap3A_859, %swap3A_860] {strides = array<i32>} : memref<80x128xf32, #tpu.memory_space<vmem>>, vector<16xf32>,
        tpu.vector_store %arg19[%swap3A_859, %swap3A_860], %mul3A_858 {strides = array<i32>} : memref<80x128xf32, #tpu.memory_space<vmem>>, vector<16xf32>,
        %get3A_862 = arith.index_cast %add3A_821 : i32 to index
        %get3A_863 = arith.constant 80 : index
        %get3A_864 = tpu.vector_load %arg19[%get3A_862, %get3A_863] {strides = array<i32>} : memref<80x128xf32, #tpu.memory_space<vmem>>, vector<16xf32>,
        %mul3A_865 = vector.broadcast %squeeze3A_817 : f32 to vector<16xf32>
        %mul3A_866 = arith.mulf %get3A_864, %mul3A_865 : vector<16xf32>
        %swap3A_867 = arith.index_cast %add3A_821 : i32 to index
        %swap3A_868 = arith.constant 80 : index
        %swap3A_869 = tpu.vector_load %arg19[%swap3A_867, %swap3A_868] {strides = array<i32>} : memref<80x128xf32, #tpu.memory_space<vmem>>, vector<16xf32>,
        tpu.vector_store %arg19[%swap3A_867, %swap3A_868], %mul3A_866 {strides = array<i32>} : memref<80x128xf32, #tpu.memory_space<vmem>>, vector<16xf32>,
        %get3A_870 = arith.index_cast %add3A_821 : i32 to index
        %get3A_871 = arith.constant 96 : index
        %get3A_872 = tpu.vector_load %arg19[%get3A_870, %get3A_871] {strides = array<i32>} : memref<80x128xf32, #tpu.memory_space<vmem>>, vector<16xf32>,
        %mul3A_873 = vector.broadcast %squeeze3A_817 : f32 to vector<16xf32>
        %mul3A_874 = arith.mulf %get3A_872, %mul3A_873 : vector<16xf32>
        %swap3A_875 = arith.index_cast %add3A_821 : i32 to index
        %swap3A_876 = arith.constant 96 : index
        %swap3A_877 = tpu.vector_load %arg19[%swap3A_875, %swap3A_876] {strides = array<i32>} : memref<80x128xf32, #tpu.memory_space<vmem>>, vector<16xf32>,
        tpu.vector_store %arg19[%swap3A_875, %swap3A_876], %mul3A_874 {strides = array<i32>} : memref<80x128xf32, #tpu.memory_space<vmem>>, vector<16xf32>,
        %get3A_878 = arith.index_cast %add3A_821 : i32 to index
        %get3A_879 = arith.constant 112 : index
        %get3A_880 = tpu.vector_load %arg19[%get3A_878, %get3A_879] {strides = array<i32>} : memref<80x128xf32, #tpu.memory_space<vmem>>, vector<16xf32>,
        %mul3A_881 = vector.broadcast %squeeze3A_817 : f32 to vector<16xf32>
        %mul3A_882 = arith.mulf %get3A_880, %mul3A_881 : vector<16xf32>
        %swap3A_883 = arith.index_cast %add3A_821 : i32 to index
        %swap3A_884 = arith.constant 112 : index
        %swap3A_885 = tpu.vector_load %arg19[%swap3A_883, %swap3A_884] {strides = array<i32>} : memref<80x128xf32, #tpu.memory_space<vmem>>, vector<16xf32>,
        tpu.vector_store %arg19[%swap3A_883, %swap3A_884], %mul3A_882 {strides = array<i32>} : memref<80x128xf32, #tpu.memory_space<vmem>>, vector<16xf32>,
        %slice3A_886 = vector.extract_strided_slice %get3A_188 {offsets = [10], sizes = [1], strides = [1]} : vector<16xf32> to vector<1xf32>
        %squeeze3A_887 = vector.extract %slice3A_886[0] : f32 from vector<1xf32>
        %mul3A_888 = arith.constant 16 : i32
        %mul3A_889 = arith.muli %scan3A_185, %mul3A_888 : i32
        %add3A_890 = arith.constant 10 : i32
        %add3A_891 = arith.addi %mul3A_889, %add3A_890 : i32
        %get3A_892 = arith.index_cast %add3A_891 : i32 to index
        %get3A_893 = arith.constant 0 : index
        %get3A_894 = tpu.vector_load %arg19[%get3A_892, %get3A_893] {strides = array<i32>} : memref<80x128xf32, #tpu.memory_space<vmem>>, vector<16xf32>,
        %mul3A_895 = vector.broadcast %squeeze3A_887 : f32 to vector<16xf32>
        %mul3A_896 = arith.mulf %get3A_894, %mul3A_895 : vector<16xf32>
        %swap3A_897 = arith.index_cast %add3A_891 : i32 to index
        %swap3A_898 = arith.constant 0 : index
        %swap3A_899 = tpu.vector_load %arg19[%swap3A_897, %swap3A_898] {strides = array<i32>} : memref<80x128xf32, #tpu.memory_space<vmem>>, vector<16xf32>,
        tpu.vector_store %arg19[%swap3A_897, %swap3A_898], %mul3A_896 {strides = array<i32>} : memref<80x128xf32, #tpu.memory_space<vmem>>, vector<16xf32>,
        %get3A_900 = arith.index_cast %add3A_891 : i32 to index
        %get3A_901 = arith.constant 16 : index
        %get3A_902 = tpu.vector_load %arg19[%get3A_900, %get3A_901] {strides = array<i32>} : memref<80x128xf32, #tpu.memory_space<vmem>>, vector<16xf32>,
        %mul3A_903 = vector.broadcast %squeeze3A_887 : f32 to vector<16xf32>
        %mul3A_904 = arith.mulf %get3A_902, %mul3A_903 : vector<16xf32>
        %swap3A_905 = arith.index_cast %add3A_891 : i32 to index
        %swap3A_906 = arith.constant 16 : index
        %swap3A_907 = tpu.vector_load %arg19[%swap3A_905, %swap3A_906] {strides = array<i32>} : memref<80x128xf32, #tpu.memory_space<vmem>>, vector<16xf32>,
        tpu.vector_store %arg19[%swap3A_905, %swap3A_906], %mul3A_904 {strides = array<i32>} : memref<80x128xf32, #tpu.memory_space<vmem>>, vector<16xf32>,
        %get3A_908 = arith.index_cast %add3A_891 : i32 to index
        %get3A_909 = arith.constant 32 : index
        %get3A_910 = tpu.vector_load %arg19[%get3A_908, %get3A_909] {strides = array<i32>} : memref<80x128xf32, #tpu.memory_space<vmem>>, vector<16xf32>,
        %mul3A_911 = vector.broadcast %squeeze3A_887 : f32 to vector<16xf32>
        %mul3A_912 = arith.mulf %get3A_910, %mul3A_911 : vector<16xf32>
        %swap3A_913 = arith.index_cast %add3A_891 : i32 to index
        %swap3A_914 = arith.constant 32 : index
        %swap3A_915 = tpu.vector_load %arg19[%swap3A_913, %swap3A_914] {strides = array<i32>} : memref<80x128xf32, #tpu.memory_space<vmem>>, vector<16xf32>,
        tpu.vector_store %arg19[%swap3A_913, %swap3A_914], %mul3A_912 {strides = array<i32>} : memref<80x128xf32, #tpu.memory_space<vmem>>, vector<16xf32>,
        %get3A_916 = arith.index_cast %add3A_891 : i32 to index
        %get3A_917 = arith.constant 48 : index
        %get3A_918 = tpu.vector_load %arg19[%get3A_916, %get3A_917] {strides = array<i32>} : memref<80x128xf32, #tpu.memory_space<vmem>>, vector<16xf32>,
        %mul3A_919 = vector.broadcast %squeeze3A_887 : f32 to vector<16xf32>
        %mul3A_920 = arith.mulf %get3A_918, %mul3A_919 : vector<16xf32>
        %swap3A_921 = arith.index_cast %add3A_891 : i32 to index
        %swap3A_922 = arith.constant 48 : index
        %swap3A_923 = tpu.vector_load %arg19[%swap3A_921, %swap3A_922] {strides = array<i32>} : memref<80x128xf32, #tpu.memory_space<vmem>>, vector<16xf32>,
        tpu.vector_store %arg19[%swap3A_921, %swap3A_922], %mul3A_920 {strides = array<i32>} : memref<80x128xf32, #tpu.memory_space<vmem>>, vector<16xf32>,
        %get3A_924 = arith.index_cast %add3A_891 : i32 to index
        %get3A_925 = arith.constant 64 : index
        %get3A_926 = tpu.vector_load %arg19[%get3A_924, %get3A_925] {strides = array<i32>} : memref<80x128xf32, #tpu.memory_space<vmem>>, vector<16xf32>,
        %mul3A_927 = vector.broadcast %squeeze3A_887 : f32 to vector<16xf32>
        %mul3A_928 = arith.mulf %get3A_926, %mul3A_927 : vector<16xf32>
        %swap3A_929 = arith.index_cast %add3A_891 : i32 to index
        %swap3A_930 = arith.constant 64 : index
        %swap3A_931 = tpu.vector_load %arg19[%swap3A_929, %swap3A_930] {strides = array<i32>} : memref<80x128xf32, #tpu.memory_space<vmem>>, vector<16xf32>,
        tpu.vector_store %arg19[%swap3A_929, %swap3A_930], %mul3A_928 {strides = array<i32>} : memref<80x128xf32, #tpu.memory_space<vmem>>, vector<16xf32>,
        %get3A_932 = arith.index_cast %add3A_891 : i32 to index
        %get3A_933 = arith.constant 80 : index
        %get3A_934 = tpu.vector_load %arg19[%get3A_932, %get3A_933] {strides = array<i32>} : memref<80x128xf32, #tpu.memory_space<vmem>>, vector<16xf32>,
        %mul3A_935 = vector.broadcast %squeeze3A_887 : f32 to vector<16xf32>
        %mul3A_936 = arith.mulf %get3A_934, %mul3A_935 : vector<16xf32>
        %swap3A_937 = arith.index_cast %add3A_891 : i32 to index
        %swap3A_938 = arith.constant 80 : index
        %swap3A_939 = tpu.vector_load %arg19[%swap3A_937, %swap3A_938] {strides = array<i32>} : memref<80x128xf32, #tpu.memory_space<vmem>>, vector<16xf32>,
        tpu.vector_store %arg19[%swap3A_937, %swap3A_938], %mul3A_936 {strides = array<i32>} : memref<80x128xf32, #tpu.memory_space<vmem>>, vector<16xf32>,
        %get3A_940 = arith.index_cast %add3A_891 : i32 to index
        %get3A_941 = arith.constant 96 : index
        %get3A_942 = tpu.vector_load %arg19[%get3A_940, %get3A_941] {strides = array<i32>} : memref<80x128xf32, #tpu.memory_space<vmem>>, vector<16xf32>,
        %mul3A_943 = vector.broadcast %squeeze3A_887 : f32 to vector<16xf32>
        %mul3A_944 = arith.mulf %get3A_942, %mul3A_943 : vector<16xf32>
        %swap3A_945 = arith.index_cast %add3A_891 : i32 to index
        %swap3A_946 = arith.constant 96 : index
        %swap3A_947 = tpu.vector_load %arg19[%swap3A_945, %swap3A_946] {strides = array<i32>} : memref<80x128xf32, #tpu.memory_space<vmem>>, vector<16xf32>,
        tpu.vector_store %arg19[%swap3A_945, %swap3A_946], %mul3A_944 {strides = array<i32>} : memref<80x128xf32, #tpu.memory_space<vmem>>, vector<16xf32>,
        %get3A_948 = arith.index_cast %add3A_891 : i32 to index
        %get3A_949 = arith.constant 112 : index
        %get3A_950 = tpu.vector_load %arg19[%get3A_948, %get3A_949] {strides = array<i32>} : memref<80x128xf32, #tpu.memory_space<vmem>>, vector<16xf32>,
        %mul3A_951 = vector.broadcast %squeeze3A_887 : f32 to vector<16xf32>
        %mul3A_952 = arith.mulf %get3A_950, %mul3A_951 : vector<16xf32>
        %swap3A_953 = arith.index_cast %add3A_891 : i32 to index
        %swap3A_954 = arith.constant 112 : index
        %swap3A_955 = tpu.vector_load %arg19[%swap3A_953, %swap3A_954] {strides = array<i32>} : memref<80x128xf32, #tpu.memory_space<vmem>>, vector<16xf32>,
        tpu.vector_store %arg19[%swap3A_953, %swap3A_954], %mul3A_952 {strides = array<i32>} : memref<80x128xf32, #tpu.memory_space<vmem>>, vector<16xf32>,
        %slice3A_956 = vector.extract_strided_slice %get3A_188 {offsets = [11], sizes = [1], strides = [1]} : vector<16xf32> to vector<1xf32>
        %squeeze3A_957 = vector.extract %slice3A_956[0] : f32 from vector<1xf32>
        %mul3A_958 = arith.constant 16 : i32
        %mul3A_959 = arith.muli %scan3A_185, %mul3A_958 : i32
        %add3A_960 = arith.constant 11 : i32
        %add3A_961 = arith.addi %mul3A_959, %add3A_960 : i32
        %get3A_962 = arith.index_cast %add3A_961 : i32 to index
        %get3A_963 = arith.constant 0 : index
        %get3A_964 = tpu.vector_load %arg19[%get3A_962, %get3A_963] {strides = array<i32>} : memref<80x128xf32, #tpu.memory_space<vmem>>, vector<16xf32>,
        %mul3A_965 = vector.broadcast %squeeze3A_957 : f32 to vector<16xf32>
        %mul3A_966 = arith.mulf %get3A_964, %mul3A_965 : vector<16xf32>
        %swap3A_967 = arith.index_cast %add3A_961 : i32 to index
        %swap3A_968 = arith.constant 0 : index
        %swap3A_969 = tpu.vector_load %arg19[%swap3A_967, %swap3A_968] {strides = array<i32>} : memref<80x128xf32, #tpu.memory_space<vmem>>, vector<16xf32>,
        tpu.vector_store %arg19[%swap3A_967, %swap3A_968], %mul3A_966 {strides = array<i32>} : memref<80x128xf32, #tpu.memory_space<vmem>>, vector<16xf32>,
        %get3A_970 = arith.index_cast %add3A_961 : i32 to index
        %get3A_971 = arith.constant 16 : index
        %get3A_972 = tpu.vector_load %arg19[%get3A_970, %get3A_971] {strides = array<i32>} : memref<80x128xf32, #tpu.memory_space<vmem>>, vector<16xf32>,
        %mul3A_973 = vector.broadcast %squeeze3A_957 : f32 to vector<16xf32>
        %mul3A_974 = arith.mulf %get3A_972, %mul3A_973 : vector<16xf32>
        %swap3A_975 = arith.index_cast %add3A_961 : i32 to index
        %swap3A_976 = arith.constant 16 : index
        %swap3A_977 = tpu.vector_load %arg19[%swap3A_975, %swap3A_976] {strides = array<i32>} : memref<80x128xf32, #tpu.memory_space<vmem>>, vector<16xf32>,
        tpu.vector_store %arg19[%swap3A_975, %swap3A_976], %mul3A_974 {strides = array<i32>} : memref<80x128xf32, #tpu.memory_space<vmem>>, vector<16xf32>,
        %get3A_978 = arith.index_cast %add3A_961 : i32 to index
        %get3A_979 = arith.constant 32 : index
        %get3A_980 = tpu.vector_load %arg19[%get3A_978, %get3A_979] {strides = array<i32>} : memref<80x128xf32, #tpu.memory_space<vmem>>, vector<16xf32>,
        %mul3A_981 = vector.broadcast %squeeze3A_957 : f32 to vector<16xf32>
        %mul3A_982 = arith.mulf %get3A_980, %mul3A_981 : vector<16xf32>
        %swap3A_983 = arith.index_cast %add3A_961 : i32 to index
        %swap3A_984 = arith.constant 32 : index
        %swap3A_985 = tpu.vector_load %arg19[%swap3A_983, %swap3A_984] {strides = array<i32>} : memref<80x128xf32, #tpu.memory_space<vmem>>, vector<16xf32>,
        tpu.vector_store %arg19[%swap3A_983, %swap3A_984], %mul3A_982 {strides = array<i32>} : memref<80x128xf32, #tpu.memory_space<vmem>>, vector<16xf32>,
        %get3A_986 = arith.index_cast %add3A_961 : i32 to index
        %get3A_987 = arith.constant 48 : index
        %get3A_988 = tpu.vector_load %arg19[%get3A_986, %get3A_987] {strides = array<i32>} : memref<80x128xf32, #tpu.memory_space<vmem>>, vector<16xf32>,
        %mul3A_989 = vector.broadcast %squeeze3A_957 : f32 to vector<16xf32>
        %mul3A_990 = arith.mulf %get3A_988, %mul3A_989 : vector<16xf32>
        %swap3A_991 = arith.index_cast %add3A_961 : i32 to index
        %swap3A_992 = arith.constant 48 : index
        %swap3A_993 = tpu.vector_load %arg19[%swap3A_991, %swap3A_992] {strides = array<i32>} : memref<80x128xf32, #tpu.memory_space<vmem>>, vector<16xf32>,
        tpu.vector_store %arg19[%swap3A_991, %swap3A_992], %mul3A_990 {strides = array<i32>} : memref<80x128xf32, #tpu.memory_space<vmem>>, vector<16xf32>,
        %get3A_994 = arith.index_cast %add3A_961 : i32 to index
        %get3A_995 = arith.constant 64 : index
        %get3A_996 = tpu.vector_load %arg19[%get3A_994, %get3A_995] {strides = array<i32>} : memref<80x128xf32, #tpu.memory_space<vmem>>, vector<16xf32>,
        %mul3A_997 = vector.broadcast %squeeze3A_957 : f32 to vector<16xf32>
        %mul3A_998 = arith.mulf %get3A_996, %mul3A_997 : vector<16xf32>
        %swap3A_999 = arith.index_cast %add3A_961 : i32 to index
        %swap3A_1000 = arith.constant 64 : index
        %swap3A_1001 = tpu.vector_load %arg19[%swap3A_999, %swap3A_1000] {strides = array<i32>} : memref<80x128xf32, #tpu.memory_space<vmem>>, vector<16xf32>,
        tpu.vector_store %arg19[%swap3A_999, %swap3A_1000], %mul3A_998 {strides = array<i32>} : memref<80x128xf32, #tpu.memory_space<vmem>>, vector<16xf32>,
        %get3A_1002 = arith.index_cast %add3A_961 : i32 to index
        %get3A_1003 = arith.constant 80 : index
        %get3A_1004 = tpu.vector_load %arg19[%get3A_1002, %get3A_1003] {strides = array<i32>} : memref<80x128xf32, #tpu.memory_space<vmem>>, vector<16xf32>,
        %mul3A_1005 = vector.broadcast %squeeze3A_957 : f32 to vector<16xf32>
        %mul3A_1006 = arith.mulf %get3A_1004, %mul3A_1005 : vector<16xf32>
        %swap3A_1007 = arith.index_cast %add3A_961 : i32 to index
        %swap3A_1008 = arith.constant 80 : index
        %swap3A_1009 = tpu.vector_load %arg19[%swap3A_1007, %swap3A_1008] {strides = array<i32>} : memref<80x128xf32, #tpu.memory_space<vmem>>, vector<16xf32>,
        tpu.vector_store %arg19[%swap3A_1007, %swap3A_1008], %mul3A_1006 {strides = array<i32>} : memref<80x128xf32, #tpu.memory_space<vmem>>, vector<16xf32>,
        %get3A_1010 = arith.index_cast %add3A_961 : i32 to index
        %get3A_1011 = arith.constant 96 : index
        %get3A_1012 = tpu.vector_load %arg19[%get3A_1010, %get3A_1011] {strides = array<i32>} : memref<80x128xf32, #tpu.memory_space<vmem>>, vector<16xf32>,
        %mul3A_1013 = vector.broadcast %squeeze3A_957 : f32 to vector<16xf32>
        %mul3A_1014 = arith.mulf %get3A_1012, %mul3A_1013 : vector<16xf32>
        %swap3A_1015 = arith.index_cast %add3A_961 : i32 to index
        %swap3A_1016 = arith.constant 96 : index
        %swap3A_1017 = tpu.vector_load %arg19[%swap3A_1015, %swap3A_1016] {strides = array<i32>} : memref<80x128xf32, #tpu.memory_space<vmem>>, vector<16xf32>,
        tpu.vector_store %arg19[%swap3A_1015, %swap3A_1016], %mul3A_1014 {strides = array<i32>} : memref<80x128xf32, #tpu.memory_space<vmem>>, vector<16xf32>,
        %get3A_1018 = arith.index_cast %add3A_961 : i32 to index
        %get3A_1019 = arith.constant 112 : index
        %get3A_1020 = tpu.vector_load %arg19[%get3A_1018, %get3A_1019] {strides = array<i32>} : memref<80x128xf32, #tpu.memory_space<vmem>>, vector<16xf32>,
        %mul3A_1021 = vector.broadcast %squeeze3A_957 : f32 to vector<16xf32>
        %mul3A_1022 = arith.mulf %get3A_1020, %mul3A_1021 : vector<16xf32>
        %swap3A_1023 = arith.index_cast %add3A_961 : i32 to index
        %swap3A_1024 = arith.constant 112 : index
        %swap3A_1025 = tpu.vector_load %arg19[%swap3A_1023, %swap3A_1024] {strides = array<i32>} : memref<80x128xf32, #tpu.memory_space<vmem>>, vector<16xf32>,
        tpu.vector_store %arg19[%swap3A_1023, %swap3A_1024], %mul3A_1022 {strides = array<i32>} : memref<80x128xf32, #tpu.memory_space<vmem>>, vector<16xf32>,
        %slice3A_1026 = vector.extract_strided_slice %get3A_188 {offsets = [12], sizes = [1], strides = [1]} : vector<16xf32> to vector<1xf32>
        %squeeze3A_1027 = vector.extract %slice3A_1026[0] : f32 from vector<1xf32>
        %mul3A_1028 = arith.constant 16 : i32
        %mul3A_1029 = arith.muli %scan3A_185, %mul3A_1028 : i32
        %add3A_1030 = arith.constant 12 : i32
        %add3A_1031 = arith.addi %mul3A_1029, %add3A_1030 : i32
        %get3A_1032 = arith.index_cast %add3A_1031 : i32 to index
        %get3A_1033 = arith.constant 0 : index
        %get3A_1034 = tpu.vector_load %arg19[%get3A_1032, %get3A_1033] {strides = array<i32>} : memref<80x128xf32, #tpu.memory_space<vmem>>, vector<16xf32>,
        %mul3A_1035 = vector.broadcast %squeeze3A_1027 : f32 to vector<16xf32>
        %mul3A_1036 = arith.mulf %get3A_1034, %mul3A_1035 : vector<16xf32>
        %swap3A_1037 = arith.index_cast %add3A_1031 : i32 to index
        %swap3A_1038 = arith.constant 0 : index
        %swap3A_1039 = tpu.vector_load %arg19[%swap3A_1037, %swap3A_1038] {strides = array<i32>} : memref<80x128xf32, #tpu.memory_space<vmem>>, vector<16xf32>,
        tpu.vector_store %arg19[%swap3A_1037, %swap3A_1038], %mul3A_1036 {strides = array<i32>} : memref<80x128xf32, #tpu.memory_space<vmem>>, vector<16xf32>,
        %get3A_1040 = arith.index_cast %add3A_1031 : i32 to index
        %get3A_1041 = arith.constant 16 : index
        %get3A_1042 = tpu.vector_load %arg19[%get3A_1040, %get3A_1041] {strides = array<i32>} : memref<80x128xf32, #tpu.memory_space<vmem>>, vector<16xf32>,
        %mul3A_1043 = vector.broadcast %squeeze3A_1027 : f32 to vector<16xf32>
        %mul3A_1044 = arith.mulf %get3A_1042, %mul3A_1043 : vector<16xf32>
        %swap3A_1045 = arith.index_cast %add3A_1031 : i32 to index
        %swap3A_1046 = arith.constant 16 : index
        %swap3A_1047 = tpu.vector_load %arg19[%swap3A_1045, %swap3A_1046] {strides = array<i32>} : memref<80x128xf32, #tpu.memory_space<vmem>>, vector<16xf32>,
        tpu.vector_store %arg19[%swap3A_1045, %swap3A_1046], %mul3A_1044 {strides = array<i32>} : memref<80x128xf32, #tpu.memory_space<vmem>>, vector<16xf32>,
        %get3A_1048 = arith.index_cast %add3A_1031 : i32 to index
        %get3A_1049 = arith.constant 32 : index
        %get3A_1050 = tpu.vector_load %arg19[%get3A_1048, %get3A_1049] {strides = array<i32>} : memref<80x128xf32, #tpu.memory_space<vmem>>, vector<16xf32>,
        %mul3A_1051 = vector.broadcast %squeeze3A_1027 : f32 to vector<16xf32>
        %mul3A_1052 = arith.mulf %get3A_1050, %mul3A_1051 : vector<16xf32>
        %swap3A_1053 = arith.index_cast %add3A_1031 : i32 to index
        %swap3A_1054 = arith.constant 32 : index
        %swap3A_1055 = tpu.vector_load %arg19[%swap3A_1053, %swap3A_1054] {strides = array<i32>} : memref<80x128xf32, #tpu.memory_space<vmem>>, vector<16xf32>,
        tpu.vector_store %arg19[%swap3A_1053, %swap3A_1054], %mul3A_1052 {strides = array<i32>} : memref<80x128xf32, #tpu.memory_space<vmem>>, vector<16xf32>,
        %get3A_1056 = arith.index_cast %add3A_1031 : i32 to index
        %get3A_1057 = arith.constant 48 : index
        %get3A_1058 = tpu.vector_load %arg19[%get3A_1056, %get3A_1057] {strides = array<i32>} : memref<80x128xf32, #tpu.memory_space<vmem>>, vector<16xf32>,
        %mul3A_1059 = vector.broadcast %squeeze3A_1027 : f32 to vector<16xf32>
        %mul3A_1060 = arith.mulf %get3A_1058, %mul3A_1059 : vector<16xf32>
        %swap3A_1061 = arith.index_cast %add3A_1031 : i32 to index
        %swap3A_1062 = arith.constant 48 : index
        %swap3A_1063 = tpu.vector_load %arg19[%swap3A_1061, %swap3A_1062] {strides = array<i32>} : memref<80x128xf32, #tpu.memory_space<vmem>>, vector<16xf32>,
        tpu.vector_store %arg19[%swap3A_1061, %swap3A_1062], %mul3A_1060 {strides = array<i32>} : memref<80x128xf32, #tpu.memory_space<vmem>>, vector<16xf32>,
        %get3A_1064 = arith.index_cast %add3A_1031 : i32 to index
        %get3A_1065 = arith.constant 64 : index
        %get3A_1066 = tpu.vector_load %arg19[%get3A_1064, %get3A_1065] {strides = array<i32>} : memref<80x128xf32, #tpu.memory_space<vmem>>, vector<16xf32>,
        %mul3A_1067 = vector.broadcast %squeeze3A_1027 : f32 to vector<16xf32>
        %mul3A_1068 = arith.mulf %get3A_1066, %mul3A_1067 : vector<16xf32>
        %swap3A_1069 = arith.index_cast %add3A_1031 : i32 to index
        %swap3A_1070 = arith.constant 64 : index
        %swap3A_1071 = tpu.vector_load %arg19[%swap3A_1069, %swap3A_1070] {strides = array<i32>} : memref<80x128xf32, #tpu.memory_space<vmem>>, vector<16xf32>,
        tpu.vector_store %arg19[%swap3A_1069, %swap3A_1070], %mul3A_1068 {strides = array<i32>} : memref<80x128xf32, #tpu.memory_space<vmem>>, vector<16xf32>,
        %get3A_1072 = arith.index_cast %add3A_1031 : i32 to index
        %get3A_1073 = arith.constant 80 : index
        %get3A_1074 = tpu.vector_load %arg19[%get3A_1072, %get3A_1073] {strides = array<i32>} : memref<80x128xf32, #tpu.memory_space<vmem>>, vector<16xf32>,
        %mul3A_1075 = vector.broadcast %squeeze3A_1027 : f32 to vector<16xf32>
        %mul3A_1076 = arith.mulf %get3A_1074, %mul3A_1075 : vector<16xf32>
        %swap3A_1077 = arith.index_cast %add3A_1031 : i32 to index
        %swap3A_1078 = arith.constant 80 : index
        %swap3A_1079 = tpu.vector_load %arg19[%swap3A_1077, %swap3A_1078] {strides = array<i32>} : memref<80x128xf32, #tpu.memory_space<vmem>>, vector<16xf32>,
        tpu.vector_store %arg19[%swap3A_1077, %swap3A_1078], %mul3A_1076 {strides = array<i32>} : memref<80x128xf32, #tpu.memory_space<vmem>>, vector<16xf32>,
        %get3A_1080 = arith.index_cast %add3A_1031 : i32 to index
        %get3A_1081 = arith.constant 96 : index
        %get3A_1082 = tpu.vector_load %arg19[%get3A_1080, %get3A_1081] {strides = array<i32>} : memref<80x128xf32, #tpu.memory_space<vmem>>, vector<16xf32>,
        %mul3A_1083 = vector.broadcast %squeeze3A_1027 : f32 to vector<16xf32>
        %mul3A_1084 = arith.mulf %get3A_1082, %mul3A_1083 : vector<16xf32>
        %swap3A_1085 = arith.index_cast %add3A_1031 : i32 to index
        %swap3A_1086 = arith.constant 96 : index
        %swap3A_1087 = tpu.vector_load %arg19[%swap3A_1085, %swap3A_1086] {strides = array<i32>} : memref<80x128xf32, #tpu.memory_space<vmem>>, vector<16xf32>,
        tpu.vector_store %arg19[%swap3A_1085, %swap3A_1086], %mul3A_1084 {strides = array<i32>} : memref<80x128xf32, #tpu.memory_space<vmem>>, vector<16xf32>,
        %get3A_1088 = arith.index_cast %add3A_1031 : i32 to index
        %get3A_1089 = arith.constant 112 : index
        %get3A_1090 = tpu.vector_load %arg19[%get3A_1088, %get3A_1089] {strides = array<i32>} : memref<80x128xf32, #tpu.memory_space<vmem>>, vector<16xf32>,
        %mul3A_1091 = vector.broadcast %squeeze3A_1027 : f32 to vector<16xf32>
        %mul3A_1092 = arith.mulf %get3A_1090, %mul3A_1091 : vector<16xf32>
        %swap3A_1093 = arith.index_cast %add3A_1031 : i32 to index
        %swap3A_1094 = arith.constant 112 : index
        %swap3A_1095 = tpu.vector_load %arg19[%swap3A_1093, %swap3A_1094] {strides = array<i32>} : memref<80x128xf32, #tpu.memory_space<vmem>>, vector<16xf32>,
        tpu.vector_store %arg19[%swap3A_1093, %swap3A_1094], %mul3A_1092 {strides = array<i32>} : memref<80x128xf32, #tpu.memory_space<vmem>>, vector<16xf32>,
        %slice3A_1096 = vector.extract_strided_slice %get3A_188 {offsets = [13], sizes = [1], strides = [1]} : vector<16xf32> to vector<1xf32>
        %squeeze3A_1097 = vector.extract %slice3A_1096[0] : f32 from vector<1xf32>
        %mul3A_1098 = arith.constant 16 : i32
        %mul3A_1099 = arith.muli %scan3A_185, %mul3A_1098 : i32
        %add3A_1100 = arith.constant 13 : i32
        %add3A_1101 = arith.addi %mul3A_1099, %add3A_1100 : i32
        %get3A_1102 = arith.index_cast %add3A_1101 : i32 to index
        %get3A_1103 = arith.constant 0 : index
        %get3A_1104 = tpu.vector_load %arg19[%get3A_1102, %get3A_1103] {strides = array<i32>} : memref<80x128xf32, #tpu.memory_space<vmem>>, vector<16xf32>,
        %mul3A_1105 = vector.broadcast %squeeze3A_1097 : f32 to vector<16xf32>
        %mul3A_1106 = arith.mulf %get3A_1104, %mul3A_1105 : vector<16xf32>
        %swap3A_1107 = arith.index_cast %add3A_1101 : i32 to index
        %swap3A_1108 = arith.constant 0 : index
        %swap3A_1109 = tpu.vector_load %arg19[%swap3A_1107, %swap3A_1108] {strides = array<i32>} : memref<80x128xf32, #tpu.memory_space<vmem>>, vector<16xf32>,
        tpu.vector_store %arg19[%swap3A_1107, %swap3A_1108], %mul3A_1106 {strides = array<i32>} : memref<80x128xf32, #tpu.memory_space<vmem>>, vector<16xf32>,
        %get3A_1110 = arith.index_cast %add3A_1101 : i32 to index
        %get3A_1111 = arith.constant 16 : index
        %get3A_1112 = tpu.vector_load %arg19[%get3A_1110, %get3A_1111] {strides = array<i32>} : memref<80x128xf32, #tpu.memory_space<vmem>>, vector<16xf32>,
        %mul3A_1113 = vector.broadcast %squeeze3A_1097 : f32 to vector<16xf32>
        %mul3A_1114 = arith.mulf %get3A_1112, %mul3A_1113 : vector<16xf32>
        %swap3A_1115 = arith.index_cast %add3A_1101 : i32 to index
        %swap3A_1116 = arith.constant 16 : index
        %swap3A_1117 = tpu.vector_load %arg19[%swap3A_1115, %swap3A_1116] {strides = array<i32>} : memref<80x128xf32, #tpu.memory_space<vmem>>, vector<16xf32>,
        tpu.vector_store %arg19[%swap3A_1115, %swap3A_1116], %mul3A_1114 {strides = array<i32>} : memref<80x128xf32, #tpu.memory_space<vmem>>, vector<16xf32>,
        %get3A_1118 = arith.index_cast %add3A_1101 : i32 to index
        %get3A_1119 = arith.constant 32 : index
        %get3A_1120 = tpu.vector_load %arg19[%get3A_1118, %get3A_1119] {strides = array<i32>} : memref<80x128xf32, #tpu.memory_space<vmem>>, vector<16xf32>,
        %mul3A_1121 = vector.broadcast %squeeze3A_1097 : f32 to vector<16xf32>
        %mul3A_1122 = arith.mulf %get3A_1120, %mul3A_1121 : vector<16xf32>
        %swap3A_1123 = arith.index_cast %add3A_1101 : i32 to index
        %swap3A_1124 = arith.constant 32 : index
        %swap3A_1125 = tpu.vector_load %arg19[%swap3A_1123, %swap3A_1124] {strides = array<i32>} : memref<80x128xf32, #tpu.memory_space<vmem>>, vector<16xf32>,
        tpu.vector_store %arg19[%swap3A_1123, %swap3A_1124], %mul3A_1122 {strides = array<i32>} : memref<80x128xf32, #tpu.memory_space<vmem>>, vector<16xf32>,
        %get3A_1126 = arith.index_cast %add3A_1101 : i32 to index
        %get3A_1127 = arith.constant 48 : index
        %get3A_1128 = tpu.vector_load %arg19[%get3A_1126, %get3A_1127] {strides = array<i32>} : memref<80x128xf32, #tpu.memory_space<vmem>>, vector<16xf32>,
        %mul3A_1129 = vector.broadcast %squeeze3A_1097 : f32 to vector<16xf32>
        %mul3A_1130 = arith.mulf %get3A_1128, %mul3A_1129 : vector<16xf32>
        %swap3A_1131 = arith.index_cast %add3A_1101 : i32 to index
        %swap3A_1132 = arith.constant 48 : index
        %swap3A_1133 = tpu.vector_load %arg19[%swap3A_1131, %swap3A_1132] {strides = array<i32>} : memref<80x128xf32, #tpu.memory_space<vmem>>, vector<16xf32>,
        tpu.vector_store %arg19[%swap3A_1131, %swap3A_1132], %mul3A_1130 {strides = array<i32>} : memref<80x128xf32, #tpu.memory_space<vmem>>, vector<16xf32>,
        %get3A_1134 = arith.index_cast %add3A_1101 : i32 to index
        %get3A_1135 = arith.constant 64 : index
        %get3A_1136 = tpu.vector_load %arg19[%get3A_1134, %get3A_1135] {strides = array<i32>} : memref<80x128xf32, #tpu.memory_space<vmem>>, vector<16xf32>,
        %mul3A_1137 = vector.broadcast %squeeze3A_1097 : f32 to vector<16xf32>
        %mul3A_1138 = arith.mulf %get3A_1136, %mul3A_1137 : vector<16xf32>
        %swap3A_1139 = arith.index_cast %add3A_1101 : i32 to index
        %swap3A_1140 = arith.constant 64 : index
        %swap3A_1141 = tpu.vector_load %arg19[%swap3A_1139, %swap3A_1140] {strides = array<i32>} : memref<80x128xf32, #tpu.memory_space<vmem>>, vector<16xf32>,
        tpu.vector_store %arg19[%swap3A_1139, %swap3A_1140], %mul3A_1138 {strides = array<i32>} : memref<80x128xf32, #tpu.memory_space<vmem>>, vector<16xf32>,
        %get3A_1142 = arith.index_cast %add3A_1101 : i32 to index
        %get3A_1143 = arith.constant 80 : index
        %get3A_1144 = tpu.vector_load %arg19[%get3A_1142, %get3A_1143] {strides = array<i32>} : memref<80x128xf32, #tpu.memory_space<vmem>>, vector<16xf32>,
        %mul3A_1145 = vector.broadcast %squeeze3A_1097 : f32 to vector<16xf32>
        %mul3A_1146 = arith.mulf %get3A_1144, %mul3A_1145 : vector<16xf32>
        %swap3A_1147 = arith.index_cast %add3A_1101 : i32 to index
        %swap3A_1148 = arith.constant 80 : index
        %swap3A_1149 = tpu.vector_load %arg19[%swap3A_1147, %swap3A_1148] {strides = array<i32>} : memref<80x128xf32, #tpu.memory_space<vmem>>, vector<16xf32>,
        tpu.vector_store %arg19[%swap3A_1147, %swap3A_1148], %mul3A_1146 {strides = array<i32>} : memref<80x128xf32, #tpu.memory_space<vmem>>, vector<16xf32>,
        %get3A_1150 = arith.index_cast %add3A_1101 : i32 to index
        %get3A_1151 = arith.constant 96 : index
        %get3A_1152 = tpu.vector_load %arg19[%get3A_1150, %get3A_1151] {strides = array<i32>} : memref<80x128xf32, #tpu.memory_space<vmem>>, vector<16xf32>,
        %mul3A_1153 = vector.broadcast %squeeze3A_1097 : f32 to vector<16xf32>
        %mul3A_1154 = arith.mulf %get3A_1152, %mul3A_1153 : vector<16xf32>
        %swap3A_1155 = arith.index_cast %add3A_1101 : i32 to index
        %swap3A_1156 = arith.constant 96 : index
        %swap3A_1157 = tpu.vector_load %arg19[%swap3A_1155, %swap3A_1156] {strides = array<i32>} : memref<80x128xf32, #tpu.memory_space<vmem>>, vector<16xf32>,
        tpu.vector_store %arg19[%swap3A_1155, %swap3A_1156], %mul3A_1154 {strides = array<i32>} : memref<80x128xf32, #tpu.memory_space<vmem>>, vector<16xf32>,
        %get3A_1158 = arith.index_cast %add3A_1101 : i32 to index
        %get3A_1159 = arith.constant 112 : index
        %get3A_1160 = tpu.vector_load %arg19[%get3A_1158, %get3A_1159] {strides = array<i32>} : memref<80x128xf32, #tpu.memory_space<vmem>>, vector<16xf32>,
        %mul3A_1161 = vector.broadcast %squeeze3A_1097 : f32 to vector<16xf32>
        %mul3A_1162 = arith.mulf %get3A_1160, %mul3A_1161 : vector<16xf32>
        %swap3A_1163 = arith.index_cast %add3A_1101 : i32 to index
        %swap3A_1164 = arith.constant 112 : index
        %swap3A_1165 = tpu.vector_load %arg19[%swap3A_1163, %swap3A_1164] {strides = array<i32>} : memref<80x128xf32, #tpu.memory_space<vmem>>, vector<16xf32>,
        tpu.vector_store %arg19[%swap3A_1163, %swap3A_1164], %mul3A_1162 {strides = array<i32>} : memref<80x128xf32, #tpu.memory_space<vmem>>, vector<16xf32>,
        %slice3A_1166 = vector.extract_strided_slice %get3A_188 {offsets = [14], sizes = [1], strides = [1]} : vector<16xf32> to vector<1xf32>
        %squeeze3A_1167 = vector.extract %slice3A_1166[0] : f32 from vector<1xf32>
        %mul3A_1168 = arith.constant 16 : i32
        %mul3A_1169 = arith.muli %scan3A_185, %mul3A_1168 : i32
        %add3A_1170 = arith.constant 14 : i32
        %add3A_1171 = arith.addi %mul3A_1169, %add3A_1170 : i32
        %get3A_1172 = arith.index_cast %add3A_1171 : i32 to index
        %get3A_1173 = arith.constant 0 : index
        %get3A_1174 = tpu.vector_load %arg19[%get3A_1172, %get3A_1173] {strides = array<i32>} : memref<80x128xf32, #tpu.memory_space<vmem>>, vector<16xf32>,
        %mul3A_1175 = vector.broadcast %squeeze3A_1167 : f32 to vector<16xf32>
        %mul3A_1176 = arith.mulf %get3A_1174, %mul3A_1175 : vector<16xf32>
        %swap3A_1177 = arith.index_cast %add3A_1171 : i32 to index
        %swap3A_1178 = arith.constant 0 : index
        %swap3A_1179 = tpu.vector_load %arg19[%swap3A_1177, %swap3A_1178] {strides = array<i32>} : memref<80x128xf32, #tpu.memory_space<vmem>>, vector<16xf32>,
        tpu.vector_store %arg19[%swap3A_1177, %swap3A_1178], %mul3A_1176 {strides = array<i32>} : memref<80x128xf32, #tpu.memory_space<vmem>>, vector<16xf32>,
        %get3A_1180 = arith.index_cast %add3A_1171 : i32 to index
        %get3A_1181 = arith.constant 16 : index
        %get3A_1182 = tpu.vector_load %arg19[%get3A_1180, %get3A_1181] {strides = array<i32>} : memref<80x128xf32, #tpu.memory_space<vmem>>, vector<16xf32>,
        %mul3A_1183 = vector.broadcast %squeeze3A_1167 : f32 to vector<16xf32>
        %mul3A_1184 = arith.mulf %get3A_1182, %mul3A_1183 : vector<16xf32>
        %swap3A_1185 = arith.index_cast %add3A_1171 : i32 to index
        %swap3A_1186 = arith.constant 16 : index
        %swap3A_1187 = tpu.vector_load %arg19[%swap3A_1185, %swap3A_1186] {strides = array<i32>} : memref<80x128xf32, #tpu.memory_space<vmem>>, vector<16xf32>,
        tpu.vector_store %arg19[%swap3A_1185, %swap3A_1186], %mul3A_1184 {strides = array<i32>} : memref<80x128xf32, #tpu.memory_space<vmem>>, vector<16xf32>,
        %get3A_1188 = arith.index_cast %add3A_1171 : i32 to index
        %get3A_1189 = arith.constant 32 : index
        %get3A_1190 = tpu.vector_load %arg19[%get3A_1188, %get3A_1189] {strides = array<i32>} : memref<80x128xf32, #tpu.memory_space<vmem>>, vector<16xf32>,
        %mul3A_1191 = vector.broadcast %squeeze3A_1167 : f32 to vector<16xf32>
        %mul3A_1192 = arith.mulf %get3A_1190, %mul3A_1191 : vector<16xf32>
        %swap3A_1193 = arith.index_cast %add3A_1171 : i32 to index
        %swap3A_1194 = arith.constant 32 : index
        %swap3A_1195 = tpu.vector_load %arg19[%swap3A_1193, %swap3A_1194] {strides = array<i32>} : memref<80x128xf32, #tpu.memory_space<vmem>>, vector<16xf32>,
        tpu.vector_store %arg19[%swap3A_1193, %swap3A_1194], %mul3A_1192 {strides = array<i32>} : memref<80x128xf32, #tpu.memory_space<vmem>>, vector<16xf32>,
        %get3A_1196 = arith.index_cast %add3A_1171 : i32 to index
        %get3A_1197 = arith.constant 48 : index
        %get3A_1198 = tpu.vector_load %arg19[%get3A_1196, %get3A_1197] {strides = array<i32>} : memref<80x128xf32, #tpu.memory_space<vmem>>, vector<16xf32>,
        %mul3A_1199 = vector.broadcast %squeeze3A_1167 : f32 to vector<16xf32>
        %mul3A_1200 = arith.mulf %get3A_1198, %mul3A_1199 : vector<16xf32>
        %swap3A_1201 = arith.index_cast %add3A_1171 : i32 to index
        %swap3A_1202 = arith.constant 48 : index
        %swap3A_1203 = tpu.vector_load %arg19[%swap3A_1201, %swap3A_1202] {strides = array<i32>} : memref<80x128xf32, #tpu.memory_space<vmem>>, vector<16xf32>,
        tpu.vector_store %arg19[%swap3A_1201, %swap3A_1202], %mul3A_1200 {strides = array<i32>} : memref<80x128xf32, #tpu.memory_space<vmem>>, vector<16xf32>,
        %get3A_1204 = arith.index_cast %add3A_1171 : i32 to index
        %get3A_1205 = arith.constant 64 : index
        %get3A_1206 = tpu.vector_load %arg19[%get3A_1204, %get3A_1205] {strides = array<i32>} : memref<80x128xf32, #tpu.memory_space<vmem>>, vector<16xf32>,
        %mul3A_1207 = vector.broadcast %squeeze3A_1167 : f32 to vector<16xf32>
        %mul3A_1208 = arith.mulf %get3A_1206, %mul3A_1207 : vector<16xf32>
        %swap3A_1209 = arith.index_cast %add3A_1171 : i32 to index
        %swap3A_1210 = arith.constant 64 : index
        %swap3A_1211 = tpu.vector_load %arg19[%swap3A_1209, %swap3A_1210] {strides = array<i32>} : memref<80x128xf32, #tpu.memory_space<vmem>>, vector<16xf32>,
        tpu.vector_store %arg19[%swap3A_1209, %swap3A_1210], %mul3A_1208 {strides = array<i32>} : memref<80x128xf32, #tpu.memory_space<vmem>>, vector<16xf32>,
        %get3A_1212 = arith.index_cast %add3A_1171 : i32 to index
        %get3A_1213 = arith.constant 80 : index
        %get3A_1214 = tpu.vector_load %arg19[%get3A_1212, %get3A_1213] {strides = array<i32>} : memref<80x128xf32, #tpu.memory_space<vmem>>, vector<16xf32>,
        %mul3A_1215 = vector.broadcast %squeeze3A_1167 : f32 to vector<16xf32>
        %mul3A_1216 = arith.mulf %get3A_1214, %mul3A_1215 : vector<16xf32>
        %swap3A_1217 = arith.index_cast %add3A_1171 : i32 to index
        %swap3A_1218 = arith.constant 80 : index
        %swap3A_1219 = tpu.vector_load %arg19[%swap3A_1217, %swap3A_1218] {strides = array<i32>} : memref<80x128xf32, #tpu.memory_space<vmem>>, vector<16xf32>,
        tpu.vector_store %arg19[%swap3A_1217, %swap3A_1218], %mul3A_1216 {strides = array<i32>} : memref<80x128xf32, #tpu.memory_space<vmem>>, vector<16xf32>,
        %get3A_1220 = arith.index_cast %add3A_1171 : i32 to index
        %get3A_1221 = arith.constant 96 : index
        %get3A_1222 = tpu.vector_load %arg19[%get3A_1220, %get3A_1221] {strides = array<i32>} : memref<80x128xf32, #tpu.memory_space<vmem>>, vector<16xf32>,
        %mul3A_1223 = vector.broadcast %squeeze3A_1167 : f32 to vector<16xf32>
        %mul3A_1224 = arith.mulf %get3A_1222, %mul3A_1223 : vector<16xf32>
        %swap3A_1225 = arith.index_cast %add3A_1171 : i32 to index
        %swap3A_1226 = arith.constant 96 : index
        %swap3A_1227 = tpu.vector_load %arg19[%swap3A_1225, %swap3A_1226] {strides = array<i32>} : memref<80x128xf32, #tpu.memory_space<vmem>>, vector<16xf32>,
        tpu.vector_store %arg19[%swap3A_1225, %swap3A_1226], %mul3A_1224 {strides = array<i32>} : memref<80x128xf32, #tpu.memory_space<vmem>>, vector<16xf32>,
        %get3A_1228 = arith.index_cast %add3A_1171 : i32 to index
        %get3A_1229 = arith.constant 112 : index
        %get3A_1230 = tpu.vector_load %arg19[%get3A_1228, %get3A_1229] {strides = array<i32>} : memref<80x128xf32, #tpu.memory_space<vmem>>, vector<16xf32>,
        %mul3A_1231 = vector.broadcast %squeeze3A_1167 : f32 to vector<16xf32>
        %mul3A_1232 = arith.mulf %get3A_1230, %mul3A_1231 : vector<16xf32>
        %swap3A_1233 = arith.index_cast %add3A_1171 : i32 to index
        %swap3A_1234 = arith.constant 112 : index
        %swap3A_1235 = tpu.vector_load %arg19[%swap3A_1233, %swap3A_1234] {strides = array<i32>} : memref<80x128xf32, #tpu.memory_space<vmem>>, vector<16xf32>,
        tpu.vector_store %arg19[%swap3A_1233, %swap3A_1234], %mul3A_1232 {strides = array<i32>} : memref<80x128xf32, #tpu.memory_space<vmem>>, vector<16xf32>,
        %slice3A_1236 = vector.extract_strided_slice %get3A_188 {offsets = [15], sizes = [1], strides = [1]} : vector<16xf32> to vector<1xf32>
        %squeeze3A_1237 = vector.extract %slice3A_1236[0] : f32 from vector<1xf32>
        %mul3A_1238 = arith.constant 16 : i32
        %mul3A_1239 = arith.muli %scan3A_185, %mul3A_1238 : i32
        %add3A_1240 = arith.constant 15 : i32
        %add3A_1241 = arith.addi %mul3A_1239, %add3A_1240 : i32
        %get3A_1242 = arith.index_cast %add3A_1241 : i32 to index
        %get3A_1243 = arith.constant 0 : index
        %get3A_1244 = tpu.vector_load %arg19[%get3A_1242, %get3A_1243] {strides = array<i32>} : memref<80x128xf32, #tpu.memory_space<vmem>>, vector<16xf32>,
        %mul3A_1245 = vector.broadcast %squeeze3A_1237 : f32 to vector<16xf32>
        %mul3A_1246 = arith.mulf %get3A_1244, %mul3A_1245 : vector<16xf32>
        %swap3A_1247 = arith.index_cast %add3A_1241 : i32 to index
        %swap3A_1248 = arith.constant 0 : index
        %swap3A_1249 = tpu.vector_load %arg19[%swap3A_1247, %swap3A_1248] {strides = array<i32>} : memref<80x128xf32, #tpu.memory_space<vmem>>, vector<16xf32>,
        tpu.vector_store %arg19[%swap3A_1247, %swap3A_1248], %mul3A_1246 {strides = array<i32>} : memref<80x128xf32, #tpu.memory_space<vmem>>, vector<16xf32>,
        %get3A_1250 = arith.index_cast %add3A_1241 : i32 to index
        %get3A_1251 = arith.constant 16 : index
        %get3A_1252 = tpu.vector_load %arg19[%get3A_1250, %get3A_1251] {strides = array<i32>} : memref<80x128xf32, #tpu.memory_space<vmem>>, vector<16xf32>,
        %mul3A_1253 = vector.broadcast %squeeze3A_1237 : f32 to vector<16xf32>
        %mul3A_1254 = arith.mulf %get3A_1252, %mul3A_1253 : vector<16xf32>
        %swap3A_1255 = arith.index_cast %add3A_1241 : i32 to index
        %swap3A_1256 = arith.constant 16 : index
        %swap3A_1257 = tpu.vector_load %arg19[%swap3A_1255, %swap3A_1256] {strides = array<i32>} : memref<80x128xf32, #tpu.memory_space<vmem>>, vector<16xf32>,
        tpu.vector_store %arg19[%swap3A_1255, %swap3A_1256], %mul3A_1254 {strides = array<i32>} : memref<80x128xf32, #tpu.memory_space<vmem>>, vector<16xf32>,
        %get3A_1258 = arith.index_cast %add3A_1241 : i32 to index
        %get3A_1259 = arith.constant 32 : index
        %get3A_1260 = tpu.vector_load %arg19[%get3A_1258, %get3A_1259] {strides = array<i32>} : memref<80x128xf32, #tpu.memory_space<vmem>>, vector<16xf32>,
        %mul3A_1261 = vector.broadcast %squeeze3A_1237 : f32 to vector<16xf32>
        %mul3A_1262 = arith.mulf %get3A_1260, %mul3A_1261 : vector<16xf32>
        %swap3A_1263 = arith.index_cast %add3A_1241 : i32 to index
        %swap3A_1264 = arith.constant 32 : index
        %swap3A_1265 = tpu.vector_load %arg19[%swap3A_1263, %swap3A_1264] {strides = array<i32>} : memref<80x128xf32, #tpu.memory_space<vmem>>, vector<16xf32>,
        tpu.vector_store %arg19[%swap3A_1263, %swap3A_1264], %mul3A_1262 {strides = array<i32>} : memref<80x128xf32, #tpu.memory_space<vmem>>, vector<16xf32>,
        %get3A_1266 = arith.index_cast %add3A_1241 : i32 to index
        %get3A_1267 = arith.constant 48 : index
        %get3A_1268 = tpu.vector_load %arg19[%get3A_1266, %get3A_1267] {strides = array<i32>} : memref<80x128xf32, #tpu.memory_space<vmem>>, vector<16xf32>,
        %mul3A_1269 = vector.broadcast %squeeze3A_1237 : f32 to vector<16xf32>
        %mul3A_1270 = arith.mulf %get3A_1268, %mul3A_1269 : vector<16xf32>
        %swap3A_1271 = arith.index_cast %add3A_1241 : i32 to index
        %swap3A_1272 = arith.constant 48 : index
        %swap3A_1273 = tpu.vector_load %arg19[%swap3A_1271, %swap3A_1272] {strides = array<i32>} : memref<80x128xf32, #tpu.memory_space<vmem>>, vector<16xf32>,
        tpu.vector_store %arg19[%swap3A_1271, %swap3A_1272], %mul3A_1270 {strides = array<i32>} : memref<80x128xf32, #tpu.memory_space<vmem>>, vector<16xf32>,
        %get3A_1274 = arith.index_cast %add3A_1241 : i32 to index
        %get3A_1275 = arith.constant 64 : index
        %get3A_1276 = tpu.vector_load %arg19[%get3A_1274, %get3A_1275] {strides = array<i32>} : memref<80x128xf32, #tpu.memory_space<vmem>>, vector<16xf32>,
        %mul3A_1277 = vector.broadcast %squeeze3A_1237 : f32 to vector<16xf32>
        %mul3A_1278 = arith.mulf %get3A_1276, %mul3A_1277 : vector<16xf32>
        %swap3A_1279 = arith.index_cast %add3A_1241 : i32 to index
        %swap3A_1280 = arith.constant 64 : index
        %swap3A_1281 = tpu.vector_load %arg19[%swap3A_1279, %swap3A_1280] {strides = array<i32>} : memref<80x128xf32, #tpu.memory_space<vmem>>, vector<16xf32>,
        tpu.vector_store %arg19[%swap3A_1279, %swap3A_1280], %mul3A_1278 {strides = array<i32>} : memref<80x128xf32, #tpu.memory_space<vmem>>, vector<16xf32>,
        %get3A_1282 = arith.index_cast %add3A_1241 : i32 to index
        %get3A_1283 = arith.constant 80 : index
        %get3A_1284 = tpu.vector_load %arg19[%get3A_1282, %get3A_1283] {strides = array<i32>} : memref<80x128xf32, #tpu.memory_space<vmem>>, vector<16xf32>,
        %mul3A_1285 = vector.broadcast %squeeze3A_1237 : f32 to vector<16xf32>
        %mul3A_1286 = arith.mulf %get3A_1284, %mul3A_1285 : vector<16xf32>
        %swap3A_1287 = arith.index_cast %add3A_1241 : i32 to index
        %swap3A_1288 = arith.constant 80 : index
        %swap3A_1289 = tpu.vector_load %arg19[%swap3A_1287, %swap3A_1288] {strides = array<i32>} : memref<80x128xf32, #tpu.memory_space<vmem>>, vector<16xf32>,
        tpu.vector_store %arg19[%swap3A_1287, %swap3A_1288], %mul3A_1286 {strides = array<i32>} : memref<80x128xf32, #tpu.memory_space<vmem>>, vector<16xf32>,
        %get3A_1290 = arith.index_cast %add3A_1241 : i32 to index
        %get3A_1291 = arith.constant 96 : index
        %get3A_1292 = tpu.vector_load %arg19[%get3A_1290, %get3A_1291] {strides = array<i32>} : memref<80x128xf32, #tpu.memory_space<vmem>>, vector<16xf32>,
        %mul3A_1293 = vector.broadcast %squeeze3A_1237 : f32 to vector<16xf32>
        %mul3A_1294 = arith.mulf %get3A_1292, %mul3A_1293 : vector<16xf32>
        %swap3A_1295 = arith.index_cast %add3A_1241 : i32 to index
        %swap3A_1296 = arith.constant 96 : index
        %swap3A_1297 = tpu.vector_load %arg19[%swap3A_1295, %swap3A_1296] {strides = array<i32>} : memref<80x128xf32, #tpu.memory_space<vmem>>, vector<16xf32>,
        tpu.vector_store %arg19[%swap3A_1295, %swap3A_1296], %mul3A_1294 {strides = array<i32>} : memref<80x128xf32, #tpu.memory_space<vmem>>, vector<16xf32>,
        %get3A_1298 = arith.index_cast %add3A_1241 : i32 to index
        %get3A_1299 = arith.constant 112 : index
        %get3A_1300 = tpu.vector_load %arg19[%get3A_1298, %get3A_1299] {strides = array<i32>} : memref<80x128xf32, #tpu.memory_space<vmem>>, vector<16xf32>,
        %mul3A_1301 = vector.broadcast %squeeze3A_1237 : f32 to vector<16xf32>
        %mul3A_1302 = arith.mulf %get3A_1300, %mul3A_1301 : vector<16xf32>
        %swap3A_1303 = arith.index_cast %add3A_1241 : i32 to index
        %swap3A_1304 = arith.constant 112 : index
        %swap3A_1305 = tpu.vector_load %arg19[%swap3A_1303, %swap3A_1304] {strides = array<i32>} : memref<80x128xf32, #tpu.memory_space<vmem>>, vector<16xf32>,
        tpu.vector_store %arg19[%swap3A_1303, %swap3A_1304], %mul3A_1302 {strides = array<i32>} : memref<80x128xf32, #tpu.memory_space<vmem>>, vector<16xf32>,
      }
      %scan3A_135 = arith.constant 5 : i32
      %dma_start3A_136 = arith.constant 0 : i32
      %dma_start3A_137 = arith.constant 0 : i32
      %dma_start3A_138 = tpu.memref_slice %arg9[%dma_start3A_136, %dma_start3A_137] : memref<10240x128xf32, #tpu.memory_space<vmem_shared>> -> memref<10240x128xf32, #tpu.memory_space<vmem_shared>>
      tpu.enqueue_indirect_dma source(%arg19 : memref<80x128xf32, #tpu.memory_space<vmem>>) target(%dma_start3A_138 : memref<10240x128xf32, #tpu.memory_space<vmem_shared>>) offsets(%arg14 : memref<80xi32, #tpu.memory_space<vmem>>) semaphore(%arg24 : memref<!tpu.dma_semaphore, #tpu.memory_space<semaphore_mem>>) {add = true}
      %dma_start3A_139 = arith.constant 0 : i32
      %dma_start3A_140 = tpu.memref_slice %arg10[%dma_start3A_139] : memref<10240xf32, #tpu.memory_space<vmem_shared>> -> memref<10240xf32, #tpu.memory_space<vmem_shared>>
      tpu.enqueue_indirect_dma source(%arg17 : memref<80xf32, #tpu.memory_space<vmem>>) target(%dma_start3A_140 : memref<10240xf32, #tpu.memory_space<vmem_shared>>) offsets(%arg14 : memref<80xi32, #tpu.memory_space<vmem>>) semaphore(%arg24 : memref<!tpu.dma_semaphore, #tpu.memory_space<semaphore_mem>>) {add = true}
      %dma_wait3A_141 = arith.constant 0 : i32
      %dma_wait3A_142 = arith.constant 0 : i32
      %dma_wait3A_143 = tpu.memref_slice %arg2[%dma_wait3A_141, %dma_wait3A_142] : memref<10000x128xf32, #tpu.memory_space<hbm>> -> memref<10000x128xf32, #tpu.memory_space<hbm>>
      tpu.wait_indirect_dma semaphore(%arg23 : memref<!tpu.dma_semaphore, #tpu.memory_space<semaphore_mem>>) src(%dma_wait3A_143 : memref<10000x128xf32, #tpu.memory_space<hbm>>) dst(%arg20 : memref<80x128xf32, #tpu.memory_space<vmem>>)
      %scan3A_144 = arith.constant 0 : i32
      %scan3A_145 = arith.constant 5 : i32
      %scan3A_146 = arith.addi %scan3A_144, %scan3A_145 : i32
      %scan3A_147 = arith.constant 1 : i32
      scf.for %scan3A_185 = %scan3A_144 to %scan3A_146 step %scan3A_147  : i32 {
        %mul3A_186 = arith.constant 16 : i32
        %mul3A_187 = arith.muli %scan3A_185, %mul3A_186 : i32
        %get3A = arith.index_cast %mul3A_187 : i32 to index
        %get3A_188 = tpu.vector_load %arg18[%get3A] {strides = array<i32>} : memref<80xf32, #tpu.memory_space<vmem>>, vector<16xf32>,
        %slice3A = vector.extract_strided_slice %get3A_188 {offsets = [0], sizes = [1], strides = [1]} : vector<16xf32> to vector<1xf32>
        %squeeze3A = vector.extract %slice3A[0] : f32 from vector<1xf32>
        %mul3A_189 = arith.constant 16 : i32
        %mul3A_190 = arith.muli %scan3A_185, %mul3A_189 : i32
        %add3A_191 = arith.constant 0 : i32
        %add3A_192 = arith.addi %mul3A_190, %add3A_191 : i32
        %get3A_193 = arith.index_cast %add3A_192 : i32 to index
        %get3A_194 = arith.constant 0 : index
        %get3A_195 = tpu.vector_load %arg20[%get3A_193, %get3A_194] {strides = array<i32>} : memref<80x128xf32, #tpu.memory_space<vmem>>, vector<16xf32>,
        %mul3A_196 = vector.broadcast %squeeze3A : f32 to vector<16xf32>
        %mul3A_197 = arith.mulf %get3A_195, %mul3A_196 : vector<16xf32>
        %swap3A = arith.index_cast %add3A_192 : i32 to index
        %swap3A_198 = arith.constant 0 : index
        %swap3A_199 = tpu.vector_load %arg20[%swap3A, %swap3A_198] {strides = array<i32>} : memref<80x128xf32, #tpu.memory_space<vmem>>, vector<16xf32>,
        tpu.vector_store %arg20[%swap3A, %swap3A_198], %mul3A_197 {strides = array<i32>} : memref<80x128xf32, #tpu.memory_space<vmem>>, vector<16xf32>,
        %get3A_200 = arith.index_cast %add3A_192 : i32 to index
        %get3A_201 = arith.constant 16 : index
        %get3A_202 = tpu.vector_load %arg20[%get3A_200, %get3A_201] {strides = array<i32>} : memref<80x128xf32, #tpu.memory_space<vmem>>, vector<16xf32>,
        %mul3A_203 = vector.broadcast %squeeze3A : f32 to vector<16xf32>
        %mul3A_204 = arith.mulf %get3A_202, %mul3A_203 : vector<16xf32>
        %swap3A_205 = arith.index_cast %add3A_192 : i32 to index
        %swap3A_206 = arith.constant 16 : index
        %swap3A_207 = tpu.vector_load %arg20[%swap3A_205, %swap3A_206] {strides = array<i32>} : memref<80x128xf32, #tpu.memory_space<vmem>>, vector<16xf32>,
        tpu.vector_store %arg20[%swap3A_205, %swap3A_206], %mul3A_204 {strides = array<i32>} : memref<80x128xf32, #tpu.memory_space<vmem>>, vector<16xf32>,
        %get3A_208 = arith.index_cast %add3A_192 : i32 to index
        %get3A_209 = arith.constant 32 : index
        %get3A_210 = tpu.vector_load %arg20[%get3A_208, %get3A_209] {strides = array<i32>} : memref<80x128xf32, #tpu.memory_space<vmem>>, vector<16xf32>,
        %mul3A_211 = vector.broadcast %squeeze3A : f32 to vector<16xf32>
        %mul3A_212 = arith.mulf %get3A_210, %mul3A_211 : vector<16xf32>
        %swap3A_213 = arith.index_cast %add3A_192 : i32 to index
        %swap3A_214 = arith.constant 32 : index
        %swap3A_215 = tpu.vector_load %arg20[%swap3A_213, %swap3A_214] {strides = array<i32>} : memref<80x128xf32, #tpu.memory_space<vmem>>, vector<16xf32>,
        tpu.vector_store %arg20[%swap3A_213, %swap3A_214], %mul3A_212 {strides = array<i32>} : memref<80x128xf32, #tpu.memory_space<vmem>>, vector<16xf32>,
        %get3A_216 = arith.index_cast %add3A_192 : i32 to index
        %get3A_217 = arith.constant 48 : index
        %get3A_218 = tpu.vector_load %arg20[%get3A_216, %get3A_217] {strides = array<i32>} : memref<80x128xf32, #tpu.memory_space<vmem>>, vector<16xf32>,
        %mul3A_219 = vector.broadcast %squeeze3A : f32 to vector<16xf32>
        %mul3A_220 = arith.mulf %get3A_218, %mul3A_219 : vector<16xf32>
        %swap3A_221 = arith.index_cast %add3A_192 : i32 to index
        %swap3A_222 = arith.constant 48 : index
        %swap3A_223 = tpu.vector_load %arg20[%swap3A_221, %swap3A_222] {strides = array<i32>} : memref<80x128xf32, #tpu.memory_space<vmem>>, vector<16xf32>,
        tpu.vector_store %arg20[%swap3A_221, %swap3A_222], %mul3A_220 {strides = array<i32>} : memref<80x128xf32, #tpu.memory_space<vmem>>, vector<16xf32>,
        %get3A_224 = arith.index_cast %add3A_192 : i32 to index
        %get3A_225 = arith.constant 64 : index
        %get3A_226 = tpu.vector_load %arg20[%get3A_224, %get3A_225] {strides = array<i32>} : memref<80x128xf32, #tpu.memory_space<vmem>>, vector<16xf32>,
        %mul3A_227 = vector.broadcast %squeeze3A : f32 to vector<16xf32>
        %mul3A_228 = arith.mulf %get3A_226, %mul3A_227 : vector<16xf32>
        %swap3A_229 = arith.index_cast %add3A_192 : i32 to index
        %swap3A_230 = arith.constant 64 : index
        %swap3A_231 = tpu.vector_load %arg20[%swap3A_229, %swap3A_230] {strides = array<i32>} : memref<80x128xf32, #tpu.memory_space<vmem>>, vector<16xf32>,
        tpu.vector_store %arg20[%swap3A_229, %swap3A_230], %mul3A_228 {strides = array<i32>} : memref<80x128xf32, #tpu.memory_space<vmem>>, vector<16xf32>,
        %get3A_232 = arith.index_cast %add3A_192 : i32 to index
        %get3A_233 = arith.constant 80 : index
        %get3A_234 = tpu.vector_load %arg20[%get3A_232, %get3A_233] {strides = array<i32>} : memref<80x128xf32, #tpu.memory_space<vmem>>, vector<16xf32>,
        %mul3A_235 = vector.broadcast %squeeze3A : f32 to vector<16xf32>
        %mul3A_236 = arith.mulf %get3A_234, %mul3A_235 : vector<16xf32>
        %swap3A_237 = arith.index_cast %add3A_192 : i32 to index
        %swap3A_238 = arith.constant 80 : index
        %swap3A_239 = tpu.vector_load %arg20[%swap3A_237, %swap3A_238] {strides = array<i32>} : memref<80x128xf32, #tpu.memory_space<vmem>>, vector<16xf32>,
        tpu.vector_store %arg20[%swap3A_237, %swap3A_238], %mul3A_236 {strides = array<i32>} : memref<80x128xf32, #tpu.memory_space<vmem>>, vector<16xf32>,
        %get3A_240 = arith.index_cast %add3A_192 : i32 to index
        %get3A_241 = arith.constant 96 : index
        %get3A_242 = tpu.vector_load %arg20[%get3A_240, %get3A_241] {strides = array<i32>} : memref<80x128xf32, #tpu.memory_space<vmem>>, vector<16xf32>,
        %mul3A_243 = vector.broadcast %squeeze3A : f32 to vector<16xf32>
        %mul3A_244 = arith.mulf %get3A_242, %mul3A_243 : vector<16xf32>
        %swap3A_245 = arith.index_cast %add3A_192 : i32 to index
        %swap3A_246 = arith.constant 96 : index
        %swap3A_247 = tpu.vector_load %arg20[%swap3A_245, %swap3A_246] {strides = array<i32>} : memref<80x128xf32, #tpu.memory_space<vmem>>, vector<16xf32>,
        tpu.vector_store %arg20[%swap3A_245, %swap3A_246], %mul3A_244 {strides = array<i32>} : memref<80x128xf32, #tpu.memory_space<vmem>>, vector<16xf32>,
        %get3A_248 = arith.index_cast %add3A_192 : i32 to index
        %get3A_249 = arith.constant 112 : index
        %get3A_250 = tpu.vector_load %arg20[%get3A_248, %get3A_249] {strides = array<i32>} : memref<80x128xf32, #tpu.memory_space<vmem>>, vector<16xf32>,
        %mul3A_251 = vector.broadcast %squeeze3A : f32 to vector<16xf32>
        %mul3A_252 = arith.mulf %get3A_250, %mul3A_251 : vector<16xf32>
        %swap3A_253 = arith.index_cast %add3A_192 : i32 to index
        %swap3A_254 = arith.constant 112 : index
        %swap3A_255 = tpu.vector_load %arg20[%swap3A_253, %swap3A_254] {strides = array<i32>} : memref<80x128xf32, #tpu.memory_space<vmem>>, vector<16xf32>,
        tpu.vector_store %arg20[%swap3A_253, %swap3A_254], %mul3A_252 {strides = array<i32>} : memref<80x128xf32, #tpu.memory_space<vmem>>, vector<16xf32>,
        %slice3A_256 = vector.extract_strided_slice %get3A_188 {offsets = [1], sizes = [1], strides = [1]} : vector<16xf32> to vector<1xf32>
        %squeeze3A_257 = vector.extract %slice3A_256[0] : f32 from vector<1xf32>
        %mul3A_258 = arith.constant 16 : i32
        %mul3A_259 = arith.muli %scan3A_185, %mul3A_258 : i32
        %add3A_260 = arith.constant 1 : i32
        %add3A_261 = arith.addi %mul3A_259, %add3A_260 : i32
        %get3A_262 = arith.index_cast %add3A_261 : i32 to index
        %get3A_263 = arith.constant 0 : index
        %get3A_264 = tpu.vector_load %arg20[%get3A_262, %get3A_263] {strides = array<i32>} : memref<80x128xf32, #tpu.memory_space<vmem>>, vector<16xf32>,
        %mul3A_265 = vector.broadcast %squeeze3A_257 : f32 to vector<16xf32>
        %mul3A_266 = arith.mulf %get3A_264, %mul3A_265 : vector<16xf32>
        %swap3A_267 = arith.index_cast %add3A_261 : i32 to index
        %swap3A_268 = arith.constant 0 : index
        %swap3A_269 = tpu.vector_load %arg20[%swap3A_267, %swap3A_268] {strides = array<i32>} : memref<80x128xf32, #tpu.memory_space<vmem>>, vector<16xf32>,
        tpu.vector_store %arg20[%swap3A_267, %swap3A_268], %mul3A_266 {strides = array<i32>} : memref<80x128xf32, #tpu.memory_space<vmem>>, vector<16xf32>,
        %get3A_270 = arith.index_cast %add3A_261 : i32 to index
        %get3A_271 = arith.constant 16 : index
        %get3A_272 = tpu.vector_load %arg20[%get3A_270, %get3A_271] {strides = array<i32>} : memref<80x128xf32, #tpu.memory_space<vmem>>, vector<16xf32>,
        %mul3A_273 = vector.broadcast %squeeze3A_257 : f32 to vector<16xf32>
        %mul3A_274 = arith.mulf %get3A_272, %mul3A_273 : vector<16xf32>
        %swap3A_275 = arith.index_cast %add3A_261 : i32 to index
        %swap3A_276 = arith.constant 16 : index
        %swap3A_277 = tpu.vector_load %arg20[%swap3A_275, %swap3A_276] {strides = array<i32>} : memref<80x128xf32, #tpu.memory_space<vmem>>, vector<16xf32>,
        tpu.vector_store %arg20[%swap3A_275, %swap3A_276], %mul3A_274 {strides = array<i32>} : memref<80x128xf32, #tpu.memory_space<vmem>>, vector<16xf32>,
        %get3A_278 = arith.index_cast %add3A_261 : i32 to index
        %get3A_279 = arith.constant 32 : index
        %get3A_280 = tpu.vector_load %arg20[%get3A_278, %get3A_279] {strides = array<i32>} : memref<80x128xf32, #tpu.memory_space<vmem>>, vector<16xf32>,
        %mul3A_281 = vector.broadcast %squeeze3A_257 : f32 to vector<16xf32>
        %mul3A_282 = arith.mulf %get3A_280, %mul3A_281 : vector<16xf32>
        %swap3A_283 = arith.index_cast %add3A_261 : i32 to index
        %swap3A_284 = arith.constant 32 : index
        %swap3A_285 = tpu.vector_load %arg20[%swap3A_283, %swap3A_284] {strides = array<i32>} : memref<80x128xf32, #tpu.memory_space<vmem>>, vector<16xf32>,
        tpu.vector_store %arg20[%swap3A_283, %swap3A_284], %mul3A_282 {strides = array<i32>} : memref<80x128xf32, #tpu.memory_space<vmem>>, vector<16xf32>,
        %get3A_286 = arith.index_cast %add3A_261 : i32 to index
        %get3A_287 = arith.constant 48 : index
        %get3A_288 = tpu.vector_load %arg20[%get3A_286, %get3A_287] {strides = array<i32>} : memref<80x128xf32, #tpu.memory_space<vmem>>, vector<16xf32>,
        %mul3A_289 = vector.broadcast %squeeze3A_257 : f32 to vector<16xf32>
        %mul3A_290 = arith.mulf %get3A_288, %mul3A_289 : vector<16xf32>
        %swap3A_291 = arith.index_cast %add3A_261 : i32 to index
        %swap3A_292 = arith.constant 48 : index
        %swap3A_293 = tpu.vector_load %arg20[%swap3A_291, %swap3A_292] {strides = array<i32>} : memref<80x128xf32, #tpu.memory_space<vmem>>, vector<16xf32>,
        tpu.vector_store %arg20[%swap3A_291, %swap3A_292], %mul3A_290 {strides = array<i32>} : memref<80x128xf32, #tpu.memory_space<vmem>>, vector<16xf32>,
        %get3A_294 = arith.index_cast %add3A_261 : i32 to index
        %get3A_295 = arith.constant 64 : index
        %get3A_296 = tpu.vector_load %arg20[%get3A_294, %get3A_295] {strides = array<i32>} : memref<80x128xf32, #tpu.memory_space<vmem>>, vector<16xf32>,
        %mul3A_297 = vector.broadcast %squeeze3A_257 : f32 to vector<16xf32>
        %mul3A_298 = arith.mulf %get3A_296, %mul3A_297 : vector<16xf32>
        %swap3A_299 = arith.index_cast %add3A_261 : i32 to index
        %swap3A_300 = arith.constant 64 : index
        %swap3A_301 = tpu.vector_load %arg20[%swap3A_299, %swap3A_300] {strides = array<i32>} : memref<80x128xf32, #tpu.memory_space<vmem>>, vector<16xf32>,
        tpu.vector_store %arg20[%swap3A_299, %swap3A_300], %mul3A_298 {strides = array<i32>} : memref<80x128xf32, #tpu.memory_space<vmem>>, vector<16xf32>,
        %get3A_302 = arith.index_cast %add3A_261 : i32 to index
        %get3A_303 = arith.constant 80 : index
        %get3A_304 = tpu.vector_load %arg20[%get3A_302, %get3A_303] {strides = array<i32>} : memref<80x128xf32, #tpu.memory_space<vmem>>, vector<16xf32>,
        %mul3A_305 = vector.broadcast %squeeze3A_257 : f32 to vector<16xf32>
        %mul3A_306 = arith.mulf %get3A_304, %mul3A_305 : vector<16xf32>
        %swap3A_307 = arith.index_cast %add3A_261 : i32 to index
        %swap3A_308 = arith.constant 80 : index
        %swap3A_309 = tpu.vector_load %arg20[%swap3A_307, %swap3A_308] {strides = array<i32>} : memref<80x128xf32, #tpu.memory_space<vmem>>, vector<16xf32>,
        tpu.vector_store %arg20[%swap3A_307, %swap3A_308], %mul3A_306 {strides = array<i32>} : memref<80x128xf32, #tpu.memory_space<vmem>>, vector<16xf32>,
        %get3A_310 = arith.index_cast %add3A_261 : i32 to index
        %get3A_311 = arith.constant 96 : index
        %get3A_312 = tpu.vector_load %arg20[%get3A_310, %get3A_311] {strides = array<i32>} : memref<80x128xf32, #tpu.memory_space<vmem>>, vector<16xf32>,
        %mul3A_313 = vector.broadcast %squeeze3A_257 : f32 to vector<16xf32>
        %mul3A_314 = arith.mulf %get3A_312, %mul3A_313 : vector<16xf32>
        %swap3A_315 = arith.index_cast %add3A_261 : i32 to index
        %swap3A_316 = arith.constant 96 : index
        %swap3A_317 = tpu.vector_load %arg20[%swap3A_315, %swap3A_316] {strides = array<i32>} : memref<80x128xf32, #tpu.memory_space<vmem>>, vector<16xf32>,
        tpu.vector_store %arg20[%swap3A_315, %swap3A_316], %mul3A_314 {strides = array<i32>} : memref<80x128xf32, #tpu.memory_space<vmem>>, vector<16xf32>,
        %get3A_318 = arith.index_cast %add3A_261 : i32 to index
        %get3A_319 = arith.constant 112 : index
        %get3A_320 = tpu.vector_load %arg20[%get3A_318, %get3A_319] {strides = array<i32>} : memref<80x128xf32, #tpu.memory_space<vmem>>, vector<16xf32>,
        %mul3A_321 = vector.broadcast %squeeze3A_257 : f32 to vector<16xf32>
        %mul3A_322 = arith.mulf %get3A_320, %mul3A_321 : vector<16xf32>
        %swap3A_323 = arith.index_cast %add3A_261 : i32 to index
        %swap3A_324 = arith.constant 112 : index
        %swap3A_325 = tpu.vector_load %arg20[%swap3A_323, %swap3A_324] {strides = array<i32>} : memref<80x128xf32, #tpu.memory_space<vmem>>, vector<16xf32>,
        tpu.vector_store %arg20[%swap3A_323, %swap3A_324], %mul3A_322 {strides = array<i32>} : memref<80x128xf32, #tpu.memory_space<vmem>>, vector<16xf32>,
        %slice3A_326 = vector.extract_strided_slice %get3A_188 {offsets = [2], sizes = [1], strides = [1]} : vector<16xf32> to vector<1xf32>
        %squeeze3A_327 = vector.extract %slice3A_326[0] : f32 from vector<1xf32>
        %mul3A_328 = arith.constant 16 : i32
        %mul3A_329 = arith.muli %scan3A_185, %mul3A_328 : i32
        %add3A_330 = arith.constant 2 : i32
        %add3A_331 = arith.addi %mul3A_329, %add3A_330 : i32
        %get3A_332 = arith.index_cast %add3A_331 : i32 to index
        %get3A_333 = arith.constant 0 : index
        %get3A_334 = tpu.vector_load %arg20[%get3A_332, %get3A_333] {strides = array<i32>} : memref<80x128xf32, #tpu.memory_space<vmem>>, vector<16xf32>,
        %mul3A_335 = vector.broadcast %squeeze3A_327 : f32 to vector<16xf32>
        %mul3A_336 = arith.mulf %get3A_334, %mul3A_335 : vector<16xf32>
        %swap3A_337 = arith.index_cast %add3A_331 : i32 to index
        %swap3A_338 = arith.constant 0 : index
        %swap3A_339 = tpu.vector_load %arg20[%swap3A_337, %swap3A_338] {strides = array<i32>} : memref<80x128xf32, #tpu.memory_space<vmem>>, vector<16xf32>,
        tpu.vector_store %arg20[%swap3A_337, %swap3A_338], %mul3A_336 {strides = array<i32>} : memref<80x128xf32, #tpu.memory_space<vmem>>, vector<16xf32>,
        %get3A_340 = arith.index_cast %add3A_331 : i32 to index
        %get3A_341 = arith.constant 16 : index
        %get3A_342 = tpu.vector_load %arg20[%get3A_340, %get3A_341] {strides = array<i32>} : memref<80x128xf32, #tpu.memory_space<vmem>>, vector<16xf32>,
        %mul3A_343 = vector.broadcast %squeeze3A_327 : f32 to vector<16xf32>
        %mul3A_344 = arith.mulf %get3A_342, %mul3A_343 : vector<16xf32>
        %swap3A_345 = arith.index_cast %add3A_331 : i32 to index
        %swap3A_346 = arith.constant 16 : index
        %swap3A_347 = tpu.vector_load %arg20[%swap3A_345, %swap3A_346] {strides = array<i32>} : memref<80x128xf32, #tpu.memory_space<vmem>>, vector<16xf32>,
        tpu.vector_store %arg20[%swap3A_345, %swap3A_346], %mul3A_344 {strides = array<i32>} : memref<80x128xf32, #tpu.memory_space<vmem>>, vector<16xf32>,
        %get3A_348 = arith.index_cast %add3A_331 : i32 to index
        %get3A_349 = arith.constant 32 : index
        %get3A_350 = tpu.vector_load %arg20[%get3A_348, %get3A_349] {strides = array<i32>} : memref<80x128xf32, #tpu.memory_space<vmem>>, vector<16xf32>,
        %mul3A_351 = vector.broadcast %squeeze3A_327 : f32 to vector<16xf32>
        %mul3A_352 = arith.mulf %get3A_350, %mul3A_351 : vector<16xf32>
        %swap3A_353 = arith.index_cast %add3A_331 : i32 to index
        %swap3A_354 = arith.constant 32 : index
        %swap3A_355 = tpu.vector_load %arg20[%swap3A_353, %swap3A_354] {strides = array<i32>} : memref<80x128xf32, #tpu.memory_space<vmem>>, vector<16xf32>,
        tpu.vector_store %arg20[%swap3A_353, %swap3A_354], %mul3A_352 {strides = array<i32>} : memref<80x128xf32, #tpu.memory_space<vmem>>, vector<16xf32>,
        %get3A_356 = arith.index_cast %add3A_331 : i32 to index
        %get3A_357 = arith.constant 48 : index
        %get3A_358 = tpu.vector_load %arg20[%get3A_356, %get3A_357] {strides = array<i32>} : memref<80x128xf32, #tpu.memory_space<vmem>>, vector<16xf32>,
        %mul3A_359 = vector.broadcast %squeeze3A_327 : f32 to vector<16xf32>
        %mul3A_360 = arith.mulf %get3A_358, %mul3A_359 : vector<16xf32>
        %swap3A_361 = arith.index_cast %add3A_331 : i32 to index
        %swap3A_362 = arith.constant 48 : index
        %swap3A_363 = tpu.vector_load %arg20[%swap3A_361, %swap3A_362] {strides = array<i32>} : memref<80x128xf32, #tpu.memory_space<vmem>>, vector<16xf32>,
        tpu.vector_store %arg20[%swap3A_361, %swap3A_362], %mul3A_360 {strides = array<i32>} : memref<80x128xf32, #tpu.memory_space<vmem>>, vector<16xf32>,
        %get3A_364 = arith.index_cast %add3A_331 : i32 to index
        %get3A_365 = arith.constant 64 : index
        %get3A_366 = tpu.vector_load %arg20[%get3A_364, %get3A_365] {strides = array<i32>} : memref<80x128xf32, #tpu.memory_space<vmem>>, vector<16xf32>,
        %mul3A_367 = vector.broadcast %squeeze3A_327 : f32 to vector<16xf32>
        %mul3A_368 = arith.mulf %get3A_366, %mul3A_367 : vector<16xf32>
        %swap3A_369 = arith.index_cast %add3A_331 : i32 to index
        %swap3A_370 = arith.constant 64 : index
        %swap3A_371 = tpu.vector_load %arg20[%swap3A_369, %swap3A_370] {strides = array<i32>} : memref<80x128xf32, #tpu.memory_space<vmem>>, vector<16xf32>,
        tpu.vector_store %arg20[%swap3A_369, %swap3A_370], %mul3A_368 {strides = array<i32>} : memref<80x128xf32, #tpu.memory_space<vmem>>, vector<16xf32>,
        %get3A_372 = arith.index_cast %add3A_331 : i32 to index
        %get3A_373 = arith.constant 80 : index
        %get3A_374 = tpu.vector_load %arg20[%get3A_372, %get3A_373] {strides = array<i32>} : memref<80x128xf32, #tpu.memory_space<vmem>>, vector<16xf32>,
        %mul3A_375 = vector.broadcast %squeeze3A_327 : f32 to vector<16xf32>
        %mul3A_376 = arith.mulf %get3A_374, %mul3A_375 : vector<16xf32>
        %swap3A_377 = arith.index_cast %add3A_331 : i32 to index
        %swap3A_378 = arith.constant 80 : index
        %swap3A_379 = tpu.vector_load %arg20[%swap3A_377, %swap3A_378] {strides = array<i32>} : memref<80x128xf32, #tpu.memory_space<vmem>>, vector<16xf32>,
        tpu.vector_store %arg20[%swap3A_377, %swap3A_378], %mul3A_376 {strides = array<i32>} : memref<80x128xf32, #tpu.memory_space<vmem>>, vector<16xf32>,
        %get3A_380 = arith.index_cast %add3A_331 : i32 to index
        %get3A_381 = arith.constant 96 : index
        %get3A_382 = tpu.vector_load %arg20[%get3A_380, %get3A_381] {strides = array<i32>} : memref<80x128xf32, #tpu.memory_space<vmem>>, vector<16xf32>,
        %mul3A_383 = vector.broadcast %squeeze3A_327 : f32 to vector<16xf32>
        %mul3A_384 = arith.mulf %get3A_382, %mul3A_383 : vector<16xf32>
        %swap3A_385 = arith.index_cast %add3A_331 : i32 to index
        %swap3A_386 = arith.constant 96 : index
        %swap3A_387 = tpu.vector_load %arg20[%swap3A_385, %swap3A_386] {strides = array<i32>} : memref<80x128xf32, #tpu.memory_space<vmem>>, vector<16xf32>,
        tpu.vector_store %arg20[%swap3A_385, %swap3A_386], %mul3A_384 {strides = array<i32>} : memref<80x128xf32, #tpu.memory_space<vmem>>, vector<16xf32>,
        %get3A_388 = arith.index_cast %add3A_331 : i32 to index
        %get3A_389 = arith.constant 112 : index
        %get3A_390 = tpu.vector_load %arg20[%get3A_388, %get3A_389] {strides = array<i32>} : memref<80x128xf32, #tpu.memory_space<vmem>>, vector<16xf32>,
        %mul3A_391 = vector.broadcast %squeeze3A_327 : f32 to vector<16xf32>
        %mul3A_392 = arith.mulf %get3A_390, %mul3A_391 : vector<16xf32>
        %swap3A_393 = arith.index_cast %add3A_331 : i32 to index
        %swap3A_394 = arith.constant 112 : index
        %swap3A_395 = tpu.vector_load %arg20[%swap3A_393, %swap3A_394] {strides = array<i32>} : memref<80x128xf32, #tpu.memory_space<vmem>>, vector<16xf32>,
        tpu.vector_store %arg20[%swap3A_393, %swap3A_394], %mul3A_392 {strides = array<i32>} : memref<80x128xf32, #tpu.memory_space<vmem>>, vector<16xf32>,
        %slice3A_396 = vector.extract_strided_slice %get3A_188 {offsets = [3], sizes = [1], strides = [1]} : vector<16xf32> to vector<1xf32>
        %squeeze3A_397 = vector.extract %slice3A_396[0] : f32 from vector<1xf32>
        %mul3A_398 = arith.constant 16 : i32
        %mul3A_399 = arith.muli %scan3A_185, %mul3A_398 : i32
        %add3A_400 = arith.constant 3 : i32
        %add3A_401 = arith.addi %mul3A_399, %add3A_400 : i32
        %get3A_402 = arith.index_cast %add3A_401 : i32 to index
        %get3A_403 = arith.constant 0 : index
        %get3A_404 = tpu.vector_load %arg20[%get3A_402, %get3A_403] {strides = array<i32>} : memref<80x128xf32, #tpu.memory_space<vmem>>, vector<16xf32>,
        %mul3A_405 = vector.broadcast %squeeze3A_397 : f32 to vector<16xf32>
        %mul3A_406 = arith.mulf %get3A_404, %mul3A_405 : vector<16xf32>
        %swap3A_407 = arith.index_cast %add3A_401 : i32 to index
        %swap3A_408 = arith.constant 0 : index
        %swap3A_409 = tpu.vector_load %arg20[%swap3A_407, %swap3A_408] {strides = array<i32>} : memref<80x128xf32, #tpu.memory_space<vmem>>, vector<16xf32>,
        tpu.vector_store %arg20[%swap3A_407, %swap3A_408], %mul3A_406 {strides = array<i32>} : memref<80x128xf32, #tpu.memory_space<vmem>>, vector<16xf32>,
        %get3A_410 = arith.index_cast %add3A_401 : i32 to index
        %get3A_411 = arith.constant 16 : index
        %get3A_412 = tpu.vector_load %arg20[%get3A_410, %get3A_411] {strides = array<i32>} : memref<80x128xf32, #tpu.memory_space<vmem>>, vector<16xf32>,
        %mul3A_413 = vector.broadcast %squeeze3A_397 : f32 to vector<16xf32>
        %mul3A_414 = arith.mulf %get3A_412, %mul3A_413 : vector<16xf32>
        %swap3A_415 = arith.index_cast %add3A_401 : i32 to index
        %swap3A_416 = arith.constant 16 : index
        %swap3A_417 = tpu.vector_load %arg20[%swap3A_415, %swap3A_416] {strides = array<i32>} : memref<80x128xf32, #tpu.memory_space<vmem>>, vector<16xf32>,
        tpu.vector_store %arg20[%swap3A_415, %swap3A_416], %mul3A_414 {strides = array<i32>} : memref<80x128xf32, #tpu.memory_space<vmem>>, vector<16xf32>,
        %get3A_418 = arith.index_cast %add3A_401 : i32 to index
        %get3A_419 = arith.constant 32 : index
        %get3A_420 = tpu.vector_load %arg20[%get3A_418, %get3A_419] {strides = array<i32>} : memref<80x128xf32, #tpu.memory_space<vmem>>, vector<16xf32>,
        %mul3A_421 = vector.broadcast %squeeze3A_397 : f32 to vector<16xf32>
        %mul3A_422 = arith.mulf %get3A_420, %mul3A_421 : vector<16xf32>
        %swap3A_423 = arith.index_cast %add3A_401 : i32 to index
        %swap3A_424 = arith.constant 32 : index
        %swap3A_425 = tpu.vector_load %arg20[%swap3A_423, %swap3A_424] {strides = array<i32>} : memref<80x128xf32, #tpu.memory_space<vmem>>, vector<16xf32>,
        tpu.vector_store %arg20[%swap3A_423, %swap3A_424], %mul3A_422 {strides = array<i32>} : memref<80x128xf32, #tpu.memory_space<vmem>>, vector<16xf32>,
        %get3A_426 = arith.index_cast %add3A_401 : i32 to index
        %get3A_427 = arith.constant 48 : index
        %get3A_428 = tpu.vector_load %arg20[%get3A_426, %get3A_427] {strides = array<i32>} : memref<80x128xf32, #tpu.memory_space<vmem>>, vector<16xf32>,
        %mul3A_429 = vector.broadcast %squeeze3A_397 : f32 to vector<16xf32>
        %mul3A_430 = arith.mulf %get3A_428, %mul3A_429 : vector<16xf32>
        %swap3A_431 = arith.index_cast %add3A_401 : i32 to index
        %swap3A_432 = arith.constant 48 : index
        %swap3A_433 = tpu.vector_load %arg20[%swap3A_431, %swap3A_432] {strides = array<i32>} : memref<80x128xf32, #tpu.memory_space<vmem>>, vector<16xf32>,
        tpu.vector_store %arg20[%swap3A_431, %swap3A_432], %mul3A_430 {strides = array<i32>} : memref<80x128xf32, #tpu.memory_space<vmem>>, vector<16xf32>,
        %get3A_434 = arith.index_cast %add3A_401 : i32 to index
        %get3A_435 = arith.constant 64 : index
        %get3A_436 = tpu.vector_load %arg20[%get3A_434, %get3A_435] {strides = array<i32>} : memref<80x128xf32, #tpu.memory_space<vmem>>, vector<16xf32>,
        %mul3A_437 = vector.broadcast %squeeze3A_397 : f32 to vector<16xf32>
        %mul3A_438 = arith.mulf %get3A_436, %mul3A_437 : vector<16xf32>
        %swap3A_439 = arith.index_cast %add3A_401 : i32 to index
        %swap3A_440 = arith.constant 64 : index
        %swap3A_441 = tpu.vector_load %arg20[%swap3A_439, %swap3A_440] {strides = array<i32>} : memref<80x128xf32, #tpu.memory_space<vmem>>, vector<16xf32>,
        tpu.vector_store %arg20[%swap3A_439, %swap3A_440], %mul3A_438 {strides = array<i32>} : memref<80x128xf32, #tpu.memory_space<vmem>>, vector<16xf32>,
        %get3A_442 = arith.index_cast %add3A_401 : i32 to index
        %get3A_443 = arith.constant 80 : index
        %get3A_444 = tpu.vector_load %arg20[%get3A_442, %get3A_443] {strides = array<i32>} : memref<80x128xf32, #tpu.memory_space<vmem>>, vector<16xf32>,
        %mul3A_445 = vector.broadcast %squeeze3A_397 : f32 to vector<16xf32>
        %mul3A_446 = arith.mulf %get3A_444, %mul3A_445 : vector<16xf32>
        %swap3A_447 = arith.index_cast %add3A_401 : i32 to index
        %swap3A_448 = arith.constant 80 : index
        %swap3A_449 = tpu.vector_load %arg20[%swap3A_447, %swap3A_448] {strides = array<i32>} : memref<80x128xf32, #tpu.memory_space<vmem>>, vector<16xf32>,
        tpu.vector_store %arg20[%swap3A_447, %swap3A_448], %mul3A_446 {strides = array<i32>} : memref<80x128xf32, #tpu.memory_space<vmem>>, vector<16xf32>,
        %get3A_450 = arith.index_cast %add3A_401 : i32 to index
        %get3A_451 = arith.constant 96 : index
        %get3A_452 = tpu.vector_load %arg20[%get3A_450, %get3A_451] {strides = array<i32>} : memref<80x128xf32, #tpu.memory_space<vmem>>, vector<16xf32>,
        %mul3A_453 = vector.broadcast %squeeze3A_397 : f32 to vector<16xf32>
        %mul3A_454 = arith.mulf %get3A_452, %mul3A_453 : vector<16xf32>
        %swap3A_455 = arith.index_cast %add3A_401 : i32 to index
        %swap3A_456 = arith.constant 96 : index
        %swap3A_457 = tpu.vector_load %arg20[%swap3A_455, %swap3A_456] {strides = array<i32>} : memref<80x128xf32, #tpu.memory_space<vmem>>, vector<16xf32>,
        tpu.vector_store %arg20[%swap3A_455, %swap3A_456], %mul3A_454 {strides = array<i32>} : memref<80x128xf32, #tpu.memory_space<vmem>>, vector<16xf32>,
        %get3A_458 = arith.index_cast %add3A_401 : i32 to index
        %get3A_459 = arith.constant 112 : index
        %get3A_460 = tpu.vector_load %arg20[%get3A_458, %get3A_459] {strides = array<i32>} : memref<80x128xf32, #tpu.memory_space<vmem>>, vector<16xf32>,
        %mul3A_461 = vector.broadcast %squeeze3A_397 : f32 to vector<16xf32>
        %mul3A_462 = arith.mulf %get3A_460, %mul3A_461 : vector<16xf32>
        %swap3A_463 = arith.index_cast %add3A_401 : i32 to index
        %swap3A_464 = arith.constant 112 : index
        %swap3A_465 = tpu.vector_load %arg20[%swap3A_463, %swap3A_464] {strides = array<i32>} : memref<80x128xf32, #tpu.memory_space<vmem>>, vector<16xf32>,
        tpu.vector_store %arg20[%swap3A_463, %swap3A_464], %mul3A_462 {strides = array<i32>} : memref<80x128xf32, #tpu.memory_space<vmem>>, vector<16xf32>,
        %slice3A_466 = vector.extract_strided_slice %get3A_188 {offsets = [4], sizes = [1], strides = [1]} : vector<16xf32> to vector<1xf32>
        %squeeze3A_467 = vector.extract %slice3A_466[0] : f32 from vector<1xf32>
        %mul3A_468 = arith.constant 16 : i32
        %mul3A_469 = arith.muli %scan3A_185, %mul3A_468 : i32
        %add3A_470 = arith.constant 4 : i32
        %add3A_471 = arith.addi %mul3A_469, %add3A_470 : i32
        %get3A_472 = arith.index_cast %add3A_471 : i32 to index
        %get3A_473 = arith.constant 0 : index
        %get3A_474 = tpu.vector_load %arg20[%get3A_472, %get3A_473] {strides = array<i32>} : memref<80x128xf32, #tpu.memory_space<vmem>>, vector<16xf32>,
        %mul3A_475 = vector.broadcast %squeeze3A_467 : f32 to vector<16xf32>
        %mul3A_476 = arith.mulf %get3A_474, %mul3A_475 : vector<16xf32>
        %swap3A_477 = arith.index_cast %add3A_471 : i32 to index
        %swap3A_478 = arith.constant 0 : index
        %swap3A_479 = tpu.vector_load %arg20[%swap3A_477, %swap3A_478] {strides = array<i32>} : memref<80x128xf32, #tpu.memory_space<vmem>>, vector<16xf32>,
        tpu.vector_store %arg20[%swap3A_477, %swap3A_478], %mul3A_476 {strides = array<i32>} : memref<80x128xf32, #tpu.memory_space<vmem>>, vector<16xf32>,
        %get3A_480 = arith.index_cast %add3A_471 : i32 to index
        %get3A_481 = arith.constant 16 : index
        %get3A_482 = tpu.vector_load %arg20[%get3A_480, %get3A_481] {strides = array<i32>} : memref<80x128xf32, #tpu.memory_space<vmem>>, vector<16xf32>,
        %mul3A_483 = vector.broadcast %squeeze3A_467 : f32 to vector<16xf32>
        %mul3A_484 = arith.mulf %get3A_482, %mul3A_483 : vector<16xf32>
        %swap3A_485 = arith.index_cast %add3A_471 : i32 to index
        %swap3A_486 = arith.constant 16 : index
        %swap3A_487 = tpu.vector_load %arg20[%swap3A_485, %swap3A_486] {strides = array<i32>} : memref<80x128xf32, #tpu.memory_space<vmem>>, vector<16xf32>,
        tpu.vector_store %arg20[%swap3A_485, %swap3A_486], %mul3A_484 {strides = array<i32>} : memref<80x128xf32, #tpu.memory_space<vmem>>, vector<16xf32>,
        %get3A_488 = arith.index_cast %add3A_471 : i32 to index
        %get3A_489 = arith.constant 32 : index
        %get3A_490 = tpu.vector_load %arg20[%get3A_488, %get3A_489] {strides = array<i32>} : memref<80x128xf32, #tpu.memory_space<vmem>>, vector<16xf32>,
        %mul3A_491 = vector.broadcast %squeeze3A_467 : f32 to vector<16xf32>
        %mul3A_492 = arith.mulf %get3A_490, %mul3A_491 : vector<16xf32>
        %swap3A_493 = arith.index_cast %add3A_471 : i32 to index
        %swap3A_494 = arith.constant 32 : index
        %swap3A_495 = tpu.vector_load %arg20[%swap3A_493, %swap3A_494] {strides = array<i32>} : memref<80x128xf32, #tpu.memory_space<vmem>>, vector<16xf32>,
        tpu.vector_store %arg20[%swap3A_493, %swap3A_494], %mul3A_492 {strides = array<i32>} : memref<80x128xf32, #tpu.memory_space<vmem>>, vector<16xf32>,
        %get3A_496 = arith.index_cast %add3A_471 : i32 to index
        %get3A_497 = arith.constant 48 : index
        %get3A_498 = tpu.vector_load %arg20[%get3A_496, %get3A_497] {strides = array<i32>} : memref<80x128xf32, #tpu.memory_space<vmem>>, vector<16xf32>,
        %mul3A_499 = vector.broadcast %squeeze3A_467 : f32 to vector<16xf32>
        %mul3A_500 = arith.mulf %get3A_498, %mul3A_499 : vector<16xf32>
        %swap3A_501 = arith.index_cast %add3A_471 : i32 to index
        %swap3A_502 = arith.constant 48 : index
        %swap3A_503 = tpu.vector_load %arg20[%swap3A_501, %swap3A_502] {strides = array<i32>} : memref<80x128xf32, #tpu.memory_space<vmem>>, vector<16xf32>,
        tpu.vector_store %arg20[%swap3A_501, %swap3A_502], %mul3A_500 {strides = array<i32>} : memref<80x128xf32, #tpu.memory_space<vmem>>, vector<16xf32>,
        %get3A_504 = arith.index_cast %add3A_471 : i32 to index
        %get3A_505 = arith.constant 64 : index
        %get3A_506 = tpu.vector_load %arg20[%get3A_504, %get3A_505] {strides = array<i32>} : memref<80x128xf32, #tpu.memory_space<vmem>>, vector<16xf32>,
        %mul3A_507 = vector.broadcast %squeeze3A_467 : f32 to vector<16xf32>
        %mul3A_508 = arith.mulf %get3A_506, %mul3A_507 : vector<16xf32>
        %swap3A_509 = arith.index_cast %add3A_471 : i32 to index
        %swap3A_510 = arith.constant 64 : index
        %swap3A_511 = tpu.vector_load %arg20[%swap3A_509, %swap3A_510] {strides = array<i32>} : memref<80x128xf32, #tpu.memory_space<vmem>>, vector<16xf32>,
        tpu.vector_store %arg20[%swap3A_509, %swap3A_510], %mul3A_508 {strides = array<i32>} : memref<80x128xf32, #tpu.memory_space<vmem>>, vector<16xf32>,
        %get3A_512 = arith.index_cast %add3A_471 : i32 to index
        %get3A_513 = arith.constant 80 : index
        %get3A_514 = tpu.vector_load %arg20[%get3A_512, %get3A_513] {strides = array<i32>} : memref<80x128xf32, #tpu.memory_space<vmem>>, vector<16xf32>,
        %mul3A_515 = vector.broadcast %squeeze3A_467 : f32 to vector<16xf32>
        %mul3A_516 = arith.mulf %get3A_514, %mul3A_515 : vector<16xf32>
        %swap3A_517 = arith.index_cast %add3A_471 : i32 to index
        %swap3A_518 = arith.constant 80 : index
        %swap3A_519 = tpu.vector_load %arg20[%swap3A_517, %swap3A_518] {strides = array<i32>} : memref<80x128xf32, #tpu.memory_space<vmem>>, vector<16xf32>,
        tpu.vector_store %arg20[%swap3A_517, %swap3A_518], %mul3A_516 {strides = array<i32>} : memref<80x128xf32, #tpu.memory_space<vmem>>, vector<16xf32>,
        %get3A_520 = arith.index_cast %add3A_471 : i32 to index
        %get3A_521 = arith.constant 96 : index
        %get3A_522 = tpu.vector_load %arg20[%get3A_520, %get3A_521] {strides = array<i32>} : memref<80x128xf32, #tpu.memory_space<vmem>>, vector<16xf32>,
        %mul3A_523 = vector.broadcast %squeeze3A_467 : f32 to vector<16xf32>
        %mul3A_524 = arith.mulf %get3A_522, %mul3A_523 : vector<16xf32>
        %swap3A_525 = arith.index_cast %add3A_471 : i32 to index
        %swap3A_526 = arith.constant 96 : index
        %swap3A_527 = tpu.vector_load %arg20[%swap3A_525, %swap3A_526] {strides = array<i32>} : memref<80x128xf32, #tpu.memory_space<vmem>>, vector<16xf32>,
        tpu.vector_store %arg20[%swap3A_525, %swap3A_526], %mul3A_524 {strides = array<i32>} : memref<80x128xf32, #tpu.memory_space<vmem>>, vector<16xf32>,
        %get3A_528 = arith.index_cast %add3A_471 : i32 to index
        %get3A_529 = arith.constant 112 : index
        %get3A_530 = tpu.vector_load %arg20[%get3A_528, %get3A_529] {strides = array<i32>} : memref<80x128xf32, #tpu.memory_space<vmem>>, vector<16xf32>,
        %mul3A_531 = vector.broadcast %squeeze3A_467 : f32 to vector<16xf32>
        %mul3A_532 = arith.mulf %get3A_530, %mul3A_531 : vector<16xf32>
        %swap3A_533 = arith.index_cast %add3A_471 : i32 to index
        %swap3A_534 = arith.constant 112 : index
        %swap3A_535 = tpu.vector_load %arg20[%swap3A_533, %swap3A_534] {strides = array<i32>} : memref<80x128xf32, #tpu.memory_space<vmem>>, vector<16xf32>,
        tpu.vector_store %arg20[%swap3A_533, %swap3A_534], %mul3A_532 {strides = array<i32>} : memref<80x128xf32, #tpu.memory_space<vmem>>, vector<16xf32>,
        %slice3A_536 = vector.extract_strided_slice %get3A_188 {offsets = [5], sizes = [1], strides = [1]} : vector<16xf32> to vector<1xf32>
        %squeeze3A_537 = vector.extract %slice3A_536[0] : f32 from vector<1xf32>
        %mul3A_538 = arith.constant 16 : i32
        %mul3A_539 = arith.muli %scan3A_185, %mul3A_538 : i32
        %add3A_540 = arith.constant 5 : i32
        %add3A_541 = arith.addi %mul3A_539, %add3A_540 : i32
        %get3A_542 = arith.index_cast %add3A_541 : i32 to index
        %get3A_543 = arith.constant 0 : index
        %get3A_544 = tpu.vector_load %arg20[%get3A_542, %get3A_543] {strides = array<i32>} : memref<80x128xf32, #tpu.memory_space<vmem>>, vector<16xf32>,
        %mul3A_545 = vector.broadcast %squeeze3A_537 : f32 to vector<16xf32>
        %mul3A_546 = arith.mulf %get3A_544, %mul3A_545 : vector<16xf32>
        %swap3A_547 = arith.index_cast %add3A_541 : i32 to index
        %swap3A_548 = arith.constant 0 : index
        %swap3A_549 = tpu.vector_load %arg20[%swap3A_547, %swap3A_548] {strides = array<i32>} : memref<80x128xf32, #tpu.memory_space<vmem>>, vector<16xf32>,
        tpu.vector_store %arg20[%swap3A_547, %swap3A_548], %mul3A_546 {strides = array<i32>} : memref<80x128xf32, #tpu.memory_space<vmem>>, vector<16xf32>,
        %get3A_550 = arith.index_cast %add3A_541 : i32 to index
        %get3A_551 = arith.constant 16 : index
        %get3A_552 = tpu.vector_load %arg20[%get3A_550, %get3A_551] {strides = array<i32>} : memref<80x128xf32, #tpu.memory_space<vmem>>, vector<16xf32>,
        %mul3A_553 = vector.broadcast %squeeze3A_537 : f32 to vector<16xf32>
        %mul3A_554 = arith.mulf %get3A_552, %mul3A_553 : vector<16xf32>
        %swap3A_555 = arith.index_cast %add3A_541 : i32 to index
        %swap3A_556 = arith.constant 16 : index
        %swap3A_557 = tpu.vector_load %arg20[%swap3A_555, %swap3A_556] {strides = array<i32>} : memref<80x128xf32, #tpu.memory_space<vmem>>, vector<16xf32>,
        tpu.vector_store %arg20[%swap3A_555, %swap3A_556], %mul3A_554 {strides = array<i32>} : memref<80x128xf32, #tpu.memory_space<vmem>>, vector<16xf32>,
        %get3A_558 = arith.index_cast %add3A_541 : i32 to index
        %get3A_559 = arith.constant 32 : index
        %get3A_560 = tpu.vector_load %arg20[%get3A_558, %get3A_559] {strides = array<i32>} : memref<80x128xf32, #tpu.memory_space<vmem>>, vector<16xf32>,
        %mul3A_561 = vector.broadcast %squeeze3A_537 : f32 to vector<16xf32>
        %mul3A_562 = arith.mulf %get3A_560, %mul3A_561 : vector<16xf32>
        %swap3A_563 = arith.index_cast %add3A_541 : i32 to index
        %swap3A_564 = arith.constant 32 : index
        %swap3A_565 = tpu.vector_load %arg20[%swap3A_563, %swap3A_564] {strides = array<i32>} : memref<80x128xf32, #tpu.memory_space<vmem>>, vector<16xf32>,
        tpu.vector_store %arg20[%swap3A_563, %swap3A_564], %mul3A_562 {strides = array<i32>} : memref<80x128xf32, #tpu.memory_space<vmem>>, vector<16xf32>,
        %get3A_566 = arith.index_cast %add3A_541 : i32 to index
        %get3A_567 = arith.constant 48 : index
        %get3A_568 = tpu.vector_load %arg20[%get3A_566, %get3A_567] {strides = array<i32>} : memref<80x128xf32, #tpu.memory_space<vmem>>, vector<16xf32>,
        %mul3A_569 = vector.broadcast %squeeze3A_537 : f32 to vector<16xf32>
        %mul3A_570 = arith.mulf %get3A_568, %mul3A_569 : vector<16xf32>
        %swap3A_571 = arith.index_cast %add3A_541 : i32 to index
        %swap3A_572 = arith.constant 48 : index
        %swap3A_573 = tpu.vector_load %arg20[%swap3A_571, %swap3A_572] {strides = array<i32>} : memref<80x128xf32, #tpu.memory_space<vmem>>, vector<16xf32>,
        tpu.vector_store %arg20[%swap3A_571, %swap3A_572], %mul3A_570 {strides = array<i32>} : memref<80x128xf32, #tpu.memory_space<vmem>>, vector<16xf32>,
        %get3A_574 = arith.index_cast %add3A_541 : i32 to index
        %get3A_575 = arith.constant 64 : index
        %get3A_576 = tpu.vector_load %arg20[%get3A_574, %get3A_575] {strides = array<i32>} : memref<80x128xf32, #tpu.memory_space<vmem>>, vector<16xf32>,
        %mul3A_577 = vector.broadcast %squeeze3A_537 : f32 to vector<16xf32>
        %mul3A_578 = arith.mulf %get3A_576, %mul3A_577 : vector<16xf32>
        %swap3A_579 = arith.index_cast %add3A_541 : i32 to index
        %swap3A_580 = arith.constant 64 : index
        %swap3A_581 = tpu.vector_load %arg20[%swap3A_579, %swap3A_580] {strides = array<i32>} : memref<80x128xf32, #tpu.memory_space<vmem>>, vector<16xf32>,
        tpu.vector_store %arg20[%swap3A_579, %swap3A_580], %mul3A_578 {strides = array<i32>} : memref<80x128xf32, #tpu.memory_space<vmem>>, vector<16xf32>,
        %get3A_582 = arith.index_cast %add3A_541 : i32 to index
        %get3A_583 = arith.constant 80 : index
        %get3A_584 = tpu.vector_load %arg20[%get3A_582, %get3A_583] {strides = array<i32>} : memref<80x128xf32, #tpu.memory_space<vmem>>, vector<16xf32>,
        %mul3A_585 = vector.broadcast %squeeze3A_537 : f32 to vector<16xf32>
        %mul3A_586 = arith.mulf %get3A_584, %mul3A_585 : vector<16xf32>
        %swap3A_587 = arith.index_cast %add3A_541 : i32 to index
        %swap3A_588 = arith.constant 80 : index
        %swap3A_589 = tpu.vector_load %arg20[%swap3A_587, %swap3A_588] {strides = array<i32>} : memref<80x128xf32, #tpu.memory_space<vmem>>, vector<16xf32>,
        tpu.vector_store %arg20[%swap3A_587, %swap3A_588], %mul3A_586 {strides = array<i32>} : memref<80x128xf32, #tpu.memory_space<vmem>>, vector<16xf32>,
        %get3A_590 = arith.index_cast %add3A_541 : i32 to index
        %get3A_591 = arith.constant 96 : index
        %get3A_592 = tpu.vector_load %arg20[%get3A_590, %get3A_591] {strides = array<i32>} : memref<80x128xf32, #tpu.memory_space<vmem>>, vector<16xf32>,
        %mul3A_593 = vector.broadcast %squeeze3A_537 : f32 to vector<16xf32>
        %mul3A_594 = arith.mulf %get3A_592, %mul3A_593 : vector<16xf32>
        %swap3A_595 = arith.index_cast %add3A_541 : i32 to index
        %swap3A_596 = arith.constant 96 : index
        %swap3A_597 = tpu.vector_load %arg20[%swap3A_595, %swap3A_596] {strides = array<i32>} : memref<80x128xf32, #tpu.memory_space<vmem>>, vector<16xf32>,
        tpu.vector_store %arg20[%swap3A_595, %swap3A_596], %mul3A_594 {strides = array<i32>} : memref<80x128xf32, #tpu.memory_space<vmem>>, vector<16xf32>,
        %get3A_598 = arith.index_cast %add3A_541 : i32 to index
        %get3A_599 = arith.constant 112 : index
        %get3A_600 = tpu.vector_load %arg20[%get3A_598, %get3A_599] {strides = array<i32>} : memref<80x128xf32, #tpu.memory_space<vmem>>, vector<16xf32>,
        %mul3A_601 = vector.broadcast %squeeze3A_537 : f32 to vector<16xf32>
        %mul3A_602 = arith.mulf %get3A_600, %mul3A_601 : vector<16xf32>
        %swap3A_603 = arith.index_cast %add3A_541 : i32 to index
        %swap3A_604 = arith.constant 112 : index
        %swap3A_605 = tpu.vector_load %arg20[%swap3A_603, %swap3A_604] {strides = array<i32>} : memref<80x128xf32, #tpu.memory_space<vmem>>, vector<16xf32>,
        tpu.vector_store %arg20[%swap3A_603, %swap3A_604], %mul3A_602 {strides = array<i32>} : memref<80x128xf32, #tpu.memory_space<vmem>>, vector<16xf32>,
        %slice3A_606 = vector.extract_strided_slice %get3A_188 {offsets = [6], sizes = [1], strides = [1]} : vector<16xf32> to vector<1xf32>
        %squeeze3A_607 = vector.extract %slice3A_606[0] : f32 from vector<1xf32>
        %mul3A_608 = arith.constant 16 : i32
        %mul3A_609 = arith.muli %scan3A_185, %mul3A_608 : i32
        %add3A_610 = arith.constant 6 : i32
        %add3A_611 = arith.addi %mul3A_609, %add3A_610 : i32
        %get3A_612 = arith.index_cast %add3A_611 : i32 to index
        %get3A_613 = arith.constant 0 : index
        %get3A_614 = tpu.vector_load %arg20[%get3A_612, %get3A_613] {strides = array<i32>} : memref<80x128xf32, #tpu.memory_space<vmem>>, vector<16xf32>,
        %mul3A_615 = vector.broadcast %squeeze3A_607 : f32 to vector<16xf32>
        %mul3A_616 = arith.mulf %get3A_614, %mul3A_615 : vector<16xf32>
        %swap3A_617 = arith.index_cast %add3A_611 : i32 to index
        %swap3A_618 = arith.constant 0 : index
        %swap3A_619 = tpu.vector_load %arg20[%swap3A_617, %swap3A_618] {strides = array<i32>} : memref<80x128xf32, #tpu.memory_space<vmem>>, vector<16xf32>,
        tpu.vector_store %arg20[%swap3A_617, %swap3A_618], %mul3A_616 {strides = array<i32>} : memref<80x128xf32, #tpu.memory_space<vmem>>, vector<16xf32>,
        %get3A_620 = arith.index_cast %add3A_611 : i32 to index
        %get3A_621 = arith.constant 16 : index
        %get3A_622 = tpu.vector_load %arg20[%get3A_620, %get3A_621] {strides = array<i32>} : memref<80x128xf32, #tpu.memory_space<vmem>>, vector<16xf32>,
        %mul3A_623 = vector.broadcast %squeeze3A_607 : f32 to vector<16xf32>
        %mul3A_624 = arith.mulf %get3A_622, %mul3A_623 : vector<16xf32>
        %swap3A_625 = arith.index_cast %add3A_611 : i32 to index
        %swap3A_626 = arith.constant 16 : index
        %swap3A_627 = tpu.vector_load %arg20[%swap3A_625, %swap3A_626] {strides = array<i32>} : memref<80x128xf32, #tpu.memory_space<vmem>>, vector<16xf32>,
        tpu.vector_store %arg20[%swap3A_625, %swap3A_626], %mul3A_624 {strides = array<i32>} : memref<80x128xf32, #tpu.memory_space<vmem>>, vector<16xf32>,
        %get3A_628 = arith.index_cast %add3A_611 : i32 to index
        %get3A_629 = arith.constant 32 : index
        %get3A_630 = tpu.vector_load %arg20[%get3A_628, %get3A_629] {strides = array<i32>} : memref<80x128xf32, #tpu.memory_space<vmem>>, vector<16xf32>,
        %mul3A_631 = vector.broadcast %squeeze3A_607 : f32 to vector<16xf32>
        %mul3A_632 = arith.mulf %get3A_630, %mul3A_631 : vector<16xf32>
        %swap3A_633 = arith.index_cast %add3A_611 : i32 to index
        %swap3A_634 = arith.constant 32 : index
        %swap3A_635 = tpu.vector_load %arg20[%swap3A_633, %swap3A_634] {strides = array<i32>} : memref<80x128xf32, #tpu.memory_space<vmem>>, vector<16xf32>,
        tpu.vector_store %arg20[%swap3A_633, %swap3A_634], %mul3A_632 {strides = array<i32>} : memref<80x128xf32, #tpu.memory_space<vmem>>, vector<16xf32>,
        %get3A_636 = arith.index_cast %add3A_611 : i32 to index
        %get3A_637 = arith.constant 48 : index
        %get3A_638 = tpu.vector_load %arg20[%get3A_636, %get3A_637] {strides = array<i32>} : memref<80x128xf32, #tpu.memory_space<vmem>>, vector<16xf32>,
        %mul3A_639 = vector.broadcast %squeeze3A_607 : f32 to vector<16xf32>
        %mul3A_640 = arith.mulf %get3A_638, %mul3A_639 : vector<16xf32>
        %swap3A_641 = arith.index_cast %add3A_611 : i32 to index
        %swap3A_642 = arith.constant 48 : index
        %swap3A_643 = tpu.vector_load %arg20[%swap3A_641, %swap3A_642] {strides = array<i32>} : memref<80x128xf32, #tpu.memory_space<vmem>>, vector<16xf32>,
        tpu.vector_store %arg20[%swap3A_641, %swap3A_642], %mul3A_640 {strides = array<i32>} : memref<80x128xf32, #tpu.memory_space<vmem>>, vector<16xf32>,
        %get3A_644 = arith.index_cast %add3A_611 : i32 to index
        %get3A_645 = arith.constant 64 : index
        %get3A_646 = tpu.vector_load %arg20[%get3A_644, %get3A_645] {strides = array<i32>} : memref<80x128xf32, #tpu.memory_space<vmem>>, vector<16xf32>,
        %mul3A_647 = vector.broadcast %squeeze3A_607 : f32 to vector<16xf32>
        %mul3A_648 = arith.mulf %get3A_646, %mul3A_647 : vector<16xf32>
        %swap3A_649 = arith.index_cast %add3A_611 : i32 to index
        %swap3A_650 = arith.constant 64 : index
        %swap3A_651 = tpu.vector_load %arg20[%swap3A_649, %swap3A_650] {strides = array<i32>} : memref<80x128xf32, #tpu.memory_space<vmem>>, vector<16xf32>,
        tpu.vector_store %arg20[%swap3A_649, %swap3A_650], %mul3A_648 {strides = array<i32>} : memref<80x128xf32, #tpu.memory_space<vmem>>, vector<16xf32>,
        %get3A_652 = arith.index_cast %add3A_611 : i32 to index
        %get3A_653 = arith.constant 80 : index
        %get3A_654 = tpu.vector_load %arg20[%get3A_652, %get3A_653] {strides = array<i32>} : memref<80x128xf32, #tpu.memory_space<vmem>>, vector<16xf32>,
        %mul3A_655 = vector.broadcast %squeeze3A_607 : f32 to vector<16xf32>
        %mul3A_656 = arith.mulf %get3A_654, %mul3A_655 : vector<16xf32>
        %swap3A_657 = arith.index_cast %add3A_611 : i32 to index
        %swap3A_658 = arith.constant 80 : index
        %swap3A_659 = tpu.vector_load %arg20[%swap3A_657, %swap3A_658] {strides = array<i32>} : memref<80x128xf32, #tpu.memory_space<vmem>>, vector<16xf32>,
        tpu.vector_store %arg20[%swap3A_657, %swap3A_658], %mul3A_656 {strides = array<i32>} : memref<80x128xf32, #tpu.memory_space<vmem>>, vector<16xf32>,
        %get3A_660 = arith.index_cast %add3A_611 : i32 to index
        %get3A_661 = arith.constant 96 : index
        %get3A_662 = tpu.vector_load %arg20[%get3A_660, %get3A_661] {strides = array<i32>} : memref<80x128xf32, #tpu.memory_space<vmem>>, vector<16xf32>,
        %mul3A_663 = vector.broadcast %squeeze3A_607 : f32 to vector<16xf32>
        %mul3A_664 = arith.mulf %get3A_662, %mul3A_663 : vector<16xf32>
        %swap3A_665 = arith.index_cast %add3A_611 : i32 to index
        %swap3A_666 = arith.constant 96 : index
        %swap3A_667 = tpu.vector_load %arg20[%swap3A_665, %swap3A_666] {strides = array<i32>} : memref<80x128xf32, #tpu.memory_space<vmem>>, vector<16xf32>,
        tpu.vector_store %arg20[%swap3A_665, %swap3A_666], %mul3A_664 {strides = array<i32>} : memref<80x128xf32, #tpu.memory_space<vmem>>, vector<16xf32>,
        %get3A_668 = arith.index_cast %add3A_611 : i32 to index
        %get3A_669 = arith.constant 112 : index
        %get3A_670 = tpu.vector_load %arg20[%get3A_668, %get3A_669] {strides = array<i32>} : memref<80x128xf32, #tpu.memory_space<vmem>>, vector<16xf32>,
        %mul3A_671 = vector.broadcast %squeeze3A_607 : f32 to vector<16xf32>
        %mul3A_672 = arith.mulf %get3A_670, %mul3A_671 : vector<16xf32>
        %swap3A_673 = arith.index_cast %add3A_611 : i32 to index
        %swap3A_674 = arith.constant 112 : index
        %swap3A_675 = tpu.vector_load %arg20[%swap3A_673, %swap3A_674] {strides = array<i32>} : memref<80x128xf32, #tpu.memory_space<vmem>>, vector<16xf32>,
        tpu.vector_store %arg20[%swap3A_673, %swap3A_674], %mul3A_672 {strides = array<i32>} : memref<80x128xf32, #tpu.memory_space<vmem>>, vector<16xf32>,
        %slice3A_676 = vector.extract_strided_slice %get3A_188 {offsets = [7], sizes = [1], strides = [1]} : vector<16xf32> to vector<1xf32>
        %squeeze3A_677 = vector.extract %slice3A_676[0] : f32 from vector<1xf32>
        %mul3A_678 = arith.constant 16 : i32
        %mul3A_679 = arith.muli %scan3A_185, %mul3A_678 : i32
        %add3A_680 = arith.constant 7 : i32
        %add3A_681 = arith.addi %mul3A_679, %add3A_680 : i32
        %get3A_682 = arith.index_cast %add3A_681 : i32 to index
        %get3A_683 = arith.constant 0 : index
        %get3A_684 = tpu.vector_load %arg20[%get3A_682, %get3A_683] {strides = array<i32>} : memref<80x128xf32, #tpu.memory_space<vmem>>, vector<16xf32>,
        %mul3A_685 = vector.broadcast %squeeze3A_677 : f32 to vector<16xf32>
        %mul3A_686 = arith.mulf %get3A_684, %mul3A_685 : vector<16xf32>
        %swap3A_687 = arith.index_cast %add3A_681 : i32 to index
        %swap3A_688 = arith.constant 0 : index
        %swap3A_689 = tpu.vector_load %arg20[%swap3A_687, %swap3A_688] {strides = array<i32>} : memref<80x128xf32, #tpu.memory_space<vmem>>, vector<16xf32>,
        tpu.vector_store %arg20[%swap3A_687, %swap3A_688], %mul3A_686 {strides = array<i32>} : memref<80x128xf32, #tpu.memory_space<vmem>>, vector<16xf32>,
        %get3A_690 = arith.index_cast %add3A_681 : i32 to index
        %get3A_691 = arith.constant 16 : index
        %get3A_692 = tpu.vector_load %arg20[%get3A_690, %get3A_691] {strides = array<i32>} : memref<80x128xf32, #tpu.memory_space<vmem>>, vector<16xf32>,
        %mul3A_693 = vector.broadcast %squeeze3A_677 : f32 to vector<16xf32>
        %mul3A_694 = arith.mulf %get3A_692, %mul3A_693 : vector<16xf32>
        %swap3A_695 = arith.index_cast %add3A_681 : i32 to index
        %swap3A_696 = arith.constant 16 : index
        %swap3A_697 = tpu.vector_load %arg20[%swap3A_695, %swap3A_696] {strides = array<i32>} : memref<80x128xf32, #tpu.memory_space<vmem>>, vector<16xf32>,
        tpu.vector_store %arg20[%swap3A_695, %swap3A_696], %mul3A_694 {strides = array<i32>} : memref<80x128xf32, #tpu.memory_space<vmem>>, vector<16xf32>,
        %get3A_698 = arith.index_cast %add3A_681 : i32 to index
        %get3A_699 = arith.constant 32 : index
        %get3A_700 = tpu.vector_load %arg20[%get3A_698, %get3A_699] {strides = array<i32>} : memref<80x128xf32, #tpu.memory_space<vmem>>, vector<16xf32>,
        %mul3A_701 = vector.broadcast %squeeze3A_677 : f32 to vector<16xf32>
        %mul3A_702 = arith.mulf %get3A_700, %mul3A_701 : vector<16xf32>
        %swap3A_703 = arith.index_cast %add3A_681 : i32 to index
        %swap3A_704 = arith.constant 32 : index
        %swap3A_705 = tpu.vector_load %arg20[%swap3A_703, %swap3A_704] {strides = array<i32>} : memref<80x128xf32, #tpu.memory_space<vmem>>, vector<16xf32>,
        tpu.vector_store %arg20[%swap3A_703, %swap3A_704], %mul3A_702 {strides = array<i32>} : memref<80x128xf32, #tpu.memory_space<vmem>>, vector<16xf32>,
        %get3A_706 = arith.index_cast %add3A_681 : i32 to index
        %get3A_707 = arith.constant 48 : index
        %get3A_708 = tpu.vector_load %arg20[%get3A_706, %get3A_707] {strides = array<i32>} : memref<80x128xf32, #tpu.memory_space<vmem>>, vector<16xf32>,
        %mul3A_709 = vector.broadcast %squeeze3A_677 : f32 to vector<16xf32>
        %mul3A_710 = arith.mulf %get3A_708, %mul3A_709 : vector<16xf32>
        %swap3A_711 = arith.index_cast %add3A_681 : i32 to index
        %swap3A_712 = arith.constant 48 : index
        %swap3A_713 = tpu.vector_load %arg20[%swap3A_711, %swap3A_712] {strides = array<i32>} : memref<80x128xf32, #tpu.memory_space<vmem>>, vector<16xf32>,
        tpu.vector_store %arg20[%swap3A_711, %swap3A_712], %mul3A_710 {strides = array<i32>} : memref<80x128xf32, #tpu.memory_space<vmem>>, vector<16xf32>,
        %get3A_714 = arith.index_cast %add3A_681 : i32 to index
        %get3A_715 = arith.constant 64 : index
        %get3A_716 = tpu.vector_load %arg20[%get3A_714, %get3A_715] {strides = array<i32>} : memref<80x128xf32, #tpu.memory_space<vmem>>, vector<16xf32>,
        %mul3A_717 = vector.broadcast %squeeze3A_677 : f32 to vector<16xf32>
        %mul3A_718 = arith.mulf %get3A_716, %mul3A_717 : vector<16xf32>
        %swap3A_719 = arith.index_cast %add3A_681 : i32 to index
        %swap3A_720 = arith.constant 64 : index
        %swap3A_721 = tpu.vector_load %arg20[%swap3A_719, %swap3A_720] {strides = array<i32>} : memref<80x128xf32, #tpu.memory_space<vmem>>, vector<16xf32>,
        tpu.vector_store %arg20[%swap3A_719, %swap3A_720], %mul3A_718 {strides = array<i32>} : memref<80x128xf32, #tpu.memory_space<vmem>>, vector<16xf32>,
        %get3A_722 = arith.index_cast %add3A_681 : i32 to index
        %get3A_723 = arith.constant 80 : index
        %get3A_724 = tpu.vector_load %arg20[%get3A_722, %get3A_723] {strides = array<i32>} : memref<80x128xf32, #tpu.memory_space<vmem>>, vector<16xf32>,
        %mul3A_725 = vector.broadcast %squeeze3A_677 : f32 to vector<16xf32>
        %mul3A_726 = arith.mulf %get3A_724, %mul3A_725 : vector<16xf32>
        %swap3A_727 = arith.index_cast %add3A_681 : i32 to index
        %swap3A_728 = arith.constant 80 : index
        %swap3A_729 = tpu.vector_load %arg20[%swap3A_727, %swap3A_728] {strides = array<i32>} : memref<80x128xf32, #tpu.memory_space<vmem>>, vector<16xf32>,
        tpu.vector_store %arg20[%swap3A_727, %swap3A_728], %mul3A_726 {strides = array<i32>} : memref<80x128xf32, #tpu.memory_space<vmem>>, vector<16xf32>,
        %get3A_730 = arith.index_cast %add3A_681 : i32 to index
        %get3A_731 = arith.constant 96 : index
        %get3A_732 = tpu.vector_load %arg20[%get3A_730, %get3A_731] {strides = array<i32>} : memref<80x128xf32, #tpu.memory_space<vmem>>, vector<16xf32>,
        %mul3A_733 = vector.broadcast %squeeze3A_677 : f32 to vector<16xf32>
        %mul3A_734 = arith.mulf %get3A_732, %mul3A_733 : vector<16xf32>
        %swap3A_735 = arith.index_cast %add3A_681 : i32 to index
        %swap3A_736 = arith.constant 96 : index
        %swap3A_737 = tpu.vector_load %arg20[%swap3A_735, %swap3A_736] {strides = array<i32>} : memref<80x128xf32, #tpu.memory_space<vmem>>, vector<16xf32>,
        tpu.vector_store %arg20[%swap3A_735, %swap3A_736], %mul3A_734 {strides = array<i32>} : memref<80x128xf32, #tpu.memory_space<vmem>>, vector<16xf32>,
        %get3A_738 = arith.index_cast %add3A_681 : i32 to index
        %get3A_739 = arith.constant 112 : index
        %get3A_740 = tpu.vector_load %arg20[%get3A_738, %get3A_739] {strides = array<i32>} : memref<80x128xf32, #tpu.memory_space<vmem>>, vector<16xf32>,
        %mul3A_741 = vector.broadcast %squeeze3A_677 : f32 to vector<16xf32>
        %mul3A_742 = arith.mulf %get3A_740, %mul3A_741 : vector<16xf32>
        %swap3A_743 = arith.index_cast %add3A_681 : i32 to index
        %swap3A_744 = arith.constant 112 : index
        %swap3A_745 = tpu.vector_load %arg20[%swap3A_743, %swap3A_744] {strides = array<i32>} : memref<80x128xf32, #tpu.memory_space<vmem>>, vector<16xf32>,
        tpu.vector_store %arg20[%swap3A_743, %swap3A_744], %mul3A_742 {strides = array<i32>} : memref<80x128xf32, #tpu.memory_space<vmem>>, vector<16xf32>,
        %slice3A_746 = vector.extract_strided_slice %get3A_188 {offsets = [8], sizes = [1], strides = [1]} : vector<16xf32> to vector<1xf32>
        %squeeze3A_747 = vector.extract %slice3A_746[0] : f32 from vector<1xf32>
        %mul3A_748 = arith.constant 16 : i32
        %mul3A_749 = arith.muli %scan3A_185, %mul3A_748 : i32
        %add3A_750 = arith.constant 8 : i32
        %add3A_751 = arith.addi %mul3A_749, %add3A_750 : i32
        %get3A_752 = arith.index_cast %add3A_751 : i32 to index
        %get3A_753 = arith.constant 0 : index
        %get3A_754 = tpu.vector_load %arg20[%get3A_752, %get3A_753] {strides = array<i32>} : memref<80x128xf32, #tpu.memory_space<vmem>>, vector<16xf32>,
        %mul3A_755 = vector.broadcast %squeeze3A_747 : f32 to vector<16xf32>
        %mul3A_756 = arith.mulf %get3A_754, %mul3A_755 : vector<16xf32>
        %swap3A_757 = arith.index_cast %add3A_751 : i32 to index
        %swap3A_758 = arith.constant 0 : index
        %swap3A_759 = tpu.vector_load %arg20[%swap3A_757, %swap3A_758] {strides = array<i32>} : memref<80x128xf32, #tpu.memory_space<vmem>>, vector<16xf32>,
        tpu.vector_store %arg20[%swap3A_757, %swap3A_758], %mul3A_756 {strides = array<i32>} : memref<80x128xf32, #tpu.memory_space<vmem>>, vector<16xf32>,
        %get3A_760 = arith.index_cast %add3A_751 : i32 to index
        %get3A_761 = arith.constant 16 : index
        %get3A_762 = tpu.vector_load %arg20[%get3A_760, %get3A_761] {strides = array<i32>} : memref<80x128xf32, #tpu.memory_space<vmem>>, vector<16xf32>,
        %mul3A_763 = vector.broadcast %squeeze3A_747 : f32 to vector<16xf32>
        %mul3A_764 = arith.mulf %get3A_762, %mul3A_763 : vector<16xf32>
        %swap3A_765 = arith.index_cast %add3A_751 : i32 to index
        %swap3A_766 = arith.constant 16 : index
        %swap3A_767 = tpu.vector_load %arg20[%swap3A_765, %swap3A_766] {strides = array<i32>} : memref<80x128xf32, #tpu.memory_space<vmem>>, vector<16xf32>,
        tpu.vector_store %arg20[%swap3A_765, %swap3A_766], %mul3A_764 {strides = array<i32>} : memref<80x128xf32, #tpu.memory_space<vmem>>, vector<16xf32>,
        %get3A_768 = arith.index_cast %add3A_751 : i32 to index
        %get3A_769 = arith.constant 32 : index
        %get3A_770 = tpu.vector_load %arg20[%get3A_768, %get3A_769] {strides = array<i32>} : memref<80x128xf32, #tpu.memory_space<vmem>>, vector<16xf32>,
        %mul3A_771 = vector.broadcast %squeeze3A_747 : f32 to vector<16xf32>
        %mul3A_772 = arith.mulf %get3A_770, %mul3A_771 : vector<16xf32>
        %swap3A_773 = arith.index_cast %add3A_751 : i32 to index
        %swap3A_774 = arith.constant 32 : index
        %swap3A_775 = tpu.vector_load %arg20[%swap3A_773, %swap3A_774] {strides = array<i32>} : memref<80x128xf32, #tpu.memory_space<vmem>>, vector<16xf32>,
        tpu.vector_store %arg20[%swap3A_773, %swap3A_774], %mul3A_772 {strides = array<i32>} : memref<80x128xf32, #tpu.memory_space<vmem>>, vector<16xf32>,
        %get3A_776 = arith.index_cast %add3A_751 : i32 to index
        %get3A_777 = arith.constant 48 : index
        %get3A_778 = tpu.vector_load %arg20[%get3A_776, %get3A_777] {strides = array<i32>} : memref<80x128xf32, #tpu.memory_space<vmem>>, vector<16xf32>,
        %mul3A_779 = vector.broadcast %squeeze3A_747 : f32 to vector<16xf32>
        %mul3A_780 = arith.mulf %get3A_778, %mul3A_779 : vector<16xf32>
        %swap3A_781 = arith.index_cast %add3A_751 : i32 to index
        %swap3A_782 = arith.constant 48 : index
        %swap3A_783 = tpu.vector_load %arg20[%swap3A_781, %swap3A_782] {strides = array<i32>} : memref<80x128xf32, #tpu.memory_space<vmem>>, vector<16xf32>,
        tpu.vector_store %arg20[%swap3A_781, %swap3A_782], %mul3A_780 {strides = array<i32>} : memref<80x128xf32, #tpu.memory_space<vmem>>, vector<16xf32>,
        %get3A_784 = arith.index_cast %add3A_751 : i32 to index
        %get3A_785 = arith.constant 64 : index
        %get3A_786 = tpu.vector_load %arg20[%get3A_784, %get3A_785] {strides = array<i32>} : memref<80x128xf32, #tpu.memory_space<vmem>>, vector<16xf32>,
        %mul3A_787 = vector.broadcast %squeeze3A_747 : f32 to vector<16xf32>
        %mul3A_788 = arith.mulf %get3A_786, %mul3A_787 : vector<16xf32>
        %swap3A_789 = arith.index_cast %add3A_751 : i32 to index
        %swap3A_790 = arith.constant 64 : index
        %swap3A_791 = tpu.vector_load %arg20[%swap3A_789, %swap3A_790] {strides = array<i32>} : memref<80x128xf32, #tpu.memory_space<vmem>>, vector<16xf32>,
        tpu.vector_store %arg20[%swap3A_789, %swap3A_790], %mul3A_788 {strides = array<i32>} : memref<80x128xf32, #tpu.memory_space<vmem>>, vector<16xf32>,
        %get3A_792 = arith.index_cast %add3A_751 : i32 to index
        %get3A_793 = arith.constant 80 : index
        %get3A_794 = tpu.vector_load %arg20[%get3A_792, %get3A_793] {strides = array<i32>} : memref<80x128xf32, #tpu.memory_space<vmem>>, vector<16xf32>,
        %mul3A_795 = vector.broadcast %squeeze3A_747 : f32 to vector<16xf32>
        %mul3A_796 = arith.mulf %get3A_794, %mul3A_795 : vector<16xf32>
        %swap3A_797 = arith.index_cast %add3A_751 : i32 to index
        %swap3A_798 = arith.constant 80 : index
        %swap3A_799 = tpu.vector_load %arg20[%swap3A_797, %swap3A_798] {strides = array<i32>} : memref<80x128xf32, #tpu.memory_space<vmem>>, vector<16xf32>,
        tpu.vector_store %arg20[%swap3A_797, %swap3A_798], %mul3A_796 {strides = array<i32>} : memref<80x128xf32, #tpu.memory_space<vmem>>, vector<16xf32>,
        %get3A_800 = arith.index_cast %add3A_751 : i32 to index
        %get3A_801 = arith.constant 96 : index
        %get3A_802 = tpu.vector_load %arg20[%get3A_800, %get3A_801] {strides = array<i32>} : memref<80x128xf32, #tpu.memory_space<vmem>>, vector<16xf32>,
        %mul3A_803 = vector.broadcast %squeeze3A_747 : f32 to vector<16xf32>
        %mul3A_804 = arith.mulf %get3A_802, %mul3A_803 : vector<16xf32>
        %swap3A_805 = arith.index_cast %add3A_751 : i32 to index
        %swap3A_806 = arith.constant 96 : index
        %swap3A_807 = tpu.vector_load %arg20[%swap3A_805, %swap3A_806] {strides = array<i32>} : memref<80x128xf32, #tpu.memory_space<vmem>>, vector<16xf32>,
        tpu.vector_store %arg20[%swap3A_805, %swap3A_806], %mul3A_804 {strides = array<i32>} : memref<80x128xf32, #tpu.memory_space<vmem>>, vector<16xf32>,
        %get3A_808 = arith.index_cast %add3A_751 : i32 to index
        %get3A_809 = arith.constant 112 : index
        %get3A_810 = tpu.vector_load %arg20[%get3A_808, %get3A_809] {strides = array<i32>} : memref<80x128xf32, #tpu.memory_space<vmem>>, vector<16xf32>,
        %mul3A_811 = vector.broadcast %squeeze3A_747 : f32 to vector<16xf32>
        %mul3A_812 = arith.mulf %get3A_810, %mul3A_811 : vector<16xf32>
        %swap3A_813 = arith.index_cast %add3A_751 : i32 to index
        %swap3A_814 = arith.constant 112 : index
        %swap3A_815 = tpu.vector_load %arg20[%swap3A_813, %swap3A_814] {strides = array<i32>} : memref<80x128xf32, #tpu.memory_space<vmem>>, vector<16xf32>,
        tpu.vector_store %arg20[%swap3A_813, %swap3A_814], %mul3A_812 {strides = array<i32>} : memref<80x128xf32, #tpu.memory_space<vmem>>, vector<16xf32>,
        %slice3A_816 = vector.extract_strided_slice %get3A_188 {offsets = [9], sizes = [1], strides = [1]} : vector<16xf32> to vector<1xf32>
        %squeeze3A_817 = vector.extract %slice3A_816[0] : f32 from vector<1xf32>
        %mul3A_818 = arith.constant 16 : i32
        %mul3A_819 = arith.muli %scan3A_185, %mul3A_818 : i32
        %add3A_820 = arith.constant 9 : i32
        %add3A_821 = arith.addi %mul3A_819, %add3A_820 : i32
        %get3A_822 = arith.index_cast %add3A_821 : i32 to index
        %get3A_823 = arith.constant 0 : index
        %get3A_824 = tpu.vector_load %arg20[%get3A_822, %get3A_823] {strides = array<i32>} : memref<80x128xf32, #tpu.memory_space<vmem>>, vector<16xf32>,
        %mul3A_825 = vector.broadcast %squeeze3A_817 : f32 to vector<16xf32>
        %mul3A_826 = arith.mulf %get3A_824, %mul3A_825 : vector<16xf32>
        %swap3A_827 = arith.index_cast %add3A_821 : i32 to index
        %swap3A_828 = arith.constant 0 : index
        %swap3A_829 = tpu.vector_load %arg20[%swap3A_827, %swap3A_828] {strides = array<i32>} : memref<80x128xf32, #tpu.memory_space<vmem>>, vector<16xf32>,
        tpu.vector_store %arg20[%swap3A_827, %swap3A_828], %mul3A_826 {strides = array<i32>} : memref<80x128xf32, #tpu.memory_space<vmem>>, vector<16xf32>,
        %get3A_830 = arith.index_cast %add3A_821 : i32 to index
        %get3A_831 = arith.constant 16 : index
        %get3A_832 = tpu.vector_load %arg20[%get3A_830, %get3A_831] {strides = array<i32>} : memref<80x128xf32, #tpu.memory_space<vmem>>, vector<16xf32>,
        %mul3A_833 = vector.broadcast %squeeze3A_817 : f32 to vector<16xf32>
        %mul3A_834 = arith.mulf %get3A_832, %mul3A_833 : vector<16xf32>
        %swap3A_835 = arith.index_cast %add3A_821 : i32 to index
        %swap3A_836 = arith.constant 16 : index
        %swap3A_837 = tpu.vector_load %arg20[%swap3A_835, %swap3A_836] {strides = array<i32>} : memref<80x128xf32, #tpu.memory_space<vmem>>, vector<16xf32>,
        tpu.vector_store %arg20[%swap3A_835, %swap3A_836], %mul3A_834 {strides = array<i32>} : memref<80x128xf32, #tpu.memory_space<vmem>>, vector<16xf32>,
        %get3A_838 = arith.index_cast %add3A_821 : i32 to index
        %get3A_839 = arith.constant 32 : index
        %get3A_840 = tpu.vector_load %arg20[%get3A_838, %get3A_839] {strides = array<i32>} : memref<80x128xf32, #tpu.memory_space<vmem>>, vector<16xf32>,
        %mul3A_841 = vector.broadcast %squeeze3A_817 : f32 to vector<16xf32>
        %mul3A_842 = arith.mulf %get3A_840, %mul3A_841 : vector<16xf32>
        %swap3A_843 = arith.index_cast %add3A_821 : i32 to index
        %swap3A_844 = arith.constant 32 : index
        %swap3A_845 = tpu.vector_load %arg20[%swap3A_843, %swap3A_844] {strides = array<i32>} : memref<80x128xf32, #tpu.memory_space<vmem>>, vector<16xf32>,
        tpu.vector_store %arg20[%swap3A_843, %swap3A_844], %mul3A_842 {strides = array<i32>} : memref<80x128xf32, #tpu.memory_space<vmem>>, vector<16xf32>,
        %get3A_846 = arith.index_cast %add3A_821 : i32 to index
        %get3A_847 = arith.constant 48 : index
        %get3A_848 = tpu.vector_load %arg20[%get3A_846, %get3A_847] {strides = array<i32>} : memref<80x128xf32, #tpu.memory_space<vmem>>, vector<16xf32>,
        %mul3A_849 = vector.broadcast %squeeze3A_817 : f32 to vector<16xf32>
        %mul3A_850 = arith.mulf %get3A_848, %mul3A_849 : vector<16xf32>
        %swap3A_851 = arith.index_cast %add3A_821 : i32 to index
        %swap3A_852 = arith.constant 48 : index
        %swap3A_853 = tpu.vector_load %arg20[%swap3A_851, %swap3A_852] {strides = array<i32>} : memref<80x128xf32, #tpu.memory_space<vmem>>, vector<16xf32>,
        tpu.vector_store %arg20[%swap3A_851, %swap3A_852], %mul3A_850 {strides = array<i32>} : memref<80x128xf32, #tpu.memory_space<vmem>>, vector<16xf32>,
        %get3A_854 = arith.index_cast %add3A_821 : i32 to index
        %get3A_855 = arith.constant 64 : index
        %get3A_856 = tpu.vector_load %arg20[%get3A_854, %get3A_855] {strides = array<i32>} : memref<80x128xf32, #tpu.memory_space<vmem>>, vector<16xf32>,
        %mul3A_857 = vector.broadcast %squeeze3A_817 : f32 to vector<16xf32>
        %mul3A_858 = arith.mulf %get3A_856, %mul3A_857 : vector<16xf32>
        %swap3A_859 = arith.index_cast %add3A_821 : i32 to index
        %swap3A_860 = arith.constant 64 : index
        %swap3A_861 = tpu.vector_load %arg20[%swap3A_859, %swap3A_860] {strides = array<i32>} : memref<80x128xf32, #tpu.memory_space<vmem>>, vector<16xf32>,
        tpu.vector_store %arg20[%swap3A_859, %swap3A_860], %mul3A_858 {strides = array<i32>} : memref<80x128xf32, #tpu.memory_space<vmem>>, vector<16xf32>,
        %get3A_862 = arith.index_cast %add3A_821 : i32 to index
        %get3A_863 = arith.constant 80 : index
        %get3A_864 = tpu.vector_load %arg20[%get3A_862, %get3A_863] {strides = array<i32>} : memref<80x128xf32, #tpu.memory_space<vmem>>, vector<16xf32>,
        %mul3A_865 = vector.broadcast %squeeze3A_817 : f32 to vector<16xf32>
        %mul3A_866 = arith.mulf %get3A_864, %mul3A_865 : vector<16xf32>
        %swap3A_867 = arith.index_cast %add3A_821 : i32 to index
        %swap3A_868 = arith.constant 80 : index
        %swap3A_869 = tpu.vector_load %arg20[%swap3A_867, %swap3A_868] {strides = array<i32>} : memref<80x128xf32, #tpu.memory_space<vmem>>, vector<16xf32>,
        tpu.vector_store %arg20[%swap3A_867, %swap3A_868], %mul3A_866 {strides = array<i32>} : memref<80x128xf32, #tpu.memory_space<vmem>>, vector<16xf32>,
        %get3A_870 = arith.index_cast %add3A_821 : i32 to index
        %get3A_871 = arith.constant 96 : index
        %get3A_872 = tpu.vector_load %arg20[%get3A_870, %get3A_871] {strides = array<i32>} : memref<80x128xf32, #tpu.memory_space<vmem>>, vector<16xf32>,
        %mul3A_873 = vector.broadcast %squeeze3A_817 : f32 to vector<16xf32>
        %mul3A_874 = arith.mulf %get3A_872, %mul3A_873 : vector<16xf32>
        %swap3A_875 = arith.index_cast %add3A_821 : i32 to index
        %swap3A_876 = arith.constant 96 : index
        %swap3A_877 = tpu.vector_load %arg20[%swap3A_875, %swap3A_876] {strides = array<i32>} : memref<80x128xf32, #tpu.memory_space<vmem>>, vector<16xf32>,
        tpu.vector_store %arg20[%swap3A_875, %swap3A_876], %mul3A_874 {strides = array<i32>} : memref<80x128xf32, #tpu.memory_space<vmem>>, vector<16xf32>,
        %get3A_878 = arith.index_cast %add3A_821 : i32 to index
        %get3A_879 = arith.constant 112 : index
        %get3A_880 = tpu.vector_load %arg20[%get3A_878, %get3A_879] {strides = array<i32>} : memref<80x128xf32, #tpu.memory_space<vmem>>, vector<16xf32>,
        %mul3A_881 = vector.broadcast %squeeze3A_817 : f32 to vector<16xf32>
        %mul3A_882 = arith.mulf %get3A_880, %mul3A_881 : vector<16xf32>
        %swap3A_883 = arith.index_cast %add3A_821 : i32 to index
        %swap3A_884 = arith.constant 112 : index
        %swap3A_885 = tpu.vector_load %arg20[%swap3A_883, %swap3A_884] {strides = array<i32>} : memref<80x128xf32, #tpu.memory_space<vmem>>, vector<16xf32>,
        tpu.vector_store %arg20[%swap3A_883, %swap3A_884], %mul3A_882 {strides = array<i32>} : memref<80x128xf32, #tpu.memory_space<vmem>>, vector<16xf32>,
        %slice3A_886 = vector.extract_strided_slice %get3A_188 {offsets = [10], sizes = [1], strides = [1]} : vector<16xf32> to vector<1xf32>
        %squeeze3A_887 = vector.extract %slice3A_886[0] : f32 from vector<1xf32>
        %mul3A_888 = arith.constant 16 : i32
        %mul3A_889 = arith.muli %scan3A_185, %mul3A_888 : i32
        %add3A_890 = arith.constant 10 : i32
        %add3A_891 = arith.addi %mul3A_889, %add3A_890 : i32
        %get3A_892 = arith.index_cast %add3A_891 : i32 to index
        %get3A_893 = arith.constant 0 : index
        %get3A_894 = tpu.vector_load %arg20[%get3A_892, %get3A_893] {strides = array<i32>} : memref<80x128xf32, #tpu.memory_space<vmem>>, vector<16xf32>,
        %mul3A_895 = vector.broadcast %squeeze3A_887 : f32 to vector<16xf32>
        %mul3A_896 = arith.mulf %get3A_894, %mul3A_895 : vector<16xf32>
        %swap3A_897 = arith.index_cast %add3A_891 : i32 to index
        %swap3A_898 = arith.constant 0 : index
        %swap3A_899 = tpu.vector_load %arg20[%swap3A_897, %swap3A_898] {strides = array<i32>} : memref<80x128xf32, #tpu.memory_space<vmem>>, vector<16xf32>,
        tpu.vector_store %arg20[%swap3A_897, %swap3A_898], %mul3A_896 {strides = array<i32>} : memref<80x128xf32, #tpu.memory_space<vmem>>, vector<16xf32>,
        %get3A_900 = arith.index_cast %add3A_891 : i32 to index
        %get3A_901 = arith.constant 16 : index
        %get3A_902 = tpu.vector_load %arg20[%get3A_900, %get3A_901] {strides = array<i32>} : memref<80x128xf32, #tpu.memory_space<vmem>>, vector<16xf32>,
        %mul3A_903 = vector.broadcast %squeeze3A_887 : f32 to vector<16xf32>
        %mul3A_904 = arith.mulf %get3A_902, %mul3A_903 : vector<16xf32>
        %swap3A_905 = arith.index_cast %add3A_891 : i32 to index
        %swap3A_906 = arith.constant 16 : index
        %swap3A_907 = tpu.vector_load %arg20[%swap3A_905, %swap3A_906] {strides = array<i32>} : memref<80x128xf32, #tpu.memory_space<vmem>>, vector<16xf32>,
        tpu.vector_store %arg20[%swap3A_905, %swap3A_906], %mul3A_904 {strides = array<i32>} : memref<80x128xf32, #tpu.memory_space<vmem>>, vector<16xf32>,
        %get3A_908 = arith.index_cast %add3A_891 : i32 to index
        %get3A_909 = arith.constant 32 : index
        %get3A_910 = tpu.vector_load %arg20[%get3A_908, %get3A_909] {strides = array<i32>} : memref<80x128xf32, #tpu.memory_space<vmem>>, vector<16xf32>,
        %mul3A_911 = vector.broadcast %squeeze3A_887 : f32 to vector<16xf32>
        %mul3A_912 = arith.mulf %get3A_910, %mul3A_911 : vector<16xf32>
        %swap3A_913 = arith.index_cast %add3A_891 : i32 to index
        %swap3A_914 = arith.constant 32 : index
        %swap3A_915 = tpu.vector_load %arg20[%swap3A_913, %swap3A_914] {strides = array<i32>} : memref<80x128xf32, #tpu.memory_space<vmem>>, vector<16xf32>,
        tpu.vector_store %arg20[%swap3A_913, %swap3A_914], %mul3A_912 {strides = array<i32>} : memref<80x128xf32, #tpu.memory_space<vmem>>, vector<16xf32>,
        %get3A_916 = arith.index_cast %add3A_891 : i32 to index
        %get3A_917 = arith.constant 48 : index
        %get3A_918 = tpu.vector_load %arg20[%get3A_916, %get3A_917] {strides = array<i32>} : memref<80x128xf32, #tpu.memory_space<vmem>>, vector<16xf32>,
        %mul3A_919 = vector.broadcast %squeeze3A_887 : f32 to vector<16xf32>
        %mul3A_920 = arith.mulf %get3A_918, %mul3A_919 : vector<16xf32>
        %swap3A_921 = arith.index_cast %add3A_891 : i32 to index
        %swap3A_922 = arith.constant 48 : index
        %swap3A_923 = tpu.vector_load %arg20[%swap3A_921, %swap3A_922] {strides = array<i32>} : memref<80x128xf32, #tpu.memory_space<vmem>>, vector<16xf32>,
        tpu.vector_store %arg20[%swap3A_921, %swap3A_922], %mul3A_920 {strides = array<i32>} : memref<80x128xf32, #tpu.memory_space<vmem>>, vector<16xf32>,
        %get3A_924 = arith.index_cast %add3A_891 : i32 to index
        %get3A_925 = arith.constant 64 : index
        %get3A_926 = tpu.vector_load %arg20[%get3A_924, %get3A_925] {strides = array<i32>} : memref<80x128xf32, #tpu.memory_space<vmem>>, vector<16xf32>,
        %mul3A_927 = vector.broadcast %squeeze3A_887 : f32 to vector<16xf32>
        %mul3A_928 = arith.mulf %get3A_926, %mul3A_927 : vector<16xf32>
        %swap3A_929 = arith.index_cast %add3A_891 : i32 to index
        %swap3A_930 = arith.constant 64 : index
        %swap3A_931 = tpu.vector_load %arg20[%swap3A_929, %swap3A_930] {strides = array<i32>} : memref<80x128xf32, #tpu.memory_space<vmem>>, vector<16xf32>,
        tpu.vector_store %arg20[%swap3A_929, %swap3A_930], %mul3A_928 {strides = array<i32>} : memref<80x128xf32, #tpu.memory_space<vmem>>, vector<16xf32>,
        %get3A_932 = arith.index_cast %add3A_891 : i32 to index
        %get3A_933 = arith.constant 80 : index
        %get3A_934 = tpu.vector_load %arg20[%get3A_932, %get3A_933] {strides = array<i32>} : memref<80x128xf32, #tpu.memory_space<vmem>>, vector<16xf32>,
        %mul3A_935 = vector.broadcast %squeeze3A_887 : f32 to vector<16xf32>
        %mul3A_936 = arith.mulf %get3A_934, %mul3A_935 : vector<16xf32>
        %swap3A_937 = arith.index_cast %add3A_891 : i32 to index
        %swap3A_938 = arith.constant 80 : index
        %swap3A_939 = tpu.vector_load %arg20[%swap3A_937, %swap3A_938] {strides = array<i32>} : memref<80x128xf32, #tpu.memory_space<vmem>>, vector<16xf32>,
        tpu.vector_store %arg20[%swap3A_937, %swap3A_938], %mul3A_936 {strides = array<i32>} : memref<80x128xf32, #tpu.memory_space<vmem>>, vector<16xf32>,
        %get3A_940 = arith.index_cast %add3A_891 : i32 to index
        %get3A_941 = arith.constant 96 : index
        %get3A_942 = tpu.vector_load %arg20[%get3A_940, %get3A_941] {strides = array<i32>} : memref<80x128xf32, #tpu.memory_space<vmem>>, vector<16xf32>,
        %mul3A_943 = vector.broadcast %squeeze3A_887 : f32 to vector<16xf32>
        %mul3A_944 = arith.mulf %get3A_942, %mul3A_943 : vector<16xf32>
        %swap3A_945 = arith.index_cast %add3A_891 : i32 to index
        %swap3A_946 = arith.constant 96 : index
        %swap3A_947 = tpu.vector_load %arg20[%swap3A_945, %swap3A_946] {strides = array<i32>} : memref<80x128xf32, #tpu.memory_space<vmem>>, vector<16xf32>,
        tpu.vector_store %arg20[%swap3A_945, %swap3A_946], %mul3A_944 {strides = array<i32>} : memref<80x128xf32, #tpu.memory_space<vmem>>, vector<16xf32>,
        %get3A_948 = arith.index_cast %add3A_891 : i32 to index
        %get3A_949 = arith.constant 112 : index
        %get3A_950 = tpu.vector_load %arg20[%get3A_948, %get3A_949] {strides = array<i32>} : memref<80x128xf32, #tpu.memory_space<vmem>>, vector<16xf32>,
        %mul3A_951 = vector.broadcast %squeeze3A_887 : f32 to vector<16xf32>
        %mul3A_952 = arith.mulf %get3A_950, %mul3A_951 : vector<16xf32>
        %swap3A_953 = arith.index_cast %add3A_891 : i32 to index
        %swap3A_954 = arith.constant 112 : index
        %swap3A_955 = tpu.vector_load %arg20[%swap3A_953, %swap3A_954] {strides = array<i32>} : memref<80x128xf32, #tpu.memory_space<vmem>>, vector<16xf32>,
        tpu.vector_store %arg20[%swap3A_953, %swap3A_954], %mul3A_952 {strides = array<i32>} : memref<80x128xf32, #tpu.memory_space<vmem>>, vector<16xf32>,
        %slice3A_956 = vector.extract_strided_slice %get3A_188 {offsets = [11], sizes = [1], strides = [1]} : vector<16xf32> to vector<1xf32>
        %squeeze3A_957 = vector.extract %slice3A_956[0] : f32 from vector<1xf32>
        %mul3A_958 = arith.constant 16 : i32
        %mul3A_959 = arith.muli %scan3A_185, %mul3A_958 : i32
        %add3A_960 = arith.constant 11 : i32
        %add3A_961 = arith.addi %mul3A_959, %add3A_960 : i32
        %get3A_962 = arith.index_cast %add3A_961 : i32 to index
        %get3A_963 = arith.constant 0 : index
        %get3A_964 = tpu.vector_load %arg20[%get3A_962, %get3A_963] {strides = array<i32>} : memref<80x128xf32, #tpu.memory_space<vmem>>, vector<16xf32>,
        %mul3A_965 = vector.broadcast %squeeze3A_957 : f32 to vector<16xf32>
        %mul3A_966 = arith.mulf %get3A_964, %mul3A_965 : vector<16xf32>
        %swap3A_967 = arith.index_cast %add3A_961 : i32 to index
        %swap3A_968 = arith.constant 0 : index
        %swap3A_969 = tpu.vector_load %arg20[%swap3A_967, %swap3A_968] {strides = array<i32>} : memref<80x128xf32, #tpu.memory_space<vmem>>, vector<16xf32>,
        tpu.vector_store %arg20[%swap3A_967, %swap3A_968], %mul3A_966 {strides = array<i32>} : memref<80x128xf32, #tpu.memory_space<vmem>>, vector<16xf32>,
        %get3A_970 = arith.index_cast %add3A_961 : i32 to index
        %get3A_971 = arith.constant 16 : index
        %get3A_972 = tpu.vector_load %arg20[%get3A_970, %get3A_971] {strides = array<i32>} : memref<80x128xf32, #tpu.memory_space<vmem>>, vector<16xf32>,
        %mul3A_973 = vector.broadcast %squeeze3A_957 : f32 to vector<16xf32>
        %mul3A_974 = arith.mulf %get3A_972, %mul3A_973 : vector<16xf32>
        %swap3A_975 = arith.index_cast %add3A_961 : i32 to index
        %swap3A_976 = arith.constant 16 : index
        %swap3A_977 = tpu.vector_load %arg20[%swap3A_975, %swap3A_976] {strides = array<i32>} : memref<80x128xf32, #tpu.memory_space<vmem>>, vector<16xf32>,
        tpu.vector_store %arg20[%swap3A_975, %swap3A_976], %mul3A_974 {strides = array<i32>} : memref<80x128xf32, #tpu.memory_space<vmem>>, vector<16xf32>,
        %get3A_978 = arith.index_cast %add3A_961 : i32 to index
        %get3A_979 = arith.constant 32 : index
        %get3A_980 = tpu.vector_load %arg20[%get3A_978, %get3A_979] {strides = array<i32>} : memref<80x128xf32, #tpu.memory_space<vmem>>, vector<16xf32>,
        %mul3A_981 = vector.broadcast %squeeze3A_957 : f32 to vector<16xf32>
        %mul3A_982 = arith.mulf %get3A_980, %mul3A_981 : vector<16xf32>
        %swap3A_983 = arith.index_cast %add3A_961 : i32 to index
        %swap3A_984 = arith.constant 32 : index
        %swap3A_985 = tpu.vector_load %arg20[%swap3A_983, %swap3A_984] {strides = array<i32>} : memref<80x128xf32, #tpu.memory_space<vmem>>, vector<16xf32>,
        tpu.vector_store %arg20[%swap3A_983, %swap3A_984], %mul3A_982 {strides = array<i32>} : memref<80x128xf32, #tpu.memory_space<vmem>>, vector<16xf32>,
        %get3A_986 = arith.index_cast %add3A_961 : i32 to index
        %get3A_987 = arith.constant 48 : index
        %get3A_988 = tpu.vector_load %arg20[%get3A_986, %get3A_987] {strides = array<i32>} : memref<80x128xf32, #tpu.memory_space<vmem>>, vector<16xf32>,
        %mul3A_989 = vector.broadcast %squeeze3A_957 : f32 to vector<16xf32>
        %mul3A_990 = arith.mulf %get3A_988, %mul3A_989 : vector<16xf32>
        %swap3A_991 = arith.index_cast %add3A_961 : i32 to index
        %swap3A_992 = arith.constant 48 : index
        %swap3A_993 = tpu.vector_load %arg20[%swap3A_991, %swap3A_992] {strides = array<i32>} : memref<80x128xf32, #tpu.memory_space<vmem>>, vector<16xf32>,
        tpu.vector_store %arg20[%swap3A_991, %swap3A_992], %mul3A_990 {strides = array<i32>} : memref<80x128xf32, #tpu.memory_space<vmem>>, vector<16xf32>,
        %get3A_994 = arith.index_cast %add3A_961 : i32 to index
        %get3A_995 = arith.constant 64 : index
        %get3A_996 = tpu.vector_load %arg20[%get3A_994, %get3A_995] {strides = array<i32>} : memref<80x128xf32, #tpu.memory_space<vmem>>, vector<16xf32>,
        %mul3A_997 = vector.broadcast %squeeze3A_957 : f32 to vector<16xf32>
        %mul3A_998 = arith.mulf %get3A_996, %mul3A_997 : vector<16xf32>
        %swap3A_999 = arith.index_cast %add3A_961 : i32 to index
        %swap3A_1000 = arith.constant 64 : index
        %swap3A_1001 = tpu.vector_load %arg20[%swap3A_999, %swap3A_1000] {strides = array<i32>} : memref<80x128xf32, #tpu.memory_space<vmem>>, vector<16xf32>,
        tpu.vector_store %arg20[%swap3A_999, %swap3A_1000], %mul3A_998 {strides = array<i32>} : memref<80x128xf32, #tpu.memory_space<vmem>>, vector<16xf32>,
        %get3A_1002 = arith.index_cast %add3A_961 : i32 to index
        %get3A_1003 = arith.constant 80 : index
        %get3A_1004 = tpu.vector_load %arg20[%get3A_1002, %get3A_1003] {strides = array<i32>} : memref<80x128xf32, #tpu.memory_space<vmem>>, vector<16xf32>,
        %mul3A_1005 = vector.broadcast %squeeze3A_957 : f32 to vector<16xf32>
        %mul3A_1006 = arith.mulf %get3A_1004, %mul3A_1005 : vector<16xf32>
        %swap3A_1007 = arith.index_cast %add3A_961 : i32 to index
        %swap3A_1008 = arith.constant 80 : index
        %swap3A_1009 = tpu.vector_load %arg20[%swap3A_1007, %swap3A_1008] {strides = array<i32>} : memref<80x128xf32, #tpu.memory_space<vmem>>, vector<16xf32>,
        tpu.vector_store %arg20[%swap3A_1007, %swap3A_1008], %mul3A_1006 {strides = array<i32>} : memref<80x128xf32, #tpu.memory_space<vmem>>, vector<16xf32>,
        %get3A_1010 = arith.index_cast %add3A_961 : i32 to index
        %get3A_1011 = arith.constant 96 : index
        %get3A_1012 = tpu.vector_load %arg20[%get3A_1010, %get3A_1011] {strides = array<i32>} : memref<80x128xf32, #tpu.memory_space<vmem>>, vector<16xf32>,
        %mul3A_1013 = vector.broadcast %squeeze3A_957 : f32 to vector<16xf32>
        %mul3A_1014 = arith.mulf %get3A_1012, %mul3A_1013 : vector<16xf32>
        %swap3A_1015 = arith.index_cast %add3A_961 : i32 to index
        %swap3A_1016 = arith.constant 96 : index
        %swap3A_1017 = tpu.vector_load %arg20[%swap3A_1015, %swap3A_1016] {strides = array<i32>} : memref<80x128xf32, #tpu.memory_space<vmem>>, vector<16xf32>,
        tpu.vector_store %arg20[%swap3A_1015, %swap3A_1016], %mul3A_1014 {strides = array<i32>} : memref<80x128xf32, #tpu.memory_space<vmem>>, vector<16xf32>,
        %get3A_1018 = arith.index_cast %add3A_961 : i32 to index
        %get3A_1019 = arith.constant 112 : index
        %get3A_1020 = tpu.vector_load %arg20[%get3A_1018, %get3A_1019] {strides = array<i32>} : memref<80x128xf32, #tpu.memory_space<vmem>>, vector<16xf32>,
        %mul3A_1021 = vector.broadcast %squeeze3A_957 : f32 to vector<16xf32>
        %mul3A_1022 = arith.mulf %get3A_1020, %mul3A_1021 : vector<16xf32>
        %swap3A_1023 = arith.index_cast %add3A_961 : i32 to index
        %swap3A_1024 = arith.constant 112 : index
        %swap3A_1025 = tpu.vector_load %arg20[%swap3A_1023, %swap3A_1024] {strides = array<i32>} : memref<80x128xf32, #tpu.memory_space<vmem>>, vector<16xf32>,
        tpu.vector_store %arg20[%swap3A_1023, %swap3A_1024], %mul3A_1022 {strides = array<i32>} : memref<80x128xf32, #tpu.memory_space<vmem>>, vector<16xf32>,
        %slice3A_1026 = vector.extract_strided_slice %get3A_188 {offsets = [12], sizes = [1], strides = [1]} : vector<16xf32> to vector<1xf32>
        %squeeze3A_1027 = vector.extract %slice3A_1026[0] : f32 from vector<1xf32>
        %mul3A_1028 = arith.constant 16 : i32
        %mul3A_1029 = arith.muli %scan3A_185, %mul3A_1028 : i32
        %add3A_1030 = arith.constant 12 : i32
        %add3A_1031 = arith.addi %mul3A_1029, %add3A_1030 : i32
        %get3A_1032 = arith.index_cast %add3A_1031 : i32 to index
        %get3A_1033 = arith.constant 0 : index
        %get3A_1034 = tpu.vector_load %arg20[%get3A_1032, %get3A_1033] {strides = array<i32>} : memref<80x128xf32, #tpu.memory_space<vmem>>, vector<16xf32>,
        %mul3A_1035 = vector.broadcast %squeeze3A_1027 : f32 to vector<16xf32>
        %mul3A_1036 = arith.mulf %get3A_1034, %mul3A_1035 : vector<16xf32>
        %swap3A_1037 = arith.index_cast %add3A_1031 : i32 to index
        %swap3A_1038 = arith.constant 0 : index
        %swap3A_1039 = tpu.vector_load %arg20[%swap3A_1037, %swap3A_1038] {strides = array<i32>} : memref<80x128xf32, #tpu.memory_space<vmem>>, vector<16xf32>,
        tpu.vector_store %arg20[%swap3A_1037, %swap3A_1038], %mul3A_1036 {strides = array<i32>} : memref<80x128xf32, #tpu.memory_space<vmem>>, vector<16xf32>,
        %get3A_1040 = arith.index_cast %add3A_1031 : i32 to index
        %get3A_1041 = arith.constant 16 : index
        %get3A_1042 = tpu.vector_load %arg20[%get3A_1040, %get3A_1041] {strides = array<i32>} : memref<80x128xf32, #tpu.memory_space<vmem>>, vector<16xf32>,
        %mul3A_1043 = vector.broadcast %squeeze3A_1027 : f32 to vector<16xf32>
        %mul3A_1044 = arith.mulf %get3A_1042, %mul3A_1043 : vector<16xf32>
        %swap3A_1045 = arith.index_cast %add3A_1031 : i32 to index
        %swap3A_1046 = arith.constant 16 : index
        %swap3A_1047 = tpu.vector_load %arg20[%swap3A_1045, %swap3A_1046] {strides = array<i32>} : memref<80x128xf32, #tpu.memory_space<vmem>>, vector<16xf32>,
        tpu.vector_store %arg20[%swap3A_1045, %swap3A_1046], %mul3A_1044 {strides = array<i32>} : memref<80x128xf32, #tpu.memory_space<vmem>>, vector<16xf32>,
        %get3A_1048 = arith.index_cast %add3A_1031 : i32 to index
        %get3A_1049 = arith.constant 32 : index
        %get3A_1050 = tpu.vector_load %arg20[%get3A_1048, %get3A_1049] {strides = array<i32>} : memref<80x128xf32, #tpu.memory_space<vmem>>, vector<16xf32>,
        %mul3A_1051 = vector.broadcast %squeeze3A_1027 : f32 to vector<16xf32>
        %mul3A_1052 = arith.mulf %get3A_1050, %mul3A_1051 : vector<16xf32>
        %swap3A_1053 = arith.index_cast %add3A_1031 : i32 to index
        %swap3A_1054 = arith.constant 32 : index
        %swap3A_1055 = tpu.vector_load %arg20[%swap3A_1053, %swap3A_1054] {strides = array<i32>} : memref<80x128xf32, #tpu.memory_space<vmem>>, vector<16xf32>,
        tpu.vector_store %arg20[%swap3A_1053, %swap3A_1054], %mul3A_1052 {strides = array<i32>} : memref<80x128xf32, #tpu.memory_space<vmem>>, vector<16xf32>,
        %get3A_1056 = arith.index_cast %add3A_1031 : i32 to index
        %get3A_1057 = arith.constant 48 : index
        %get3A_1058 = tpu.vector_load %arg20[%get3A_1056, %get3A_1057] {strides = array<i32>} : memref<80x128xf32, #tpu.memory_space<vmem>>, vector<16xf32>,
        %mul3A_1059 = vector.broadcast %squeeze3A_1027 : f32 to vector<16xf32>
        %mul3A_1060 = arith.mulf %get3A_1058, %mul3A_1059 : vector<16xf32>
        %swap3A_1061 = arith.index_cast %add3A_1031 : i32 to index
        %swap3A_1062 = arith.constant 48 : index
        %swap3A_1063 = tpu.vector_load %arg20[%swap3A_1061, %swap3A_1062] {strides = array<i32>} : memref<80x128xf32, #tpu.memory_space<vmem>>, vector<16xf32>,
        tpu.vector_store %arg20[%swap3A_1061, %swap3A_1062], %mul3A_1060 {strides = array<i32>} : memref<80x128xf32, #tpu.memory_space<vmem>>, vector<16xf32>,
        %get3A_1064 = arith.index_cast %add3A_1031 : i32 to index
        %get3A_1065 = arith.constant 64 : index
        %get3A_1066 = tpu.vector_load %arg20[%get3A_1064, %get3A_1065] {strides = array<i32>} : memref<80x128xf32, #tpu.memory_space<vmem>>, vector<16xf32>,
        %mul3A_1067 = vector.broadcast %squeeze3A_1027 : f32 to vector<16xf32>
        %mul3A_1068 = arith.mulf %get3A_1066, %mul3A_1067 : vector<16xf32>
        %swap3A_1069 = arith.index_cast %add3A_1031 : i32 to index
        %swap3A_1070 = arith.constant 64 : index
        %swap3A_1071 = tpu.vector_load %arg20[%swap3A_1069, %swap3A_1070] {strides = array<i32>} : memref<80x128xf32, #tpu.memory_space<vmem>>, vector<16xf32>,
        tpu.vector_store %arg20[%swap3A_1069, %swap3A_1070], %mul3A_1068 {strides = array<i32>} : memref<80x128xf32, #tpu.memory_space<vmem>>, vector<16xf32>,
        %get3A_1072 = arith.index_cast %add3A_1031 : i32 to index
        %get3A_1073 = arith.constant 80 : index
        %get3A_1074 = tpu.vector_load %arg20[%get3A_1072, %get3A_1073] {strides = array<i32>} : memref<80x128xf32, #tpu.memory_space<vmem>>, vector<16xf32>,
        %mul3A_1075 = vector.broadcast %squeeze3A_1027 : f32 to vector<16xf32>
        %mul3A_1076 = arith.mulf %get3A_1074, %mul3A_1075 : vector<16xf32>
        %swap3A_1077 = arith.index_cast %add3A_1031 : i32 to index
        %swap3A_1078 = arith.constant 80 : index
        %swap3A_1079 = tpu.vector_load %arg20[%swap3A_1077, %swap3A_1078] {strides = array<i32>} : memref<80x128xf32, #tpu.memory_space<vmem>>, vector<16xf32>,
        tpu.vector_store %arg20[%swap3A_1077, %swap3A_1078], %mul3A_1076 {strides = array<i32>} : memref<80x128xf32, #tpu.memory_space<vmem>>, vector<16xf32>,
        %get3A_1080 = arith.index_cast %add3A_1031 : i32 to index
        %get3A_1081 = arith.constant 96 : index
        %get3A_1082 = tpu.vector_load %arg20[%get3A_1080, %get3A_1081] {strides = array<i32>} : memref<80x128xf32, #tpu.memory_space<vmem>>, vector<16xf32>,
        %mul3A_1083 = vector.broadcast %squeeze3A_1027 : f32 to vector<16xf32>
        %mul3A_1084 = arith.mulf %get3A_1082, %mul3A_1083 : vector<16xf32>
        %swap3A_1085 = arith.index_cast %add3A_1031 : i32 to index
        %swap3A_1086 = arith.constant 96 : index
        %swap3A_1087 = tpu.vector_load %arg20[%swap3A_1085, %swap3A_1086] {strides = array<i32>} : memref<80x128xf32, #tpu.memory_space<vmem>>, vector<16xf32>,
        tpu.vector_store %arg20[%swap3A_1085, %swap3A_1086], %mul3A_1084 {strides = array<i32>} : memref<80x128xf32, #tpu.memory_space<vmem>>, vector<16xf32>,
        %get3A_1088 = arith.index_cast %add3A_1031 : i32 to index
        %get3A_1089 = arith.constant 112 : index
        %get3A_1090 = tpu.vector_load %arg20[%get3A_1088, %get3A_1089] {strides = array<i32>} : memref<80x128xf32, #tpu.memory_space<vmem>>, vector<16xf32>,
        %mul3A_1091 = vector.broadcast %squeeze3A_1027 : f32 to vector<16xf32>
        %mul3A_1092 = arith.mulf %get3A_1090, %mul3A_1091 : vector<16xf32>
        %swap3A_1093 = arith.index_cast %add3A_1031 : i32 to index
        %swap3A_1094 = arith.constant 112 : index
        %swap3A_1095 = tpu.vector_load %arg20[%swap3A_1093, %swap3A_1094] {strides = array<i32>} : memref<80x128xf32, #tpu.memory_space<vmem>>, vector<16xf32>,
        tpu.vector_store %arg20[%swap3A_1093, %swap3A_1094], %mul3A_1092 {strides = array<i32>} : memref<80x128xf32, #tpu.memory_space<vmem>>, vector<16xf32>,
        %slice3A_1096 = vector.extract_strided_slice %get3A_188 {offsets = [13], sizes = [1], strides = [1]} : vector<16xf32> to vector<1xf32>
        %squeeze3A_1097 = vector.extract %slice3A_1096[0] : f32 from vector<1xf32>
        %mul3A_1098 = arith.constant 16 : i32
        %mul3A_1099 = arith.muli %scan3A_185, %mul3A_1098 : i32
        %add3A_1100 = arith.constant 13 : i32
        %add3A_1101 = arith.addi %mul3A_1099, %add3A_1100 : i32
        %get3A_1102 = arith.index_cast %add3A_1101 : i32 to index
        %get3A_1103 = arith.constant 0 : index
        %get3A_1104 = tpu.vector_load %arg20[%get3A_1102, %get3A_1103] {strides = array<i32>} : memref<80x128xf32, #tpu.memory_space<vmem>>, vector<16xf32>,
        %mul3A_1105 = vector.broadcast %squeeze3A_1097 : f32 to vector<16xf32>
        %mul3A_1106 = arith.mulf %get3A_1104, %mul3A_1105 : vector<16xf32>
        %swap3A_1107 = arith.index_cast %add3A_1101 : i32 to index
        %swap3A_1108 = arith.constant 0 : index
        %swap3A_1109 = tpu.vector_load %arg20[%swap3A_1107, %swap3A_1108] {strides = array<i32>} : memref<80x128xf32, #tpu.memory_space<vmem>>, vector<16xf32>,
        tpu.vector_store %arg20[%swap3A_1107, %swap3A_1108], %mul3A_1106 {strides = array<i32>} : memref<80x128xf32, #tpu.memory_space<vmem>>, vector<16xf32>,
        %get3A_1110 = arith.index_cast %add3A_1101 : i32 to index
        %get3A_1111 = arith.constant 16 : index
        %get3A_1112 = tpu.vector_load %arg20[%get3A_1110, %get3A_1111] {strides = array<i32>} : memref<80x128xf32, #tpu.memory_space<vmem>>, vector<16xf32>,
        %mul3A_1113 = vector.broadcast %squeeze3A_1097 : f32 to vector<16xf32>
        %mul3A_1114 = arith.mulf %get3A_1112, %mul3A_1113 : vector<16xf32>
        %swap3A_1115 = arith.index_cast %add3A_1101 : i32 to index
        %swap3A_1116 = arith.constant 16 : index
        %swap3A_1117 = tpu.vector_load %arg20[%swap3A_1115, %swap3A_1116] {strides = array<i32>} : memref<80x128xf32, #tpu.memory_space<vmem>>, vector<16xf32>,
        tpu.vector_store %arg20[%swap3A_1115, %swap3A_1116], %mul3A_1114 {strides = array<i32>} : memref<80x128xf32, #tpu.memory_space<vmem>>, vector<16xf32>,
        %get3A_1118 = arith.index_cast %add3A_1101 : i32 to index
        %get3A_1119 = arith.constant 32 : index
        %get3A_1120 = tpu.vector_load %arg20[%get3A_1118, %get3A_1119] {strides = array<i32>} : memref<80x128xf32, #tpu.memory_space<vmem>>, vector<16xf32>,
        %mul3A_1121 = vector.broadcast %squeeze3A_1097 : f32 to vector<16xf32>
        %mul3A_1122 = arith.mulf %get3A_1120, %mul3A_1121 : vector<16xf32>
        %swap3A_1123 = arith.index_cast %add3A_1101 : i32 to index
        %swap3A_1124 = arith.constant 32 : index
        %swap3A_1125 = tpu.vector_load %arg20[%swap3A_1123, %swap3A_1124] {strides = array<i32>} : memref<80x128xf32, #tpu.memory_space<vmem>>, vector<16xf32>,
        tpu.vector_store %arg20[%swap3A_1123, %swap3A_1124], %mul3A_1122 {strides = array<i32>} : memref<80x128xf32, #tpu.memory_space<vmem>>, vector<16xf32>,
        %get3A_1126 = arith.index_cast %add3A_1101 : i32 to index
        %get3A_1127 = arith.constant 48 : index
        %get3A_1128 = tpu.vector_load %arg20[%get3A_1126, %get3A_1127] {strides = array<i32>} : memref<80x128xf32, #tpu.memory_space<vmem>>, vector<16xf32>,
        %mul3A_1129 = vector.broadcast %squeeze3A_1097 : f32 to vector<16xf32>
        %mul3A_1130 = arith.mulf %get3A_1128, %mul3A_1129 : vector<16xf32>
        %swap3A_1131 = arith.index_cast %add3A_1101 : i32 to index
        %swap3A_1132 = arith.constant 48 : index
        %swap3A_1133 = tpu.vector_load %arg20[%swap3A_1131, %swap3A_1132] {strides = array<i32>} : memref<80x128xf32, #tpu.memory_space<vmem>>, vector<16xf32>,
        tpu.vector_store %arg20[%swap3A_1131, %swap3A_1132], %mul3A_1130 {strides = array<i32>} : memref<80x128xf32, #tpu.memory_space<vmem>>, vector<16xf32>,
        %get3A_1134 = arith.index_cast %add3A_1101 : i32 to index
        %get3A_1135 = arith.constant 64 : index
        %get3A_1136 = tpu.vector_load %arg20[%get3A_1134, %get3A_1135] {strides = array<i32>} : memref<80x128xf32, #tpu.memory_space<vmem>>, vector<16xf32>,
        %mul3A_1137 = vector.broadcast %squeeze3A_1097 : f32 to vector<16xf32>
        %mul3A_1138 = arith.mulf %get3A_1136, %mul3A_1137 : vector<16xf32>
        %swap3A_1139 = arith.index_cast %add3A_1101 : i32 to index
        %swap3A_1140 = arith.constant 64 : index
        %swap3A_1141 = tpu.vector_load %arg20[%swap3A_1139, %swap3A_1140] {strides = array<i32>} : memref<80x128xf32, #tpu.memory_space<vmem>>, vector<16xf32>,
        tpu.vector_store %arg20[%swap3A_1139, %swap3A_1140], %mul3A_1138 {strides = array<i32>} : memref<80x128xf32, #tpu.memory_space<vmem>>, vector<16xf32>,
        %get3A_1142 = arith.index_cast %add3A_1101 : i32 to index
        %get3A_1143 = arith.constant 80 : index
        %get3A_1144 = tpu.vector_load %arg20[%get3A_1142, %get3A_1143] {strides = array<i32>} : memref<80x128xf32, #tpu.memory_space<vmem>>, vector<16xf32>,
        %mul3A_1145 = vector.broadcast %squeeze3A_1097 : f32 to vector<16xf32>
        %mul3A_1146 = arith.mulf %get3A_1144, %mul3A_1145 : vector<16xf32>
        %swap3A_1147 = arith.index_cast %add3A_1101 : i32 to index
        %swap3A_1148 = arith.constant 80 : index
        %swap3A_1149 = tpu.vector_load %arg20[%swap3A_1147, %swap3A_1148] {strides = array<i32>} : memref<80x128xf32, #tpu.memory_space<vmem>>, vector<16xf32>,
        tpu.vector_store %arg20[%swap3A_1147, %swap3A_1148], %mul3A_1146 {strides = array<i32>} : memref<80x128xf32, #tpu.memory_space<vmem>>, vector<16xf32>,
        %get3A_1150 = arith.index_cast %add3A_1101 : i32 to index
        %get3A_1151 = arith.constant 96 : index
        %get3A_1152 = tpu.vector_load %arg20[%get3A_1150, %get3A_1151] {strides = array<i32>} : memref<80x128xf32, #tpu.memory_space<vmem>>, vector<16xf32>,
        %mul3A_1153 = vector.broadcast %squeeze3A_1097 : f32 to vector<16xf32>
        %mul3A_1154 = arith.mulf %get3A_1152, %mul3A_1153 : vector<16xf32>
        %swap3A_1155 = arith.index_cast %add3A_1101 : i32 to index
        %swap3A_1156 = arith.constant 96 : index
        %swap3A_1157 = tpu.vector_load %arg20[%swap3A_1155, %swap3A_1156] {strides = array<i32>} : memref<80x128xf32, #tpu.memory_space<vmem>>, vector<16xf32>,
        tpu.vector_store %arg20[%swap3A_1155, %swap3A_1156], %mul3A_1154 {strides = array<i32>} : memref<80x128xf32, #tpu.memory_space<vmem>>, vector<16xf32>,
        %get3A_1158 = arith.index_cast %add3A_1101 : i32 to index
        %get3A_1159 = arith.constant 112 : index
        %get3A_1160 = tpu.vector_load %arg20[%get3A_1158, %get3A_1159] {strides = array<i32>} : memref<80x128xf32, #tpu.memory_space<vmem>>, vector<16xf32>,
        %mul3A_1161 = vector.broadcast %squeeze3A_1097 : f32 to vector<16xf32>
        %mul3A_1162 = arith.mulf %get3A_1160, %mul3A_1161 : vector<16xf32>
        %swap3A_1163 = arith.index_cast %add3A_1101 : i32 to index
        %swap3A_1164 = arith.constant 112 : index
        %swap3A_1165 = tpu.vector_load %arg20[%swap3A_1163, %swap3A_1164] {strides = array<i32>} : memref<80x128xf32, #tpu.memory_space<vmem>>, vector<16xf32>,
        tpu.vector_store %arg20[%swap3A_1163, %swap3A_1164], %mul3A_1162 {strides = array<i32>} : memref<80x128xf32, #tpu.memory_space<vmem>>, vector<16xf32>,
        %slice3A_1166 = vector.extract_strided_slice %get3A_188 {offsets = [14], sizes = [1], strides = [1]} : vector<16xf32> to vector<1xf32>
        %squeeze3A_1167 = vector.extract %slice3A_1166[0] : f32 from vector<1xf32>
        %mul3A_1168 = arith.constant 16 : i32
        %mul3A_1169 = arith.muli %scan3A_185, %mul3A_1168 : i32
        %add3A_1170 = arith.constant 14 : i32
        %add3A_1171 = arith.addi %mul3A_1169, %add3A_1170 : i32
        %get3A_1172 = arith.index_cast %add3A_1171 : i32 to index
        %get3A_1173 = arith.constant 0 : index
        %get3A_1174 = tpu.vector_load %arg20[%get3A_1172, %get3A_1173] {strides = array<i32>} : memref<80x128xf32, #tpu.memory_space<vmem>>, vector<16xf32>,
        %mul3A_1175 = vector.broadcast %squeeze3A_1167 : f32 to vector<16xf32>
        %mul3A_1176 = arith.mulf %get3A_1174, %mul3A_1175 : vector<16xf32>
        %swap3A_1177 = arith.index_cast %add3A_1171 : i32 to index
        %swap3A_1178 = arith.constant 0 : index
        %swap3A_1179 = tpu.vector_load %arg20[%swap3A_1177, %swap3A_1178] {strides = array<i32>} : memref<80x128xf32, #tpu.memory_space<vmem>>, vector<16xf32>,
        tpu.vector_store %arg20[%swap3A_1177, %swap3A_1178], %mul3A_1176 {strides = array<i32>} : memref<80x128xf32, #tpu.memory_space<vmem>>, vector<16xf32>,
        %get3A_1180 = arith.index_cast %add3A_1171 : i32 to index
        %get3A_1181 = arith.constant 16 : index
        %get3A_1182 = tpu.vector_load %arg20[%get3A_1180, %get3A_1181] {strides = array<i32>} : memref<80x128xf32, #tpu.memory_space<vmem>>, vector<16xf32>,
        %mul3A_1183 = vector.broadcast %squeeze3A_1167 : f32 to vector<16xf32>
        %mul3A_1184 = arith.mulf %get3A_1182, %mul3A_1183 : vector<16xf32>
        %swap3A_1185 = arith.index_cast %add3A_1171 : i32 to index
        %swap3A_1186 = arith.constant 16 : index
        %swap3A_1187 = tpu.vector_load %arg20[%swap3A_1185, %swap3A_1186] {strides = array<i32>} : memref<80x128xf32, #tpu.memory_space<vmem>>, vector<16xf32>,
        tpu.vector_store %arg20[%swap3A_1185, %swap3A_1186], %mul3A_1184 {strides = array<i32>} : memref<80x128xf32, #tpu.memory_space<vmem>>, vector<16xf32>,
        %get3A_1188 = arith.index_cast %add3A_1171 : i32 to index
        %get3A_1189 = arith.constant 32 : index
        %get3A_1190 = tpu.vector_load %arg20[%get3A_1188, %get3A_1189] {strides = array<i32>} : memref<80x128xf32, #tpu.memory_space<vmem>>, vector<16xf32>,
        %mul3A_1191 = vector.broadcast %squeeze3A_1167 : f32 to vector<16xf32>
        %mul3A_1192 = arith.mulf %get3A_1190, %mul3A_1191 : vector<16xf32>
        %swap3A_1193 = arith.index_cast %add3A_1171 : i32 to index
        %swap3A_1194 = arith.constant 32 : index
        %swap3A_1195 = tpu.vector_load %arg20[%swap3A_1193, %swap3A_1194] {strides = array<i32>} : memref<80x128xf32, #tpu.memory_space<vmem>>, vector<16xf32>,
        tpu.vector_store %arg20[%swap3A_1193, %swap3A_1194], %mul3A_1192 {strides = array<i32>} : memref<80x128xf32, #tpu.memory_space<vmem>>, vector<16xf32>,
        %get3A_1196 = arith.index_cast %add3A_1171 : i32 to index
        %get3A_1197 = arith.constant 48 : index
        %get3A_1198 = tpu.vector_load %arg20[%get3A_1196, %get3A_1197] {strides = array<i32>} : memref<80x128xf32, #tpu.memory_space<vmem>>, vector<16xf32>,
        %mul3A_1199 = vector.broadcast %squeeze3A_1167 : f32 to vector<16xf32>
        %mul3A_1200 = arith.mulf %get3A_1198, %mul3A_1199 : vector<16xf32>
        %swap3A_1201 = arith.index_cast %add3A_1171 : i32 to index
        %swap3A_1202 = arith.constant 48 : index
        %swap3A_1203 = tpu.vector_load %arg20[%swap3A_1201, %swap3A_1202] {strides = array<i32>} : memref<80x128xf32, #tpu.memory_space<vmem>>, vector<16xf32>,
        tpu.vector_store %arg20[%swap3A_1201, %swap3A_1202], %mul3A_1200 {strides = array<i32>} : memref<80x128xf32, #tpu.memory_space<vmem>>, vector<16xf32>,
        %get3A_1204 = arith.index_cast %add3A_1171 : i32 to index
        %get3A_1205 = arith.constant 64 : index
        %get3A_1206 = tpu.vector_load %arg20[%get3A_1204, %get3A_1205] {strides = array<i32>} : memref<80x128xf32, #tpu.memory_space<vmem>>, vector<16xf32>,
        %mul3A_1207 = vector.broadcast %squeeze3A_1167 : f32 to vector<16xf32>
        %mul3A_1208 = arith.mulf %get3A_1206, %mul3A_1207 : vector<16xf32>
        %swap3A_1209 = arith.index_cast %add3A_1171 : i32 to index
        %swap3A_1210 = arith.constant 64 : index
        %swap3A_1211 = tpu.vector_load %arg20[%swap3A_1209, %swap3A_1210] {strides = array<i32>} : memref<80x128xf32, #tpu.memory_space<vmem>>, vector<16xf32>,
        tpu.vector_store %arg20[%swap3A_1209, %swap3A_1210], %mul3A_1208 {strides = array<i32>} : memref<80x128xf32, #tpu.memory_space<vmem>>, vector<16xf32>,
        %get3A_1212 = arith.index_cast %add3A_1171 : i32 to index
        %get3A_1213 = arith.constant 80 : index
        %get3A_1214 = tpu.vector_load %arg20[%get3A_1212, %get3A_1213] {strides = array<i32>} : memref<80x128xf32, #tpu.memory_space<vmem>>, vector<16xf32>,
        %mul3A_1215 = vector.broadcast %squeeze3A_1167 : f32 to vector<16xf32>
        %mul3A_1216 = arith.mulf %get3A_1214, %mul3A_1215 : vector<16xf32>
        %swap3A_1217 = arith.index_cast %add3A_1171 : i32 to index
        %swap3A_1218 = arith.constant 80 : index
        %swap3A_1219 = tpu.vector_load %arg20[%swap3A_1217, %swap3A_1218] {strides = array<i32>} : memref<80x128xf32, #tpu.memory_space<vmem>>, vector<16xf32>,
        tpu.vector_store %arg20[%swap3A_1217, %swap3A_1218], %mul3A_1216 {strides = array<i32>} : memref<80x128xf32, #tpu.memory_space<vmem>>, vector<16xf32>,
        %get3A_1220 = arith.index_cast %add3A_1171 : i32 to index
        %get3A_1221 = arith.constant 96 : index
        %get3A_1222 = tpu.vector_load %arg20[%get3A_1220, %get3A_1221] {strides = array<i32>} : memref<80x128xf32, #tpu.memory_space<vmem>>, vector<16xf32>,
        %mul3A_1223 = vector.broadcast %squeeze3A_1167 : f32 to vector<16xf32>
        %mul3A_1224 = arith.mulf %get3A_1222, %mul3A_1223 : vector<16xf32>
        %swap3A_1225 = arith.index_cast %add3A_1171 : i32 to index
        %swap3A_1226 = arith.constant 96 : index
        %swap3A_1227 = tpu.vector_load %arg20[%swap3A_1225, %swap3A_1226] {strides = array<i32>} : memref<80x128xf32, #tpu.memory_space<vmem>>, vector<16xf32>,
        tpu.vector_store %arg20[%swap3A_1225, %swap3A_1226], %mul3A_1224 {strides = array<i32>} : memref<80x128xf32, #tpu.memory_space<vmem>>, vector<16xf32>,
        %get3A_1228 = arith.index_cast %add3A_1171 : i32 to index
        %get3A_1229 = arith.constant 112 : index
        %get3A_1230 = tpu.vector_load %arg20[%get3A_1228, %get3A_1229] {strides = array<i32>} : memref<80x128xf32, #tpu.memory_space<vmem>>, vector<16xf32>,
        %mul3A_1231 = vector.broadcast %squeeze3A_1167 : f32 to vector<16xf32>
        %mul3A_1232 = arith.mulf %get3A_1230, %mul3A_1231 : vector<16xf32>
        %swap3A_1233 = arith.index_cast %add3A_1171 : i32 to index
        %swap3A_1234 = arith.constant 112 : index
        %swap3A_1235 = tpu.vector_load %arg20[%swap3A_1233, %swap3A_1234] {strides = array<i32>} : memref<80x128xf32, #tpu.memory_space<vmem>>, vector<16xf32>,
        tpu.vector_store %arg20[%swap3A_1233, %swap3A_1234], %mul3A_1232 {strides = array<i32>} : memref<80x128xf32, #tpu.memory_space<vmem>>, vector<16xf32>,
        %slice3A_1236 = vector.extract_strided_slice %get3A_188 {offsets = [15], sizes = [1], strides = [1]} : vector<16xf32> to vector<1xf32>
        %squeeze3A_1237 = vector.extract %slice3A_1236[0] : f32 from vector<1xf32>
        %mul3A_1238 = arith.constant 16 : i32
        %mul3A_1239 = arith.muli %scan3A_185, %mul3A_1238 : i32
        %add3A_1240 = arith.constant 15 : i32
        %add3A_1241 = arith.addi %mul3A_1239, %add3A_1240 : i32
        %get3A_1242 = arith.index_cast %add3A_1241 : i32 to index
        %get3A_1243 = arith.constant 0 : index
        %get3A_1244 = tpu.vector_load %arg20[%get3A_1242, %get3A_1243] {strides = array<i32>} : memref<80x128xf32, #tpu.memory_space<vmem>>, vector<16xf32>,
        %mul3A_1245 = vector.broadcast %squeeze3A_1237 : f32 to vector<16xf32>
        %mul3A_1246 = arith.mulf %get3A_1244, %mul3A_1245 : vector<16xf32>
        %swap3A_1247 = arith.index_cast %add3A_1241 : i32 to index
        %swap3A_1248 = arith.constant 0 : index
        %swap3A_1249 = tpu.vector_load %arg20[%swap3A_1247, %swap3A_1248] {strides = array<i32>} : memref<80x128xf32, #tpu.memory_space<vmem>>, vector<16xf32>,
        tpu.vector_store %arg20[%swap3A_1247, %swap3A_1248], %mul3A_1246 {strides = array<i32>} : memref<80x128xf32, #tpu.memory_space<vmem>>, vector<16xf32>,
        %get3A_1250 = arith.index_cast %add3A_1241 : i32 to index
        %get3A_1251 = arith.constant 16 : index
        %get3A_1252 = tpu.vector_load %arg20[%get3A_1250, %get3A_1251] {strides = array<i32>} : memref<80x128xf32, #tpu.memory_space<vmem>>, vector<16xf32>,
        %mul3A_1253 = vector.broadcast %squeeze3A_1237 : f32 to vector<16xf32>
        %mul3A_1254 = arith.mulf %get3A_1252, %mul3A_1253 : vector<16xf32>
        %swap3A_1255 = arith.index_cast %add3A_1241 : i32 to index
        %swap3A_1256 = arith.constant 16 : index
        %swap3A_1257 = tpu.vector_load %arg20[%swap3A_1255, %swap3A_1256] {strides = array<i32>} : memref<80x128xf32, #tpu.memory_space<vmem>>, vector<16xf32>,
        tpu.vector_store %arg20[%swap3A_1255, %swap3A_1256], %mul3A_1254 {strides = array<i32>} : memref<80x128xf32, #tpu.memory_space<vmem>>, vector<16xf32>,
        %get3A_1258 = arith.index_cast %add3A_1241 : i32 to index
        %get3A_1259 = arith.constant 32 : index
        %get3A_1260 = tpu.vector_load %arg20[%get3A_1258, %get3A_1259] {strides = array<i32>} : memref<80x128xf32, #tpu.memory_space<vmem>>, vector<16xf32>,
        %mul3A_1261 = vector.broadcast %squeeze3A_1237 : f32 to vector<16xf32>
        %mul3A_1262 = arith.mulf %get3A_1260, %mul3A_1261 : vector<16xf32>
        %swap3A_1263 = arith.index_cast %add3A_1241 : i32 to index
        %swap3A_1264 = arith.constant 32 : index
        %swap3A_1265 = tpu.vector_load %arg20[%swap3A_1263, %swap3A_1264] {strides = array<i32>} : memref<80x128xf32, #tpu.memory_space<vmem>>, vector<16xf32>,
        tpu.vector_store %arg20[%swap3A_1263, %swap3A_1264], %mul3A_1262 {strides = array<i32>} : memref<80x128xf32, #tpu.memory_space<vmem>>, vector<16xf32>,
        %get3A_1266 = arith.index_cast %add3A_1241 : i32 to index
        %get3A_1267 = arith.constant 48 : index
        %get3A_1268 = tpu.vector_load %arg20[%get3A_1266, %get3A_1267] {strides = array<i32>} : memref<80x128xf32, #tpu.memory_space<vmem>>, vector<16xf32>,
        %mul3A_1269 = vector.broadcast %squeeze3A_1237 : f32 to vector<16xf32>
        %mul3A_1270 = arith.mulf %get3A_1268, %mul3A_1269 : vector<16xf32>
        %swap3A_1271 = arith.index_cast %add3A_1241 : i32 to index
        %swap3A_1272 = arith.constant 48 : index
        %swap3A_1273 = tpu.vector_load %arg20[%swap3A_1271, %swap3A_1272] {strides = array<i32>} : memref<80x128xf32, #tpu.memory_space<vmem>>, vector<16xf32>,
        tpu.vector_store %arg20[%swap3A_1271, %swap3A_1272], %mul3A_1270 {strides = array<i32>} : memref<80x128xf32, #tpu.memory_space<vmem>>, vector<16xf32>,
        %get3A_1274 = arith.index_cast %add3A_1241 : i32 to index
        %get3A_1275 = arith.constant 64 : index
        %get3A_1276 = tpu.vector_load %arg20[%get3A_1274, %get3A_1275] {strides = array<i32>} : memref<80x128xf32, #tpu.memory_space<vmem>>, vector<16xf32>,
        %mul3A_1277 = vector.broadcast %squeeze3A_1237 : f32 to vector<16xf32>
        %mul3A_1278 = arith.mulf %get3A_1276, %mul3A_1277 : vector<16xf32>
        %swap3A_1279 = arith.index_cast %add3A_1241 : i32 to index
        %swap3A_1280 = arith.constant 64 : index
        %swap3A_1281 = tpu.vector_load %arg20[%swap3A_1279, %swap3A_1280] {strides = array<i32>} : memref<80x128xf32, #tpu.memory_space<vmem>>, vector<16xf32>,
        tpu.vector_store %arg20[%swap3A_1279, %swap3A_1280], %mul3A_1278 {strides = array<i32>} : memref<80x128xf32, #tpu.memory_space<vmem>>, vector<16xf32>,
        %get3A_1282 = arith.index_cast %add3A_1241 : i32 to index
        %get3A_1283 = arith.constant 80 : index
        %get3A_1284 = tpu.vector_load %arg20[%get3A_1282, %get3A_1283] {strides = array<i32>} : memref<80x128xf32, #tpu.memory_space<vmem>>, vector<16xf32>,
        %mul3A_1285 = vector.broadcast %squeeze3A_1237 : f32 to vector<16xf32>
        %mul3A_1286 = arith.mulf %get3A_1284, %mul3A_1285 : vector<16xf32>
        %swap3A_1287 = arith.index_cast %add3A_1241 : i32 to index
        %swap3A_1288 = arith.constant 80 : index
        %swap3A_1289 = tpu.vector_load %arg20[%swap3A_1287, %swap3A_1288] {strides = array<i32>} : memref<80x128xf32, #tpu.memory_space<vmem>>, vector<16xf32>,
        tpu.vector_store %arg20[%swap3A_1287, %swap3A_1288], %mul3A_1286 {strides = array<i32>} : memref<80x128xf32, #tpu.memory_space<vmem>>, vector<16xf32>,
        %get3A_1290 = arith.index_cast %add3A_1241 : i32 to index
        %get3A_1291 = arith.constant 96 : index
        %get3A_1292 = tpu.vector_load %arg20[%get3A_1290, %get3A_1291] {strides = array<i32>} : memref<80x128xf32, #tpu.memory_space<vmem>>, vector<16xf32>,
        %mul3A_1293 = vector.broadcast %squeeze3A_1237 : f32 to vector<16xf32>
        %mul3A_1294 = arith.mulf %get3A_1292, %mul3A_1293 : vector<16xf32>
        %swap3A_1295 = arith.index_cast %add3A_1241 : i32 to index
        %swap3A_1296 = arith.constant 96 : index
        %swap3A_1297 = tpu.vector_load %arg20[%swap3A_1295, %swap3A_1296] {strides = array<i32>} : memref<80x128xf32, #tpu.memory_space<vmem>>, vector<16xf32>,
        tpu.vector_store %arg20[%swap3A_1295, %swap3A_1296], %mul3A_1294 {strides = array<i32>} : memref<80x128xf32, #tpu.memory_space<vmem>>, vector<16xf32>,
        %get3A_1298 = arith.index_cast %add3A_1241 : i32 to index
        %get3A_1299 = arith.constant 112 : index
        %get3A_1300 = tpu.vector_load %arg20[%get3A_1298, %get3A_1299] {strides = array<i32>} : memref<80x128xf32, #tpu.memory_space<vmem>>, vector<16xf32>,
        %mul3A_1301 = vector.broadcast %squeeze3A_1237 : f32 to vector<16xf32>
        %mul3A_1302 = arith.mulf %get3A_1300, %mul3A_1301 : vector<16xf32>
        %swap3A_1303 = arith.index_cast %add3A_1241 : i32 to index
        %swap3A_1304 = arith.constant 112 : index
        %swap3A_1305 = tpu.vector_load %arg20[%swap3A_1303, %swap3A_1304] {strides = array<i32>} : memref<80x128xf32, #tpu.memory_space<vmem>>, vector<16xf32>,
        tpu.vector_store %arg20[%swap3A_1303, %swap3A_1304], %mul3A_1302 {strides = array<i32>} : memref<80x128xf32, #tpu.memory_space<vmem>>, vector<16xf32>,
      }
      %scan3A_148 = arith.constant 5 : i32
      %dma_wait3A_149 = arith.constant 0 : i32
      %dma_wait3A_150 = arith.constant 0 : i32
      %dma_wait3A_151 = tpu.memref_slice %arg9[%dma_wait3A_149, %dma_wait3A_150] : memref<10240x128xf32, #tpu.memory_space<vmem_shared>> -> memref<10240x128xf32, #tpu.memory_space<vmem_shared>>
      tpu.wait_indirect_dma semaphore(%arg24 : memref<!tpu.dma_semaphore, #tpu.memory_space<semaphore_mem>>) src(%arg19 : memref<80x128xf32, #tpu.memory_space<vmem>>) dst(%dma_wait3A_151 : memref<10240x128xf32, #tpu.memory_space<vmem_shared>>)
      %dma_wait3A_152 = arith.constant 0 : i32
      %dma_wait3A_153 = tpu.memref_slice %arg10[%dma_wait3A_152] : memref<10240xf32, #tpu.memory_space<vmem_shared>> -> memref<10240xf32, #tpu.memory_space<vmem_shared>>
      tpu.wait_indirect_dma semaphore(%arg24 : memref<!tpu.dma_semaphore, #tpu.memory_space<semaphore_mem>>) src(%arg17 : memref<80xf32, #tpu.memory_space<vmem>>) dst(%dma_wait3A_153 : memref<10240xf32, #tpu.memory_space<vmem_shared>>)
      %add3A_154 = arith.constant 2 : i32
      %add3A_155 = arith.addi %mul3A_85, %add3A_154 : i32
      %min3A = arith.constant 126 : i32
      %min3A_156 = arith.minsi %add3A_155, %min3A : i32
      %add3A_157 = arith.constant 2 : i32
      %add3A_158 = arith.addi %add3A_87, %add3A_157 : i32
      %min3A_159 = arith.constant 127 : i32
      %min3A_160 = arith.minsi %add3A_158, %min3A_159 : i32
      %dma_start3A_161 = arith.constant 0 : i32
      %dma_start3A_162 = tpu.memref_slice %arg5[%add3A, %min3A_156, %dma_start3A_161] : memref<32x128x80xi32, #tpu.memory_space<hbm>> -> memref<1x1x80xi32, #tpu.memory_space<hbm>>
      %dma_start3A_163 = tpu.memref_squeeze %dma_start3A_162 : memref<1x1x80xi32, #tpu.memory_space<hbm>> -> memref<80xi32, #tpu.memory_space<hbm>>
      %dma_start3A_164 = arith.constant 0 : i32
      %dma_start3A_165 = tpu.memref_slice %arg5[%add3A, %min3A_156, %dma_start3A_164] : memref<32x128x80xi32, #tpu.memory_space<hbm>> -> memref<1x1x80xi32, #tpu.memory_space<hbm>>
      %dma_start3A_166 = tpu.memref_squeeze %dma_start3A_165 : memref<1x1x80xi32, #tpu.memory_space<hbm>> -> memref<80xi32, #tpu.memory_space<hbm>>
      tpu.enqueue_dma source(%dma_start3A_166 : memref<80xi32, #tpu.memory_space<hbm>>) target(%arg13 : memref<80xi32, #tpu.memory_space<vmem>>) target_semaphore(%arg25 : memref<!tpu.dma_semaphore, #tpu.memory_space<semaphore_mem>>)
      %dma_start3A_167 = arith.constant 0 : i32
      %dma_start3A_168 = tpu.memref_slice %arg6[%add3A, %min3A_156, %dma_start3A_167] : memref<32x128x80xi32, #tpu.memory_space<hbm>> -> memref<1x1x80xi32, #tpu.memory_space<hbm>>
      %dma_start3A_169 = tpu.memref_squeeze %dma_start3A_168 : memref<1x1x80xi32, #tpu.memory_space<hbm>> -> memref<80xi32, #tpu.memory_space<hbm>>
      %dma_start3A_170 = arith.constant 0 : i32
      %dma_start3A_171 = tpu.memref_slice %arg6[%add3A, %min3A_156, %dma_start3A_170] : memref<32x128x80xi32, #tpu.memory_space<hbm>> -> memref<1x1x80xi32, #tpu.memory_space<hbm>>
      %dma_start3A_172 = tpu.memref_squeeze %dma_start3A_171 : memref<1x1x80xi32, #tpu.memory_space<hbm>> -> memref<80xi32, #tpu.memory_space<hbm>>
      tpu.enqueue_dma source(%dma_start3A_172 : memref<80xi32, #tpu.memory_space<hbm>>) target(%arg14 : memref<80xi32, #tpu.memory_space<vmem>>) target_semaphore(%arg25 : memref<!tpu.dma_semaphore, #tpu.memory_space<semaphore_mem>>)
      "tpu.region"() ({
        %run_scoped3A = tpu.sem_alloc : memref<!tpu.dma_semaphore, #tpu.memory_space<semaphore_mem>>
        %dma_start3A_185 = arith.constant 0 : i32
        %dma_start3A_186 = arith.constant 0 : i32
        %dma_start3A_187 = tpu.memref_slice %arg9[%dma_start3A_185, %dma_start3A_186] : memref<10240x128xf32, #tpu.memory_space<vmem_shared>> -> memref<10240x128xf32, #tpu.memory_space<vmem_shared>>
        tpu.enqueue_indirect_dma source(%arg20 : memref<80x128xf32, #tpu.memory_space<vmem>>) target(%dma_start3A_187 : memref<10240x128xf32, #tpu.memory_space<vmem_shared>>) offsets(%arg16 : memref<80xi32, #tpu.memory_space<vmem>>) semaphore(%run_scoped3A : memref<!tpu.dma_semaphore, #tpu.memory_space<semaphore_mem>>) {add = true}
        %dma_wait3A_188 = arith.constant 0 : i32
        %dma_wait3A_189 = arith.constant 0 : i32
        %dma_wait3A_190 = tpu.memref_slice %arg9[%dma_wait3A_188, %dma_wait3A_189] : memref<10240x128xf32, #tpu.memory_space<vmem_shared>> -> memref<10240x128xf32, #tpu.memory_space<vmem_shared>>
        tpu.wait_indirect_dma semaphore(%run_scoped3A : memref<!tpu.dma_semaphore, #tpu.memory_space<semaphore_mem>>) src(%arg20 : memref<80x128xf32, #tpu.memory_space<vmem>>) dst(%dma_wait3A_190 : memref<10240x128xf32, #tpu.memory_space<vmem_shared>>)
        tpu.yield
      }) : () -> ()
      "tpu.region"() ({
        %run_scoped3A = tpu.sem_alloc : memref<!tpu.dma_semaphore, #tpu.memory_space<semaphore_mem>>
        %dma_start3A_185 = arith.constant 0 : i32
        %dma_start3A_186 = tpu.memref_slice %arg10[%dma_start3A_185] : memref<10240xf32, #tpu.memory_space<vmem_shared>> -> memref<10240xf32, #tpu.memory_space<vmem_shared>>
        tpu.enqueue_indirect_dma source(%arg18 : memref<80xf32, #tpu.memory_space<vmem>>) target(%dma_start3A_186 : memref<10240xf32, #tpu.memory_space<vmem_shared>>) offsets(%arg16 : memref<80xi32, #tpu.memory_space<vmem>>) semaphore(%run_scoped3A : memref<!tpu.dma_semaphore, #tpu.memory_space<semaphore_mem>>) {add = true}
        %dma_wait3A_187 = arith.constant 0 : i32
        %dma_wait3A_188 = tpu.memref_slice %arg10[%dma_wait3A_187] : memref<10240xf32, #tpu.memory_space<vmem_shared>> -> memref<10240xf32, #tpu.memory_space<vmem_shared>>
        tpu.wait_indirect_dma semaphore(%run_scoped3A : memref<!tpu.dma_semaphore, #tpu.memory_space<semaphore_mem>>) src(%arg18 : memref<80xf32, #tpu.memory_space<vmem>>) dst(%dma_wait3A_188 : memref<10240xf32, #tpu.memory_space<vmem_shared>>)
        tpu.yield
      }) : () -> ()
      %dma_start3A_173 = arith.constant 0 : i32
      %dma_start3A_174 = tpu.memref_slice %arg5[%add3A, %min3A_160, %dma_start3A_173] : memref<32x128x80xi32, #tpu.memory_space<hbm>> -> memref<1x1x80xi32, #tpu.memory_space<hbm>>
      %dma_start3A_175 = tpu.memref_squeeze %dma_start3A_174 : memref<1x1x80xi32, #tpu.memory_space<hbm>> -> memref<80xi32, #tpu.memory_space<hbm>>
      %dma_start3A_176 = arith.constant 0 : i32
      %dma_start3A_177 = tpu.memref_slice %arg5[%add3A, %min3A_160, %dma_start3A_176] : memref<32x128x80xi32, #tpu.memory_space<hbm>> -> memref<1x1x80xi32, #tpu.memory_space<hbm>>
      %dma_start3A_178 = tpu.memref_squeeze %dma_start3A_177 : memref<1x1x80xi32, #tpu.memory_space<hbm>> -> memref<80xi32, #tpu.memory_space<hbm>>
      tpu.enqueue_dma source(%dma_start3A_178 : memref<80xi32, #tpu.memory_space<hbm>>) target(%arg15 : memref<80xi32, #tpu.memory_space<vmem>>) target_semaphore(%arg26 : memref<!tpu.dma_semaphore, #tpu.memory_space<semaphore_mem>>)
      %dma_start3A_179 = arith.constant 0 : i32
      %dma_start3A_180 = tpu.memref_slice %arg6[%add3A, %min3A_160, %dma_start3A_179] : memref<32x128x80xi32, #tpu.memory_space<hbm>> -> memref<1x1x80xi32, #tpu.memory_space<hbm>>
      %dma_start3A_181 = tpu.memref_squeeze %dma_start3A_180 : memref<1x1x80xi32, #tpu.memory_space<hbm>> -> memref<80xi32, #tpu.memory_space<hbm>>
      %dma_start3A_182 = arith.constant 0 : i32
      %dma_start3A_183 = tpu.memref_slice %arg6[%add3A, %min3A_160, %dma_start3A_182] : memref<32x128x80xi32, #tpu.memory_space<hbm>> -> memref<1x1x80xi32, #tpu.memory_space<hbm>>
      %dma_start3A_184 = tpu.memref_squeeze %dma_start3A_183 : memref<1x1x80xi32, #tpu.memory_space<hbm>> -> memref<80xi32, #tpu.memory_space<hbm>>
      tpu.enqueue_dma source(%dma_start3A_184 : memref<80xi32, #tpu.memory_space<hbm>>) target(%arg16 : memref<80xi32, #tpu.memory_space<vmem>>) target_semaphore(%arg26 : memref<!tpu.dma_semaphore, #tpu.memory_space<semaphore_mem>>)
    }
    %scan3A_49 = arith.constant 64 : i32
    %dma_wait3A = arith.constant 126 : i32
    %dma_wait3A_50 = arith.constant 0 : i32
    %dma_wait3A_51 = tpu.memref_slice %arg5[%add3A, %dma_wait3A, %dma_wait3A_50] : memref<32x128x80xi32, #tpu.memory_space<hbm>> -> memref<1x1x80xi32, #tpu.memory_space<hbm>>
    %dma_wait3A_52 = tpu.memref_squeeze %dma_wait3A_51 : memref<1x1x80xi32, #tpu.memory_space<hbm>> -> memref<80xi32, #tpu.memory_space<hbm>>
    %dma_wait3A_53 = arith.constant 0 : i32
    %dma_wait3A_54 = tpu.memref_slice %arg5[%add3A, %dma_wait3A, %dma_wait3A_53] : memref<32x128x80xi32, #tpu.memory_space<hbm>> -> memref<1x1x80xi32, #tpu.memory_space<hbm>>
    %dma_wait3A_55 = tpu.memref_squeeze %dma_wait3A_54 : memref<1x1x80xi32, #tpu.memory_space<hbm>> -> memref<80xi32, #tpu.memory_space<hbm>>
    tpu.wait_dma2 semaphore(%arg25 : memref<!tpu.dma_semaphore, #tpu.memory_space<semaphore_mem>>) src(%dma_wait3A_55 : memref<80xi32, #tpu.memory_space<hbm>>) dst(%arg13 : memref<80xi32, #tpu.memory_space<vmem>>)
    %dma_wait3A_56 = arith.constant 126 : i32
    %dma_wait3A_57 = arith.constant 0 : i32
    %dma_wait3A_58 = tpu.memref_slice %arg6[%add3A, %dma_wait3A_56, %dma_wait3A_57] : memref<32x128x80xi32, #tpu.memory_space<hbm>> -> memref<1x1x80xi32, #tpu.memory_space<hbm>>
    %dma_wait3A_59 = tpu.memref_squeeze %dma_wait3A_58 : memref<1x1x80xi32, #tpu.memory_space<hbm>> -> memref<80xi32, #tpu.memory_space<hbm>>
    %dma_wait3A_60 = arith.constant 0 : i32
    %dma_wait3A_61 = tpu.memref_slice %arg6[%add3A, %dma_wait3A_56, %dma_wait3A_60] : memref<32x128x80xi32, #tpu.memory_space<hbm>> -> memref<1x1x80xi32, #tpu.memory_space<hbm>>
    %dma_wait3A_62 = tpu.memref_squeeze %dma_wait3A_61 : memref<1x1x80xi32, #tpu.memory_space<hbm>> -> memref<80xi32, #tpu.memory_space<hbm>>
    tpu.wait_dma2 semaphore(%arg25 : memref<!tpu.dma_semaphore, #tpu.memory_space<semaphore_mem>>) src(%dma_wait3A_62 : memref<80xi32, #tpu.memory_space<hbm>>) dst(%arg14 : memref<80xi32, #tpu.memory_space<vmem>>)
    %dma_wait3A_63 = arith.constant 127 : i32
    %dma_wait3A_64 = arith.constant 0 : i32
    %dma_wait3A_65 = tpu.memref_slice %arg5[%add3A, %dma_wait3A_63, %dma_wait3A_64] : memref<32x128x80xi32, #tpu.memory_space<hbm>> -> memref<1x1x80xi32, #tpu.memory_space<hbm>>
    %dma_wait3A_66 = tpu.memref_squeeze %dma_wait3A_65 : memref<1x1x80xi32, #tpu.memory_space<hbm>> -> memref<80xi32, #tpu.memory_space<hbm>>
    %dma_wait3A_67 = arith.constant 0 : i32
    %dma_wait3A_68 = tpu.memref_slice %arg5[%add3A, %dma_wait3A_63, %dma_wait3A_67] : memref<32x128x80xi32, #tpu.memory_space<hbm>> -> memref<1x1x80xi32, #tpu.memory_space<hbm>>
    %dma_wait3A_69 = tpu.memref_squeeze %dma_wait3A_68 : memref<1x1x80xi32, #tpu.memory_space<hbm>> -> memref<80xi32, #tpu.memory_space<hbm>>
    tpu.wait_dma2 semaphore(%arg26 : memref<!tpu.dma_semaphore, #tpu.memory_space<semaphore_mem>>) src(%dma_wait3A_69 : memref<80xi32, #tpu.memory_space<hbm>>) dst(%arg15 : memref<80xi32, #tpu.memory_space<vmem>>)
    %dma_wait3A_70 = arith.constant 127 : i32
    %dma_wait3A_71 = arith.constant 0 : i32
    %dma_wait3A_72 = tpu.memref_slice %arg6[%add3A, %dma_wait3A_70, %dma_wait3A_71] : memref<32x128x80xi32, #tpu.memory_space<hbm>> -> memref<1x1x80xi32, #tpu.memory_space<hbm>>
    %dma_wait3A_73 = tpu.memref_squeeze %dma_wait3A_72 : memref<1x1x80xi32, #tpu.memory_space<hbm>> -> memref<80xi32, #tpu.memory_space<hbm>>
    %dma_wait3A_74 = arith.constant 0 : i32
    %dma_wait3A_75 = tpu.memref_slice %arg6[%add3A, %dma_wait3A_70, %dma_wait3A_74] : memref<32x128x80xi32, #tpu.memory_space<hbm>> -> memref<1x1x80xi32, #tpu.memory_space<hbm>>
    %dma_wait3A_76 = tpu.memref_squeeze %dma_wait3A_75 : memref<1x1x80xi32, #tpu.memory_space<hbm>> -> memref<80xi32, #tpu.memory_space<hbm>>
    tpu.wait_dma2 semaphore(%arg26 : memref<!tpu.dma_semaphore, #tpu.memory_space<semaphore_mem>>) src(%dma_wait3A_76 : memref<80xi32, #tpu.memory_space<hbm>>) dst(%arg16 : memref<80xi32, #tpu.memory_space<vmem>>)
    %barrier3A_77 = arith.constant 0 : index
    tpu.barrier barrier_id(%barrier3A_77)
    %scan3A_78 = arith.constant 0 : i32
    %scan3A_79 = arith.constant 8 : i32
    %scan3A_80 = arith.addi %scan3A_78, %scan3A_79 : i32
    %scan3A_81 = arith.constant 1 : i32
    scf.for %scan3A_83 = %scan3A_78 to %scan3A_80 step %scan3A_81  : i32 {
      %mul3A_84 = arith.constant 80 : i32
      %mul3A_85 = arith.muli %scan3A_83, %mul3A_84 : i32
      %add3A_86 = arith.addi %mul3A_2, %mul3A_85 : i32
      "tpu.region"() ({
        %run_scoped3A = tpu.sem_alloc : memref<!tpu.dma_semaphore, #tpu.memory_space<semaphore_mem>>
        %dma_start3A_87 = arith.constant 0 : i32
        %dma_start3A_88 = tpu.memref_slice %arg9[%add3A_86, %dma_start3A_87] : memref<10240x128xf32, #tpu.memory_space<vmem_shared>> -> memref<80x128xf32, #tpu.memory_space<vmem_shared>>
        %dma_start3A_89 = arith.constant 0 : i32
        %dma_start3A_90 = tpu.memref_slice %arg9[%add3A_86, %dma_start3A_89] : memref<10240x128xf32, #tpu.memory_space<vmem_shared>> -> memref<80x128xf32, #tpu.memory_space<vmem_shared>>
        tpu.enqueue_dma source(%dma_start3A_90 : memref<80x128xf32, #tpu.memory_space<vmem_shared>>) target(%arg19 : memref<80x128xf32, #tpu.memory_space<vmem>>) target_semaphore(%run_scoped3A : memref<!tpu.dma_semaphore, #tpu.memory_space<semaphore_mem>>)
        %dma_wait3A_91 = arith.constant 0 : i32
        %dma_wait3A_92 = tpu.memref_slice %arg9[%add3A_86, %dma_wait3A_91] : memref<10240x128xf32, #tpu.memory_space<vmem_shared>> -> memref<80x128xf32, #tpu.memory_space<vmem_shared>>
        %dma_wait3A_93 = arith.constant 0 : i32
        %dma_wait3A_94 = tpu.memref_slice %arg9[%add3A_86, %dma_wait3A_93] : memref<10240x128xf32, #tpu.memory_space<vmem_shared>> -> memref<80x128xf32, #tpu.memory_space<vmem_shared>>
        tpu.wait_dma2 semaphore(%run_scoped3A : memref<!tpu.dma_semaphore, #tpu.memory_space<semaphore_mem>>) src(%dma_wait3A_94 : memref<80x128xf32, #tpu.memory_space<vmem_shared>>) dst(%arg19 : memref<80x128xf32, #tpu.memory_space<vmem>>)
        tpu.yield
      }) : () -> ()
      "tpu.region"() ({
        %run_scoped3A = tpu.sem_alloc : memref<!tpu.dma_semaphore, #tpu.memory_space<semaphore_mem>>
        %dma_start3A_87 = arith.constant 0 : i32
        %dma_start3A_88 = tpu.memref_slice %arg7[%arg0, %add3A_86, %dma_start3A_87] : memref<2x10240x128xf32, #tpu.memory_space<hbm>> -> memref<1x80x128xf32, #tpu.memory_space<hbm>>
        %dma_start3A_89 = tpu.memref_squeeze %dma_start3A_88 : memref<1x80x128xf32, #tpu.memory_space<hbm>> -> memref<80x128xf32, #tpu.memory_space<hbm>>
        %dma_start3A_90 = arith.constant 0 : i32
        %dma_start3A_91 = tpu.memref_slice %arg7[%arg0, %add3A_86, %dma_start3A_90] : memref<2x10240x128xf32, #tpu.memory_space<hbm>> -> memref<1x80x128xf32, #tpu.memory_space<hbm>>
        %dma_start3A_92 = tpu.memref_squeeze %dma_start3A_91 : memref<1x80x128xf32, #tpu.memory_space<hbm>> -> memref<80x128xf32, #tpu.memory_space<hbm>>
        tpu.enqueue_dma source(%arg19 : memref<80x128xf32, #tpu.memory_space<vmem>>) target(%dma_start3A_92 : memref<80x128xf32, #tpu.memory_space<hbm>>) target_semaphore(%run_scoped3A : memref<!tpu.dma_semaphore, #tpu.memory_space<semaphore_mem>>)
        %dma_wait3A_93 = arith.constant 0 : i32
        %dma_wait3A_94 = tpu.memref_slice %arg7[%arg0, %add3A_86, %dma_wait3A_93] : memref<2x10240x128xf32, #tpu.memory_space<hbm>> -> memref<1x80x128xf32, #tpu.memory_space<hbm>>
        %dma_wait3A_95 = tpu.memref_squeeze %dma_wait3A_94 : memref<1x80x128xf32, #tpu.memory_space<hbm>> -> memref<80x128xf32, #tpu.memory_space<hbm>>
        %dma_wait3A_96 = arith.constant 0 : i32
        %dma_wait3A_97 = tpu.memref_slice %arg7[%arg0, %add3A_86, %dma_wait3A_96] : memref<2x10240x128xf32, #tpu.memory_space<hbm>> -> memref<1x80x128xf32, #tpu.memory_space<hbm>>
        %dma_wait3A_98 = tpu.memref_squeeze %dma_wait3A_97 : memref<1x80x128xf32, #tpu.memory_space<hbm>> -> memref<80x128xf32, #tpu.memory_space<hbm>>
        tpu.wait_dma2 semaphore(%run_scoped3A : memref<!tpu.dma_semaphore, #tpu.memory_space<semaphore_mem>>) src(%arg19 : memref<80x128xf32, #tpu.memory_space<vmem>>) dst(%dma_wait3A_98 : memref<80x128xf32, #tpu.memory_space<hbm>>)
        tpu.yield
      }) : () -> ()
    }
    %scan3A_82 = arith.constant 8 : i32
    "tpu.region"() ({
      %run_scoped3A = tpu.sem_alloc : memref<!tpu.dma_semaphore, #tpu.memory_space<semaphore_mem>>
      %dma_start3A_83 = tpu.memref_slice %arg10[%mul3A_2] : memref<10240xf32, #tpu.memory_space<vmem_shared>> -> memref<640xf32, #tpu.memory_space<vmem_shared>>
      %dma_start3A_84 = tpu.memref_slice %arg10[%mul3A_2] : memref<10240xf32, #tpu.memory_space<vmem_shared>> -> memref<640xf32, #tpu.memory_space<vmem_shared>>
      tpu.enqueue_dma source(%dma_start3A_84 : memref<640xf32, #tpu.memory_space<vmem_shared>>) target(%arg21 : memref<640xf32, #tpu.memory_space<vmem>>) target_semaphore(%run_scoped3A : memref<!tpu.dma_semaphore, #tpu.memory_space<semaphore_mem>>)
      %dma_wait3A_85 = tpu.memref_slice %arg10[%mul3A_2] : memref<10240xf32, #tpu.memory_space<vmem_shared>> -> memref<640xf32, #tpu.memory_space<vmem_shared>>
      %dma_wait3A_86 = tpu.memref_slice %arg10[%mul3A_2] : memref<10240xf32, #tpu.memory_space<vmem_shared>> -> memref<640xf32, #tpu.memory_space<vmem_shared>>
      tpu.wait_dma2 semaphore(%run_scoped3A : memref<!tpu.dma_semaphore, #tpu.memory_space<semaphore_mem>>) src(%dma_wait3A_86 : memref<640xf32, #tpu.memory_space<vmem_shared>>) dst(%arg21 : memref<640xf32, #tpu.memory_space<vmem>>)
      tpu.yield
    }) : () -> ()
    "tpu.region"() ({
      %run_scoped3A = tpu.sem_alloc : memref<!tpu.dma_semaphore, #tpu.memory_space<semaphore_mem>>
      %dma_start3A_83 = tpu.memref_slice %arg8[%arg0, %mul3A_2] : memref<2x10240xf32, #tpu.memory_space<hbm>> -> memref<1x640xf32, #tpu.memory_space<hbm>>
      %dma_start3A_84 = tpu.memref_squeeze %dma_start3A_83 : memref<1x640xf32, #tpu.memory_space<hbm>> -> memref<640xf32, #tpu.memory_space<hbm>>
      %dma_start3A_85 = tpu.memref_slice %arg8[%arg0, %mul3A_2] : memref<2x10240xf32, #tpu.memory_space<hbm>> -> memref<1x640xf32, #tpu.memory_space<hbm>>
      %dma_start3A_86 = tpu.memref_squeeze %dma_start3A_85 : memref<1x640xf32, #tpu.memory_space<hbm>> -> memref<640xf32, #tpu.memory_space<hbm>>
      tpu.enqueue_dma source(%arg21 : memref<640xf32, #tpu.memory_space<vmem>>) target(%dma_start3A_86 : memref<640xf32, #tpu.memory_space<hbm>>) target_semaphore(%run_scoped3A : memref<!tpu.dma_semaphore, #tpu.memory_space<semaphore_mem>>)
      %dma_wait3A_87 = tpu.memref_slice %arg8[%arg0, %mul3A_2] : memref<2x10240xf32, #tpu.memory_space<hbm>> -> memref<1x640xf32, #tpu.memory_space<hbm>>
      %dma_wait3A_88 = tpu.memref_squeeze %dma_wait3A_87 : memref<1x640xf32, #tpu.memory_space<hbm>> -> memref<640xf32, #tpu.memory_space<hbm>>
      %dma_wait3A_89 = tpu.memref_slice %arg8[%arg0, %mul3A_2] : memref<2x10240xf32, #tpu.memory_space<hbm>> -> memref<1x640xf32, #tpu.memory_space<hbm>>
      %dma_wait3A_90 = tpu.memref_squeeze %dma_wait3A_89 : memref<1x640xf32, #tpu.memory_space<hbm>> -> memref<640xf32, #tpu.memory_space<hbm>>
      tpu.wait_dma2 semaphore(%run_scoped3A : memref<!tpu.dma_semaphore, #tpu.memory_space<semaphore_mem>>) src(%arg21 : memref<640xf32, #tpu.memory_space<vmem>>) dst(%dma_wait3A_90 : memref<640xf32, #tpu.memory_space<hbm>>)
      tpu.yield
    }) : () -> ()
    return
  }
}

module attributes {stable_mosaic.version = 14 : i64} {
  func.func @_wh_body(%arg0: i32, %arg1: memref<400x128xf32, #tpu.memory_space<vmem>>, %arg2: memref<128x128xf32, #tpu.memory_space<vmem>>, %arg3: memref<1x128xf32, #tpu.memory_space<vmem>>, %arg4: memref<1x128xf32, #tpu.memory_space<vmem>>, %arg5: memref<400x128xf32, #tpu.memory_space<vmem>>, %arg6: memref<400x1xf32, #tpu.memory_space<vmem>>, %arg7: memref<400x1xf32, #tpu.memory_space<vmem>>) attributes {dimension_semantics = [#tpu.dimension_semantics<arbitrary>], iteration_bounds = array<i64: 25>, scalar_prefetch = 0 : i64, scratch_operands = 0 : i64, tpu.core_type = #tpu.core_type<tc>, window_params = [{transform_indices = @transform_0, window_bounds = array<i64: 400, 128>}, {pipeline_mode = #tpu.pipeline_mode<synchronous>, transform_indices = @transform_1, window_bounds = array<i64: 128, 128>}, {pipeline_mode = #tpu.pipeline_mode<synchronous>, transform_indices = @transform_2, window_bounds = array<i64: 1, 128>}, {pipeline_mode = #tpu.pipeline_mode<synchronous>, transform_indices = @transform_3, window_bounds = array<i64: 1, 128>}, {transform_indices = @transform_4, window_bounds = array<i64: 400, 128>}, {transform_indices = @transform_5, window_bounds = array<i64: 400, 1>}, {transform_indices = @transform_6, window_bounds = array<i64: 400, 1>}]} {
    %get3A = arith.constant 0 : index
    %get3A_0 = arith.constant 0 : index
    %get3A_1 = vector.load %arg1[%get3A, %get3A_0] : memref<400x128xf32, #tpu.memory_space<vmem>>, vector<400x128xf32>
    %get3A_2 = arith.constant 0 : index
    %get3A_3 = arith.constant 0 : index
    %get3A_4 = vector.load %arg2[%get3A_2, %get3A_3] : memref<128x128xf32, #tpu.memory_space<vmem>>, vector<128x128xf32>
    %dot_general3A = arith.constant dense<0.000000e+00> : vector<400x128xf32>
    %dot_general3A_5 = tpu.matmul %get3A_1, %get3A_4, %dot_general3A {dimension_numbers = #tpu.dot_dimension_numbers<[1], [0], [0], [1], [0, 0, 1, 1], [], []>, transpose_lhs_hint = false} : vector<400x128xf32>, vector<128x128xf32>, vector<400x128xf32> -> vector<400x128xf32>
    %swap3A = arith.constant 0 : index
    %swap3A_6 = arith.constant 0 : index
    %swap3A_7 = vector.load %arg5[%swap3A, %swap3A_6] : memref<400x128xf32, #tpu.memory_space<vmem>>, vector<400x128xf32>
    tpu.vector_store %arg5[%swap3A, %swap3A_6], %dot_general3A_5 {strides = array<i32>} : memref<400x128xf32, #tpu.memory_space<vmem>>, vector<400x128xf32>,
    %get3A_8 = arith.constant 0 : index
    %get3A_9 = arith.constant 0 : index
    %get3A_10 = vector.load %arg3[%get3A_8, %get3A_9] : memref<1x128xf32, #tpu.memory_space<vmem>>, vector<1x128xf32>
    %transpose3A = tpu.transpose %get3A_10, [1, 0] : vector<1x128xf32> -> vector<128x1xf32>
    %dot_general3A_11 = arith.constant dense<0.000000e+00> : vector<400x1xf32>
    %dot_general3A_12 = tpu.matmul %dot_general3A_5, %transpose3A, %dot_general3A_11 {dimension_numbers = #tpu.dot_dimension_numbers<[1], [0], [0], [1], [0, 0, 1, 1], [], []>, transpose_lhs_hint = false} : vector<400x128xf32>, vector<128x1xf32>, vector<400x1xf32> -> vector<400x1xf32>
    %swap3A_13 = arith.constant 0 : index
    %swap3A_14 = arith.constant 0 : index
    %swap3A_15 = vector.load %arg6[%swap3A_13, %swap3A_14] : memref<400x1xf32, #tpu.memory_space<vmem>>, vector<400x1xf32>
    tpu.vector_store %arg6[%swap3A_13, %swap3A_14], %dot_general3A_12 {strides = array<i32>} : memref<400x1xf32, #tpu.memory_space<vmem>>, vector<400x1xf32>,
    %get3A_16 = arith.constant 0 : index
    %get3A_17 = arith.constant 0 : index
    %get3A_18 = vector.load %arg4[%get3A_16, %get3A_17] : memref<1x128xf32, #tpu.memory_space<vmem>>, vector<1x128xf32>
    %transpose3A_19 = tpu.transpose %get3A_18, [1, 0] : vector<1x128xf32> -> vector<128x1xf32>
    %dot_general3A_20 = arith.constant dense<0.000000e+00> : vector<400x1xf32>
    %dot_general3A_21 = tpu.matmul %dot_general3A_5, %transpose3A_19, %dot_general3A_20 {dimension_numbers = #tpu.dot_dimension_numbers<[1], [0], [0], [1], [0, 0, 1, 1], [], []>, transpose_lhs_hint = false} : vector<400x128xf32>, vector<128x1xf32>, vector<400x1xf32> -> vector<400x1xf32>
    %swap3A_22 = arith.constant 0 : index
    %swap3A_23 = arith.constant 0 : index
    %swap3A_24 = vector.load %arg7[%swap3A_22, %swap3A_23] : memref<400x1xf32, #tpu.memory_space<vmem>>, vector<400x1xf32>
    tpu.vector_store %arg7[%swap3A_22, %swap3A_23], %dot_general3A_21 {strides = array<i32>} : memref<400x1xf32, #tpu.memory_space<vmem>>, vector<400x1xf32>,
    return
  }
  func.func @transform_0(%arg0: i32) -> (i32, i32) {
    %c0_i32 = arith.constant 0 : i32
    %c0_i32_0 = arith.constant 0 : i32
    return %arg0, %c0_i32 : i32, i32
  }
  func.func @transform_1(%arg0: i32) -> (i32, i32) {
    %c0_i32 = arith.constant 0 : i32
    %c0_i32_0 = arith.constant 0 : i32
    %c0_i32_1 = arith.constant 0 : i32
    return %c0_i32, %c0_i32_0 : i32, i32
  }
  func.func @transform_2(%arg0: i32) -> (i32, i32) {
    %c0_i32 = arith.constant 0 : i32
    %c0_i32_0 = arith.constant 0 : i32
    %c0_i32_1 = arith.constant 0 : i32
    return %c0_i32, %c0_i32_0 : i32, i32
  }
  func.func @transform_3(%arg0: i32) -> (i32, i32) {
    %c0_i32 = arith.constant 0 : i32
    %c0_i32_0 = arith.constant 0 : i32
    %c0_i32_1 = arith.constant 0 : i32
    return %c0_i32, %c0_i32_0 : i32, i32
  }
  func.func @transform_4(%arg0: i32) -> (i32, i32) {
    %c0_i32 = arith.constant 0 : i32
    %c0_i32_0 = arith.constant 0 : i32
    return %arg0, %c0_i32 : i32, i32
  }
  func.func @transform_5(%arg0: i32) -> (i32, i32) {
    %c0_i32 = arith.constant 0 : i32
    %c0_i32_0 = arith.constant 0 : i32
    return %arg0, %c0_i32 : i32, i32
  }
  func.func @transform_6(%arg0: i32) -> (i32, i32) {
    %c0_i32 = arith.constant 0 : i32
    %c0_i32_0 = arith.constant 0 : i32
    return %arg0, %c0_i32 : i32, i32
  }
}

module attributes {stable_mosaic.version = 14 : i64} {
  func.func @_final_body(%arg0: i32, %arg1: memref<2x400x128xf32, #tpu.memory_space<vmem>>, %arg2: memref<2x400x1xf32, #tpu.memory_space<vmem>>, %arg3: memref<1x128xf32, #tpu.memory_space<vmem>>, %arg4: memref<400x128xf32, #tpu.memory_space<vmem>>) attributes {dimension_semantics = [#tpu.dimension_semantics<arbitrary>], iteration_bounds = array<i64: 25>, scalar_prefetch = 0 : i64, scratch_operands = 0 : i64, tpu.core_type = #tpu.core_type<tc>, window_params = [{transform_indices = @transform_0, window_bounds = array<i64: 2, 400, 128>}, {transform_indices = @transform_1, window_bounds = array<i64: 2, 400, 1>}, {pipeline_mode = #tpu.pipeline_mode<synchronous>, transform_indices = @transform_2, window_bounds = array<i64: 1, 128>}, {transform_indices = @transform_3, window_bounds = array<i64: 400, 128>}]} {
    %get3A = arith.constant 0 : index
    %get3A_0 = arith.constant 0 : index
    %get3A_1 = arith.constant 0 : index
    %get3A_2 = vector.load %arg1[%get3A, %get3A_0, %get3A_1] : memref<2x400x128xf32, #tpu.memory_space<vmem>>, vector<2x400x128xf32>
    %get3A_3 = arith.constant 0 : index
    %get3A_4 = arith.constant 0 : index
    %get3A_5 = arith.constant 0 : index
    %get3A_6 = vector.load %arg2[%get3A_3, %get3A_4, %get3A_5] : memref<2x400x1xf32, #tpu.memory_space<vmem>>, vector<2x400x1xf32>
    %slice3A = vector.extract_strided_slice %get3A_2 {offsets = [0, 0, 0], sizes = [1, 400, 128], strides = [1, 1, 1]} : vector<2x400x128xf32> to vector<1x400x128xf32>
    %squeeze3A = vector.shape_cast %slice3A : vector<1x400x128xf32> to vector<400x128xf32>
    %slice3A_7 = vector.extract_strided_slice %get3A_2 {offsets = [1, 0, 0], sizes = [1, 400, 128], strides = [1, 1, 1]} : vector<2x400x128xf32> to vector<1x400x128xf32>
    %squeeze3A_8 = vector.shape_cast %slice3A_7 : vector<1x400x128xf32> to vector<400x128xf32>
    %add3A = arith.addf %squeeze3A, %squeeze3A_8 : vector<400x128xf32>
    %slice3A_9 = vector.extract_strided_slice %get3A_6 {offsets = [0, 0, 0], sizes = [1, 400, 1], strides = [1, 1, 1]} : vector<2x400x1xf32> to vector<1x400x1xf32>
    %squeeze3A_10 = vector.shape_cast %slice3A_9 : vector<1x400x1xf32> to vector<400x1xf32>
    %slice3A_11 = vector.extract_strided_slice %get3A_6 {offsets = [1, 0, 0], sizes = [1, 400, 1], strides = [1, 1, 1]} : vector<2x400x1xf32> to vector<1x400x1xf32>
    %squeeze3A_12 = vector.shape_cast %slice3A_11 : vector<1x400x1xf32> to vector<400x1xf32>
    %add3A_13 = arith.addf %squeeze3A_10, %squeeze3A_12 : vector<400x1xf32>
    %gt3A = arith.constant 0.000000e+00 : f32
    %gt3A_14 = vector.broadcast %gt3A : f32 to vector<400x1xf32>
    %gt3A_15 = arith.cmpf ogt, %add3A_13, %gt3A_14 : vector<400x1xf32>
    %gt3A_16 = arith.constant 0.000000e+00 : f32
    %gt3A_17 = vector.broadcast %gt3A_16 : f32 to vector<400x1xf32>
    %gt3A_18 = arith.cmpf ogt, %add3A_13, %gt3A_17 : vector<400x1xf32>
    %jit3A = arith.constant 1.000000e+00 : f32
    %broadcast_in_dim3A = vector.broadcast %jit3A : f32 to vector<400x1xf32>
    %select_n3A = arith.select %gt3A_18, %add3A_13, %broadcast_in_dim3A : vector<400x1xi1>, vector<400x1xf32>
    %div3A = vector.broadcast %select_n3A : vector<400x1xf32> to vector<400x128xf32>
    %div3A_19 = arith.divf %add3A, %div3A : vector<400x128xf32>
    %jit3A_20 = arith.constant 0.000000e+00 : f32
    %broadcast_in_dim3A_21 = vector.shape_cast %gt3A_15 : vector<400x1xi1> to vector<400x1xi1>
    %broadcast_in_dim3A_22 = vector.broadcast %broadcast_in_dim3A_21 : vector<400x1xi1> to vector<400x128xi1>
    %broadcast_in_dim3A_23 = vector.broadcast %jit3A_20 : f32 to vector<400x128xf32>
    %select_n3A_24 = arith.select %broadcast_in_dim3A_22, %div3A_19, %broadcast_in_dim3A_23 : vector<400x128xi1>, vector<400x128xf32>
    %get3A_25 = arith.constant 0 : index
    %get3A_26 = arith.constant 0 : index
    %get3A_27 = vector.load %arg3[%get3A_25, %get3A_26] : memref<1x128xf32, #tpu.memory_space<vmem>>, vector<1x128xf32>
    %add3A_28 = vector.broadcast %get3A_27 : vector<1x128xf32> to vector<400x128xf32>
    %add3A_29 = arith.addf %select_n3A_24, %add3A_28 : vector<400x128xf32>
    %gt3A_30 = arith.constant 0.000000e+00 : f32
    %gt3A_31 = vector.broadcast %gt3A_30 : f32 to vector<400x128xf32>
    %gt3A_32 = arith.cmpf ogt, %add3A_29, %gt3A_31 : vector<400x128xf32>
    %min3A = arith.constant 0.000000e+00 : f32
    %min3A_33 = vector.broadcast %min3A : f32 to vector<400x128xf32>
    %min3A_34 = arith.minimumf %add3A_29, %min3A_33 : vector<400x128xf32>
    %exp3A = math.exp %min3A_34 : vector<400x128xf32>
    %sub3A = arith.constant 1.000000e+00 : f32
    %sub3A_35 = vector.broadcast %sub3A : f32 to vector<400x128xf32>
    %sub3A_36 = arith.subf %exp3A, %sub3A_35 : vector<400x128xf32>
    %select_n3A_37 = arith.select %gt3A_32, %add3A_29, %sub3A_36 : vector<400x128xi1>, vector<400x128xf32>
    %swap3A = arith.constant 0 : index
    %swap3A_38 = arith.constant 0 : index
    %swap3A_39 = vector.load %arg4[%swap3A, %swap3A_38] : memref<400x128xf32, #tpu.memory_space<vmem>>, vector<400x128xf32>
    tpu.vector_store %arg4[%swap3A, %swap3A_38], %select_n3A_37 {strides = array<i32>} : memref<400x128xf32, #tpu.memory_space<vmem>>, vector<400x128xf32>,
    return
  }
  func.func @transform_0(%arg0: i32) -> (i32, i32, i32) {
    %c0_i32 = arith.constant 0 : i32
    %c0_i32_0 = arith.constant 0 : i32
    %c0_i32_1 = arith.constant 0 : i32
    return %c0_i32, %arg0, %c0_i32_0 : i32, i32, i32
  }
  func.func @transform_1(%arg0: i32) -> (i32, i32, i32) {
    %c0_i32 = arith.constant 0 : i32
    %c0_i32_0 = arith.constant 0 : i32
    %c0_i32_1 = arith.constant 0 : i32
    return %c0_i32, %arg0, %c0_i32_0 : i32, i32, i32
  }
  func.func @transform_2(%arg0: i32) -> (i32, i32) {
    %c0_i32 = arith.constant 0 : i32
    %c0_i32_0 = arith.constant 0 : i32
    %c0_i32_1 = arith.constant 0 : i32
    return %c0_i32, %c0_i32_0 : i32, i32
  }
  func.func @transform_3(%arg0: i32) -> (i32, i32) {
    %c0_i32 = arith.constant 0 : i32
    %c0_i32_0 = arith.constant 0 : i32
    return %arg0, %c0_i32 : i32, i32
  }
}

</mosaic_0001>

<sc_bundles>
// kernel: kernel.5.cloned.1.call-start
scs
__scs_entry_jumppad:
0x0: {  	(pc) =	sbr.rel $0x88, $3  }
0x1: {  	(tag) =	ssettag $0x0;
	lr =	simm.s32 $0x1  }
0x2: {  	[smem:$0x3F9C] =	sst lr;
	_ =	strace $0xD0000000  }
0x3: {  	_ = 	snop  }
0x4: {  	_ = 	snop  }
0x5: {  	_ = 	snop  }
0x6: {  	_ = 	snop  }
0x7: {  	_ = 	snop  }
__scs_overlays_trampoline_lowered:
0x8: {  	[smem:$0x3FAB] =	sst s0  }
0x9: {  	[smem:$0x3FAC] =	sst s1  }
0xa: {  	[smem:$0x3FAD] =	sst s2  }
0xb: {  	[smem:$0x3FAE] =	sst s3  }
0xc: {  	[smem:$0x3FAF] =	sst s4  }
0xd: {  	[smem:$0x3FB0] =	sst s5  }
0xe: {  	[smem:$0x3FB1] =	sst s6  }
0xf: {  	[smem:$0x3FB2] =	sst s7  }
0x10: {  	[smem:$0x3FB3] =	sst s8  }
0x11: {  	[smem:$0x3FB4] =	sst s9;
	s0 =	simm.s32 @!p0 $0x0  }
0x12: {  	s1 =	sld [smem:$0x3F9A];
	s0 =	simm.s32 @p0 $0x1  }
0x13: {  	[smem:$0x3FB5] =	sst s0;
	s0 =	simm.s32 @!p1 $0x0  }
0x14: {  	s2 =	sld [smem:$0x3F99];
	s0 =	simm.s32 @p1 $0x1  }
0x15: {  	[smem:$0x3FB6] =	sst s0;
	s0 =	simm.s32 @!p2 $0x0  }
0x16: {  	s3 =	sld [smem:$0x3FDB];
	s0 =	simm.s32 @p2 $0x1  }
0x17: {  	s4 =	simm.s32 $0x1BF5;
	[smem:$0x3FB8] =	sst s0  }
0x18: {  	s0 =	sld [smem:$0x3F9B];
	_ =	swait.ge [sflag:s4], $0x0  }
0x19: {  	s7 =	sld [smem:$0x3F9C]  }
0x1a: {  	s8 =	sadd.s32 $0xFFFFE003, lr  }
0x1b: {  	s9 =	sadd.s32 $0xFFFFFEF7, lr;
	s5 =	simm.s32 $0xFFFFFFFF;
	p2 =	slt.u32 s8, $0xFFFFF086  }
0x1c: {  	p1 =	slt.u32 s9, $0xF7A;
	s5 =	simm.s32 @!p2 $0x0  }
0x1d: {  	s5 =	simm.s32 @p1 $0x1;
	p0 =	seq.s32 s7, s2  }
0x1e: {  	s7 =	smul.u32 @!p0 $0xF7A, s2;
	p2 =	seq.s32 @!p0 s5, $0x0  }
0x1f: {  	s9 =	smul.u32 $0xF7A, s1;
	s8 =	simm.s32 @!p0 $0x1BF5;
	p2 =	por !p2, p0  }
0x20: {  	[sflag:s8] =	ssyncset.s32 @!p0 $0xFFFFF086;
	s6 =	sadd.s32 @!p0 s3, s7;
	s7 =	simm.s32 @!p0 $0x108  }
0x21: {  	s3 =	sadd.s32 s3, s9;
	s6 =	sadd.s32 @!p0 $0x88, s6;
	s7 =	simm.s32 @p2 $0x1082  }
0x22: {  	[simem:s7], [sflag:s8] =	dma.local @!p0 [hbm:s6], $0xF7A  }
0x23: {  	s9 =	sor.u32 $0xD0000000, s2;
	s6 =	simm.s32 $0x108;
	_ =	swait.ge @!p0 [sflag:s8], $0x0  }
0x24: {  	s3 =	sadd.s32 $0x88, s3;
	s6 =	simm.s32 @!p1 $0x1082;
	[sflag:s4] =	ssyncset.s32 $0xFFFFF086  }
0x25: {  	[simem:s6], [sflag:s4] =	dma.local [hbm:s3], $0xF7A  }
0x26: {  	[smem:$0x3F9C] =	sst s1;
	(tag) =	ssettag s2;
	_ =	strace s9  }
0x27: {  	s1 =	sld [smem:$0x3FAC]  }
0x28: {  	s2 =	sld [smem:$0x3FAD]  }
0x29: {  	s4 =	sld [smem:$0x3FAF]  }
0x2a: {  	p0 =	seq.s32 s5, $0x0;
	s5 =	sld [smem:$0x3FB0]  }
0x2b: {  	s6 =	sld [smem:$0x3FB1]  }
0x2c: {  	s7 =	sld [smem:$0x3FB2]  }
0x2d: {  	s3 =	simm.s32 $0x108;
	s8 =	sld [smem:$0x3FB3]  }
0x2e: {  	s3 =	simm.s32 @!p0 $0x1082;
	s9 =	sld [smem:$0x3FB4]  }
0x2f: {  	lr =	sadd.s32 s0, s3;
	s0 =	sld [smem:$0x3FAB]  }
0x30: {  	s3 =	sld [smem:$0x3FAE]  }
0x31: {  	[smem:$0x3FB7] =	sst s10  }
0x32: {  	s10 =	sld [smem:$0x3FB5];
	_ =	sdelay $0x3  }
0x33: {  	p0 =	seq.s32 s10, $0x1;
	s10 =	sld [smem:$0x3FB7];
	_ =	sdelay $0x3  }
0x34: {  	[smem:$0x3FB7] =	sst s10  }
0x35: {  	s10 =	sld [smem:$0x3FB6];
	_ =	sdelay $0x3  }
0x36: {  	p1 =	seq.s32 s10, $0x1;
	s10 =	sld [smem:$0x3FB7];
	_ =	sdelay $0x3  }
0x37: {  	[smem:$0x3FB7] =	sst s10  }
0x38: {  	s10 =	sld [smem:$0x3FB8]  }
0x39: {  	_ = 	snop;
	(pc) =	sbr.ind lr, $3  }
0x3a: {  	_ = 	snop  }
0x3b: {  	_ = 	snop  }
0x3c: {  	p2 =	seq.s32 s10, $0x1;
	s10 =	sld [smem:$0x3FB7]  }
0x3d: {  	_ =	shalt  }
0x3e: {  	_ =	shalt  }
0x3f: {  	_ =	shalt  }
0x40: {  	_ =	shalt  }
0x41: {  	_ =	shalt  }
0x42: {  	_ =	shalt  }
0x43: {  	_ =	shalt  }
0x44: {  	_ =	shalt  }
0x45: {  	_ =	shalt  }
0x46: {  	_ =	shalt  }
0x47: {  	_ =	shalt  }
0x48: {  	_ =	shalt  }
0x49: {  	_ =	shalt  }
0x4a: {  	_ =	shalt  }
0x4b: {  	_ =	shalt  }
0x4c: {  	_ =	shalt  }
0x4d: {  	_ =	shalt  }
0x4e: {  	_ =	shalt  }
0x4f: {  	_ =	shalt  }
0x50: {  	_ =	shalt  }
0x51: {  	_ =	shalt  }
0x52: {  	_ =	shalt  }
0x53: {  	_ =	shalt  }
0x54: {  	_ =	shalt  }
0x55: {  	_ =	shalt  }
0x56: {  	_ =	shalt  }
0x57: {  	_ =	shalt  }
0x58: {  	_ =	shalt  }
0x59: {  	_ =	shalt  }
0x5a: {  	_ =	shalt  }
0x5b: {  	_ =	shalt  }
0x5c: {  	_ =	shalt  }
0x5d: {  	_ =	shalt  }
0x5e: {  	_ =	shalt  }
0x5f: {  	_ =	shalt  }
0x60: {  	_ =	shalt  }
0x61: {  	_ =	shalt  }
0x62: {  	_ =	shalt  }
0x63: {  	_ =	shalt  }
0x64: {  	_ =	shalt  }
0x65: {  	_ =	shalt  }
0x66: {  	_ =	shalt  }
0x67: {  	_ =	shalt  }
0x68: {  	_ =	shalt  }
0x69: {  	_ =	shalt  }
0x6a: {  	_ =	shalt  }
0x6b: {  	_ =	shalt  }
0x6c: {  	_ =	shalt  }
0x6d: {  	_ =	shalt  }
0x6e: {  	_ =	shalt  }
0x6f: {  	_ =	shalt  }
0x70: {  	_ =	shalt  }
0x71: {  	_ =	shalt  }
0x72: {  	_ =	shalt  }
0x73: {  	_ =	shalt  }
0x74: {  	_ =	shalt  }
0x75: {  	_ =	shalt  }
0x76: {  	_ =	shalt  }
0x77: {  	_ =	shalt  }
0x78: {  	_ =	shalt  }
0x79: {  	_ =	shalt  }
0x7a: {  	_ =	shalt  }
0x7b: {  	_ =	shalt  }
0x7c: {  	_ =	shalt  }
0x7d: {  	_ =	shalt  }
0x7e: {  	_ =	shalt  }
0x7f: {  	_ =	shalt  }
0x80: {  	_ =	shalt  }
0x81: {  	_ =	shalt  }
0x82: {  	_ =	shalt  }
0x83: {  	_ =	shalt  }
0x84: {  	_ =	shalt  }
0x85: {  	_ =	shalt  }
0x86: {  	_ =	shalt  }
0x87: {  	_ =	shalt  }
.Lfunc_end0:
.L_simem_size_0:
called_computation_lowered:
.L_overlay_start_0:
0x88: {  	s2 =	sld [smem:$0x3FD9]  }
0x89: {  	s3 =	sld [smem:$0x3FFE];
	_ =	sdelay $0x1  }
0x8a: {  	s1 =	srdreg.scid  }
0x8b: {  	s0 =	sand.u32 $0x1, s1  }
0x8c: {  	s17 =	sshll.u32 s0, $0xA;
	s2 =	sadd.s32 s3, s2  }
0x8d: {  	s2 =	sadd.s32 s2, s17  }
0x8e: {  	[smem:$0x3FC3] =	sst s2  }
0x8f: {  	_ = 	snop  }
0x90: {  	s2 =	sld [smem:$0x3FD0];
	(tm) =	ssettm $0x1  }
0x91: {  	s18 =	sld [smem:$0x3FFB];
	_ =	sdelay $0x3  }
0x92: {  	_ =	strace s18  }
0x93: {  	s3 =	sld [smem:$0x3FFC];
	_ =	sdelay $0x3  }
0x94: {  	_ =	strace s3  }
0x95: {  	s3 =	sld [smem:$0x3FFD];
	_ =	sdelay $0x3  }
0x96: {  	_ =	strace s3  }
0x97: {  	_ =	strace $0x8FFFFFFF  }
0x98: {  	s19 =	sld [smem:$0x3FDB];
	_ =	sdelay $0x1  }
0x99: {  	s4 =	simm.s32 $_scs_section_size  }
0x9a: {  	s5 =	simm.s32 $_size__tile_overlayer_lowered;
	s6 =	simm.s32 $_tile_overlayer_lowered  }
0x9b: {  	s22 =	simm.s32 $0x1BFF;
	s21 =	sshll.u32 s6, $0x1;
	s3 =	sadd.s32 s4, s19  }
0x9c: {  	s7 =	simm.s32 $0x0;
	s20 =	sshll.u32 s5, $0x1;
	s5 =	sadd.s32 s21, s3  }
0x9d: {  	[timem:s7], [sflag:s22] =	dma.local [hbm:s5], s20  }
0x9e: {  	_ =	swait.ge [sflag:s22], s20  }
0x9f: {  	s4 =	ssub.s32 $0x0, s20;
	[sflag:s22] =	ssyncset.done $0x0  }
0xa0: {  	[sflag:s22] =	ssyncadd.s32 s4;
	_ =	sdelay $0x1  }
0xa1: {  	s23 =	simm.s32 $0x1B8B  }
0xa2: {  	_ =	swait.ge [sflag:s23], $0x1  }
0xa3: {  	[sflag:s23] =	ssyncset.done $0x0  }
0xa4: {  	s25 =	simm.s32 $0x1B8E;
	s24 =	sld [smem:$0x3FFE];
	[sflag:s23] =	ssyncadd.s32 $0xFFFFFFFF  }
0xa5: {  	s26 =	simm.s32 $execute0_lowered;
	[smem:$0x3FD2] =	sst s25  }
0xa6: {  	s5 =	sshll.u32 s26, $0x1;
	_ =	strace $0x80000046;
	[dreg:$0x1] =	wrdreg $0xFFFFFFFF  }
0xa7: {  	s28 =	simm.s32 $_size_execute0_lowered;
	s3 =	sadd.s32 s3, s5;
	[dreg:$0x0] =	wrdreg $0x0  }
0xa8: {  	s5 =	sshll.u32 s28, $0x1;
	[dreg:$0x2] =	wrdreg s3  }
0xa9: {  	[dreg:$0x3] =	wrdreg s5  }
0xaa: {  	[dreg:$0x4] =	wrdreg $0xC0  }
0xab: {  	_ =	task [dreg:s7], $0x5FFFF  }
0xac: {  	[dreg:$0x1] =	wrdreg $0xFFFFFFFF  }
0xad: {  	[dreg:$0x0] =	wrdreg $0x60  }
0xae: {  	[dreg:$0x2] =	wrdreg s2  }
0xaf: {  	[dreg:$0x3] =	wrdreg s24  }
0xb0: {  	[dreg:$0x4] =	wrdreg $0x0  }
0xb1: {  	[dreg:$0x5] =	wrdreg $0x140000  }
0xb2: {  	[dreg:$0x6] =	wrdreg $0x9  }
0xb3: {  	_ =	task.clear_ibuf [dreg:s7], $0x7FFFF;
	_ =	strace $0x90000046  }
0xb4: {  	s29 =	simm.s32 $0x9;
	_ =	strace $0x80000048  }
0xb5: {  	_ =	swait.ge [sflag:s29], $0x1  }
0xb6: {  	[sflag:s29] =	ssyncadd.s32 $0xFFFFFFFF  }
0xb7: {  	_ =	strace $0x90000048  }
0xb8: {  	_ =	sfence  }
0xb9: {  	s30 =	sld [smem:$0x0];
	_ =	sdelay $0x2  }
0xba: {  	s31 =	sshll.u32 s1, $0xD;
	s1 =	sshrl.u32 s1, $0x2  }
0xbb: {  	s3 =	sand.u32 $0x4000, s31;
	s1 =	sadd.s32 s1, s30  }
0xbc: {  	s0 =	sor.u32 s3, s0;
	s1 =	sshll.u32 s1, $0x11  }
0xbd: {  	s0 =	sor.u32 s1, s0  }
0xbe: {  	s0 =	sadd.s32 $0x8F2B, s0  }
0xbf: {  	[sflag:s0] =	ssyncadd.remote.s32 $0x1  }
0xc0: {  	_ =	sfence.sel $0xFFFF  }
0xc1: {  	[dreg:$0x0] =	wrdreg $0xFFFFFFFF;
	(pc) =	sbr.abs _section_cstart, $3  }
0xc2: {  	[dreg:$0x1] =	wrdreg $0xFFFFFFFF  }
0xc3: {  	_ =	task.clear_ibuf [dreg:s7], $0x2FFFF;
	_ =	strace $0x9FFFFFFF  }
0xc4: {  	(tm) =	ssettm $0x7FFFFFFF  }
0xc5: {  	_ =	shalt  }
tec
execute0_lowered:
.L_overlay_start_1:
0x0: {  	(tag) =	ssettag $0x1  }
0x1: {  	s0 =	rddreg [dreg:$0x0]  }
0x2: {  	s2 =	rddreg [dreg:$0x1]  }
0x3: {  	s1 =	rddreg [dreg:$0x2]  }
0x4: {  	s3 =	rddreg [dreg:$0x3];
	s4 =	simm.s32 $0x0;
	s21 =	stileid.u32  }
0x5: {  	s5 =	srdreg.scid;
	s28 =	simm.s32 $0x0;
	s7 =	smul.u32 $0x500, s21  }
0x6: {  	[smem:$0x7FF] =	sst s4;
	s5 =	sand.u32 $0x1, s5;
	s11 =	smul.u32 $0x280, s21  }
0x7: {  	s6 =	sadd.s32 $0x21C00, s2;
	s25 =	sshll.u32 s21, $0xE;
	s26 =	smul.u32 $0x14000, s21  }
0x8: {  	s8 =	ssub.s32 $0x2, s5;
	s9 =	sshll.u32 s5, $0x7;
	s24 =	sshll.u32 s5, $0x12  }
0x9: {  	s12 =	smul.u32 $0x140000, s5;
	s10 =	sshrl.u32 s8, $0x1;
	s7 =	sor.u32 s9, s7  }
0xa: {  	s13 =	sshll.u32 s11, $0x7;
	s5 =	sor.u32 s25, s24;
	s31 =	sadd.s32 s11, s3  }
0xb: {  	s8 =	ssub.s32 s8, s10;
	s9 =	sor.u32 $0x2800, s13;
	s14 =	sadd.s32 $0x5000, s13  }
0xc: {  	s15 =	sadd.s32 $0x7800, s13;
	s16 =	sadd.s32 $0xA000, s13;
	s19 =	sadd.s32 $0xC800, s13  }
0xd: {  	s20 =	sadd.s32 $0xF000, s13;
	s10 =	sadd.s32 s12, s26;
	s13 =	sadd.s32 $0x11800, s13  }
0xe: {  	s10 =	sshrl.u32 s10, $0x3;
	s17 =	sadd.s32 s12, s9;
	s30 =	sadd.s32 s12, s14  }
0xf: {  	s18 =	sadd.s32 s12, s15;
	s23 =	sadd.s32 s12, s16;
	s25 =	sadd.s32 s12, s19  }
0x10: {  	s10 =	sadd.s32 s6, s10;
	s29 =	sshrl.u32 s17, $0x3;
	s17 =	sshrl.u32 s30, $0x3  }
0x11: {  	s22 =	sshrl.u32 s18, $0x3;
	s24 =	sshrl.u32 s23, $0x3;
	s26 =	sshrl.u32 s25, $0x3  }
0x12: {  	s18 =	sshrl.u32 s7, $0x3;
	s23 =	sadd.s32 $0x20C00, s2;
	[dreg:$0x5] =	wrdreg s10  }
0x13: {  	s10 =	sadd.s32 s6, s29;
	s29 =	sadd.s32 s12, s20;
	s12 =	sadd.s32 s12, s13  }
0x14: {  	[dreg:$0x6] =	wrdreg s10;
	s10 =	sadd.s32 s6, s17;
	s30 =	sshrl.u32 s29, $0x3  }
0x15: {  	s17 =	sshrl.u32 s12, $0x3;
	[dreg:$0x7] =	wrdreg s10;
	s10 =	sadd.s32 s6, s22  }
0x16: {  	s22 =	sadd.s32 $0x20600, s2;
	[dreg:$0x8] =	wrdreg s10;
	s10 =	sadd.s32 s6, s24  }
0x17: {  	s24 =	sshrl.u32 s5, $0x3;
	[dreg:$0x9] =	wrdreg s10;
	s10 =	sadd.s32 s6, s26  }
0x18: {  	s25 =	sor.u32 $0x10, s24;
	[dreg:$0xa] =	wrdreg s10;
	s10 =	sadd.s32 s6, s30  }
0x19: {  	s26 =	smul.u32 $0x50000, s21;
	s6 =	sadd.s32 s6, s17;
	[dreg:$0xb] =	wrdreg s10  }
0x1a: {  	s21 =	smax.u32 s8, $0x1;
	s8 =	simm.s32 $0x6;
	[dreg:$0xc] =	wrdreg s6  }
0x1b: {  	s17 =	sadd.s32 $0x10600, s2;
	_ =	strace $0x80000047;
	[dreg:$0xd] =	wrdreg s22  }
0x1c: {  	s6 =	sadd.s32 s18, s2;
	s29 =	sadd.s32 s17, s24;
	[dreg:$0xe] =	wrdreg s23  }
0x1d: {  	s18 =	sadd.s32 $0x600, s2;
	s30 =	sadd.s32 s17, s25;
	[dreg:$0xf] =	wrdreg s29  }
0x1e: {  	s12 =	sshrl.u32 s26, $0x2;
	s26 =	sadd.s32 s19, s1;
	[dreg:$0x11] =	wrdreg s30  }
0x1f: {  	s10 =	simm.s32 $0x19500;
	s19 =	simm.s32 $0x3;
	[dreg:$0x15] =	wrdreg s21  }
0x20: {  	s2 =	sadd.s32 s18, s24;
	s7 =	sadd.s32 s18, s25;
	[dreg:$0x1a] =	wrdreg s26  }
0x21: {  	s11 =	sadd.s32 $0x21200, s6;
	s22 =	sadd.s32 s9, s1;
	[dreg:$0x10] =	wrdreg s2  }
0x22: {  	s23 =	sadd.s32 s14, s1;
	s24 =	sadd.s32 s15, s1;
	[dreg:$0x12] =	wrdreg s7  }
0x23: {  	s25 =	sadd.s32 s16, s1;
	s29 =	sadd.s32 s20, s1;
	[dreg:$0x13] =	wrdreg s11  }
0x24: {  	s30 =	sadd.s32 s13, s1;
	s9 =	simm.s32 $0x16A00;
	[dreg:$0x16] =	wrdreg s22  }
0x25: {  	s6 =	simm.s32 $0x1E500;
	s13 =	simm.s32 $0x19200;
	[dreg:$0x17] =	wrdreg s23  }
0x26: {  	s14 =	simm.s32 $0x19280;
	s15 =	simm.s32 $0x19300;
	[dreg:$0x18] =	wrdreg s24  }
0x27: {  	s16 =	simm.s32 $0x19380;
	s20 =	simm.s32 $0x4;
	[dreg:$0x19] =	wrdreg s25  }
0x28: {  	s21 =	simm.s32 $0x5;
	s26 =	simm.s32 $0x19400;
	[dreg:$0x1b] =	wrdreg s29  }
0x29: {  	s2 =	sadd.s32 s12, s1;
	[dreg:$0x1c] =	wrdreg s30;
	s7 =	simm.s32 $0x14280  }
0x2a: {  	s22 =	simm.s32 $0x50;
	s23 =	simm.s32 $0x1BD00;
	s24 =	simm.s32 $0x1  }
0x2b: {  	v0 =	vimm.f32 $0.0e+00;
	s12 =	simm.s32 $0x2;
	s25 =	simm.s32 $0x19480;
	[dreg:$0x14] =	wrdreg s2  }
.LBB2_1:
0x2c: {  	s11 =	rddreg [dreg:$0xd]  }
0x2d: {  	[tilespmem:s7], [sflag:$0x6] =	stream.linear.gather [hbm4b:s11+s4], $0x2780, $0x38;
	[tilespmem:$0x1E780] =	vst v63  }
0x2e: {  	_ =	swait.ge [sflag:s8], $0x2780  }
0x2f: {  	[sflag:s8] =	ssyncset.done $0x0  }
0x30: {  	s2 =	rddreg [dreg:$0xe];
	[sflag:s8] =	ssyncadd.s32 $0xFFFFD880  }
0x31: {  	[tilespmem:s9], [sflag:$0x6] =	stream.linear.gather [hbm4b:s2+s4], $0x2800, $0x38;
	[tilespmem:$0x1E780] =	vst v63  }
0x32: {  	_ =	swait.ge [sflag:s8], $0x2800  }
0x33: {  	[sflag:s8] =	ssyncset.done $0x0  }
0x34: {  	s29 =	simm.s32 $0x0;
	s30 =	simm.s32 $0x200;
	[sflag:s8] =	ssyncadd.s32 $0xFFFFD800  }
.LBB2_2:
0x35: {  	p0 =	sne.s32 s30, $0x9E00;
	[tilespmem:s29+$0x19570] =	vst v0  }
0x36: {  	[tilespmem:s29+$0x19500] =	vst v0  }
0x37: {  	[tilespmem:s29+$0x19510] =	vst v0  }
.Ltmp0:
0x38: {  	[tilespmem:s29+$0x19520] =	vst v0;
	(pc) =	sbr.rel @p0 .LBB2_2-.Ltmp0, $4  }
0x39: {  	[tilespmem:s29+$0x19530] =	vst v0  }
0x3a: {  	[tilespmem:s29+$0x19540] =	vst v0  }
0x3b: {  	[tilespmem:s29+$0x19550] =	vst v0  }
0x3c: {  	[tilespmem:s29+$0x19560] =	vst v0;
	s29 =	sshra.s32 s30, $0x2;
	s30 =	sadd.s32 $0x200, s30  }
0x3d: {  	[tilespmem:s29+$0x19570] =	vst v0  }
0x3e: {  	[tilespmem:s29+$0x19500] =	vst v0  }
0x3f: {  	[tilespmem:s29+$0x19510] =	vst v0  }
0x40: {  	[tilespmem:s29+$0x19520] =	vst v0  }
0x41: {  	[tilespmem:s29+$0x19530] =	vst v0  }
0x42: {  	[tilespmem:s29+$0x19540] =	vst v0  }
0x43: {  	[tilespmem:s29+$0x19550] =	vst v0  }
0x44: {  	[tilespmem:s29+$0x19560] =	vst v0  }
0x45: {  	[tilespmem:$0x1E500] =	vst v0  }
0x46: {  	[tilespmem:$0x1E510] =	vst v0  }
0x47: {  	[tilespmem:$0x1E520] =	vst v0  }
0x48: {  	[tilespmem:$0x1E530] =	vst v0  }
0x49: {  	[tilespmem:$0x1E540] =	vst v0  }
0x4a: {  	[tilespmem:$0x1E550] =	vst v0  }
0x4b: {  	[tilespmem:$0x1E560] =	vst v0  }
0x4c: {  	[tilespmem:$0x1E570] =	vst v0  }
0x4d: {  	[tilespmem:$0x1E580] =	vst v0  }
0x4e: {  	[tilespmem:$0x1E590] =	vst v0  }
0x4f: {  	[tilespmem:$0x1E5A0] =	vst v0  }
0x50: {  	[tilespmem:$0x1E5B0] =	vst v0  }
0x51: {  	[tilespmem:$0x1E5C0] =	vst v0  }
0x52: {  	[tilespmem:$0x1E5D0] =	vst v0  }
0x53: {  	[tilespmem:$0x1E5E0] =	vst v0  }
0x54: {  	[tilespmem:$0x1E5F0] =	vst v0  }
0x55: {  	[tilespmem:$0x1E600] =	vst v0  }
0x56: {  	[tilespmem:$0x1E610] =	vst v0  }
0x57: {  	[tilespmem:$0x1E620] =	vst v0  }
0x58: {  	[tilespmem:$0x1E630] =	vst v0  }
0x59: {  	[tilespmem:$0x1E640] =	vst v0  }
0x5a: {  	[tilespmem:$0x1E650] =	vst v0  }
0x5b: {  	[tilespmem:$0x1E660] =	vst v0  }
0x5c: {  	[tilespmem:$0x1E670] =	vst v0  }
0x5d: {  	[tilespmem:$0x1E680] =	vst v0  }
0x5e: {  	[tilespmem:$0x1E690] =	vst v0  }
0x5f: {  	[tilespmem:$0x1E6A0] =	vst v0  }
0x60: {  	[tilespmem:$0x1E6B0] =	vst v0  }
0x61: {  	[tilespmem:$0x1E6C0] =	vst v0  }
0x62: {  	[tilespmem:$0x1E6D0] =	vst v0  }
0x63: {  	[tilespmem:$0x1E6E0] =	vst v0  }
0x64: {  	[tilespmem:$0x1E6F0] =	vst v0  }
0x65: {  	[tilespmem:$0x1E700] =	vst v0  }
0x66: {  	[tilespmem:$0x1E710] =	vst v0  }
0x67: {  	[tilespmem:$0x1E720] =	vst v0  }
0x68: {  	[tilespmem:$0x1E730] =	vst v0  }
0x69: {  	[tilespmem:$0x1E740] =	vst v0  }
0x6a: {  	[tilespmem:$0x1E750] =	vst v0  }
0x6b: {  	[tilespmem:$0x1E760] =	vst v0  }
0x6c: {  	s2 =	rddreg [dreg:$0x14];
	[tilespmem:$0x1E770] =	vst v0  }
0x6d: {  	[spmem:s2] =	stream.linear.scatter [tilespmem:s10], [sflag:$0x6], $0x2800, $0x38;
	[tilespmem:$0x1E780] =	vst v63  }
0x6e: {  	_ =	swait.ge [sflag:s8], $0x2800  }
0x6f: {  	[sflag:s8] =	ssyncset.done $0x0  }
0x70: {  	s30 =	rddreg [dreg:$0x16];
	[sflag:s8] =	ssyncadd.s32 $0xFFFFD800  }
0x71: {  	[spmem:s30] =	stream.linear.scatter [tilespmem:s10], [sflag:$0x6], $0x2800, $0x38;
	[tilespmem:$0x1E780] =	vst v63  }
0x72: {  	_ =	swait.ge [sflag:s8], $0x2800  }
0x73: {  	[sflag:s8] =	ssyncset.done $0x0  }
0x74: {  	s11 =	rddreg [dreg:$0x17];
	[sflag:s8] =	ssyncadd.s32 $0xFFFFD800  }
0x75: {  	[spmem:s11] =	stream.linear.scatter [tilespmem:s10], [sflag:$0x6], $0x2800, $0x38;
	[tilespmem:$0x1E780] =	vst v63  }
0x76: {  	_ =	swait.ge [sflag:s8], $0x2800  }
0x77: {  	[sflag:s8] =	ssyncset.done $0x0  }
0x78: {  	s30 =	rddreg [dreg:$0x18];
	[sflag:s8] =	ssyncadd.s32 $0xFFFFD800  }
0x79: {  	[spmem:s30] =	stream.linear.scatter [tilespmem:s10], [sflag:$0x6], $0x2800, $0x38;
	[tilespmem:$0x1E780] =	vst v63  }
0x7a: {  	_ =	swait.ge [sflag:s8], $0x2800  }
0x7b: {  	[sflag:s8] =	ssyncset.done $0x0  }
0x7c: {  	s11 =	rddreg [dreg:$0x19];
	[sflag:s8] =	ssyncadd.s32 $0xFFFFD800  }
0x7d: {  	[spmem:s11] =	stream.linear.scatter [tilespmem:s10], [sflag:$0x6], $0x2800, $0x38;
	[tilespmem:$0x1E780] =	vst v63  }
0x7e: {  	_ =	swait.ge [sflag:s8], $0x2800  }
0x7f: {  	[sflag:s8] =	ssyncset.done $0x0  }
0x80: {  	s30 =	rddreg [dreg:$0x1a];
	[sflag:s8] =	ssyncadd.s32 $0xFFFFD800  }
0x81: {  	[spmem:s30] =	stream.linear.scatter [tilespmem:s10], [sflag:$0x6], $0x2800, $0x38;
	[tilespmem:$0x1E780] =	vst v63  }
0x82: {  	_ =	swait.ge [sflag:s8], $0x2800  }
0x83: {  	[sflag:s8] =	ssyncset.done $0x0  }
0x84: {  	s11 =	rddreg [dreg:$0x1b];
	[sflag:s8] =	ssyncadd.s32 $0xFFFFD800  }
0x85: {  	[spmem:s11] =	stream.linear.scatter [tilespmem:s10], [sflag:$0x6], $0x2800, $0x38;
	[tilespmem:$0x1E780] =	vst v63  }
0x86: {  	_ =	swait.ge [sflag:s8], $0x2800  }
0x87: {  	[sflag:s8] =	ssyncset.done $0x0  }
0x88: {  	s30 =	rddreg [dreg:$0x1c];
	[sflag:s8] =	ssyncadd.s32 $0xFFFFD800  }
0x89: {  	[spmem:s30] =	stream.linear.scatter [tilespmem:s10], [sflag:$0x6], $0x2800, $0x38;
	[tilespmem:$0x1E780] =	vst v63  }
0x8a: {  	_ =	swait.ge [sflag:s8], $0x2800  }
0x8b: {  	[sflag:s8] =	ssyncset.done $0x0  }
0x8c: {  	[sflag:s8] =	ssyncadd.s32 $0xFFFFD800  }
0x8d: {  	[spmem:s31] =	stream.linear.scatter [tilespmem:s6], [sflag:$0x6], $0x280, $0x38;
	[tilespmem:$0x1E780] =	vst v63  }
0x8e: {  	_ =	swait.ge [sflag:s8], $0x280  }
0x8f: {  	[sflag:s8] =	ssyncset.done $0x0  }
0x90: {  	s29 =	simm.s32 $0x0;
	s11 =	rddreg [dreg:$0xf];
	[sflag:s8] =	ssyncadd.s32 $0xFFFFFD80  }
0x91: {  	[tilespmem:s13], [sflag:$0x4] =	stream.linear.gather [hbm4b:s11+s29], $0x80, $0x38;
	[tilespmem:$0x1E780] =	vst v63  }
0x92: {  	s6 =	rddreg [dreg:$0x10]  }
0x93: {  	[tilespmem:s14], [sflag:$0x4] =	stream.linear.gather [hbm4b:s6+s29], $0x80, $0x38;
	[tilespmem:$0x1E780] =	vst v63  }
0x94: {  	s30 =	rddreg [dreg:$0x11]  }
0x95: {  	[tilespmem:s15], [sflag:$0x5] =	stream.linear.gather [hbm4b:s30+s29], $0x80, $0x38;
	[tilespmem:$0x1E780] =	vst v63  }
0x96: {  	s2 =	smov.u32 s31;
	s31 =	rddreg [dreg:$0x12]  }
0x97: {  	[tilespmem:s16], [sflag:$0x5] =	stream.linear.gather [hbm4b:s31+s29], $0x80, $0x38;
	[tilespmem:$0x1E780] =	vst v63  }
0x98: {  	[bflag:$0x0] =	sbarrier.arrive $0xFFFF  }
.LBB2_4:
0x99: {  	_ =	swait.ge [sflag:s20], $0x80  }
0x9a: {  	[sflag:s20] =	ssyncset.done $0x0  }
0x9b: {  	[sflag:s20] =	ssyncadd.s32 $0xFFFFFF80  }
0x9c: {  	_ =	swait.ge [sflag:s20], $0x80  }
0x9d: {  	[sflag:s20] =	ssyncset.done $0x0  }
0x9e: {  	[sflag:s20] =	ssyncadd.s32 $0xFFFFFF80  }
0x9f: {  	_ =	swait.ge [sflag:s21], $0x80  }
0xa0: {  	[sflag:s21] =	ssyncset.done $0x0  }
0xa1: {  	[sflag:s21] =	ssyncadd.s32 $0xFFFFFF80  }
0xa2: {  	_ =	swait.ge [sflag:s21], $0x80  }
0xa3: {  	[sflag:s21] =	ssyncset.done $0x0  }
0xa4: {  	[sflag:s21] =	ssyncadd.s32 $0xFFFFFF80  }
0xa5: {  	[tilespmem:s10], [sflag:$0x1] =	stream.indirect.gather [hbm4b:s0+s22], $0x80, s13, s22, $0xb8;
	[tilespmem:$0x1E780] =	vst v63  }
0xa6: {  	_ = 	snop  }
0xa7: {  	[tilespmem:s23], [sflag:$0x2] =	stream.indirect.gather [hbm4b:s0+s22], $0x80, s15, s22, $0xb8;
	[tilespmem:$0x1E780] =	vst v63  }
0xa8: {  	v1 =	vld [tilespmem:$0x19200]  }
0xa9: {  	v2 =	vld [tilespmem:$0x19280];
	_ =	sdelay $0x6  }
0xaa: {  	v1 =	vld.idx.msk [tilespmem:v1+s7+$0x0], $0xffff  }
0xab: {  	v2 =	vld.idx.msk [tilespmem:v2+s9+$0x0], $0xffff;
	_ =	sdelay $0x4  }
0xac: {  	v1 =	vadd.f32 v2, v1;
	_ =	sdelay $0x1  }
0xad: {  	v2 =	vmul.f32 $2.000000030e-01, v1  }
0xae: {  	vm0 =	vge.f32 v1, $0.0e+00  }
0xaf: {  	v1 =	vsel vm0, v1, v2  }
0xb0: {  	v1 =	vmul.f32 $1.442695020e+00, v1;
	_ =	sdelay $0x1  }
0xb1: {  	(erf) = vpow2.f32 v1;
	_ =	sdelay $0x2  }
0xb2: {  	v1 =	vld [tilespmem:$0x19210]  }
0xb3: {  	v2 =	vld [tilespmem:$0x19290];
	_ =	sdelay $0x4  }
0xb4: {  	v3 =	vpop (erf)  }
0xb5: {  	[tilespmem:$0x19400] =	vst v3  }
0xb6: {  	v1 =	vld.idx.msk [tilespmem:v1+s7+$0x0], $0xffff  }
0xb7: {  	v2 =	vld.idx.msk [tilespmem:v2+s9+$0x0], $0xffff;
	_ =	sdelay $0x4  }
0xb8: {  	v1 =	vadd.f32 v2, v1;
	_ =	sdelay $0x1  }
0xb9: {  	v2 =	vmul.f32 $2.000000030e-01, v1  }
0xba: {  	vm7 =	vge.f32 v1, $0.0e+00  }
0xbb: {  	v1 =	vsel vm7, v1, v2  }
0xbc: {  	v1 =	vmul.f32 $1.442695020e+00, v1;
	_ =	sdelay $0x1  }
0xbd: {  	(erf) = vpow2.f32 v1;
	_ =	sdelay $0x2  }
0xbe: {  	v1 =	vld [tilespmem:$0x19220]  }
0xbf: {  	v2 =	vld [tilespmem:$0x192A0];
	_ =	sdelay $0x4  }
0xc0: {  	v3 =	vpop (erf)  }
0xc1: {  	[tilespmem:$0x19410] =	vst v3  }
0xc2: {  	v1 =	vld.idx.msk [tilespmem:v1+s7+$0x0], $0xffff  }
0xc3: {  	v2 =	vld.idx.msk [tilespmem:v2+s9+$0x0], $0xffff;
	_ =	sdelay $0x4  }
0xc4: {  	v1 =	vadd.f32 v2, v1;
	_ =	sdelay $0x1  }
0xc5: {  	v2 =	vmul.f32 $2.000000030e-01, v1  }
0xc6: {  	vm8 =	vge.f32 v1, $0.0e+00  }
0xc7: {  	v1 =	vsel vm8, v1, v2  }
0xc8: {  	v1 =	vmul.f32 $1.442695020e+00, v1;
	_ =	sdelay $0x1  }
0xc9: {  	(erf) = vpow2.f32 v1;
	_ =	sdelay $0x2  }
0xca: {  	v1 =	vld [tilespmem:$0x19230]  }
0xcb: {  	v2 =	vld [tilespmem:$0x192B0];
	_ =	sdelay $0x4  }
0xcc: {  	v3 =	vpop (erf)  }
0xcd: {  	[tilespmem:$0x19420] =	vst v3  }
0xce: {  	v1 =	vld.idx.msk [tilespmem:v1+s7+$0x0], $0xffff  }
0xcf: {  	v2 =	vld.idx.msk [tilespmem:v2+s9+$0x0], $0xffff;
	_ =	sdelay $0x4  }
0xd0: {  	v1 =	vadd.f32 v2, v1;
	_ =	sdelay $0x1  }
0xd1: {  	v2 =	vmul.f32 $2.000000030e-01, v1  }
0xd2: {  	vm9 =	vge.f32 v1, $0.0e+00  }
0xd3: {  	v1 =	vsel vm9, v1, v2  }
0xd4: {  	v1 =	vmul.f32 $1.442695020e+00, v1;
	_ =	sdelay $0x1  }
0xd5: {  	(erf) = vpow2.f32 v1;
	_ =	sdelay $0x2  }
0xd6: {  	v1 =	vld [tilespmem:$0x19240]  }
0xd7: {  	v2 =	vld [tilespmem:$0x192C0];
	_ =	sdelay $0x4  }
0xd8: {  	v3 =	vpop (erf)  }
0xd9: {  	[tilespmem:$0x19430] =	vst v3  }
0xda: {  	v1 =	vld.idx.msk [tilespmem:v1+s7+$0x0], $0xffff  }
0xdb: {  	v2 =	vld.idx.msk [tilespmem:v2+s9+$0x0], $0xffff;
	_ =	sdelay $0x4  }
0xdc: {  	v1 =	vadd.f32 v2, v1;
	_ =	sdelay $0x1  }
0xdd: {  	v2 =	vmul.f32 $2.000000030e-01, v1  }
0xde: {  	vm10 =	vge.f32 v1, $0.0e+00  }
0xdf: {  	v1 =	vsel vm10, v1, v2  }
0xe0: {  	v1 =	vmul.f32 $1.442695020e+00, v1;
	_ =	sdelay $0x1  }
0xe1: {  	(erf) = vpow2.f32 v1;
	_ =	sdelay $0x2  }
0xe2: {  	v1 =	vld [tilespmem:$0x19300]  }
0xe3: {  	v2 =	vld [tilespmem:$0x19380];
	_ =	sdelay $0x4  }
0xe4: {  	v3 =	vpop (erf)  }
0xe5: {  	[tilespmem:$0x19440] =	vst v3  }
0xe6: {  	v1 =	vld.idx.msk [tilespmem:v1+s7+$0x0], $0xffff  }
0xe7: {  	v2 =	vld.idx.msk [tilespmem:v2+s9+$0x0], $0xffff;
	_ =	sdelay $0x4  }
0xe8: {  	v1 =	vadd.f32 v2, v1;
	_ =	sdelay $0x1  }
0xe9: {  	v2 =	vmul.f32 $2.000000030e-01, v1  }
0xea: {  	vm11 =	vge.f32 v1, $0.0e+00  }
0xeb: {  	v1 =	vsel vm11, v1, v2  }
0xec: {  	v1 =	vmul.f32 $1.442695020e+00, v1;
	_ =	sdelay $0x1  }
0xed: {  	(erf) = vpow2.f32 v1;
	_ =	sdelay $0x2  }
0xee: {  	v1 =	vld [tilespmem:$0x19310]  }
0xef: {  	v2 =	vld [tilespmem:$0x19390];
	_ =	sdelay $0x4  }
0xf0: {  	v3 =	vpop (erf)  }
0xf1: {  	[tilespmem:$0x19480] =	vst v3  }
0xf2: {  	v1 =	vld.idx.msk [tilespmem:v1+s7+$0x0], $0xffff  }
0xf3: {  	v2 =	vld.idx.msk [tilespmem:v2+s9+$0x0], $0xffff;
	_ =	sdelay $0x4  }
0xf4: {  	v1 =	vadd.f32 v2, v1;
	_ =	sdelay $0x1  }
0xf5: {  	v2 =	vmul.f32 $2.000000030e-01, v1  }
0xf6: {  	vm12 =	vge.f32 v1, $0.0e+00  }
0xf7: {  	v1 =	vsel vm12, v1, v2  }
0xf8: {  	v1 =	vmul.f32 $1.442695020e+00, v1;
	_ =	sdelay $0x1  }
0xf9: {  	(erf) = vpow2.f32 v1;
	_ =	sdelay $0x2  }
0xfa: {  	v1 =	vld [tilespmem:$0x19320]  }
0xfb: {  	v2 =	vld [tilespmem:$0x193A0];
	_ =	sdelay $0x4  }
0xfc: {  	v3 =	vpop (erf)  }
0xfd: {  	[tilespmem:$0x19490] =	vst v3  }
0xfe: {  	v1 =	vld.idx.msk [tilespmem:v1+s7+$0x0], $0xffff  }
0xff: {  	v2 =	vld.idx.msk [tilespmem:v2+s9+$0x0], $0xffff;
	_ =	sdelay $0x4  }
0x100: {  	v1 =	vadd.f32 v2, v1;
	_ =	sdelay $0x1  }
0x101: {  	v2 =	vmul.f32 $2.000000030e-01, v1  }
0x102: {  	vm13 =	vge.f32 v1, $0.0e+00  }
0x103: {  	v1 =	vsel vm13, v1, v2  }
0x104: {  	v1 =	vmul.f32 $1.442695020e+00, v1;
	_ =	sdelay $0x1  }
0x105: {  	(erf) = vpow2.f32 v1;
	_ =	sdelay $0x2  }
0x106: {  	v1 =	vld [tilespmem:$0x19330]  }
0x107: {  	v2 =	vld [tilespmem:$0x193B0];
	_ =	sdelay $0x4  }
0x108: {  	v3 =	vpop (erf)  }
0x109: {  	[tilespmem:$0x194A0] =	vst v3  }
0x10a: {  	v1 =	vld.idx.msk [tilespmem:v1+s7+$0x0], $0xffff  }
0x10b: {  	v2 =	vld.idx.msk [tilespmem:v2+s9+$0x0], $0xffff;
	_ =	sdelay $0x4  }
0x10c: {  	v1 =	vadd.f32 v2, v1;
	_ =	sdelay $0x1  }
0x10d: {  	v2 =	vmul.f32 $2.000000030e-01, v1  }
0x10e: {  	vm14 =	vge.f32 v1, $0.0e+00  }
0x10f: {  	v1 =	vsel vm14, v1, v2  }
0x110: {  	v1 =	vmul.f32 $1.442695020e+00, v1;
	_ =	sdelay $0x1  }
0x111: {  	(erf) = vpow2.f32 v1;
	_ =	sdelay $0x2  }
0x112: {  	v1 =	vld [tilespmem:$0x19340]  }
0x113: {  	v2 =	vld [tilespmem:$0x193C0];
	_ =	sdelay $0x4  }
0x114: {  	v3 =	vpop (erf)  }
0x115: {  	[tilespmem:$0x194B0] =	vst v3  }
0x116: {  	v1 =	vld.idx.msk [tilespmem:v1+s7+$0x0], $0xffff  }
0x117: {  	v2 =	vld.idx.msk [tilespmem:v2+s9+$0x0], $0xffff;
	_ =	sdelay $0x4  }
0x118: {  	v1 =	vadd.f32 v2, v1;
	_ =	sdelay $0x1  }
0x119: {  	v2 =	vmul.f32 $2.000000030e-01, v1  }
0x11a: {  	vm15 =	vge.f32 v1, $0.0e+00  }
0x11b: {  	v1 =	vsel vm15, v1, v2  }
0x11c: {  	v1 =	vmul.f32 $1.442695020e+00, v1;
	_ =	sdelay $0x1  }
0x11d: {  	(erf) = vpow2.f32 v1;
	_ =	sdelay $0x8  }
0x11e: {  	v1 =	vpop (erf)  }
0x11f: {  	[tilespmem:$0x194C0] =	vst v1  }
0x120: {  	_ =	swait.ge [sflag:s24], $0x2800  }
0x121: {  	s30 =	simm.s32 $0x0;
	[sflag:s24] =	ssyncset.done $0x0  }
0x122: {  	s30 =	sand.u32 $0x3FFFFFF0, s30;
	[sflag:s24] =	ssyncadd.s32 $0xFFFFD800  }
0x123: {  	s31 =	simm.s32 $0x0;
	v1 =	vld [tilespmem:s30+$0x19400]  }
0x124: {  	s30 =	sand.u32 $0x3FFFF800, s31  }
0x125: {  	v3 =	vld [tilespmem:s30+$0x19520]  }
0x126: {  	v4 =	vld [tilespmem:s30+$0x19530]  }
0x127: {  	v10 =	vld [tilespmem:s30+$0x19560]  }
0x128: {  	v11 =	vld [tilespmem:s30+$0x19570];
	v2 =	vbroadcast v1, $0x0  }
0x129: {  	v12 =	vld [tilespmem:s30+$0x19580]  }
0x12a: {  	v13 =	vld [tilespmem:s30+$0x19590];
	v3 =	vmul.f32 v3, v2  }
0x12b: {  	v14 =	vld [tilespmem:s30+$0x195A0];
	v4 =	vmul.f32 v4, v2  }
0x12c: {  	v9 =	vld [tilespmem:s30+$0x195B0];
	v23 =	vbroadcast v1, $0x1;
	v22 =	vmul.f32 v10, v2;
	[tilespmem:s30+$0x19520] =	vst v3  }
0x12d: {  	v7 =	vld [tilespmem:s30+$0x195C0];
	v11 =	vmul.f32 v11, v2;
	[tilespmem:s30+$0x19530] =	vst v4  }
0x12e: {  	v8 =	vld [tilespmem:s30+$0x195D0];
	v12 =	vmul.f32 v12, v23;
	[tilespmem:s30+$0x19560] =	vst v22  }
0x12f: {  	v25 =	vld [tilespmem:s30+$0x195F0];
	v13 =	vmul.f32 v13, v23;
	[tilespmem:s30+$0x19570] =	vst v11  }
0x130: {  	v26 =	vld [tilespmem:s30+$0x19600];
	v14 =	vmul.f32 v14, v23;
	[tilespmem:s30+$0x19580] =	vst v12  }
0x131: {  	v27 =	vld [tilespmem:s30+$0x19610];
	v9 =	vmul.f32 v9, v23;
	[tilespmem:s30+$0x19590] =	vst v13  }
0x132: {  	v6 =	vld [tilespmem:s30+$0x19A70];
	v7 =	vmul.f32 v7, v23;
	[tilespmem:s30+$0x195A0] =	vst v14  }
0x133: {  	v24 =	vld [tilespmem:s30+$0x195E0];
	v15 =	vbroadcast v1, $0x2;
	v8 =	vmul.f32 v8, v23;
	[tilespmem:s30+$0x195B0] =	vst v9  }
0x134: {  	v28 =	vld [tilespmem:s30+$0x19620];
	v10 =	vmul.f32 v25, v23;
	[tilespmem:s30+$0x195C0] =	vst v7  }
0x135: {  	v29 =	vld [tilespmem:s30+$0x19630];
	v5 =	vbroadcast v1, $0xA;
	v32 =	vmul.f32 v26, v15;
	[tilespmem:s30+$0x195D0] =	vst v8  }
0x136: {  	v30 =	vld [tilespmem:s30+$0x19640];
	v34 =	vmul.f32 v27, v15;
	[tilespmem:s30+$0x195F0] =	vst v10  }
0x137: {  	v33 =	vld [tilespmem:s30+$0x19660];
	v3 =	vmul.f32 v6, v5;
	[tilespmem:s30+$0x19600] =	vst v32  }
0x138: {  	v35 =	vld [tilespmem:s30+$0x19670];
	v11 =	vmul.f32 v24, v23;
	[tilespmem:s30+$0x19610] =	vst v34  }
0x139: {  	v36 =	vld [tilespmem:s30+$0x19680];
	v9 =	vmul.f32 v28, v15;
	[tilespmem:s30+$0x19A70] =	vst v3  }
0x13a: {  	v31 =	vld [tilespmem:s30+$0x19650];
	v7 =	vmul.f32 v29, v15;
	[tilespmem:s30+$0x195E0] =	vst v11  }
0x13b: {  	v37 =	vld [tilespmem:s30+$0x19690];
	v8 =	vmul.f32 v30, v15;
	[tilespmem:s30+$0x19620] =	vst v9  }
0x13c: {  	v38 =	vld [tilespmem:s30+$0x196A0];
	v41 =	vbroadcast v1, $0x3;
	v10 =	vmul.f32 v33, v15;
	[tilespmem:s30+$0x19630] =	vst v7  }
0x13d: {  	v39 =	vld [tilespmem:s30+$0x196B0];
	v12 =	vmul.f32 v35, v15;
	[tilespmem:s30+$0x19640] =	vst v8  }
0x13e: {  	v42 =	vld [tilespmem:s30+$0x196D0];
	v13 =	vmul.f32 v36, v41;
	[tilespmem:s30+$0x19660] =	vst v10  }
0x13f: {  	v43 =	vld [tilespmem:s30+$0x196E0];
	v11 =	vmul.f32 v31, v15;
	[tilespmem:s30+$0x19670] =	vst v12  }
0x140: {  	v44 =	vld [tilespmem:s30+$0x196F0];
	v9 =	vmul.f32 v37, v41;
	[tilespmem:s30+$0x19680] =	vst v13  }
0x141: {  	v40 =	vld [tilespmem:s30+$0x196C0];
	v7 =	vmul.f32 v38, v41;
	[tilespmem:s30+$0x19650] =	vst v11  }
0x142: {  	v45 =	vld [tilespmem:s30+$0x19700];
	v8 =	vmul.f32 v39, v41;
	[tilespmem:s30+$0x19690] =	vst v9  }
0x143: {  	v46 =	vld [tilespmem:s30+$0x19710];
	v10 =	vmul.f32 v42, v41;
	[tilespmem:s30+$0x196A0] =	vst v7  }
0x144: {  	v47 =	vld [tilespmem:s30+$0x19720];
	v12 =	vmul.f32 v43, v41;
	[tilespmem:s30+$0x196B0] =	vst v8  }
0x145: {  	v49 =	vld [tilespmem:s30+$0x19740];
	v50 =	vbroadcast v1, $0x4;
	v13 =	vmul.f32 v44, v41;
	[tilespmem:s30+$0x196D0] =	vst v10  }
0x146: {  	v51 =	vld [tilespmem:s30+$0x19750];
	v11 =	vmul.f32 v40, v41;
	[tilespmem:s30+$0x196E0] =	vst v12  }
0x147: {  	v52 =	vld [tilespmem:s30+$0x19760];
	v9 =	vmul.f32 v45, v50;
	[tilespmem:s30+$0x196F0] =	vst v13  }
0x148: {  	v48 =	vld [tilespmem:s30+$0x19730];
	v7 =	vmul.f32 v46, v50;
	[tilespmem:s30+$0x196C0] =	vst v11  }
0x149: {  	v53 =	vld [tilespmem:s30+$0x19770];
	v8 =	vmul.f32 v47, v50;
	[tilespmem:s30+$0x19700] =	vst v9  }
0x14a: {  	v54 =	vld [tilespmem:s30+$0x19780];
	v10 =	vmul.f32 v49, v50;
	[tilespmem:s30+$0x19710] =	vst v7  }
0x14b: {  	v55 =	vld [tilespmem:s30+$0x19790];
	v12 =	vmul.f32 v51, v50;
	[tilespmem:s30+$0x19720] =	vst v8  }
0x14c: {  	v57 =	vld [tilespmem:s30+$0x197B0];
	v13 =	vmul.f32 v52, v50;
	[tilespmem:s30+$0x19740] =	vst v10  }
0x14d: {  	v58 =	vld [tilespmem:s30+$0x197C0];
	v59 =	vbroadcast v1, $0x5;
	v11 =	vmul.f32 v48, v50;
	[tilespmem:s30+$0x19750] =	vst v12  }
0x14e: {  	v60 =	vld [tilespmem:s30+$0x197D0];
	v9 =	vmul.f32 v53, v50;
	[tilespmem:s30+$0x19760] =	vst v13  }
0x14f: {  	v56 =	vld [tilespmem:s30+$0x197A0];
	v7 =	vmul.f32 v54, v59;
	[tilespmem:s30+$0x19730] =	vst v11  }
0x150: {  	v61 =	vld [tilespmem:s30+$0x197E0];
	v8 =	vmul.f32 v55, v59;
	[tilespmem:s30+$0x19770] =	vst v9  }
0x151: {  	v62 =	vld [tilespmem:s30+$0x197F0];
	v10 =	vmul.f32 v57, v59;
	[tilespmem:s30+$0x19780] =	vst v7  }
0x152: {  	v63 =	vld [tilespmem:s30+$0x19800];
	v12 =	vmul.f32 v58, v59;
	[tilespmem:s30+$0x19790] =	vst v8  }
0x153: {  	v19 =	vld [tilespmem:s30+$0x19820];
	v13 =	vmul.f32 v60, v59;
	[tilespmem:s30+$0x197B0] =	vst v10  }
0x154: {  	v20 =	vld [tilespmem:s30+$0x19830];
	v11 =	vmul.f32 v56, v59;
	[tilespmem:s30+$0x197C0] =	vst v12  }
0x155: {  	v21 =	vld [tilespmem:s30+$0x19840];
	v22 =	vbroadcast v1, $0x6;
	v9 =	vmul.f32 v61, v59;
	[tilespmem:s30+$0x197D0] =	vst v13  }
0x156: {  	v18 =	vld [tilespmem:s30+$0x19810];
	v7 =	vmul.f32 v62, v59;
	[tilespmem:s30+$0x197A0] =	vst v11  }
0x157: {  	v23 =	vld [tilespmem:s30+$0x19850];
	v8 =	vmul.f32 v63, v22;
	[tilespmem:s30+$0x197E0] =	vst v9  }
0x158: {  	v24 =	vld [tilespmem:s30+$0x19860];
	v10 =	vmul.f32 v19, v22;
	[tilespmem:s30+$0x197F0] =	vst v7  }
0x159: {  	v25 =	vld [tilespmem:s30+$0x19870];
	v12 =	vmul.f32 v20, v22;
	[tilespmem:s30+$0x19800] =	vst v8  }
0x15a: {  	v27 =	vld [tilespmem:s30+$0x19890];
	v13 =	vmul.f32 v21, v22;
	[tilespmem:s30+$0x19820] =	vst v10  }
0x15b: {  	v28 =	vld [tilespmem:s30+$0x198A0];
	v11 =	vmul.f32 v18, v22;
	[tilespmem:s30+$0x19830] =	vst v12  }
0x15c: {  	v29 =	vld [tilespmem:s30+$0x198B0];
	v9 =	vmul.f32 v23, v22;
	[tilespmem:s30+$0x19840] =	vst v13  }
0x15d: {  	v31 =	vbroadcast v1, $0x7;
	v53 =	vld [tilespmem:s30+$0x19A00];
	v7 =	vmul.f32 v24, v22;
	[tilespmem:s30+$0x19810] =	vst v11  }
0x15e: {  	v57 =	vld [tilespmem:s30+$0x19A40];
	v8 =	vmul.f32 v25, v22;
	[tilespmem:s30+$0x19850] =	vst v9  }
0x15f: {  	v58 =	vld [tilespmem:s30+$0x19A50];
	v10 =	vmul.f32 v27, v31;
	[tilespmem:s30+$0x19860] =	vst v7  }
0x160: {  	v26 =	vld [tilespmem:s30+$0x19880];
	v12 =	vmul.f32 v28, v31;
	[tilespmem:s30+$0x19870] =	vst v8  }
0x161: {  	v30 =	vld [tilespmem:s30+$0x198C0];
	v13 =	vmul.f32 v29, v31;
	[tilespmem:s30+$0x19890] =	vst v10  }
0x162: {  	v32 =	vld [tilespmem:s30+$0x198D0];
	v59 =	vmul.f32 v53, v5;
	[tilespmem:s30+$0x198A0] =	vst v12  }
0x163: {  	v33 =	vld [tilespmem:s30+$0x198E0];
	v18 =	vmul.f32 v57, v5;
	[tilespmem:s30+$0x198B0] =	vst v13  }
0x164: {  	v35 =	vld [tilespmem:s30+$0x19900];
	v20 =	vmul.f32 v58, v5;
	[tilespmem:s30+$0x19A00] =	vst v59  }
0x165: {  	v36 =	vld [tilespmem:s30+$0x19910];
	v11 =	vmul.f32 v26, v31;
	[tilespmem:s30+$0x19A40] =	vst v18  }
0x166: {  	v37 =	vld [tilespmem:s30+$0x19920];
	v9 =	vmul.f32 v30, v31;
	[tilespmem:s30+$0x19A50] =	vst v20  }
0x167: {  	v4 =	vld [tilespmem:s30+$0x19A80];
	v40 =	vbroadcast v1, $0x8;
	v7 =	vmul.f32 v32, v31;
	[tilespmem:s30+$0x19880] =	vst v11  }
0x168: {  	v6 =	vld [tilespmem:s30+$0x19A90];
	v8 =	vmul.f32 v33, v31;
	[tilespmem:s30+$0x198C0] =	vst v9  }
0x169: {  	v3 =	vld [tilespmem:s30+$0x19CD0];
	v10 =	vmul.f32 v35, v40;
	[tilespmem:s30+$0x198D0] =	vst v7  }
0x16a: {  	v61 =	vld [tilespmem:s30+$0x19500];
	v23 =	vbroadcast v1, $0xB;
	v12 =	vmul.f32 v36, v40;
	[tilespmem:s30+$0x198E0] =	vst v8  }
0x16b: {  	v34 =	vld [tilespmem:s30+$0x198F0];
	v13 =	vmul.f32 v37, v40;
	[tilespmem:s30+$0x19900] =	vst v10  }
0x16c: {  	v38 =	vld [tilespmem:s30+$0x19930];
	v27 =	vbroadcast v1, $0xF;
	v4 =	vmul.f32 v4, v23;
	[tilespmem:s30+$0x19910] =	vst v12  }
0x16d: {  	v39 =	vld [tilespmem:s30+$0x19940];
	v6 =	vmul.f32 v6, v23;
	[tilespmem:s30+$0x19920] =	vst v13  }
0x16e: {  	v41 =	vld [tilespmem:s30+$0x19950];
	v3 =	vmul.f32 v3, v27;
	[tilespmem:s30+$0x19A80] =	vst v4  }
0x16f: {  	v43 =	vld [tilespmem:s30+$0x19970];
	v24 =	vmul.f32 v2, v61;
	[tilespmem:s30+$0x19A90] =	vst v6  }
0x170: {  	v44 =	vld [tilespmem:s30+$0x19980];
	v11 =	vmul.f32 v34, v31;
	[tilespmem:s30+$0x19CD0] =	vst v3  }
0x171: {  	v45 =	vld [tilespmem:s30+$0x19990];
	v9 =	vmul.f32 v38, v40;
	[tilespmem:s30+$0x19500] =	vst v24  }
0x172: {  	v63 =	vld [tilespmem:s30+$0x19540];
	v7 =	vmul.f32 v39, v40;
	[tilespmem:s30+$0x198F0] =	vst v11  }
0x173: {  	v49 =	vbroadcast v1, $0x9;
	v29 =	vld [tilespmem:s30+$0x19AF0];
	v8 =	vmul.f32 v41, v40;
	[tilespmem:s30+$0x19930] =	vst v9  }
0x174: {  	v42 =	vld [tilespmem:s30+$0x19960];
	v10 =	vmul.f32 v43, v40;
	[tilespmem:s30+$0x19940] =	vst v7  }
0x175: {  	v46 =	vld [tilespmem:s30+$0x199A0];
	v12 =	vmul.f32 v44, v49;
	[tilespmem:s30+$0x19950] =	vst v8  }
0x176: {  	v47 =	vld [tilespmem:s30+$0x199B0];
	v13 =	vmul.f32 v45, v49;
	[tilespmem:s30+$0x19970] =	vst v10  }
0x177: {  	v48 =	vld [tilespmem:s30+$0x199C0];
	v3 =	vmul.f32 v63, v2;
	[tilespmem:s30+$0x19980] =	vst v12  }
0x178: {  	v51 =	vld [tilespmem:s30+$0x199E0];
	v6 =	vmul.f32 v29, v23;
	[tilespmem:s30+$0x19990] =	vst v13  }
0x179: {  	v52 =	vld [tilespmem:s30+$0x199F0];
	v11 =	vmul.f32 v42, v40;
	[tilespmem:s30+$0x19540] =	vst v3  }
0x17a: {  	v28 =	vld [tilespmem:s30+$0x19AE0];
	v9 =	vmul.f32 v46, v49;
	[tilespmem:s30+$0x19AF0] =	vst v6  }
0x17b: {  	v26 =	vld [tilespmem:s30+$0x19AD0];
	v7 =	vmul.f32 v47, v49;
	[tilespmem:s30+$0x19960] =	vst v11  }
0x17c: {  	v30 =	vld [tilespmem:s30+$0x19B00];
	v8 =	vmul.f32 v48, v49;
	[tilespmem:s30+$0x199A0] =	vst v9  }
0x17d: {  	v50 =	vld [tilespmem:s30+$0x199D0];
	v10 =	vmul.f32 v51, v49;
	[tilespmem:s30+$0x199B0] =	vst v7  }
0x17e: {  	v54 =	vld [tilespmem:s30+$0x19A10];
	v12 =	vmul.f32 v52, v49;
	[tilespmem:s30+$0x199C0] =	vst v8  }
0x17f: {  	v55 =	vld [tilespmem:s30+$0x19A20];
	v35 =	vbroadcast v1, $0xC;
	v40 =	vmul.f32 v28, v23;
	[tilespmem:s30+$0x199E0] =	vst v10  }
0x180: {  	v56 =	vld [tilespmem:s30+$0x19A30];
	v32 =	vmul.f32 v26, v23;
	[tilespmem:s30+$0x199F0] =	vst v12  }
0x181: {  	v60 =	vld [tilespmem:s30+$0x19A60];
	v15 =	vmul.f32 v30, v35;
	[tilespmem:s30+$0x19AE0] =	vst v40  }
0x182: {  	v62 =	vld [tilespmem:s30+$0x19510];
	v11 =	vmul.f32 v50, v49;
	[tilespmem:s30+$0x19AD0] =	vst v32  }
0x183: {  	v19 =	vld [tilespmem:s30+$0x19550];
	v9 =	vmul.f32 v54, v5;
	[tilespmem:s30+$0x19B00] =	vst v15  }
0x184: {  	v33 =	vld [tilespmem:s30+$0x19B30];
	v7 =	vmul.f32 v55, v5;
	[tilespmem:s30+$0x199D0] =	vst v11  }
0x185: {  	v61 =	vld [tilespmem:s30+$0x19CF0];
	v8 =	vmul.f32 v56, v5;
	[tilespmem:s30+$0x19A10] =	vst v9  }
0x186: {  	v38 =	vld [tilespmem:s30+$0x19B70];
	v5 =	vmul.f32 v60, v5;
	[tilespmem:s30+$0x19A20] =	vst v7  }
0x187: {  	v21 =	vld [tilespmem:s30+$0x19AA0];
	v12 =	vmul.f32 v62, v2;
	[tilespmem:s30+$0x19A30] =	vst v8  }
0x188: {  	v22 =	vld [tilespmem:s30+$0x19AB0];
	v2 =	vmul.f32 v19, v2;
	[tilespmem:s30+$0x19A60] =	vst v5  }
0x189: {  	v25 =	vld [tilespmem:s30+$0x19AC0];
	v62 =	vmul.f32 v33, v35;
	[tilespmem:s30+$0x19510] =	vst v12  }
0x18a: {  	v31 =	vld [tilespmem:s30+$0x19B10];
	v63 =	vmul.f32 v61, v27;
	[tilespmem:s30+$0x19550] =	vst v2  }
0x18b: {  	v34 =	vld [tilespmem:s30+$0x19B40];
	v15 =	vmul.f32 v38, v35;
	[tilespmem:s30+$0x19B30] =	vst v62  }
0x18c: {  	v41 =	vld [tilespmem:s30+$0x19BA0];
	v7 =	vmul.f32 v21, v23;
	[tilespmem:s30+$0x19CF0] =	vst v63  }
0x18d: {  	v46 =	vld [tilespmem:s30+$0x19BE0];
	v8 =	vmul.f32 v22, v23;
	[tilespmem:s30+$0x19B70] =	vst v15  }
0x18e: {  	v36 =	vld [tilespmem:s30+$0x19B50];
	v5 =	vmul.f32 v25, v23;
	[tilespmem:s30+$0x19AA0] =	vst v7  }
0x18f: {  	v44 =	vbroadcast v1, $0xD;
	v9 =	vmul.f32 v31, v35;
	v2 =	vld [tilespmem:s30+$0x19B90];
	[tilespmem:s30+$0x19AB0] =	vst v8  }
0x190: {  	v37 =	vld [tilespmem:s30+$0x19B60];
	v12 =	vmul.f32 v34, v35;
	[tilespmem:s30+$0x19AC0] =	vst v5  }
0x191: {  	v39 =	vld [tilespmem:s30+$0x19B80];
	v11 =	vmul.f32 v41, v44;
	[tilespmem:s30+$0x19B10] =	vst v9  }
0x192: {  	v42 =	vld [tilespmem:s30+$0x19BB0];
	v51 =	vmul.f32 v46, v44;
	[tilespmem:s30+$0x19B40] =	vst v12  }
0x193: {  	v48 =	vld [tilespmem:s30+$0x19C10];
	v8 =	vmul.f32 v36, v35;
	[tilespmem:s30+$0x19BA0] =	vst v11  }
0x194: {  	v49 =	vld [tilespmem:s30+$0x19C20];
	[tilespmem:s30+$0x19BE0] =	vst v51;
	v2 =	vmul.f32 v2, v44  }
0x195: {  	v50 =	vld [tilespmem:s30+$0x19C30];
	v5 =	vmul.f32 v37, v35;
	[tilespmem:s30+$0x19B50] =	vst v8  }
0x196: {  	v1 =	vbroadcast v1, $0xE;
	v9 =	vmul.f32 v39, v44;
	[tilespmem:s30+$0x19B90] =	vst v2;
	v2 =	vld [tilespmem:s30+$0x19C00]  }
0x197: {  	v60 =	vld [tilespmem:s30+$0x19CE0];
	v12 =	vmul.f32 v42, v44;
	[tilespmem:s30+$0x19B60] =	vst v5  }
0x198: {  	v45 =	vld [tilespmem:s30+$0x19BD0];
	v11 =	vmul.f32 v48, v1;
	[tilespmem:s30+$0x19B80] =	vst v9  }
0x199: {  	v47 =	vld [tilespmem:s30+$0x19BF0];
	v10 =	vmul.f32 v49, v1;
	[tilespmem:s30+$0x19BB0] =	vst v12  }
0x19a: {  	v43 =	vld [tilespmem:s30+$0x19BC0];
	v6 =	vmul.f32 v50, v1;
	[tilespmem:s30+$0x19C10] =	vst v11  }
0x19b: {  	v55 =	vld [tilespmem:s30+$0x19C80];
	[tilespmem:s30+$0x19C20] =	vst v10;
	v2 =	vmul.f32 v2, v1  }
0x19c: {  	v57 =	vld [tilespmem:s30+$0x19CA0];
	v4 =	vmul.f32 v60, v27;
	[tilespmem:s30+$0x19C30] =	vst v6  }
0x19d: {  	v5 =	vmul.f32 v45, v44;
	[tilespmem:s30+$0x19C00] =	vst v2;
	v2 =	vld [tilespmem:s30+$0x19C70]  }
0x19e: {  	v52 =	vld [tilespmem:s30+$0x19C40];
	v9 =	vmul.f32 v47, v44;
	[tilespmem:s30+$0x19CE0] =	vst v4  }
0x19f: {  	v56 =	vld [tilespmem:s30+$0x19C90];
	v8 =	vmul.f32 v43, v44;
	[tilespmem:s30+$0x19BD0] =	vst v5  }
0x1a0: {  	v54 =	vld [tilespmem:s30+$0x19C60];
	v11 =	vmul.f32 v55, v27;
	[tilespmem:s30+$0x19BF0] =	vst v9  }
0x1a1: {  	v58 =	vld [tilespmem:s30+$0x19CB0];
	v6 =	vmul.f32 v57, v27;
	[tilespmem:s30+$0x19BC0] =	vst v8  }
0x1a2: {  	v53 =	vld [tilespmem:s30+$0x19C50];
	[tilespmem:s30+$0x19C80] =	vst v11;
	v2 =	vmul.f32 v2, v1  }
0x1a3: {  	v59 =	vld [tilespmem:s30+$0x19CC0];
	v5 =	vmul.f32 v52, v1;
	[tilespmem:s30+$0x19CA0] =	vst v6  }
0x1a4: {  	[tilespmem:s30+$0x19C70] =	vst v2;
	v2 =	vmul.f32 v56, v27  }
0x1a5: {  	v3 =	vld [tilespmem:s30+$0x19B20];
	v9 =	vmul.f32 v54, v1;
	[tilespmem:s30+$0x19C40] =	vst v5  }
0x1a6: {  	[tilespmem:s30+$0x19C90] =	vst v2;
	v2 =	vmul.f32 v58, v27  }
0x1a7: {  	[tilespmem:s30+$0x19C60] =	vst v9;
	v1 =	vmul.f32 v53, v1  }
0x1a8: {  	[tilespmem:s30+$0x19CB0] =	vst v2;
	v2 =	vmul.f32 v59, v27  }
0x1a9: {  	[tilespmem:s30+$0x19C50] =	vst v1  }
0x1aa: {  	s31 =	simm.s32 $0x1;
	[tilespmem:s30+$0x19CC0] =	vst v2;
	v2 =	vmul.f32 v3, v35  }
.LBB2_5:
0x1ab: {  	s11 =	sshll.u32 s31, $0x4  }
0x1ac: {  	p0 =	sne.s32 s31, $0x4;
	[tilespmem:s30+$0x19B20] =	vst v2;
	s30 =	smov.u32 s31;
	s31 =	sadd.s32 $0x1, s31  }
0x1ad: {  	s11 =	sand.u32 $0x3FFFFFF0, s11  }
0x1ae: {  	v1 =	vld [tilespmem:s11+$0x19400];
	s11 =	sshll.u32 s30, $0xB  }
0x1af: {  	s30 =	sand.u32 $0x3FFFF800, s11  }
0x1b0: {  	v8 =	vld [tilespmem:s30+$0x195C0]  }
0x1b1: {  	v9 =	vld [tilespmem:s30+$0x195D0]  }
0x1b2: {  	v10 =	vld [tilespmem:s30+$0x195B0]  }
0x1b3: {  	v2 =	vbroadcast v1, $0x0;
	v3 =	vld [tilespmem:s30+$0x19520];
	v7 =	vbroadcast v1, $0x4  }
0x1b4: {  	v5 =	vld [tilespmem:s30+$0x19530]  }
0x1b5: {  	v6 =	vld [tilespmem:s30+$0x19A70]  }
0x1b6: {  	v11 =	vld [tilespmem:s30+$0x19560]  }
0x1b7: {  	v12 =	vld [tilespmem:s30+$0x19570]  }
0x1b8: {  	v4 =	vbroadcast v1, $0xA;
	v3 =	vmul.f32 v3, v2;
	v13 =	vld [tilespmem:s30+$0x19580]  }
0x1b9: {  	v5 =	vmul.f32 v5, v2;
	v14 =	vld [tilespmem:s30+$0x19590]  }
0x1ba: {  	[tilespmem:s30+$0x19520] =	vst v3;
	v15 =	vld [tilespmem:s30+$0x195A0];
	v3 =	vmul.f32 v6, v4  }
0x1bb: {  	[tilespmem:s30+$0x19530] =	vst v5;
	v6 =	vmul.f32 v11, v2;
	v11 =	vbroadcast v1, $0x1;
	v5 =	vld [tilespmem:s30+$0x19A80]  }
0x1bc: {  	v12 =	vmul.f32 v12, v2;
	[tilespmem:s30+$0x19A70] =	vst v3;
	v3 =	vld [tilespmem:s30+$0x19CD0]  }
0x1bd: {  	[tilespmem:s30+$0x19560] =	vst v6;
	v13 =	vmul.f32 v13, v11;
	v6 =	vld [tilespmem:s30+$0x19A90]  }
0x1be: {  	[tilespmem:s30+$0x19570] =	vst v12;
	v12 =	vmul.f32 v14, v11;
	v14 =	vld [tilespmem:s30+$0x195E0]  }
0x1bf: {  	[tilespmem:s30+$0x19580] =	vst v13;
	v13 =	vmul.f32 v15, v11;
	v15 =	vld [tilespmem:s30+$0x195F0]  }
0x1c0: {  	v10 =	vmul.f32 v10, v11;
	[tilespmem:s30+$0x19590] =	vst v12;
	v12 =	vld [tilespmem:s30+$0x19600]  }
0x1c1: {  	v8 =	vmul.f32 v8, v11;
	[tilespmem:s30+$0x195A0] =	vst v13;
	v13 =	vld [tilespmem:s30+$0x19610]  }
0x1c2: {  	v9 =	vmul.f32 v9, v11;
	[tilespmem:s30+$0x195B0] =	vst v10;
	v10 =	vld [tilespmem:s30+$0x19620]  }
0x1c3: {  	[tilespmem:s30+$0x195C0] =	vst v8;
	v8 =	vmul.f32 v14, v11;
	v14 =	vbroadcast v1, $0x2;
	v16 =	vld [tilespmem:s30+$0x19630]  }
0x1c4: {  	[tilespmem:s30+$0x195D0] =	vst v9;
	v9 =	vmul.f32 v15, v11;
	v11 =	vld [tilespmem:s30+$0x19640]  }
0x1c5: {  	[tilespmem:s30+$0x195E0] =	vst v8;
	v8 =	vmul.f32 v12, v14;
	v12 =	vld [tilespmem:s30+$0x19650]  }
0x1c6: {  	[tilespmem:s30+$0x195F0] =	vst v9;
	v9 =	vmul.f32 v13, v14;
	v13 =	vld [tilespmem:s30+$0x19660]  }
0x1c7: {  	[tilespmem:s30+$0x19600] =	vst v8;
	v8 =	vmul.f32 v10, v14;
	v10 =	vld [tilespmem:s30+$0x19670]  }
0x1c8: {  	[tilespmem:s30+$0x19610] =	vst v9;
	v9 =	vmul.f32 v16, v14;
	v15 =	vld [tilespmem:s30+$0x19680]  }
0x1c9: {  	[tilespmem:s30+$0x19620] =	vst v8;
	v8 =	vmul.f32 v11, v14;
	v11 =	vld [tilespmem:s30+$0x19690]  }
0x1ca: {  	[tilespmem:s30+$0x19630] =	vst v9;
	v9 =	vmul.f32 v12, v14;
	v12 =	vld [tilespmem:s30+$0x196A0]  }
0x1cb: {  	[tilespmem:s30+$0x19640] =	vst v8;
	v8 =	vmul.f32 v13, v14;
	v13 =	vbroadcast v1, $0x3;
	v16 =	vld [tilespmem:s30+$0x196B0]  }
0x1cc: {  	[tilespmem:s30+$0x19650] =	vst v9;
	v9 =	vmul.f32 v10, v14;
	v10 =	vld [tilespmem:s30+$0x196C0]  }
0x1cd: {  	[tilespmem:s30+$0x19660] =	vst v8;
	v8 =	vmul.f32 v15, v13;
	v14 =	vld [tilespmem:s30+$0x196D0]  }
0x1ce: {  	[tilespmem:s30+$0x19670] =	vst v9;
	v9 =	vmul.f32 v11, v13;
	v11 =	vld [tilespmem:s30+$0x196E0]  }
0x1cf: {  	[tilespmem:s30+$0x19680] =	vst v8;
	v8 =	vmul.f32 v12, v13;
	v12 =	vld [tilespmem:s30+$0x196F0]  }
0x1d0: {  	[tilespmem:s30+$0x19690] =	vst v9;
	v9 =	vmul.f32 v16, v13;
	v15 =	vld [tilespmem:s30+$0x19700]  }
0x1d1: {  	[tilespmem:s30+$0x196A0] =	vst v8;
	v8 =	vmul.f32 v10, v13;
	v10 =	vld [tilespmem:s30+$0x19710]  }
0x1d2: {  	[tilespmem:s30+$0x196B0] =	vst v9;
	v9 =	vmul.f32 v14, v13;
	v14 =	vld [tilespmem:s30+$0x19720]  }
0x1d3: {  	[tilespmem:s30+$0x196C0] =	vst v8;
	v8 =	vmul.f32 v11, v13;
	v11 =	vld [tilespmem:s30+$0x19730]  }
0x1d4: {  	[tilespmem:s30+$0x196D0] =	vst v9;
	v9 =	vmul.f32 v12, v13;
	v12 =	vld [tilespmem:s30+$0x19740]  }
0x1d5: {  	[tilespmem:s30+$0x196E0] =	vst v8;
	v8 =	vmul.f32 v15, v7;
	v13 =	vld [tilespmem:s30+$0x19750]  }
0x1d6: {  	[tilespmem:s30+$0x196F0] =	vst v9;
	v9 =	vmul.f32 v10, v7;
	v10 =	vld [tilespmem:s30+$0x19760]  }
0x1d7: {  	[tilespmem:s30+$0x19700] =	vst v8;
	v8 =	vmul.f32 v14, v7;
	v14 =	vld [tilespmem:s30+$0x19770]  }
0x1d8: {  	[tilespmem:s30+$0x19710] =	vst v9;
	v9 =	vmul.f32 v11, v7;
	v11 =	vld [tilespmem:s30+$0x19780]  }
0x1d9: {  	[tilespmem:s30+$0x19720] =	vst v8;
	v8 =	vmul.f32 v12, v7;
	v12 =	vld [tilespmem:s30+$0x19790]  }
0x1da: {  	[tilespmem:s30+$0x19730] =	vst v9;
	v9 =	vmul.f32 v13, v7;
	v13 =	vld [tilespmem:s30+$0x197A0]  }
0x1db: {  	[tilespmem:s30+$0x19740] =	vst v8;
	v8 =	vmul.f32 v10, v7;
	v10 =	vbroadcast v1, $0x5;
	v15 =	vld [tilespmem:s30+$0x197B0]  }
0x1dc: {  	[tilespmem:s30+$0x19750] =	vst v9;
	v7 =	vmul.f32 v14, v7;
	v9 =	vld [tilespmem:s30+$0x197C0]  }
0x1dd: {  	[tilespmem:s30+$0x19760] =	vst v8;
	v8 =	vmul.f32 v11, v10;
	v11 =	vld [tilespmem:s30+$0x197D0]  }
0x1de: {  	[tilespmem:s30+$0x19770] =	vst v7;
	v7 =	vmul.f32 v12, v10;
	v12 =	vld [tilespmem:s30+$0x197E0]  }
0x1df: {  	[tilespmem:s30+$0x19780] =	vst v8;
	v8 =	vmul.f32 v13, v10;
	v13 =	vld [tilespmem:s30+$0x197F0]  }
0x1e0: {  	[tilespmem:s30+$0x19790] =	vst v7;
	v7 =	vmul.f32 v15, v10;
	v14 =	vld [tilespmem:s30+$0x19800]  }
0x1e1: {  	[tilespmem:s30+$0x197A0] =	vst v8;
	v8 =	vmul.f32 v9, v10;
	v9 =	vld [tilespmem:s30+$0x19810]  }
0x1e2: {  	[tilespmem:s30+$0x197B0] =	vst v7;
	v7 =	vmul.f32 v11, v10;
	v11 =	vld [tilespmem:s30+$0x19820]  }
0x1e3: {  	[tilespmem:s30+$0x197C0] =	vst v8;
	v8 =	vmul.f32 v12, v10;
	v12 =	vbroadcast v1, $0x6;
	v15 =	vld [tilespmem:s30+$0x19830]  }
0x1e4: {  	[tilespmem:s30+$0x197D0] =	vst v7;
	v7 =	vmul.f32 v13, v10;
	v10 =	vld [tilespmem:s30+$0x19840]  }
0x1e5: {  	[tilespmem:s30+$0x197E0] =	vst v8;
	v8 =	vmul.f32 v14, v12;
	v13 =	vld [tilespmem:s30+$0x19850]  }
0x1e6: {  	[tilespmem:s30+$0x197F0] =	vst v7;
	v7 =	vmul.f32 v9, v12;
	v9 =	vld [tilespmem:s30+$0x19860]  }
0x1e7: {  	[tilespmem:s30+$0x19800] =	vst v8;
	v8 =	vmul.f32 v11, v12;
	v11 =	vld [tilespmem:s30+$0x19870]  }
0x1e8: {  	[tilespmem:s30+$0x19810] =	vst v7;
	v7 =	vmul.f32 v15, v12;
	v14 =	vld [tilespmem:s30+$0x19880]  }
0x1e9: {  	[tilespmem:s30+$0x19820] =	vst v8;
	v8 =	vmul.f32 v10, v12;
	v10 =	vld [tilespmem:s30+$0x19890]  }
0x1ea: {  	[tilespmem:s30+$0x19830] =	vst v7;
	v7 =	vmul.f32 v13, v12;
	v13 =	vld [tilespmem:s30+$0x198A0]  }
0x1eb: {  	[tilespmem:s30+$0x19840] =	vst v8;
	v8 =	vmul.f32 v9, v12;
	v9 =	vbroadcast v1, $0x7;
	v15 =	vld [tilespmem:s30+$0x198B0]  }
0x1ec: {  	[tilespmem:s30+$0x19850] =	vst v7;
	v7 =	vmul.f32 v11, v12;
	v11 =	vld [tilespmem:s30+$0x198C0]  }
0x1ed: {  	[tilespmem:s30+$0x19860] =	vst v8;
	v8 =	vmul.f32 v14, v9;
	v12 =	vld [tilespmem:s30+$0x198D0]  }
0x1ee: {  	[tilespmem:s30+$0x19870] =	vst v7;
	v7 =	vmul.f32 v10, v9;
	v10 =	vld [tilespmem:s30+$0x198E0]  }
0x1ef: {  	[tilespmem:s30+$0x19880] =	vst v8;
	v8 =	vmul.f32 v13, v9;
	v13 =	vld [tilespmem:s30+$0x198F0]  }
0x1f0: {  	[tilespmem:s30+$0x19890] =	vst v7;
	v7 =	vmul.f32 v15, v9;
	v14 =	vld [tilespmem:s30+$0x19900]  }
0x1f1: {  	[tilespmem:s30+$0x198A0] =	vst v8;
	v8 =	vmul.f32 v11, v9;
	v11 =	vld [tilespmem:s30+$0x19910]  }
0x1f2: {  	[tilespmem:s30+$0x198B0] =	vst v7;
	v7 =	vmul.f32 v12, v9;
	v12 =	vld [tilespmem:s30+$0x19920]  }
0x1f3: {  	[tilespmem:s30+$0x198C0] =	vst v8;
	v8 =	vmul.f32 v10, v9;
	v10 =	vbroadcast v1, $0x8;
	v15 =	vld [tilespmem:s30+$0x19930]  }
0x1f4: {  	[tilespmem:s30+$0x198D0] =	vst v7;
	v7 =	vmul.f32 v13, v9;
	v9 =	vld [tilespmem:s30+$0x19940]  }
0x1f5: {  	[tilespmem:s30+$0x198E0] =	vst v8;
	v8 =	vmul.f32 v14, v10;
	v13 =	vld [tilespmem:s30+$0x19950]  }
0x1f6: {  	[tilespmem:s30+$0x198F0] =	vst v7;
	v7 =	vmul.f32 v11, v10;
	v11 =	vld [tilespmem:s30+$0x19960]  }
0x1f7: {  	[tilespmem:s30+$0x19900] =	vst v8;
	v8 =	vmul.f32 v12, v10;
	v12 =	vld [tilespmem:s30+$0x19970]  }
0x1f8: {  	[tilespmem:s30+$0x19910] =	vst v7;
	v7 =	vmul.f32 v15, v10;
	v14 =	vld [tilespmem:s30+$0x19980]  }
0x1f9: {  	[tilespmem:s30+$0x19920] =	vst v8;
	v8 =	vmul.f32 v9, v10;
	v9 =	vld [tilespmem:s30+$0x19990]  }
0x1fa: {  	[tilespmem:s30+$0x19930] =	vst v7;
	v7 =	vmul.f32 v13, v10;
	v13 =	vld [tilespmem:s30+$0x199A0]  }
0x1fb: {  	[tilespmem:s30+$0x19940] =	vst v8;
	v8 =	vmul.f32 v11, v10;
	v11 =	vbroadcast v1, $0x9;
	v15 =	vld [tilespmem:s30+$0x199B0]  }
0x1fc: {  	[tilespmem:s30+$0x19950] =	vst v7;
	v7 =	vmul.f32 v12, v10;
	v10 =	vld [tilespmem:s30+$0x199C0]  }
0x1fd: {  	[tilespmem:s30+$0x19960] =	vst v8;
	v8 =	vmul.f32 v14, v11;
	v12 =	vld [tilespmem:s30+$0x199D0]  }
0x1fe: {  	[tilespmem:s30+$0x19970] =	vst v7;
	v7 =	vmul.f32 v9, v11;
	v9 =	vld [tilespmem:s30+$0x199E0]  }
0x1ff: {  	[tilespmem:s30+$0x19980] =	vst v8;
	v8 =	vmul.f32 v13, v11;
	v13 =	vld [tilespmem:s30+$0x199F0]  }
0x200: {  	[tilespmem:s30+$0x19990] =	vst v7;
	v7 =	vmul.f32 v15, v11;
	v14 =	vld [tilespmem:s30+$0x19A00]  }
0x201: {  	[tilespmem:s30+$0x199A0] =	vst v8;
	v8 =	vmul.f32 v10, v11;
	v10 =	vld [tilespmem:s30+$0x19A10]  }
0x202: {  	[tilespmem:s30+$0x199B0] =	vst v7;
	v7 =	vmul.f32 v12, v11;
	v12 =	vld [tilespmem:s30+$0x19A20]  }
0x203: {  	[tilespmem:s30+$0x199C0] =	vst v8;
	v8 =	vmul.f32 v9, v11;
	v9 =	vld [tilespmem:s30+$0x19A30]  }
0x204: {  	[tilespmem:s30+$0x199D0] =	vst v7;
	v7 =	vmul.f32 v13, v11;
	v11 =	vld [tilespmem:s30+$0x19A40]  }
0x205: {  	[tilespmem:s30+$0x199E0] =	vst v8;
	v8 =	vmul.f32 v14, v4;
	v13 =	vld [tilespmem:s30+$0x19A50]  }
0x206: {  	[tilespmem:s30+$0x199F0] =	vst v7;
	v7 =	vmul.f32 v10, v4;
	v10 =	vld [tilespmem:s30+$0x19A60]  }
0x207: {  	v14 =	vld [tilespmem:s30+$0x19500];
	[tilespmem:s30+$0x19A00] =	vst v8;
	v8 =	vmul.f32 v12, v4  }
0x208: {  	v12 =	vld [tilespmem:s30+$0x19510];
	[tilespmem:s30+$0x19A10] =	vst v7;
	v7 =	vmul.f32 v9, v4  }
0x209: {  	v9 =	vld [tilespmem:s30+$0x19540];
	[tilespmem:s30+$0x19A20] =	vst v8;
	v8 =	vmul.f32 v11, v4  }
0x20a: {  	v11 =	vld [tilespmem:s30+$0x19550];
	[tilespmem:s30+$0x19A30] =	vst v7;
	v7 =	vmul.f32 v13, v4  }
0x20b: {  	[tilespmem:s30+$0x19A40] =	vst v8;
	v8 =	vmul.f32 v10, v4;
	v10 =	vbroadcast v1, $0xB;
	v13 =	vld [tilespmem:s30+$0x19AA0]  }
0x20c: {  	v4 =	vbroadcast v1, $0xF;
	v14 =	vmul.f32 v2, v14;
	[tilespmem:s30+$0x19A50] =	vst v7;
	v7 =	vld [tilespmem:s30+$0x19AB0]  }
0x20d: {  	v12 =	vmul.f32 v12, v2;
	[tilespmem:s30+$0x19A60] =	vst v8;
	v5 =	vmul.f32 v5, v10;
	v8 =	vld [tilespmem:s30+$0x19AC0]  }
0x20e: {  	v6 =	vmul.f32 v6, v10;
	[tilespmem:s30+$0x19500] =	vst v14;
	v9 =	vmul.f32 v9, v2;
	v14 =	vld [tilespmem:s30+$0x19AD0]  }
0x20f: {  	v3 =	vmul.f32 v3, v4;
	v11 =	vmul.f32 v11, v2;
	[tilespmem:s30+$0x19A80] =	vst v5;
	v2 =	vld [tilespmem:s30+$0x19AE0]  }
0x210: {  	[tilespmem:s30+$0x19A90] =	vst v6;
	v5 =	vmul.f32 v13, v10;
	v6 =	vld [tilespmem:s30+$0x19AF0]  }
0x211: {  	v7 =	vmul.f32 v7, v10;
	v13 =	vld [tilespmem:s30+$0x19B00];
	[tilespmem:s30+$0x19CD0] =	vst v3  }
0x212: {  	[tilespmem:s30+$0x19510] =	vst v12;
	v3 =	vmul.f32 v8, v10;
	v8 =	vld [tilespmem:s30+$0x19B10]  }
0x213: {  	[tilespmem:s30+$0x19540] =	vst v9;
	v9 =	vmul.f32 v14, v10;
	v12 =	vld [tilespmem:s30+$0x19B20]  }
0x214: {  	v14 =	vbroadcast v1, $0xC;
	[tilespmem:s30+$0x19AA0] =	vst v5;
	v5 =	vmul.f32 v2, v10;
	v15 =	vld [tilespmem:s30+$0x19B30]  }
0x215: {  	[tilespmem:s30+$0x19AD0] =	vst v9;
	v6 =	vmul.f32 v6, v10;
	v9 =	vld [tilespmem:s30+$0x19B40]  }
0x216: {  	[tilespmem:s30+$0x19AB0] =	vst v7;
	v2 =	vmul.f32 v13, v14;
	v7 =	vld [tilespmem:s30+$0x19B50]  }
0x217: {  	[tilespmem:s30+$0x19AC0] =	vst v3;
	v3 =	vmul.f32 v8, v14;
	v8 =	vld [tilespmem:s30+$0x19B60]  }
0x218: {  	[tilespmem:s30+$0x19B00] =	vst v2;
	v2 =	vmul.f32 v12, v14;
	v10 =	vld [tilespmem:s30+$0x19B70]  }
0x219: {  	[tilespmem:s30+$0x19B10] =	vst v3;
	v3 =	vld [tilespmem:s30+$0x19B80]  }
0x21a: {  	[tilespmem:s30+$0x19550] =	vst v11;
	v9 =	vmul.f32 v9, v14;
	v11 =	vld [tilespmem:s30+$0x19B90]  }
0x21b: {  	[tilespmem:s30+$0x19AE0] =	vst v5;
	v5 =	vmul.f32 v7, v14;
	v7 =	vld [tilespmem:s30+$0x19BA0]  }
0x21c: {  	[tilespmem:s30+$0x19B40] =	vst v9;
	v8 =	vmul.f32 v8, v14;
	v9 =	vbroadcast v1, $0xD;
	v12 =	vld [tilespmem:s30+$0x19BB0]  }
0x21d: {  	[tilespmem:s30+$0x19B50] =	vst v5;
	v5 =	vmul.f32 v10, v14;
	v10 =	vld [tilespmem:s30+$0x19BC0]  }
0x21e: {  	[tilespmem:s30+$0x19B60] =	vst v8;
	v3 =	vmul.f32 v3, v9;
	v8 =	vld [tilespmem:s30+$0x19BD0]  }
0x21f: {  	[tilespmem:s30+$0x19B70] =	vst v5;
	v5 =	vmul.f32 v11, v9;
	v11 =	vld [tilespmem:s30+$0x19BE0]  }
0x220: {  	[tilespmem:s30+$0x19B80] =	vst v3;
	v3 =	vmul.f32 v7, v9;
	v7 =	vld [tilespmem:s30+$0x19BF0]  }
0x221: {  	[tilespmem:s30+$0x19B90] =	vst v5;
	v5 =	vmul.f32 v12, v9;
	v12 =	vld [tilespmem:s30+$0x19C00]  }
0x222: {  	[tilespmem:s30+$0x19BA0] =	vst v3;
	v3 =	vmul.f32 v10, v9;
	v10 =	vld [tilespmem:s30+$0x19C10]  }
0x223: {  	[tilespmem:s30+$0x19BB0] =	vst v5;
	v5 =	vmul.f32 v8, v9;
	v8 =	vld [tilespmem:s30+$0x19C20]  }
0x224: {  	v1 =	vbroadcast v1, $0xE;
	[tilespmem:s30+$0x19AF0] =	vst v6;
	v6 =	vmul.f32 v11, v9;
	v11 =	vld [tilespmem:s30+$0x19C30]  }
0x225: {  	[tilespmem:s30+$0x19BD0] =	vst v5;
	v5 =	vmul.f32 v7, v9;
	v7 =	vld [tilespmem:s30+$0x19C40]  }
0x226: {  	[tilespmem:s30+$0x19BE0] =	vst v6;
	v6 =	vmul.f32 v12, v1;
	v9 =	vld [tilespmem:s30+$0x19C50]  }
0x227: {  	[tilespmem:s30+$0x19BF0] =	vst v5;
	v5 =	vmul.f32 v10, v1;
	v10 =	vld [tilespmem:s30+$0x19C60]  }
0x228: {  	[tilespmem:s30+$0x19C00] =	vst v6;
	v6 =	vmul.f32 v8, v1;
	v8 =	vld [tilespmem:s30+$0x19C70]  }
0x229: {  	[tilespmem:s30+$0x19C10] =	vst v5;
	v5 =	vmul.f32 v11, v1;
	v11 =	vld [tilespmem:s30+$0x19C80]  }
0x22a: {  	[tilespmem:s30+$0x19C20] =	vst v6;
	v6 =	vmul.f32 v7, v1;
	v7 =	vld [tilespmem:s30+$0x19C90]  }
0x22b: {  	[tilespmem:s30+$0x19C30] =	vst v5;
	v5 =	vmul.f32 v9, v1;
	v9 =	vld [tilespmem:s30+$0x19CA0]  }
0x22c: {  	[tilespmem:s30+$0x19C40] =	vst v6;
	v6 =	vmul.f32 v10, v1;
	v10 =	vld [tilespmem:s30+$0x19CB0]  }
0x22d: {  	[tilespmem:s30+$0x19BC0] =	vst v3;
	v1 =	vmul.f32 v8, v1;
	v3 =	vld [tilespmem:s30+$0x19CC0]  }
0x22e: {  	[tilespmem:s30+$0x19C60] =	vst v6;
	v6 =	vmul.f32 v11, v4;
	v8 =	vld [tilespmem:s30+$0x19CE0]  }
0x22f: {  	[tilespmem:s30+$0x19C70] =	vst v1;
	v1 =	vmul.f32 v7, v4;
	v7 =	vld [tilespmem:s30+$0x19CF0]  }
0x230: {  	[tilespmem:s30+$0x19C80] =	vst v6;
	v6 =	vmul.f32 v9, v4  }
0x231: {  	[tilespmem:s30+$0x19C90] =	vst v1;
	v1 =	vmul.f32 v10, v4  }
0x232: {  	v9 =	vmul.f32 v15, v14;
	[tilespmem:s30+$0x19CA0] =	vst v6  }
0x233: {  	[tilespmem:s30+$0x19CB0] =	vst v1;
	v1 =	vmul.f32 v3, v4  }
.Ltmp1:
0x234: {  	[tilespmem:s30+$0x19B30] =	vst v9;
	v3 =	vmul.f32 v7, v4;
	(pc) =	sbr.rel @p0 .LBB2_5-.Ltmp1, $4  }
0x235: {  	[tilespmem:s30+$0x19CC0] =	vst v1  }
0x236: {  	v1 =	vmul.f32 v8, v4;
	[tilespmem:s30+$0x19CF0] =	vst v3  }
0x237: {  	[tilespmem:s30+$0x19C50] =	vst v5  }
0x238: {  	[tilespmem:s30+$0x19CE0] =	vst v1  }
0x239: {  	[tilespmem:s30+$0x19B20] =	vst v2  }
0x23a: {  	[spmem:s1] =	stream.indirect.scatter.add.f32 [tilespmem:s10], [sflag:$0x3], $0x80, s14, s22, $0xb8;
	[tilespmem:$0x1E780] =	vst v63  }
0x23b: {  	_ = 	snop  }
0x23c: {  	[spmem:s3] =	stream.indirect.scatter.add.f32 [tilespmem:s26], [sflag:$0x3], $0x1, s14, s22, $0xb8;
	[tilespmem:$0x1E780] =	vst v63  }
0x23d: {  	_ =	swait.ge [sflag:s12], $0x2800  }
0x23e: {  	s11 =	simm.s32 $0x0;
	[sflag:s12] =	ssyncset.done $0x0  }
0x23f: {  	s11 =	sand.u32 $0x3FFFFFF0, s11;
	[sflag:s12] =	ssyncadd.s32 $0xFFFFD800  }
0x240: {  	s30 =	simm.s32 $0x0;
	v1 =	vld [tilespmem:s11+$0x19480]  }
0x241: {  	s30 =	sand.u32 $0x3FFFF800, s30  }
0x242: {  	v3 =	vld [tilespmem:s30+$0x1BD20]  }
0x243: {  	v4 =	vld [tilespmem:s30+$0x1BD30]  }
0x244: {  	v10 =	vld [tilespmem:s30+$0x1BD60]  }
0x245: {  	v11 =	vld [tilespmem:s30+$0x1BD70];
	v2 =	vbroadcast v1, $0x0  }
0x246: {  	v12 =	vld [tilespmem:s30+$0x1BD80]  }
0x247: {  	v13 =	vld [tilespmem:s30+$0x1BD90];
	v3 =	vmul.f32 v3, v2  }
0x248: {  	v14 =	vld [tilespmem:s30+$0x1BDA0];
	v4 =	vmul.f32 v4, v2  }
0x249: {  	v9 =	vld [tilespmem:s30+$0x1BDB0];
	v23 =	vbroadcast v1, $0x1;
	v22 =	vmul.f32 v10, v2;
	[tilespmem:s30+$0x1BD20] =	vst v3  }
0x24a: {  	v7 =	vld [tilespmem:s30+$0x1BDC0];
	v11 =	vmul.f32 v11, v2;
	[tilespmem:s30+$0x1BD30] =	vst v4  }
0x24b: {  	v8 =	vld [tilespmem:s30+$0x1BDD0];
	v12 =	vmul.f32 v12, v23;
	[tilespmem:s30+$0x1BD60] =	vst v22  }
0x24c: {  	v25 =	vld [tilespmem:s30+$0x1BDF0];
	v13 =	vmul.f32 v13, v23;
	[tilespmem:s30+$0x1BD70] =	vst v11  }
0x24d: {  	v26 =	vld [tilespmem:s30+$0x1BE00];
	v14 =	vmul.f32 v14, v23;
	[tilespmem:s30+$0x1BD80] =	vst v12  }
0x24e: {  	v27 =	vld [tilespmem:s30+$0x1BE10];
	v9 =	vmul.f32 v9, v23;
	[tilespmem:s30+$0x1BD90] =	vst v13  }
0x24f: {  	v6 =	vld [tilespmem:s30+$0x1C270];
	v7 =	vmul.f32 v7, v23;
	[tilespmem:s30+$0x1BDA0] =	vst v14  }
0x250: {  	v24 =	vld [tilespmem:s30+$0x1BDE0];
	v15 =	vbroadcast v1, $0x2;
	v8 =	vmul.f32 v8, v23;
	[tilespmem:s30+$0x1BDB0] =	vst v9  }
0x251: {  	v28 =	vld [tilespmem:s30+$0x1BE20];
	v10 =	vmul.f32 v25, v23;
	[tilespmem:s30+$0x1BDC0] =	vst v7  }
0x252: {  	v29 =	vld [tilespmem:s30+$0x1BE30];
	v5 =	vbroadcast v1, $0xA;
	v32 =	vmul.f32 v26, v15;
	[tilespmem:s30+$0x1BDD0] =	vst v8  }
0x253: {  	v30 =	vld [tilespmem:s30+$0x1BE40];
	v34 =	vmul.f32 v27, v15;
	[tilespmem:s30+$0x1BDF0] =	vst v10  }
0x254: {  	v33 =	vld [tilespmem:s30+$0x1BE60];
	v3 =	vmul.f32 v6, v5;
	[tilespmem:s30+$0x1BE00] =	vst v32  }
0x255: {  	v35 =	vld [tilespmem:s30+$0x1BE70];
	v11 =	vmul.f32 v24, v23;
	[tilespmem:s30+$0x1BE10] =	vst v34  }
0x256: {  	v36 =	vld [tilespmem:s30+$0x1BE80];
	v9 =	vmul.f32 v28, v15;
	[tilespmem:s30+$0x1C270] =	vst v3  }
0x257: {  	v31 =	vld [tilespmem:s30+$0x1BE50];
	v7 =	vmul.f32 v29, v15;
	[tilespmem:s30+$0x1BDE0] =	vst v11  }
0x258: {  	v37 =	vld [tilespmem:s30+$0x1BE90];
	v8 =	vmul.f32 v30, v15;
	[tilespmem:s30+$0x1BE20] =	vst v9  }
0x259: {  	v38 =	vld [tilespmem:s30+$0x1BEA0];
	v41 =	vbroadcast v1, $0x3;
	v10 =	vmul.f32 v33, v15;
	[tilespmem:s30+$0x1BE30] =	vst v7  }
0x25a: {  	v39 =	vld [tilespmem:s30+$0x1BEB0];
	v12 =	vmul.f32 v35, v15;
	[tilespmem:s30+$0x1BE40] =	vst v8  }
0x25b: {  	v42 =	vld [tilespmem:s30+$0x1BED0];
	v13 =	vmul.f32 v36, v41;
	[tilespmem:s30+$0x1BE60] =	vst v10  }
0x25c: {  	v43 =	vld [tilespmem:s30+$0x1BEE0];
	v11 =	vmul.f32 v31, v15;
	[tilespmem:s30+$0x1BE70] =	vst v12  }
0x25d: {  	v44 =	vld [tilespmem:s30+$0x1BEF0];
	v9 =	vmul.f32 v37, v41;
	[tilespmem:s30+$0x1BE80] =	vst v13  }
0x25e: {  	v40 =	vld [tilespmem:s30+$0x1BEC0];
	v7 =	vmul.f32 v38, v41;
	[tilespmem:s30+$0x1BE50] =	vst v11  }
0x25f: {  	v45 =	vld [tilespmem:s30+$0x1BF00];
	v8 =	vmul.f32 v39, v41;
	[tilespmem:s30+$0x1BE90] =	vst v9  }
0x260: {  	v46 =	vld [tilespmem:s30+$0x1BF10];
	v10 =	vmul.f32 v42, v41;
	[tilespmem:s30+$0x1BEA0] =	vst v7  }
0x261: {  	v47 =	vld [tilespmem:s30+$0x1BF20];
	v12 =	vmul.f32 v43, v41;
	[tilespmem:s30+$0x1BEB0] =	vst v8  }
0x262: {  	v49 =	vld [tilespmem:s30+$0x1BF40];
	v50 =	vbroadcast v1, $0x4;
	v13 =	vmul.f32 v44, v41;
	[tilespmem:s30+$0x1BED0] =	vst v10  }
0x263: {  	v51 =	vld [tilespmem:s30+$0x1BF50];
	v11 =	vmul.f32 v40, v41;
	[tilespmem:s30+$0x1BEE0] =	vst v12  }
0x264: {  	v52 =	vld [tilespmem:s30+$0x1BF60];
	v9 =	vmul.f32 v45, v50;
	[tilespmem:s30+$0x1BEF0] =	vst v13  }
0x265: {  	v48 =	vld [tilespmem:s30+$0x1BF30];
	v7 =	vmul.f32 v46, v50;
	[tilespmem:s30+$0x1BEC0] =	vst v11  }
0x266: {  	v53 =	vld [tilespmem:s30+$0x1BF70];
	v8 =	vmul.f32 v47, v50;
	[tilespmem:s30+$0x1BF00] =	vst v9  }
0x267: {  	v54 =	vld [tilespmem:s30+$0x1BF80];
	v10 =	vmul.f32 v49, v50;
	[tilespmem:s30+$0x1BF10] =	vst v7  }
0x268: {  	v55 =	vld [tilespmem:s30+$0x1BF90];
	v12 =	vmul.f32 v51, v50;
	[tilespmem:s30+$0x1BF20] =	vst v8  }
0x269: {  	v57 =	vld [tilespmem:s30+$0x1BFB0];
	v13 =	vmul.f32 v52, v50;
	[tilespmem:s30+$0x1BF40] =	vst v10  }
0x26a: {  	v58 =	vld [tilespmem:s30+$0x1BFC0];
	v59 =	vbroadcast v1, $0x5;
	v11 =	vmul.f32 v48, v50;
	[tilespmem:s30+$0x1BF50] =	vst v12  }
0x26b: {  	v60 =	vld [tilespmem:s30+$0x1BFD0];
	v9 =	vmul.f32 v53, v50;
	[tilespmem:s30+$0x1BF60] =	vst v13  }
0x26c: {  	v56 =	vld [tilespmem:s30+$0x1BFA0];
	v7 =	vmul.f32 v54, v59;
	[tilespmem:s30+$0x1BF30] =	vst v11  }
0x26d: {  	v61 =	vld [tilespmem:s30+$0x1BFE0];
	v8 =	vmul.f32 v55, v59;
	[tilespmem:s30+$0x1BF70] =	vst v9  }
0x26e: {  	v62 =	vld [tilespmem:s30+$0x1BFF0];
	v10 =	vmul.f32 v57, v59;
	[tilespmem:s30+$0x1BF80] =	vst v7  }
0x26f: {  	v63 =	vld [tilespmem:s30+$0x1C000];
	v12 =	vmul.f32 v58, v59;
	[tilespmem:s30+$0x1BF90] =	vst v8  }
0x270: {  	v19 =	vld [tilespmem:s30+$0x1C020];
	v13 =	vmul.f32 v60, v59;
	[tilespmem:s30+$0x1BFB0] =	vst v10  }
0x271: {  	v20 =	vld [tilespmem:s30+$0x1C030];
	v11 =	vmul.f32 v56, v59;
	[tilespmem:s30+$0x1BFC0] =	vst v12  }
0x272: {  	v21 =	vld [tilespmem:s30+$0x1C040];
	v22 =	vbroadcast v1, $0x6;
	v9 =	vmul.f32 v61, v59;
	[tilespmem:s30+$0x1BFD0] =	vst v13  }
0x273: {  	v18 =	vld [tilespmem:s30+$0x1C010];
	v7 =	vmul.f32 v62, v59;
	[tilespmem:s30+$0x1BFA0] =	vst v11  }
0x274: {  	v23 =	vld [tilespmem:s30+$0x1C050];
	v8 =	vmul.f32 v63, v22;
	[tilespmem:s30+$0x1BFE0] =	vst v9  }
0x275: {  	v24 =	vld [tilespmem:s30+$0x1C060];
	v10 =	vmul.f32 v19, v22;
	[tilespmem:s30+$0x1BFF0] =	vst v7  }
0x276: {  	v25 =	vld [tilespmem:s30+$0x1C070];
	v12 =	vmul.f32 v20, v22;
	[tilespmem:s30+$0x1C000] =	vst v8  }
0x277: {  	v27 =	vld [tilespmem:s30+$0x1C090];
	v13 =	vmul.f32 v21, v22;
	[tilespmem:s30+$0x1C020] =	vst v10  }
0x278: {  	v28 =	vld [tilespmem:s30+$0x1C0A0];
	v11 =	vmul.f32 v18, v22;
	[tilespmem:s30+$0x1C030] =	vst v12  }
0x279: {  	v29 =	vld [tilespmem:s30+$0x1C0B0];
	v9 =	vmul.f32 v23, v22;
	[tilespmem:s30+$0x1C040] =	vst v13  }
0x27a: {  	v31 =	vbroadcast v1, $0x7;
	v53 =	vld [tilespmem:s30+$0x1C200];
	v7 =	vmul.f32 v24, v22;
	[tilespmem:s30+$0x1C010] =	vst v11  }
0x27b: {  	v57 =	vld [tilespmem:s30+$0x1C240];
	v8 =	vmul.f32 v25, v22;
	[tilespmem:s30+$0x1C050] =	vst v9  }
0x27c: {  	v58 =	vld [tilespmem:s30+$0x1C250];
	v10 =	vmul.f32 v27, v31;
	[tilespmem:s30+$0x1C060] =	vst v7  }
0x27d: {  	v26 =	vld [tilespmem:s30+$0x1C080];
	v12 =	vmul.f32 v28, v31;
	[tilespmem:s30+$0x1C070] =	vst v8  }
0x27e: {  	v30 =	vld [tilespmem:s30+$0x1C0C0];
	v13 =	vmul.f32 v29, v31;
	[tilespmem:s30+$0x1C090] =	vst v10  }
0x27f: {  	v32 =	vld [tilespmem:s30+$0x1C0D0];
	v59 =	vmul.f32 v53, v5;
	[tilespmem:s30+$0x1C0A0] =	vst v12  }
0x280: {  	v33 =	vld [tilespmem:s30+$0x1C0E0];
	v18 =	vmul.f32 v57, v5;
	[tilespmem:s30+$0x1C0B0] =	vst v13  }
0x281: {  	v35 =	vld [tilespmem:s30+$0x1C100];
	v20 =	vmul.f32 v58, v5;
	[tilespmem:s30+$0x1C200] =	vst v59  }
0x282: {  	v36 =	vld [tilespmem:s30+$0x1C110];
	v11 =	vmul.f32 v26, v31;
	[tilespmem:s30+$0x1C240] =	vst v18  }
0x283: {  	v37 =	vld [tilespmem:s30+$0x1C120];
	v9 =	vmul.f32 v30, v31;
	[tilespmem:s30+$0x1C250] =	vst v20  }
0x284: {  	v4 =	vld [tilespmem:s30+$0x1C280];
	v40 =	vbroadcast v1, $0x8;
	v7 =	vmul.f32 v32, v31;
	[tilespmem:s30+$0x1C080] =	vst v11  }
0x285: {  	v6 =	vld [tilespmem:s30+$0x1C290];
	v8 =	vmul.f32 v33, v31;
	[tilespmem:s30+$0x1C0C0] =	vst v9  }
0x286: {  	v3 =	vld [tilespmem:s30+$0x1C4D0];
	v10 =	vmul.f32 v35, v40;
	[tilespmem:s30+$0x1C0D0] =	vst v7  }
0x287: {  	v61 =	vld [tilespmem:s30+$0x1BD00];
	v23 =	vbroadcast v1, $0xB;
	v12 =	vmul.f32 v36, v40;
	[tilespmem:s30+$0x1C0E0] =	vst v8  }
0x288: {  	v34 =	vld [tilespmem:s30+$0x1C0F0];
	v13 =	vmul.f32 v37, v40;
	[tilespmem:s30+$0x1C100] =	vst v10  }
0x289: {  	v38 =	vld [tilespmem:s30+$0x1C130];
	v27 =	vbroadcast v1, $0xF;
	v4 =	vmul.f32 v4, v23;
	[tilespmem:s30+$0x1C110] =	vst v12  }
0x28a: {  	v39 =	vld [tilespmem:s30+$0x1C140];
	v6 =	vmul.f32 v6, v23;
	[tilespmem:s30+$0x1C120] =	vst v13  }
0x28b: {  	v41 =	vld [tilespmem:s30+$0x1C150];
	v3 =	vmul.f32 v3, v27;
	[tilespmem:s30+$0x1C280] =	vst v4  }
0x28c: {  	v43 =	vld [tilespmem:s30+$0x1C170];
	v24 =	vmul.f32 v2, v61;
	[tilespmem:s30+$0x1C290] =	vst v6  }
0x28d: {  	v44 =	vld [tilespmem:s30+$0x1C180];
	v11 =	vmul.f32 v34, v31;
	[tilespmem:s30+$0x1C4D0] =	vst v3  }
0x28e: {  	v45 =	vld [tilespmem:s30+$0x1C190];
	v9 =	vmul.f32 v38, v40;
	[tilespmem:s30+$0x1BD00] =	vst v24  }
0x28f: {  	v63 =	vld [tilespmem:s30+$0x1BD40];
	v7 =	vmul.f32 v39, v40;
	[tilespmem:s30+$0x1C0F0] =	vst v11  }
0x290: {  	v49 =	vbroadcast v1, $0x9;
	v29 =	vld [tilespmem:s30+$0x1C2F0];
	v8 =	vmul.f32 v41, v40;
	[tilespmem:s30+$0x1C130] =	vst v9  }
0x291: {  	v42 =	vld [tilespmem:s30+$0x1C160];
	v10 =	vmul.f32 v43, v40;
	[tilespmem:s30+$0x1C140] =	vst v7  }
0x292: {  	v46 =	vld [tilespmem:s30+$0x1C1A0];
	v12 =	vmul.f32 v44, v49;
	[tilespmem:s30+$0x1C150] =	vst v8  }
0x293: {  	v47 =	vld [tilespmem:s30+$0x1C1B0];
	v13 =	vmul.f32 v45, v49;
	[tilespmem:s30+$0x1C170] =	vst v10  }
0x294: {  	v48 =	vld [tilespmem:s30+$0x1C1C0];
	v3 =	vmul.f32 v63, v2;
	[tilespmem:s30+$0x1C180] =	vst v12  }
0x295: {  	v51 =	vld [tilespmem:s30+$0x1C1E0];
	v6 =	vmul.f32 v29, v23;
	[tilespmem:s30+$0x1C190] =	vst v13  }
0x296: {  	v52 =	vld [tilespmem:s30+$0x1C1F0];
	v11 =	vmul.f32 v42, v40;
	[tilespmem:s30+$0x1BD40] =	vst v3  }
0x297: {  	v28 =	vld [tilespmem:s30+$0x1C2E0];
	v9 =	vmul.f32 v46, v49;
	[tilespmem:s30+$0x1C2F0] =	vst v6  }
0x298: {  	v26 =	vld [tilespmem:s30+$0x1C2D0];
	v7 =	vmul.f32 v47, v49;
	[tilespmem:s30+$0x1C160] =	vst v11  }
0x299: {  	v30 =	vld [tilespmem:s30+$0x1C300];
	v8 =	vmul.f32 v48, v49;
	[tilespmem:s30+$0x1C1A0] =	vst v9  }
0x29a: {  	v50 =	vld [tilespmem:s30+$0x1C1D0];
	v10 =	vmul.f32 v51, v49;
	[tilespmem:s30+$0x1C1B0] =	vst v7  }
0x29b: {  	v54 =	vld [tilespmem:s30+$0x1C210];
	v12 =	vmul.f32 v52, v49;
	[tilespmem:s30+$0x1C1C0] =	vst v8  }
0x29c: {  	v55 =	vld [tilespmem:s30+$0x1C220];
	v35 =	vbroadcast v1, $0xC;
	v40 =	vmul.f32 v28, v23;
	[tilespmem:s30+$0x1C1E0] =	vst v10  }
0x29d: {  	v56 =	vld [tilespmem:s30+$0x1C230];
	v32 =	vmul.f32 v26, v23;
	[tilespmem:s30+$0x1C1F0] =	vst v12  }
0x29e: {  	v60 =	vld [tilespmem:s30+$0x1C260];
	v15 =	vmul.f32 v30, v35;
	[tilespmem:s30+$0x1C2E0] =	vst v40  }
0x29f: {  	v62 =	vld [tilespmem:s30+$0x1BD10];
	v11 =	vmul.f32 v50, v49;
	[tilespmem:s30+$0x1C2D0] =	vst v32  }
0x2a0: {  	v19 =	vld [tilespmem:s30+$0x1BD50];
	v9 =	vmul.f32 v54, v5;
	[tilespmem:s30+$0x1C300] =	vst v15  }
0x2a1: {  	v33 =	vld [tilespmem:s30+$0x1C330];
	v7 =	vmul.f32 v55, v5;
	[tilespmem:s30+$0x1C1D0] =	vst v11  }
0x2a2: {  	v61 =	vld [tilespmem:s30+$0x1C4F0];
	v8 =	vmul.f32 v56, v5;
	[tilespmem:s30+$0x1C210] =	vst v9  }
0x2a3: {  	v38 =	vld [tilespmem:s30+$0x1C370];
	v5 =	vmul.f32 v60, v5;
	[tilespmem:s30+$0x1C220] =	vst v7  }
0x2a4: {  	v21 =	vld [tilespmem:s30+$0x1C2A0];
	v12 =	vmul.f32 v62, v2;
	[tilespmem:s30+$0x1C230] =	vst v8  }
0x2a5: {  	v22 =	vld [tilespmem:s30+$0x1C2B0];
	v2 =	vmul.f32 v19, v2;
	[tilespmem:s30+$0x1C260] =	vst v5  }
0x2a6: {  	v25 =	vld [tilespmem:s30+$0x1C2C0];
	v62 =	vmul.f32 v33, v35;
	[tilespmem:s30+$0x1BD10] =	vst v12  }
0x2a7: {  	v31 =	vld [tilespmem:s30+$0x1C310];
	v63 =	vmul.f32 v61, v27;
	[tilespmem:s30+$0x1BD50] =	vst v2  }
0x2a8: {  	v34 =	vld [tilespmem:s30+$0x1C340];
	v15 =	vmul.f32 v38, v35;
	[tilespmem:s30+$0x1C330] =	vst v62  }
0x2a9: {  	v41 =	vld [tilespmem:s30+$0x1C3A0];
	v7 =	vmul.f32 v21, v23;
	[tilespmem:s30+$0x1C4F0] =	vst v63  }
0x2aa: {  	v46 =	vld [tilespmem:s30+$0x1C3E0];
	v8 =	vmul.f32 v22, v23;
	[tilespmem:s30+$0x1C370] =	vst v15  }
0x2ab: {  	v36 =	vld [tilespmem:s30+$0x1C350];
	v5 =	vmul.f32 v25, v23;
	[tilespmem:s30+$0x1C2A0] =	vst v7  }
0x2ac: {  	v44 =	vbroadcast v1, $0xD;
	v9 =	vmul.f32 v31, v35;
	v2 =	vld [tilespmem:s30+$0x1C390];
	[tilespmem:s30+$0x1C2B0] =	vst v8  }
0x2ad: {  	v37 =	vld [tilespmem:s30+$0x1C360];
	v12 =	vmul.f32 v34, v35;
	[tilespmem:s30+$0x1C2C0] =	vst v5  }
0x2ae: {  	v39 =	vld [tilespmem:s30+$0x1C380];
	v11 =	vmul.f32 v41, v44;
	[tilespmem:s30+$0x1C310] =	vst v9  }
0x2af: {  	v42 =	vld [tilespmem:s30+$0x1C3B0];
	v51 =	vmul.f32 v46, v44;
	[tilespmem:s30+$0x1C340] =	vst v12  }
0x2b0: {  	v48 =	vld [tilespmem:s30+$0x1C410];
	v8 =	vmul.f32 v36, v35;
	[tilespmem:s30+$0x1C3A0] =	vst v11  }
0x2b1: {  	v49 =	vld [tilespmem:s30+$0x1C420];
	[tilespmem:s30+$0x1C3E0] =	vst v51;
	v2 =	vmul.f32 v2, v44  }
0x2b2: {  	v50 =	vld [tilespmem:s30+$0x1C430];
	v5 =	vmul.f32 v37, v35;
	[tilespmem:s30+$0x1C350] =	vst v8  }
0x2b3: {  	v1 =	vbroadcast v1, $0xE;
	v9 =	vmul.f32 v39, v44;
	[tilespmem:s30+$0x1C390] =	vst v2;
	v2 =	vld [tilespmem:s30+$0x1C400]  }
0x2b4: {  	v60 =	vld [tilespmem:s30+$0x1C4E0];
	v12 =	vmul.f32 v42, v44;
	[tilespmem:s30+$0x1C360] =	vst v5  }
0x2b5: {  	v45 =	vld [tilespmem:s30+$0x1C3D0];
	v11 =	vmul.f32 v48, v1;
	[tilespmem:s30+$0x1C380] =	vst v9  }
0x2b6: {  	v47 =	vld [tilespmem:s30+$0x1C3F0];
	v10 =	vmul.f32 v49, v1;
	[tilespmem:s30+$0x1C3B0] =	vst v12  }
0x2b7: {  	v43 =	vld [tilespmem:s30+$0x1C3C0];
	v6 =	vmul.f32 v50, v1;
	[tilespmem:s30+$0x1C410] =	vst v11  }
0x2b8: {  	v55 =	vld [tilespmem:s30+$0x1C480];
	[tilespmem:s30+$0x1C420] =	vst v10;
	v2 =	vmul.f32 v2, v1  }
0x2b9: {  	v57 =	vld [tilespmem:s30+$0x1C4A0];
	v4 =	vmul.f32 v60, v27;
	[tilespmem:s30+$0x1C430] =	vst v6  }
0x2ba: {  	v5 =	vmul.f32 v45, v44;
	[tilespmem:s30+$0x1C400] =	vst v2;
	v2 =	vld [tilespmem:s30+$0x1C470]  }
0x2bb: {  	v52 =	vld [tilespmem:s30+$0x1C440];
	v9 =	vmul.f32 v47, v44;
	[tilespmem:s30+$0x1C4E0] =	vst v4  }
0x2bc: {  	v56 =	vld [tilespmem:s30+$0x1C490];
	v8 =	vmul.f32 v43, v44;
	[tilespmem:s30+$0x1C3D0] =	vst v5  }
0x2bd: {  	v54 =	vld [tilespmem:s30+$0x1C460];
	v11 =	vmul.f32 v55, v27;
	[tilespmem:s30+$0x1C3F0] =	vst v9  }
0x2be: {  	v58 =	vld [tilespmem:s30+$0x1C4B0];
	v6 =	vmul.f32 v57, v27;
	[tilespmem:s30+$0x1C3C0] =	vst v8  }
0x2bf: {  	v53 =	vld [tilespmem:s30+$0x1C450];
	[tilespmem:s30+$0x1C480] =	vst v11;
	v2 =	vmul.f32 v2, v1  }
0x2c0: {  	v59 =	vld [tilespmem:s30+$0x1C4C0];
	v5 =	vmul.f32 v52, v1;
	[tilespmem:s30+$0x1C4A0] =	vst v6  }
0x2c1: {  	[tilespmem:s30+$0x1C470] =	vst v2;
	v2 =	vmul.f32 v56, v27  }
0x2c2: {  	v3 =	vld [tilespmem:s30+$0x1C320];
	v9 =	vmul.f32 v54, v1;
	[tilespmem:s30+$0x1C440] =	vst v5  }
0x2c3: {  	[tilespmem:s30+$0x1C490] =	vst v2;
	v2 =	vmul.f32 v58, v27  }
0x2c4: {  	[tilespmem:s30+$0x1C460] =	vst v9;
	v1 =	vmul.f32 v53, v1  }
0x2c5: {  	[tilespmem:s30+$0x1C4B0] =	vst v2;
	v2 =	vmul.f32 v59, v27  }
0x2c6: {  	[tilespmem:s30+$0x1C450] =	vst v1  }
0x2c7: {  	s31 =	simm.s32 $0x1;
	[tilespmem:s30+$0x1C4C0] =	vst v2;
	v2 =	vmul.f32 v3, v35  }
.LBB2_7:
0x2c8: {  	s11 =	sshll.u32 s31, $0x4  }
0x2c9: {  	p0 =	sne.s32 s31, $0x4;
	[tilespmem:s30+$0x1C320] =	vst v2;
	s30 =	smov.u32 s31;
	s31 =	sadd.s32 $0x1, s31  }
0x2ca: {  	s11 =	sand.u32 $0x3FFFFFF0, s11  }
0x2cb: {  	v1 =	vld [tilespmem:s11+$0x19480];
	s11 =	sshll.u32 s30, $0xB  }
0x2cc: {  	s30 =	sand.u32 $0x3FFFF800, s11  }
0x2cd: {  	v8 =	vld [tilespmem:s30+$0x1BDC0]  }
0x2ce: {  	v9 =	vld [tilespmem:s30+$0x1BDD0]  }
0x2cf: {  	v10 =	vld [tilespmem:s30+$0x1BDB0]  }
0x2d0: {  	v2 =	vbroadcast v1, $0x0;
	v3 =	vld [tilespmem:s30+$0x1BD20];
	v7 =	vbroadcast v1, $0x4  }
0x2d1: {  	v5 =	vld [tilespmem:s30+$0x1BD30]  }
0x2d2: {  	v6 =	vld [tilespmem:s30+$0x1C270]  }
0x2d3: {  	v11 =	vld [tilespmem:s30+$0x1BD60]  }
0x2d4: {  	v12 =	vld [tilespmem:s30+$0x1BD70]  }
0x2d5: {  	v4 =	vbroadcast v1, $0xA;
	v3 =	vmul.f32 v3, v2;
	v13 =	vld [tilespmem:s30+$0x1BD80]  }
0x2d6: {  	v5 =	vmul.f32 v5, v2;
	v14 =	vld [tilespmem:s30+$0x1BD90]  }
0x2d7: {  	[tilespmem:s30+$0x1BD20] =	vst v3;
	v15 =	vld [tilespmem:s30+$0x1BDA0];
	v3 =	vmul.f32 v6, v4  }
0x2d8: {  	[tilespmem:s30+$0x1BD30] =	vst v5;
	v6 =	vmul.f32 v11, v2;
	v11 =	vbroadcast v1, $0x1;
	v5 =	vld [tilespmem:s30+$0x1C280]  }
0x2d9: {  	v12 =	vmul.f32 v12, v2;
	[tilespmem:s30+$0x1C270] =	vst v3;
	v3 =	vld [tilespmem:s30+$0x1C4D0]  }
0x2da: {  	[tilespmem:s30+$0x1BD60] =	vst v6;
	v13 =	vmul.f32 v13, v11;
	v6 =	vld [tilespmem:s30+$0x1C290]  }
0x2db: {  	[tilespmem:s30+$0x1BD70] =	vst v12;
	v12 =	vmul.f32 v14, v11;
	v14 =	vld [tilespmem:s30+$0x1BDE0]  }
0x2dc: {  	[tilespmem:s30+$0x1BD80] =	vst v13;
	v13 =	vmul.f32 v15, v11;
	v15 =	vld [tilespmem:s30+$0x1BDF0]  }
0x2dd: {  	v10 =	vmul.f32 v10, v11;
	[tilespmem:s30+$0x1BD90] =	vst v12;
	v12 =	vld [tilespmem:s30+$0x1BE00]  }
0x2de: {  	v8 =	vmul.f32 v8, v11;
	[tilespmem:s30+$0x1BDA0] =	vst v13;
	v13 =	vld [tilespmem:s30+$0x1BE10]  }
0x2df: {  	v9 =	vmul.f32 v9, v11;
	[tilespmem:s30+$0x1BDB0] =	vst v10;
	v10 =	vld [tilespmem:s30+$0x1BE20]  }
0x2e0: {  	[tilespmem:s30+$0x1BDC0] =	vst v8;
	v8 =	vmul.f32 v14, v11;
	v14 =	vbroadcast v1, $0x2;
	v16 =	vld [tilespmem:s30+$0x1BE30]  }
0x2e1: {  	[tilespmem:s30+$0x1BDD0] =	vst v9;
	v9 =	vmul.f32 v15, v11;
	v11 =	vld [tilespmem:s30+$0x1BE40]  }
0x2e2: {  	[tilespmem:s30+$0x1BDE0] =	vst v8;
	v8 =	vmul.f32 v12, v14;
	v12 =	vld [tilespmem:s30+$0x1BE50]  }
0x2e3: {  	[tilespmem:s30+$0x1BDF0] =	vst v9;
	v9 =	vmul.f32 v13, v14;
	v13 =	vld [tilespmem:s30+$0x1BE60]  }
0x2e4: {  	[tilespmem:s30+$0x1BE00] =	vst v8;
	v8 =	vmul.f32 v10, v14;
	v10 =	vld [tilespmem:s30+$0x1BE70]  }
0x2e5: {  	[tilespmem:s30+$0x1BE10] =	vst v9;
	v9 =	vmul.f32 v16, v14;
	v15 =	vld [tilespmem:s30+$0x1BE80]  }
0x2e6: {  	[tilespmem:s30+$0x1BE20] =	vst v8;
	v8 =	vmul.f32 v11, v14;
	v11 =	vld [tilespmem:s30+$0x1BE90]  }
0x2e7: {  	[tilespmem:s30+$0x1BE30] =	vst v9;
	v9 =	vmul.f32 v12, v14;
	v12 =	vld [tilespmem:s30+$0x1BEA0]  }
0x2e8: {  	[tilespmem:s30+$0x1BE40] =	vst v8;
	v8 =	vmul.f32 v13, v14;
	v13 =	vbroadcast v1, $0x3;
	v16 =	vld [tilespmem:s30+$0x1BEB0]  }
0x2e9: {  	[tilespmem:s30+$0x1BE50] =	vst v9;
	v9 =	vmul.f32 v10, v14;
	v10 =	vld [tilespmem:s30+$0x1BEC0]  }
0x2ea: {  	[tilespmem:s30+$0x1BE60] =	vst v8;
	v8 =	vmul.f32 v15, v13;
	v14 =	vld [tilespmem:s30+$0x1BED0]  }
0x2eb: {  	[tilespmem:s30+$0x1BE70] =	vst v9;
	v9 =	vmul.f32 v11, v13;
	v11 =	vld [tilespmem:s30+$0x1BEE0]  }
0x2ec: {  	[tilespmem:s30+$0x1BE80] =	vst v8;
	v8 =	vmul.f32 v12, v13;
	v12 =	vld [tilespmem:s30+$0x1BEF0]  }
0x2ed: {  	[tilespmem:s30+$0x1BE90] =	vst v9;
	v9 =	vmul.f32 v16, v13;
	v15 =	vld [tilespmem:s30+$0x1BF00]  }
0x2ee: {  	[tilespmem:s30+$0x1BEA0] =	vst v8;
	v8 =	vmul.f32 v10, v13;
	v10 =	vld [tilespmem:s30+$0x1BF10]  }
0x2ef: {  	[tilespmem:s30+$0x1BEB0] =	vst v9;
	v9 =	vmul.f32 v14, v13;
	v14 =	vld [tilespmem:s30+$0x1BF20]  }
0x2f0: {  	[tilespmem:s30+$0x1BEC0] =	vst v8;
	v8 =	vmul.f32 v11, v13;
	v11 =	vld [tilespmem:s30+$0x1BF30]  }
0x2f1: {  	[tilespmem:s30+$0x1BED0] =	vst v9;
	v9 =	vmul.f32 v12, v13;
	v12 =	vld [tilespmem:s30+$0x1BF40]  }
0x2f2: {  	[tilespmem:s30+$0x1BEE0] =	vst v8;
	v8 =	vmul.f32 v15, v7;
	v13 =	vld [tilespmem:s30+$0x1BF50]  }
0x2f3: {  	[tilespmem:s30+$0x1BEF0] =	vst v9;
	v9 =	vmul.f32 v10, v7;
	v10 =	vld [tilespmem:s30+$0x1BF60]  }
0x2f4: {  	[tilespmem:s30+$0x1BF00] =	vst v8;
	v8 =	vmul.f32 v14, v7;
	v14 =	vld [tilespmem:s30+$0x1BF70]  }
0x2f5: {  	[tilespmem:s30+$0x1BF10] =	vst v9;
	v9 =	vmul.f32 v11, v7;
	v11 =	vld [tilespmem:s30+$0x1BF80]  }
0x2f6: {  	[tilespmem:s30+$0x1BF20] =	vst v8;
	v8 =	vmul.f32 v12, v7;
	v12 =	vld [tilespmem:s30+$0x1BF90]  }
0x2f7: {  	[tilespmem:s30+$0x1BF30] =	vst v9;
	v9 =	vmul.f32 v13, v7;
	v13 =	vld [tilespmem:s30+$0x1BFA0]  }
0x2f8: {  	[tilespmem:s30+$0x1BF40] =	vst v8;
	v8 =	vmul.f32 v10, v7;
	v10 =	vbroadcast v1, $0x5;
	v15 =	vld [tilespmem:s30+$0x1BFB0]  }
0x2f9: {  	[tilespmem:s30+$0x1BF50] =	vst v9;
	v7 =	vmul.f32 v14, v7;
	v9 =	vld [tilespmem:s30+$0x1BFC0]  }
0x2fa: {  	[tilespmem:s30+$0x1BF60] =	vst v8;
	v8 =	vmul.f32 v11, v10;
	v11 =	vld [tilespmem:s30+$0x1BFD0]  }
0x2fb: {  	[tilespmem:s30+$0x1BF70] =	vst v7;
	v7 =	vmul.f32 v12, v10;
	v12 =	vld [tilespmem:s30+$0x1BFE0]  }
0x2fc: {  	[tilespmem:s30+$0x1BF80] =	vst v8;
	v8 =	vmul.f32 v13, v10;
	v13 =	vld [tilespmem:s30+$0x1BFF0]  }
0x2fd: {  	[tilespmem:s30+$0x1BF90] =	vst v7;
	v7 =	vmul.f32 v15, v10;
	v14 =	vld [tilespmem:s30+$0x1C000]  }
0x2fe: {  	[tilespmem:s30+$0x1BFA0] =	vst v8;
	v8 =	vmul.f32 v9, v10;
	v9 =	vld [tilespmem:s30+$0x1C010]  }
0x2ff: {  	[tilespmem:s30+$0x1BFB0] =	vst v7;
	v7 =	vmul.f32 v11, v10;
	v11 =	vld [tilespmem:s30+$0x1C020]  }
0x300: {  	[tilespmem:s30+$0x1BFC0] =	vst v8;
	v8 =	vmul.f32 v12, v10;
	v12 =	vbroadcast v1, $0x6;
	v15 =	vld [tilespmem:s30+$0x1C030]  }
0x301: {  	[tilespmem:s30+$0x1BFD0] =	vst v7;
	v7 =	vmul.f32 v13, v10;
	v10 =	vld [tilespmem:s30+$0x1C040]  }
0x302: {  	[tilespmem:s30+$0x1BFE0] =	vst v8;
	v8 =	vmul.f32 v14, v12;
	v13 =	vld [tilespmem:s30+$0x1C050]  }
0x303: {  	[tilespmem:s30+$0x1BFF0] =	vst v7;
	v7 =	vmul.f32 v9, v12;
	v9 =	vld [tilespmem:s30+$0x1C060]  }
0x304: {  	[tilespmem:s30+$0x1C000] =	vst v8;
	v8 =	vmul.f32 v11, v12;
	v11 =	vld [tilespmem:s30+$0x1C070]  }
0x305: {  	[tilespmem:s30+$0x1C010] =	vst v7;
	v7 =	vmul.f32 v15, v12;
	v14 =	vld [tilespmem:s30+$0x1C080]  }
0x306: {  	[tilespmem:s30+$0x1C020] =	vst v8;
	v8 =	vmul.f32 v10, v12;
	v10 =	vld [tilespmem:s30+$0x1C090]  }
0x307: {  	[tilespmem:s30+$0x1C030] =	vst v7;
	v7 =	vmul.f32 v13, v12;
	v13 =	vld [tilespmem:s30+$0x1C0A0]  }
0x308: {  	[tilespmem:s30+$0x1C040] =	vst v8;
	v8 =	vmul.f32 v9, v12;
	v9 =	vbroadcast v1, $0x7;
	v15 =	vld [tilespmem:s30+$0x1C0B0]  }
0x309: {  	[tilespmem:s30+$0x1C050] =	vst v7;
	v7 =	vmul.f32 v11, v12;
	v11 =	vld [tilespmem:s30+$0x1C0C0]  }
0x30a: {  	[tilespmem:s30+$0x1C060] =	vst v8;
	v8 =	vmul.f32 v14, v9;
	v12 =	vld [tilespmem:s30+$0x1C0D0]  }
0x30b: {  	[tilespmem:s30+$0x1C070] =	vst v7;
	v7 =	vmul.f32 v10, v9;
	v10 =	vld [tilespmem:s30+$0x1C0E0]  }
0x30c: {  	[tilespmem:s30+$0x1C080] =	vst v8;
	v8 =	vmul.f32 v13, v9;
	v13 =	vld [tilespmem:s30+$0x1C0F0]  }
0x30d: {  	[tilespmem:s30+$0x1C090] =	vst v7;
	v7 =	vmul.f32 v15, v9;
	v14 =	vld [tilespmem:s30+$0x1C100]  }
0x30e: {  	[tilespmem:s30+$0x1C0A0] =	vst v8;
	v8 =	vmul.f32 v11, v9;
	v11 =	vld [tilespmem:s30+$0x1C110]  }
0x30f: {  	[tilespmem:s30+$0x1C0B0] =	vst v7;
	v7 =	vmul.f32 v12, v9;
	v12 =	vld [tilespmem:s30+$0x1C120]  }
0x310: {  	[tilespmem:s30+$0x1C0C0] =	vst v8;
	v8 =	vmul.f32 v10, v9;
	v10 =	vbroadcast v1, $0x8;
	v15 =	vld [tilespmem:s30+$0x1C130]  }
0x311: {  	[tilespmem:s30+$0x1C0D0] =	vst v7;
	v7 =	vmul.f32 v13, v9;
	v9 =	vld [tilespmem:s30+$0x1C140]  }
0x312: {  	[tilespmem:s30+$0x1C0E0] =	vst v8;
	v8 =	vmul.f32 v14, v10;
	v13 =	vld [tilespmem:s30+$0x1C150]  }
0x313: {  	[tilespmem:s30+$0x1C0F0] =	vst v7;
	v7 =	vmul.f32 v11, v10;
	v11 =	vld [tilespmem:s30+$0x1C160]  }
0x314: {  	[tilespmem:s30+$0x1C100] =	vst v8;
	v8 =	vmul.f32 v12, v10;
	v12 =	vld [tilespmem:s30+$0x1C170]  }
0x315: {  	[tilespmem:s30+$0x1C110] =	vst v7;
	v7 =	vmul.f32 v15, v10;
	v14 =	vld [tilespmem:s30+$0x1C180]  }
0x316: {  	[tilespmem:s30+$0x1C120] =	vst v8;
	v8 =	vmul.f32 v9, v10;
	v9 =	vld [tilespmem:s30+$0x1C190]  }
0x317: {  	[tilespmem:s30+$0x1C130] =	vst v7;
	v7 =	vmul.f32 v13, v10;
	v13 =	vld [tilespmem:s30+$0x1C1A0]  }
0x318: {  	[tilespmem:s30+$0x1C140] =	vst v8;
	v8 =	vmul.f32 v11, v10;
	v11 =	vbroadcast v1, $0x9;
	v15 =	vld [tilespmem:s30+$0x1C1B0]  }
0x319: {  	[tilespmem:s30+$0x1C150] =	vst v7;
	v7 =	vmul.f32 v12, v10;
	v10 =	vld [tilespmem:s30+$0x1C1C0]  }
0x31a: {  	[tilespmem:s30+$0x1C160] =	vst v8;
	v8 =	vmul.f32 v14, v11;
	v12 =	vld [tilespmem:s30+$0x1C1D0]  }
0x31b: {  	[tilespmem:s30+$0x1C170] =	vst v7;
	v7 =	vmul.f32 v9, v11;
	v9 =	vld [tilespmem:s30+$0x1C1E0]  }
0x31c: {  	[tilespmem:s30+$0x1C180] =	vst v8;
	v8 =	vmul.f32 v13, v11;
	v13 =	vld [tilespmem:s30+$0x1C1F0]  }
0x31d: {  	[tilespmem:s30+$0x1C190] =	vst v7;
	v7 =	vmul.f32 v15, v11;
	v14 =	vld [tilespmem:s30+$0x1C200]  }
0x31e: {  	[tilespmem:s30+$0x1C1A0] =	vst v8;
	v8 =	vmul.f32 v10, v11;
	v10 =	vld [tilespmem:s30+$0x1C210]  }
0x31f: {  	[tilespmem:s30+$0x1C1B0] =	vst v7;
	v7 =	vmul.f32 v12, v11;
	v12 =	vld [tilespmem:s30+$0x1C220]  }
0x320: {  	[tilespmem:s30+$0x1C1C0] =	vst v8;
	v8 =	vmul.f32 v9, v11;
	v9 =	vld [tilespmem:s30+$0x1C230]  }
0x321: {  	[tilespmem:s30+$0x1C1D0] =	vst v7;
	v7 =	vmul.f32 v13, v11;
	v11 =	vld [tilespmem:s30+$0x1C240]  }
0x322: {  	[tilespmem:s30+$0x1C1E0] =	vst v8;
	v8 =	vmul.f32 v14, v4;
	v13 =	vld [tilespmem:s30+$0x1C250]  }
0x323: {  	[tilespmem:s30+$0x1C1F0] =	vst v7;
	v7 =	vmul.f32 v10, v4;
	v10 =	vld [tilespmem:s30+$0x1C260]  }
0x324: {  	v14 =	vld [tilespmem:s30+$0x1BD00];
	[tilespmem:s30+$0x1C200] =	vst v8;
	v8 =	vmul.f32 v12, v4  }
0x325: {  	v12 =	vld [tilespmem:s30+$0x1BD10];
	[tilespmem:s30+$0x1C210] =	vst v7;
	v7 =	vmul.f32 v9, v4  }
0x326: {  	v9 =	vld [tilespmem:s30+$0x1BD40];
	[tilespmem:s30+$0x1C220] =	vst v8;
	v8 =	vmul.f32 v11, v4  }
0x327: {  	v11 =	vld [tilespmem:s30+$0x1BD50];
	[tilespmem:s30+$0x1C230] =	vst v7;
	v7 =	vmul.f32 v13, v4  }
0x328: {  	[tilespmem:s30+$0x1C240] =	vst v8;
	v8 =	vmul.f32 v10, v4;
	v10 =	vbroadcast v1, $0xB;
	v13 =	vld [tilespmem:s30+$0x1C2A0]  }
0x329: {  	v4 =	vbroadcast v1, $0xF;
	v14 =	vmul.f32 v2, v14;
	[tilespmem:s30+$0x1C250] =	vst v7;
	v7 =	vld [tilespmem:s30+$0x1C2B0]  }
0x32a: {  	v12 =	vmul.f32 v12, v2;
	[tilespmem:s30+$0x1C260] =	vst v8;
	v5 =	vmul.f32 v5, v10;
	v8 =	vld [tilespmem:s30+$0x1C2C0]  }
0x32b: {  	v6 =	vmul.f32 v6, v10;
	[tilespmem:s30+$0x1BD00] =	vst v14;
	v9 =	vmul.f32 v9, v2;
	v14 =	vld [tilespmem:s30+$0x1C2D0]  }
0x32c: {  	v3 =	vmul.f32 v3, v4;
	v11 =	vmul.f32 v11, v2;
	[tilespmem:s30+$0x1C280] =	vst v5;
	v2 =	vld [tilespmem:s30+$0x1C2E0]  }
0x32d: {  	[tilespmem:s30+$0x1C290] =	vst v6;
	v5 =	vmul.f32 v13, v10;
	v6 =	vld [tilespmem:s30+$0x1C2F0]  }
0x32e: {  	v7 =	vmul.f32 v7, v10;
	v13 =	vld [tilespmem:s30+$0x1C300];
	[tilespmem:s30+$0x1C4D0] =	vst v3  }
0x32f: {  	[tilespmem:s30+$0x1BD10] =	vst v12;
	v3 =	vmul.f32 v8, v10;
	v8 =	vld [tilespmem:s30+$0x1C310]  }
0x330: {  	[tilespmem:s30+$0x1BD40] =	vst v9;
	v9 =	vmul.f32 v14, v10;
	v12 =	vld [tilespmem:s30+$0x1C320]  }
0x331: {  	v14 =	vbroadcast v1, $0xC;
	[tilespmem:s30+$0x1C2A0] =	vst v5;
	v5 =	vmul.f32 v2, v10;
	v15 =	vld [tilespmem:s30+$0x1C330]  }
0x332: {  	[tilespmem:s30+$0x1C2D0] =	vst v9;
	v6 =	vmul.f32 v6, v10;
	v9 =	vld [tilespmem:s30+$0x1C340]  }
0x333: {  	[tilespmem:s30+$0x1C2B0] =	vst v7;
	v2 =	vmul.f32 v13, v14;
	v7 =	vld [tilespmem:s30+$0x1C350]  }
0x334: {  	[tilespmem:s30+$0x1C2C0] =	vst v3;
	v3 =	vmul.f32 v8, v14;
	v8 =	vld [tilespmem:s30+$0x1C360]  }
0x335: {  	[tilespmem:s30+$0x1C300] =	vst v2;
	v2 =	vmul.f32 v12, v14;
	v10 =	vld [tilespmem:s30+$0x1C370]  }
0x336: {  	[tilespmem:s30+$0x1C310] =	vst v3;
	v3 =	vld [tilespmem:s30+$0x1C380]  }
0x337: {  	[tilespmem:s30+$0x1BD50] =	vst v11;
	v9 =	vmul.f32 v9, v14;
	v11 =	vld [tilespmem:s30+$0x1C390]  }
0x338: {  	[tilespmem:s30+$0x1C2E0] =	vst v5;
	v5 =	vmul.f32 v7, v14;
	v7 =	vld [tilespmem:s30+$0x1C3A0]  }
0x339: {  	[tilespmem:s30+$0x1C340] =	vst v9;
	v8 =	vmul.f32 v8, v14;
	v9 =	vbroadcast v1, $0xD;
	v12 =	vld [tilespmem:s30+$0x1C3B0]  }
0x33a: {  	[tilespmem:s30+$0x1C350] =	vst v5;
	v5 =	vmul.f32 v10, v14;
	v10 =	vld [tilespmem:s30+$0x1C3C0]  }
0x33b: {  	[tilespmem:s30+$0x1C360] =	vst v8;
	v3 =	vmul.f32 v3, v9;
	v8 =	vld [tilespmem:s30+$0x1C3D0]  }
0x33c: {  	[tilespmem:s30+$0x1C370] =	vst v5;
	v5 =	vmul.f32 v11, v9;
	v11 =	vld [tilespmem:s30+$0x1C3E0]  }
0x33d: {  	[tilespmem:s30+$0x1C380] =	vst v3;
	v3 =	vmul.f32 v7, v9;
	v7 =	vld [tilespmem:s30+$0x1C3F0]  }
0x33e: {  	[tilespmem:s30+$0x1C390] =	vst v5;
	v5 =	vmul.f32 v12, v9;
	v12 =	vld [tilespmem:s30+$0x1C400]  }
0x33f: {  	[tilespmem:s30+$0x1C3A0] =	vst v3;
	v3 =	vmul.f32 v10, v9;
	v10 =	vld [tilespmem:s30+$0x1C410]  }
0x340: {  	[tilespmem:s30+$0x1C3B0] =	vst v5;
	v5 =	vmul.f32 v8, v9;
	v8 =	vld [tilespmem:s30+$0x1C420]  }
0x341: {  	v1 =	vbroadcast v1, $0xE;
	[tilespmem:s30+$0x1C2F0] =	vst v6;
	v6 =	vmul.f32 v11, v9;
	v11 =	vld [tilespmem:s30+$0x1C430]  }
0x342: {  	[tilespmem:s30+$0x1C3D0] =	vst v5;
	v5 =	vmul.f32 v7, v9;
	v7 =	vld [tilespmem:s30+$0x1C440]  }
0x343: {  	[tilespmem:s30+$0x1C3E0] =	vst v6;
	v6 =	vmul.f32 v12, v1;
	v9 =	vld [tilespmem:s30+$0x1C450]  }
0x344: {  	[tilespmem:s30+$0x1C3F0] =	vst v5;
	v5 =	vmul.f32 v10, v1;
	v10 =	vld [tilespmem:s30+$0x1C460]  }
0x345: {  	[tilespmem:s30+$0x1C400] =	vst v6;
	v6 =	vmul.f32 v8, v1;
	v8 =	vld [tilespmem:s30+$0x1C470]  }
0x346: {  	[tilespmem:s30+$0x1C410] =	vst v5;
	v5 =	vmul.f32 v11, v1;
	v11 =	vld [tilespmem:s30+$0x1C480]  }
0x347: {  	[tilespmem:s30+$0x1C420] =	vst v6;
	v6 =	vmul.f32 v7, v1;
	v7 =	vld [tilespmem:s30+$0x1C490]  }
0x348: {  	[tilespmem:s30+$0x1C430] =	vst v5;
	v5 =	vmul.f32 v9, v1;
	v9 =	vld [tilespmem:s30+$0x1C4A0]  }
0x349: {  	[tilespmem:s30+$0x1C440] =	vst v6;
	v6 =	vmul.f32 v10, v1;
	v10 =	vld [tilespmem:s30+$0x1C4B0]  }
0x34a: {  	[tilespmem:s30+$0x1C3C0] =	vst v3;
	v1 =	vmul.f32 v8, v1;
	v3 =	vld [tilespmem:s30+$0x1C4C0]  }
0x34b: {  	[tilespmem:s30+$0x1C460] =	vst v6;
	v6 =	vmul.f32 v11, v4;
	v8 =	vld [tilespmem:s30+$0x1C4E0]  }
0x34c: {  	[tilespmem:s30+$0x1C470] =	vst v1;
	v1 =	vmul.f32 v7, v4;
	v7 =	vld [tilespmem:s30+$0x1C4F0]  }
0x34d: {  	[tilespmem:s30+$0x1C480] =	vst v6;
	v6 =	vmul.f32 v9, v4  }
0x34e: {  	[tilespmem:s30+$0x1C490] =	vst v1;
	v1 =	vmul.f32 v10, v4  }
0x34f: {  	v9 =	vmul.f32 v15, v14;
	[tilespmem:s30+$0x1C4A0] =	vst v6  }
0x350: {  	[tilespmem:s30+$0x1C4B0] =	vst v1;
	v1 =	vmul.f32 v3, v4  }
.Ltmp2:
0x351: {  	[tilespmem:s30+$0x1C330] =	vst v9;
	v3 =	vmul.f32 v7, v4;
	(pc) =	sbr.rel @p0 .LBB2_7-.Ltmp2, $4  }
0x352: {  	[tilespmem:s30+$0x1C4C0] =	vst v1  }
0x353: {  	v1 =	vmul.f32 v8, v4;
	[tilespmem:s30+$0x1C4F0] =	vst v3  }
0x354: {  	[tilespmem:s30+$0x1C450] =	vst v5  }
0x355: {  	[tilespmem:s30+$0x1C4E0] =	vst v1  }
0x356: {  	s11 =	sshll.u32 s29, $0x1  }
0x357: {  	s11 =	smin.u32 s11, $0x7C  }
0x358: {  	[tilespmem:s30+$0x1C320] =	vst v2;
	s11 =	sshll.u32 s11, $0x7  }
0x359: {  	_ =	swait.ge [sflag:s19], $0x2800;
	s6 =	sadd.s32 $0x100, s11  }
0x35a: {  	[sflag:s19] =	ssyncset.done $0x0;
	s31 =	sand.u32 $0x7C00, s6  }
0x35b: {  	[sflag:s19] =	ssyncadd.s32 $0xFFFFD800;
	s30 =	sand.u32 $0x300, s6;
	s31 =	sadd.s32 s5, s31  }
0x35c: {  	_ =	swait.ge [sflag:s19], $0x50;
	s30 =	sor.u32 s30, s31  }
0x35d: {  	[sflag:s19] =	ssyncset.done $0x0;
	s30 =	sshrl.u32 s30, $0x3  }
0x35e: {  	[sflag:s19] =	ssyncadd.s32 $0xFFFFFFB0;
	s6 =	sadd.s32 s17, s30  }
0x35f: {  	[tilespmem:s13], [sflag:$0x4] =	stream.linear.gather [hbm4b:s6+s4], $0x80, $0x38;
	[tilespmem:$0x1E780] =	vst v63  }
0x360: {  	s30 =	sadd.s32 s18, s30  }
0x361: {  	[tilespmem:s14], [sflag:$0x4] =	stream.linear.gather [hbm4b:s30+s4], $0x80, $0x38;
	[tilespmem:$0x1E780] =	vst v63  }
0x362: {  	_ = 	snop  }
0x363: {  	[spmem:s1] =	stream.indirect.scatter.add.f32 [tilespmem:s23], [sflag:$0x6], $0x80, s16, s22, $0xb8;
	[tilespmem:$0x1E780] =	vst v63  }
0x364: {  	s11 =	sadd.s32 $0x180, s11;
	_ =	swait.ge [sflag:s8], $0x2800  }
0x365: {  	s29 =	sadd.s32 $0x1, s29;
	s6 =	sand.u32 $0x7C00, s11;
	[sflag:s8] =	ssyncset.done $0x0  }
0x366: {  	s11 =	sand.u32 $0x380, s11;
	s30 =	sadd.s32 s5, s6;
	[sflag:s8] =	ssyncadd.s32 $0xFFFFD800  }
0x367: {  	[spmem:s3] =	stream.indirect.scatter.add.f32 [tilespmem:s25], [sflag:$0x6], $0x1, s16, s22, $0xb8;
	[tilespmem:$0x1E780] =	vst v63  }
0x368: {  	p0 =	sne.s32 s29, $0x40;
	s11 =	sor.u32 s11, s30;
	_ =	swait.ge [sflag:s8], $0x50  }
.Ltmp3:
0x369: {  	s11 =	sshrl.u32 s11, $0x3;
	[sflag:s8] =	ssyncset.done $0x0;
	(pc) =	sbr.rel @p0 .LBB2_4-.Ltmp3, $4  }
0x36a: {  	s31 =	sadd.s32 s17, s11;
	[sflag:s8] =	ssyncadd.s32 $0xFFFFFFB0  }
0x36b: {  	[tilespmem:s15], [sflag:$0x5] =	stream.linear.gather [hbm4b:s31+s4], $0x80, $0x38;
	[tilespmem:$0x1E780] =	vst v63  }
0x36c: {  	s11 =	sadd.s32 s18, s11  }
0x36d: {  	[tilespmem:s16], [sflag:$0x5] =	stream.linear.gather [hbm4b:s11+s4], $0x80, $0x38;
	[tilespmem:$0x1E780] =	vst v63  }
0x36e: {  	_ =	swait.ge [sflag:s20], $0x80  }
0x36f: {  	[sflag:s20] =	ssyncset.done $0x0  }
0x370: {  	[sflag:s20] =	ssyncadd.s32 $0xFFFFFF80  }
0x371: {  	_ =	swait.ge [sflag:s20], $0x80  }
0x372: {  	[sflag:s20] =	ssyncset.done $0x0  }
0x373: {  	[sflag:s20] =	ssyncadd.s32 $0xFFFFFF80  }
0x374: {  	_ =	swait.ge [sflag:s21], $0x80  }
0x375: {  	[sflag:s21] =	ssyncset.done $0x0  }
0x376: {  	[sflag:s21] =	ssyncadd.s32 $0xFFFFFF80  }
0x377: {  	_ =	swait.ge [sflag:s21], $0x80  }
0x378: {  	[sflag:s21] =	ssyncset.done $0x0  }
0x379: {  	[sflag:s21] =	ssyncadd.s32 $0xFFFFFF80  }
0x37a: {  	[bflag:$0x0] =	sbarrier.arrive $0xFFFF  }
0x37b: {  	s11 =	rddreg [dreg:$0x14]  }
0x37c: {  	[tilespmem:s10], [sflag:$0x6] =	stream.linear.gather [spmem:s11], $0x2800, $0x38;
	[tilespmem:$0x1E780] =	vst v63  }
0x37d: {  	_ =	swait.ge [sflag:s8], $0x2800  }
0x37e: {  	[sflag:s8] =	ssyncset.done $0x0  }
0x37f: {  	s6 =	rddreg [dreg:$0x5];
	[sflag:s8] =	ssyncadd.s32 $0xFFFFD800  }
0x380: {  	[hbm4b:s6+s4] =	stream.linear.scatter [tilespmem:s10], [sflag:$0x6], $0x2800, $0x38;
	[tilespmem:$0x1E780] =	vst v63  }
0x381: {  	_ =	swait.ge [sflag:s8], $0x2800  }
0x382: {  	[sflag:s8] =	ssyncset.done $0x0  }
0x383: {  	s29 =	rddreg [dreg:$0x16];
	[sflag:s8] =	ssyncadd.s32 $0xFFFFD800  }
0x384: {  	[tilespmem:s10], [sflag:$0x6] =	stream.linear.gather [spmem:s29], $0x2800, $0x38;
	[tilespmem:$0x1E780] =	vst v63  }
0x385: {  	_ =	swait.ge [sflag:s8], $0x2800  }
0x386: {  	[sflag:s8] =	ssyncset.done $0x0  }
0x387: {  	s30 =	rddreg [dreg:$0x6];
	[sflag:s8] =	ssyncadd.s32 $0xFFFFD800  }
0x388: {  	[hbm4b:s30+s4] =	stream.linear.scatter [tilespmem:s10], [sflag:$0x6], $0x2800, $0x38;
	[tilespmem:$0x1E780] =	vst v63  }
0x389: {  	_ =	swait.ge [sflag:s8], $0x2800  }
0x38a: {  	[sflag:s8] =	ssyncset.done $0x0  }
0x38b: {  	s6 =	rddreg [dreg:$0x17];
	[sflag:s8] =	ssyncadd.s32 $0xFFFFD800  }
0x38c: {  	[tilespmem:s10], [sflag:$0x6] =	stream.linear.gather [spmem:s6], $0x2800, $0x38;
	[tilespmem:$0x1E780] =	vst v63  }
0x38d: {  	_ =	swait.ge [sflag:s8], $0x2800  }
0x38e: {  	[sflag:s8] =	ssyncset.done $0x0  }
0x38f: {  	s29 =	rddreg [dreg:$0x7];
	[sflag:s8] =	ssyncadd.s32 $0xFFFFD800  }
0x390: {  	[hbm4b:s29+s4] =	stream.linear.scatter [tilespmem:s10], [sflag:$0x6], $0x2800, $0x38;
	[tilespmem:$0x1E780] =	vst v63  }
0x391: {  	_ =	swait.ge [sflag:s8], $0x2800  }
0x392: {  	[sflag:s8] =	ssyncset.done $0x0  }
0x393: {  	s30 =	rddreg [dreg:$0x18];
	[sflag:s8] =	ssyncadd.s32 $0xFFFFD800  }
0x394: {  	[tilespmem:s10], [sflag:$0x6] =	stream.linear.gather [spmem:s30], $0x2800, $0x38;
	[tilespmem:$0x1E780] =	vst v63  }
0x395: {  	_ =	swait.ge [sflag:s8], $0x2800  }
0x396: {  	[sflag:s8] =	ssyncset.done $0x0  }
0x397: {  	s6 =	rddreg [dreg:$0x8];
	[sflag:s8] =	ssyncadd.s32 $0xFFFFD800  }
0x398: {  	[hbm4b:s6+s4] =	stream.linear.scatter [tilespmem:s10], [sflag:$0x6], $0x2800, $0x38;
	[tilespmem:$0x1E780] =	vst v63  }
0x399: {  	_ =	swait.ge [sflag:s8], $0x2800  }
0x39a: {  	[sflag:s8] =	ssyncset.done $0x0  }
0x39b: {  	s29 =	rddreg [dreg:$0x19];
	[sflag:s8] =	ssyncadd.s32 $0xFFFFD800  }
0x39c: {  	[tilespmem:s10], [sflag:$0x6] =	stream.linear.gather [spmem:s29], $0x2800, $0x38;
	[tilespmem:$0x1E780] =	vst v63  }
0x39d: {  	_ =	swait.ge [sflag:s8], $0x2800  }
0x39e: {  	[sflag:s8] =	ssyncset.done $0x0  }
0x39f: {  	s30 =	rddreg [dreg:$0x9];
	[sflag:s8] =	ssyncadd.s32 $0xFFFFD800  }
0x3a0: {  	[hbm4b:s30+s4] =	stream.linear.scatter [tilespmem:s10], [sflag:$0x6], $0x2800, $0x38;
	[tilespmem:$0x1E780] =	vst v63  }
0x3a1: {  	_ =	swait.ge [sflag:s8], $0x2800  }
0x3a2: {  	[sflag:s8] =	ssyncset.done $0x0  }
0x3a3: {  	s6 =	rddreg [dreg:$0x1a];
	[sflag:s8] =	ssyncadd.s32 $0xFFFFD800  }
0x3a4: {  	[tilespmem:s10], [sflag:$0x6] =	stream.linear.gather [spmem:s6], $0x2800, $0x38;
	[tilespmem:$0x1E780] =	vst v63  }
0x3a5: {  	_ =	swait.ge [sflag:s8], $0x2800  }
0x3a6: {  	[sflag:s8] =	ssyncset.done $0x0  }
0x3a7: {  	s29 =	rddreg [dreg:$0xa];
	[sflag:s8] =	ssyncadd.s32 $0xFFFFD800  }
0x3a8: {  	[hbm4b:s29+s4] =	stream.linear.scatter [tilespmem:s10], [sflag:$0x6], $0x2800, $0x38;
	[tilespmem:$0x1E780] =	vst v63  }
0x3a9: {  	_ =	swait.ge [sflag:s8], $0x2800  }
0x3aa: {  	[sflag:s8] =	ssyncset.done $0x0  }
0x3ab: {  	s30 =	rddreg [dreg:$0x1b];
	[sflag:s8] =	ssyncadd.s32 $0xFFFFD800  }
0x3ac: {  	[tilespmem:s10], [sflag:$0x6] =	stream.linear.gather [spmem:s30], $0x2800, $0x38;
	[tilespmem:$0x1E780] =	vst v63  }
0x3ad: {  	_ =	swait.ge [sflag:s8], $0x2800  }
0x3ae: {  	[sflag:s8] =	ssyncset.done $0x0  }
0x3af: {  	s6 =	rddreg [dreg:$0xb];
	[sflag:s8] =	ssyncadd.s32 $0xFFFFD800  }
0x3b0: {  	[hbm4b:s6+s4] =	stream.linear.scatter [tilespmem:s10], [sflag:$0x6], $0x2800, $0x38;
	[tilespmem:$0x1E780] =	vst v63  }
0x3b1: {  	_ =	swait.ge [sflag:s8], $0x2800  }
0x3b2: {  	[sflag:s8] =	ssyncset.done $0x0  }
0x3b3: {  	s6 =	rddreg [dreg:$0x1c];
	[sflag:s8] =	ssyncadd.s32 $0xFFFFD800  }
0x3b4: {  	[tilespmem:s10], [sflag:$0x6] =	stream.linear.gather [spmem:s6], $0x2800, $0x38;
	[tilespmem:$0x1E780] =	vst v63  }
0x3b5: {  	_ =	swait.ge [sflag:s8], $0x2800  }
0x3b6: {  	[sflag:s8] =	ssyncset.done $0x0  }
0x3b7: {  	s29 =	rddreg [dreg:$0xc];
	[sflag:s8] =	ssyncadd.s32 $0xFFFFD800  }
0x3b8: {  	[hbm4b:s29+s4] =	stream.linear.scatter [tilespmem:s10], [sflag:$0x6], $0x2800, $0x38;
	[tilespmem:$0x1E780] =	vst v63  }
0x3b9: {  	_ =	swait.ge [sflag:s8], $0x2800  }
0x3ba: {  	[sflag:s8] =	ssyncset.done $0x0  }
0x3bb: {  	s11 =	simm.s32 $0x1E500;
	[sflag:s8] =	ssyncadd.s32 $0xFFFFD800  }
0x3bc: {  	[tilespmem:s11], [sflag:$0x6] =	stream.linear.gather [spmem:s2], $0x280, $0x38;
	[tilespmem:$0x1E780] =	vst v63  }
0x3bd: {  	_ =	swait.ge [sflag:s8], $0x280  }
0x3be: {  	s31 =	smov.u32 s2;
	s30 =	simm.s32 $0x100;
	[sflag:s8] =	ssyncset.done $0x0  }
0x3bf: {  	s29 =	simm.s32 $0x80;
	s2 =	rddreg [dreg:$0x13];
	[sflag:s8] =	ssyncadd.s32 $0xFFFFFD80  }
0x3c0: {  	[hbm4b:s2+s29] =	stream.strided.scatter [tilespmem:s11], [sflag:$0x6], $0x280, s30, s29, $0x38;
	[tilespmem:$0x1E780] =	vst v63  }
0x3c1: {  	_ =	swait.ge [sflag:s8], $0x280  }
0x3c2: {  	s28 =	sadd.s32 $0x1, s28;
	s30 =	rddreg [dreg:$0x15]  }
0x3c3: {  	p0 =	sne.s32 s28, s30  }
.Ltmp4:
0x3c4: {  	_ = 	snop;
	(pc) =	sbr.rel @p0 .LBB2_1-.Ltmp4, $3  }
0x3c5: {  	_ =	sdelay $0x1  }
0x3c6: {  	[sflag:s8] =	ssyncset.done $0x0  }
0x3c7: {  	s6 =	simm.s32 $0x1E500;
	[sflag:s8] =	ssyncadd.s32 $0xFFFFFD80  }
0x3c8: {  	_ =	sfence.sel $0x180000  }
0x3c9: {  	[bflag:$0x0] =	sbarrier.arrive $0xFFFF  }
0x3ca: {  	_ =	strace $0x90000047  }
0x3cb: {  	s0 =	stileid.u32;
	[bflag:$0x2] =	sbarrier.arrive $0xFFFF  }
0x3cc: {  	p0 =	sne.s32 s0, $0x0;
	s0 =	rddreg [dreg:$0x4]  }
0x3cd: {  	s0 =	sadd.s32 @!p0 $0x100000, s0  }
0x3ce: {  	[sflag:s0] =	ssyncadd.tile.s32 @!p0 $0x1;
	_ =	shalt  }
.Lfunc_end2:
_tile_overlayer_lowered:
.L_overlay_start_2:
0x3cf: {  	(tag) =	ssettag $0x2  }
0x3d0: {  	s0 =	rddreg [dreg:$0x0];
	s2 =	stileid.u32  }
0x3d1: {  	s1 =	rddreg [dreg:$0x1];
	p0 =	sne.s32 s2, $0x0  }
0x3d2: {  	s3 =	rddreg [dreg:$0x2];
	[bflag:$0x3] =	sbarrier.arrive $0xFFFF;
	s2 =	simm.s32 @!p0 $0x1C06  }
0x3d3: {  	[timem:s3], [sflag:s2] =	dma.local @!p0 [hbm:s0], s1  }
0x3d4: {  	s0 =	simm.s32 @!p0 $0x6  }
0x3d5: {  	_ =	swait.ge @!p0 [sflag:s0], s1  }
0x3d6: {  	s1 =	ssub.s32 @!p0 $0x0, s1;
	[sflag:s0] =	ssyncset.done @!p0 $0x0  }
0x3d7: {  	[sflag:s0] =	ssyncadd.s32 @!p0 s1  }
0x3d8: {  	[bflag:$0x3] =	sbarrier.arrive $0xFFFF  }
0x3d9: {  	_ =	shalt  }

</sc_bundles>
